<compile_context>
chip_gen: v7x
topology: tpu7x:2x2x1
jax: 0.10.2.dev20260603
libtpu: 0.0.44.dev20260713+nightly
codegen_flags: <defaults>
</compile_context>

<pallas_src>
import jax
import jax.numpy as jnp
from jax import lax
from jax.experimental import pallas as pl
from jax.experimental.pallas import tpu as pltpu
from jax.experimental.pallas import tpu_sc as plsc

_CROP = 7
_C = 192
_CC = _C // 16
_N = 2000
_NPAD = 2048
_G = 128
_MROW = 144


def _body(x0_hbm, y0_hbm, x1_hbm, y1_hbm, table_hbm, out_hbm,
          box_v, meta_i, meta_f, idx_a, idx_b, idx_c, idx_d,
          rows_a, rows_b, rows_c, rows_d, wgt_v,
          agg_a, sg_a, sg_b, sg_c, sg_d, so_a):
    tid = lax.axis_index("c") * 16 + lax.axis_index("s")
    g = tid & 15
    par = tid >> 4
    nunits = 25 - par

    base_n = g * _G
    pltpu.sync_copy(x0_hbm.at[pl.ds(base_n, _G)], box_v.at[0])
    pltpu.sync_copy(y0_hbm.at[pl.ds(base_n, _G)], box_v.at[1])
    pltpu.sync_copy(x1_hbm.at[pl.ds(base_n, _G)], box_v.at[2])
    pltpu.sync_copy(y1_hbm.at[pl.ds(base_n, _G)], box_v.at[3])

    lane = lax.iota(jnp.int32, 16)
    one = jnp.full((16,), 1, jnp.int32)
    zero = jnp.full((16,), 0, jnp.int32)

    for q in range(8):
        sl = pl.ds(q * 16, 16)
        x0 = box_v[0, sl]
        y0 = box_v[1, sl]
        x1 = box_v[2, sl]
        y1 = box_v[3, sl]
        wh = (x1 - x0) * (y1 - y0)
        lev = (jnp.where(wh > 144.0, one, zero)
               + jnp.where(wh > 576.0, one, zero)
               + jnp.where(wh > 2304.0, one, zero))
        w_l = 128 >> lev
        off = jnp.where(lev == 0, 0,
                        jnp.where(lev == 1, 16384,
                                  jnp.where(lev == 2, 20480, 21504)))
        inv = jnp.where(lev == 0, 0.25,
                        jnp.where(lev == 1, 0.125,
                                  jnp.where(lev == 2, 0.0625, 0.03125)))
        meta_f[pl.ds(0 * _MROW + q * 16, 16)] = x0 * inv
        meta_f[pl.ds(1 * _MROW + q * 16, 16)] = y0 * inv
        meta_f[pl.ds(2 * _MROW + q * 16, 16)] = (x1 - x0) * inv
        meta_f[pl.ds(3 * _MROW + q * 16, 16)] = (y1 - y0) * inv
        meta_i[pl.ds(0 * _MROW + q * 16, 16)] = w_l
        meta_i[pl.ds(1 * _MROW + q * 16, 16)] = off

    cb_cc = [(lane >> 3) + 2 * cc for cc in range(_CC)]
    clv = lane & 7

    wgt_v[pl.ds(4 * _MROW, 16)] = (lane.astype(jnp.float32) + 0.5) / 7.0

    idx_bufs = (idx_a, idx_b, idx_c, idx_d)
    rows_bufs = (rows_a, rows_b, rows_c, rows_d)
    sg = (sg_a, sg_b, sg_c, sg_d)

    def gather(unit, b):
        buf = b

        @pl.when(unit < nunits)
        def _():
            s = 2 * unit + par
            i = s // 7
            j = s - i * 7
            ti = wgt_v[pl.ds(4 * _MROW + i, 16)][0]
            tj = wgt_v[pl.ds(4 * _MROW + j, 16)][0]
            idx_r = idx_bufs[buf]
            for q in range(2):
                o = b * 32 + q * 16
                bx0 = meta_f[pl.ds(0 * _MROW + o, 16)]
                by0 = meta_f[pl.ds(1 * _MROW + o, 16)]
                spanx = meta_f[pl.ds(2 * _MROW + o, 16)]
                spany = meta_f[pl.ds(3 * _MROW + o, 16)]
                w_l = meta_i[pl.ds(0 * _MROW + o, 16)]
                off = meta_i[pl.ds(1 * _MROW + o, 16)]
                wm1 = w_l - 1
                xs = bx0 + spanx * tj
                ys = by0 + spany * ti
                x0i = xs.astype(jnp.int32)
                y0i = ys.astype(jnp.int32)
                wx = xs - x0i.astype(jnp.float32)
                wy = ys - y0i.astype(jnp.float32)
                x0c = jnp.minimum(x0i, wm1)
                y0c = jnp.minimum(y0i, wm1)
                x1c = jnp.minimum(x0i + 1, wm1)
                y1c = jnp.minimum(y0i + 1, wm1)
                r0 = off + y0c * w_l
                r1 = off + y1c * w_l
                idx_r[pl.ds(0 + q * 16, 16)] = r0 + x0c
                idx_r[pl.ds(32 + q * 16, 16)] = r0 + x1c
                idx_r[pl.ds(64 + q * 16, 16)] = r1 + x0c
                idx_r[pl.ds(96 + q * 16, 16)] = r1 + x1c
                omx = 1.0 - wx
                omy = 1.0 - wy
                wgt_v[pl.ds(0 * _MROW + o, 16)] = omy * omx
                wgt_v[pl.ds(1 * _MROW + o, 16)] = omy * wx
                wgt_v[pl.ds(2 * _MROW + o, 16)] = wy * omx
                wgt_v[pl.ds(3 * _MROW + o, 16)] = wy * wx
            pltpu.async_copy(table_hbm.at[idx_r], rows_bufs[buf], sg[buf])

    gather(0, 0)
    gather(0, 1)
    gather(0, 2)
    gather(0, 3)

    def unit_body(unit, _):
        @pl.when(unit < nunits)
        def _():
            s = 2 * unit + par
            i = s // 7
            j = s - i * 7
            agg_r = agg_a

            for b in range(4):
                buf = b
                rows_r = rows_bufs[buf]
                pltpu.make_async_copy(
                    table_hbm.at[idx_bufs[buf]], rows_r, sg[buf]).wait()

                if b == 0:
                    @pl.when(unit >= 1)
                    def _():
                        pltpu.make_async_copy(
                            agg_r, out_hbm.at[0, 0, :, 0], so_a).wait()

                b32 = b * 32

                def k_body(k, _):
                    kk = b32 + k
                    w00 = wgt_v[pl.ds(0 * _MROW + kk, 16)][0]
                    w01 = wgt_v[pl.ds(1 * _MROW + kk, 16)][0]
                    w10 = wgt_v[pl.ds(2 * _MROW + kk, 16)][0]
                    w11 = wgt_v[pl.ds(3 * _MROW + kk, 16)][0]
                    vals = []
                    for cc in range(_CC):
                        sl = pl.ds(cc * 16, 16)
                        vals.append(w00 * rows_r[k, sl]
                                    + w01 * rows_r[32 + k, sl]
                                    + w10 * rows_r[64 + k, sl]
                                    + w11 * rows_r[96 + k, sl])
                    kv = jnp.full((16,), 0, jnp.int32) + kk
                    for cc in range(_CC):
                        plsc.store_scatter(
                            agg_r, [cb_cc[cc], clv, kv], vals[cc])
                    return 0

                lax.fori_loop(0, 32, k_body, 0)

                gather(unit + 1, b)

            pltpu.async_copy(agg_r, out_hbm.at[i, j, :, g], so_a)

        return 0

    lax.fori_loop(0, 25, unit_body, 0)
    pltpu.make_async_copy(agg_a, out_hbm.at[0, 0, :, 0], so_a).wait()


def kernel(fs0, fs1, fs2, fs3, proposals):
    table = jnp.concatenate(
        [f[0].transpose(1, 2, 0).reshape(-1, _C) for f in (fs0, fs1, fs2, fs3)],
        axis=0)
    n = proposals.shape[0]
    boxes = proposals[:, 1:5]
    boxes = jnp.pad(boxes, ((0, _NPAD - n), (0, 0)))
    x0 = boxes[:, 0]
    y0 = boxes[:, 1]
    x1 = boxes[:, 2]
    y1 = boxes[:, 3]

    run = pl.kernel(
        _body,
        out_type=jax.ShapeDtypeStruct((_CROP, _CROP, 24, 16, 8, 128),
                                      jnp.float32),
        mesh=plsc.VectorSubcoreMesh(core_axis_name="c", subcore_axis_name="s"),
        compiler_params=pltpu.CompilerParams(
            use_tc_tiling_on_sc=False, needs_layout_passes=False),
        scratch_types=[
            pltpu.VMEM((4, _G), jnp.float32),
            pltpu.VMEM((2 * _MROW,), jnp.int32),
            pltpu.VMEM((4 * _MROW,), jnp.float32),
            pltpu.VMEM((128,), jnp.int32),
            pltpu.VMEM((128,), jnp.int32),
            pltpu.VMEM((128,), jnp.int32),
            pltpu.VMEM((128,), jnp.int32),
            pltpu.VMEM((128, _C), jnp.float32),
            pltpu.VMEM((128, _C), jnp.float32),
            pltpu.VMEM((128, _C), jnp.float32),
            pltpu.VMEM((128, _C), jnp.float32),
            pltpu.VMEM((4 * _MROW + 32,), jnp.float32),
            pltpu.VMEM((24, 8, 128), jnp.float32),
            pltpu.SemaphoreType.DMA,
            pltpu.SemaphoreType.DMA,
            pltpu.SemaphoreType.DMA,
            pltpu.SemaphoreType.DMA,
            pltpu.SemaphoreType.DMA,
        ],
    )
    out6 = run(x0, y0, x1, y1, table)
    r = out6.transpose(3, 5, 2, 4, 0, 1).reshape(_NPAD, _C, _CROP, _CROP)
    return r[:n]

# --- scband reference (transcript-rebuilt; emitter-appended) ---
"""Pipeline reference for scband-crop-12618613916200 (READ-ONLY COPY).

The authoritative reference and input builder live on the scoring server;
editing this copy changes nothing except your own understanding.
"""

import jax, jax.numpy as jnp
import numpy as np

CROP_SIZE = 7
STRIDES = (4.0, 8.0, 16.0, 32.0)
BASE_SIZES = (8.0, 16.0, 32.0, 64.0)


def setup_inputs(seed: int = 0) -> dict:
    key = jax.random.key(seed)
    ks = jax.random.split(key, 8)
    N = 2000
    C = 192
    img = 512.0
    cx = jax.random.uniform(ks[0], (N,), minval=16.0, maxval=img - 16.0)
    cy = jax.random.uniform(ks[1], (N,), minval=16.0, maxval=img - 16.0)
    s = jax.random.uniform(ks[2], (N,), minval=6.0, maxval=96.0)
    ar = jax.random.uniform(ks[3], (N,), minval=0.5, maxval=2.0)
    w = s * jnp.sqrt(ar)
    h = s / jnp.sqrt(ar)
    x0 = jnp.clip(cx - w / 2.0, 0.0, img - 2.0)
    y0 = jnp.clip(cy - h / 2.0, 0.0, img - 2.0)
    x1 = jnp.maximum(jnp.clip(cx + w / 2.0, 0.0, img - 1.0), x0 + 1.0)
    y1 = jnp.maximum(jnp.clip(cy + h / 2.0, 0.0, img - 1.0), y0 + 1.0)
    proposals = jnp.stack([jnp.zeros(N), x0, y0, x1, y1, jnp.ones(N)], axis=1).astype(jnp.float32)
    fs0 = jax.random.normal(ks[4], (1, C, 128, 128), dtype=jnp.float32)
    fs1 = jax.random.normal(ks[5], (1, C, 64, 64), dtype=jnp.float32)
    fs2 = jax.random.normal(ks[6], (1, C, 32, 32), dtype=jnp.float32)
    fs3 = jax.random.normal(ks[7], (1, C, 16, 16), dtype=jnp.float32)
    return {"fs0": fs0, "fs1": fs1, "fs2": fs2, "fs3": fs3, "proposals": proposals}


def _bilinear(f, ys, xs):
    # f: [C, H, W]; ys, xs: [cs, cs] float coords in feature-map space
    H = f.shape[1]
    W = f.shape[2]
    y0 = jnp.floor(ys)
    x0 = jnp.floor(xs)
    wy = ys - y0
    wx = xs - x0
    y0i = jnp.clip(y0.astype(jnp.int32), 0, H - 1)
    y1i = jnp.clip(y0i + 1, 0, H - 1)
    x0i = jnp.clip(x0.astype(jnp.int32), 0, W - 1)
    x1i = jnp.clip(x0i + 1, 0, W - 1)
    v00 = f[:, y0i, x0i]
    v01 = f[:, y0i, x1i]
    v10 = f[:, y1i, x0i]
    v11 = f[:, y1i, x1i]
    return (1.0 - wy) * ((1.0 - wx) * v00 + wx * v01) + wy * ((1.0 - wx) * v10 + wx * v11)


def _crop_one(f, box, stride):
    # f: [C, H, W]; box: [x0, y0, x1, y1] in image coords
    bx0 = box[0] / stride
    by0 = box[1] / stride
    bx1 = box[2] / stride
    by1 = box[3] / stride
    t = (jnp.arange(CROP_SIZE, dtype=jnp.float32) + 0.5) / CROP_SIZE
    xs = bx0 + (bx1 - bx0) * t
    ys = by0 + (by1 - by0) * t
    yg, xg = jnp.meshgrid(ys, xs, indexing="ij")
    return _bilinear(f, yg, xg)


def _forward(fs_list, proposals):
    # proposals are detached in the original torch code
    num_proposals = proposals.shape[0]
    boxes = proposals[:, 1:5]
    wh = boxes[:, 2:] - boxes[:, :2]
    sizes = jnp.sqrt(wh[:, 0] * wh[:, 1])
    base = jnp.asarray(BASE_SIZES, dtype=jnp.float32)
    distances = jnp.abs(sizes[:, None] - base[None, :])  # [N, 4]
    min_index = jnp.argmin(distances, axis=1)  # bin each proposal to a pyramid level
    out = None
    for l in range(len(fs_list)):
        f = fs_list[l]
        stride = STRIDES[l]
        crops_l = jax.vmap(lambda b, f0=f[0], st=stride: _crop_one(f0, b, st))(boxes)
        sel = (min_index == l).astype(crops_l.dtype)[:, None, None, None]
        out = sel * crops_l if out is None else out + sel * crops_l
    # original code gathers per-level then sorts indices back to original order;
    # the masked sum yields exactly the per-proposal crop at its assigned level
    # in original proposal order.
    return out


def reference(fs0, fs1, fs2, fs3, proposals):
    return _forward([fs0, fs1, fs2, fs3], jax.lax.stop_gradient(proposals))

if __name__ == "__main__":
    import jax
    _d = setup_inputs()
    print(jax.jit(kernel)(*tuple(_d.values())))

</pallas_src>

<mosaic_0001>
#map = affine_map<(d0, d1) -> (0)>
#map1 = affine_map<(d0, d1) -> (0, 0)>
#map2 = affine_map<(d0, d1) -> (0, 0, 0, 0, 0, 0)>
module attributes {stable_mosaic.version = 14 : i64} {
  func.func @_body(%arg0: i32, %arg1: i32, %arg2: memref<2048xf32, #tpu.memory_space<hbm>>, %arg3: memref<2048xf32, #tpu.memory_space<hbm>>, %arg4: memref<2048xf32, #tpu.memory_space<hbm>>, %arg5: memref<2048xf32, #tpu.memory_space<hbm>>, %arg6: memref<21760x192xf32, #tpu.memory_space<hbm>>, %arg7: memref<7x7x24x16x8x128xf32, #tpu.memory_space<hbm>>, %arg8: memref<4x128xf32, #tpu.memory_space<vmem>>, %arg9: memref<288xi32, #tpu.memory_space<vmem>>, %arg10: memref<576xf32, #tpu.memory_space<vmem>>, %arg11: memref<128xi32, #tpu.memory_space<vmem>>, %arg12: memref<128xi32, #tpu.memory_space<vmem>>, %arg13: memref<128xi32, #tpu.memory_space<vmem>>, %arg14: memref<128xi32, #tpu.memory_space<vmem>>, %arg15: memref<128x192xf32, #tpu.memory_space<vmem>>, %arg16: memref<128x192xf32, #tpu.memory_space<vmem>>, %arg17: memref<128x192xf32, #tpu.memory_space<vmem>>, %arg18: memref<128x192xf32, #tpu.memory_space<vmem>>, %arg19: memref<608xf32, #tpu.memory_space<vmem>>, %arg20: memref<24x8x128xf32, #tpu.memory_space<vmem>>, %arg21: memref<!tpu.dma_semaphore, #tpu.memory_space<semaphore_mem>>, %arg22: memref<!tpu.dma_semaphore, #tpu.memory_space<semaphore_mem>>, %arg23: memref<!tpu.dma_semaphore, #tpu.memory_space<semaphore_mem>>, %arg24: memref<!tpu.dma_semaphore, #tpu.memory_space<semaphore_mem>>, %arg25: memref<!tpu.dma_semaphore, #tpu.memory_space<semaphore_mem>>) attributes {dimension_semantics = [#tpu.dimension_semantics<core_parallel>, #tpu.dimension_semantics<subcore_parallel>], iteration_bounds = array<i64: 2, 16>, scalar_prefetch = 0 : i64, scratch_operands = 18 : i64, tpu.core_type = #tpu.core_type<sc_vector_subcore>, window_params = [{transform_indices = #map}, {transform_indices = #map}, {transform_indices = #map}, {transform_indices = #map}, {transform_indices = #map1}, {transform_indices = #map2}]} {
    %mul3A = arith.constant 16 : i32
    %mul3A_0 = arith.muli %arg0, %mul3A : i32
    %add3A = arith.addi %mul3A_0, %arg1 : i32
    %and3A = arith.constant 15 : i32
    %and3A_1 = arith.andi %add3A, %and3A : i32
    %shift_right_arithmetic3A = arith.constant 4 : i32
    %shift_right_arithmetic3A_2 = arith.shrsi %add3A, %shift_right_arithmetic3A : i32
    %sub3A = arith.constant 25 : i32
    %sub3A_3 = arith.subi %sub3A, %shift_right_arithmetic3A_2 : i32
    %mul3A_4 = arith.constant 128 : i32
    %mul3A_5 = arith.muli %and3A_1, %mul3A_4 : i32
    %run_scoped3A = arith.constant 0 : i32
    "tpu.region"() ({
      %run_scoped3A_877 = tpu.sem_alloc : memref<!tpu.dma_semaphore, #tpu.memory_space<semaphore_mem>>
      %dma_start3A = arith.constant 0 : i32
      %dma_start3A_878 = tpu.memref_slice %arg8[%run_scoped3A, %dma_start3A] : memref<4x128xf32, #tpu.memory_space<vmem>> -> memref<1x128xf32, #tpu.memory_space<vmem>>
      %dma_start3A_879 = tpu.memref_squeeze %dma_start3A_878 : memref<1x128xf32, #tpu.memory_space<vmem>> -> memref<128xf32, #tpu.memory_space<vmem>>
      %dma_start3A_880 = tpu.memref_slice %arg2[%mul3A_5] : memref<2048xf32, #tpu.memory_space<hbm>> -> memref<128xf32, #tpu.memory_space<hbm>>
      %dma_start3A_881 = arith.constant 0 : i32
      %dma_start3A_882 = tpu.memref_slice %arg8[%run_scoped3A, %dma_start3A_881] : memref<4x128xf32, #tpu.memory_space<vmem>> -> memref<1x128xf32, #tpu.memory_space<vmem>>
      %dma_start3A_883 = tpu.memref_squeeze %dma_start3A_882 : memref<1x128xf32, #tpu.memory_space<vmem>> -> memref<128xf32, #tpu.memory_space<vmem>>
      %dma_start3A_884 = tpu.memref_slice %arg2[%mul3A_5] : memref<2048xf32, #tpu.memory_space<hbm>> -> memref<128xf32, #tpu.memory_space<hbm>>
      tpu.enqueue_dma source(%dma_start3A_884 : memref<128xf32, #tpu.memory_space<hbm>>) target(%dma_start3A_883 : memref<128xf32, #tpu.memory_space<vmem>>) target_semaphore(%run_scoped3A_877 : memref<!tpu.dma_semaphore, #tpu.memory_space<semaphore_mem>>)
      %dma_wait3A_885 = arith.constant 0 : i32
      %dma_wait3A_886 = tpu.memref_slice %arg8[%run_scoped3A, %dma_wait3A_885] : memref<4x128xf32, #tpu.memory_space<vmem>> -> memref<1x128xf32, #tpu.memory_space<vmem>>
      %dma_wait3A_887 = tpu.memref_squeeze %dma_wait3A_886 : memref<1x128xf32, #tpu.memory_space<vmem>> -> memref<128xf32, #tpu.memory_space<vmem>>
      %dma_wait3A_888 = tpu.memref_slice %arg2[%mul3A_5] : memref<2048xf32, #tpu.memory_space<hbm>> -> memref<128xf32, #tpu.memory_space<hbm>>
      %dma_wait3A_889 = arith.constant 0 : i32
      %dma_wait3A_890 = tpu.memref_slice %arg8[%run_scoped3A, %dma_wait3A_889] : memref<4x128xf32, #tpu.memory_space<vmem>> -> memref<1x128xf32, #tpu.memory_space<vmem>>
      %dma_wait3A_891 = tpu.memref_squeeze %dma_wait3A_890 : memref<1x128xf32, #tpu.memory_space<vmem>> -> memref<128xf32, #tpu.memory_space<vmem>>
      %dma_wait3A_892 = tpu.memref_slice %arg2[%mul3A_5] : memref<2048xf32, #tpu.memory_space<hbm>> -> memref<128xf32, #tpu.memory_space<hbm>>
      tpu.wait_dma2 semaphore(%run_scoped3A_877 : memref<!tpu.dma_semaphore, #tpu.memory_space<semaphore_mem>>) src(%dma_wait3A_892 : memref<128xf32, #tpu.memory_space<hbm>>) dst(%dma_wait3A_891 : memref<128xf32, #tpu.memory_space<vmem>>)
      tpu.yield
    }) : () -> ()
    %run_scoped3A_6 = arith.constant 1 : i32
    "tpu.region"() ({
      %run_scoped3A_877 = tpu.sem_alloc : memref<!tpu.dma_semaphore, #tpu.memory_space<semaphore_mem>>
      %dma_start3A = arith.constant 0 : i32
      %dma_start3A_878 = tpu.memref_slice %arg8[%run_scoped3A_6, %dma_start3A] : memref<4x128xf32, #tpu.memory_space<vmem>> -> memref<1x128xf32, #tpu.memory_space<vmem>>
      %dma_start3A_879 = tpu.memref_squeeze %dma_start3A_878 : memref<1x128xf32, #tpu.memory_space<vmem>> -> memref<128xf32, #tpu.memory_space<vmem>>
      %dma_start3A_880 = tpu.memref_slice %arg3[%mul3A_5] : memref<2048xf32, #tpu.memory_space<hbm>> -> memref<128xf32, #tpu.memory_space<hbm>>
      %dma_start3A_881 = arith.constant 0 : i32
      %dma_start3A_882 = tpu.memref_slice %arg8[%run_scoped3A_6, %dma_start3A_881] : memref<4x128xf32, #tpu.memory_space<vmem>> -> memref<1x128xf32, #tpu.memory_space<vmem>>
      %dma_start3A_883 = tpu.memref_squeeze %dma_start3A_882 : memref<1x128xf32, #tpu.memory_space<vmem>> -> memref<128xf32, #tpu.memory_space<vmem>>
      %dma_start3A_884 = tpu.memref_slice %arg3[%mul3A_5] : memref<2048xf32, #tpu.memory_space<hbm>> -> memref<128xf32, #tpu.memory_space<hbm>>
      tpu.enqueue_dma source(%dma_start3A_884 : memref<128xf32, #tpu.memory_space<hbm>>) target(%dma_start3A_883 : memref<128xf32, #tpu.memory_space<vmem>>) target_semaphore(%run_scoped3A_877 : memref<!tpu.dma_semaphore, #tpu.memory_space<semaphore_mem>>)
      %dma_wait3A_885 = arith.constant 0 : i32
      %dma_wait3A_886 = tpu.memref_slice %arg8[%run_scoped3A_6, %dma_wait3A_885] : memref<4x128xf32, #tpu.memory_space<vmem>> -> memref<1x128xf32, #tpu.memory_space<vmem>>
      %dma_wait3A_887 = tpu.memref_squeeze %dma_wait3A_886 : memref<1x128xf32, #tpu.memory_space<vmem>> -> memref<128xf32, #tpu.memory_space<vmem>>
      %dma_wait3A_888 = tpu.memref_slice %arg3[%mul3A_5] : memref<2048xf32, #tpu.memory_space<hbm>> -> memref<128xf32, #tpu.memory_space<hbm>>
      %dma_wait3A_889 = arith.constant 0 : i32
      %dma_wait3A_890 = tpu.memref_slice %arg8[%run_scoped3A_6, %dma_wait3A_889] : memref<4x128xf32, #tpu.memory_space<vmem>> -> memref<1x128xf32, #tpu.memory_space<vmem>>
      %dma_wait3A_891 = tpu.memref_squeeze %dma_wait3A_890 : memref<1x128xf32, #tpu.memory_space<vmem>> -> memref<128xf32, #tpu.memory_space<vmem>>
      %dma_wait3A_892 = tpu.memref_slice %arg3[%mul3A_5] : memref<2048xf32, #tpu.memory_space<hbm>> -> memref<128xf32, #tpu.memory_space<hbm>>
      tpu.wait_dma2 semaphore(%run_scoped3A_877 : memref<!tpu.dma_semaphore, #tpu.memory_space<semaphore_mem>>) src(%dma_wait3A_892 : memref<128xf32, #tpu.memory_space<hbm>>) dst(%dma_wait3A_891 : memref<128xf32, #tpu.memory_space<vmem>>)
      tpu.yield
    }) : () -> ()
    %run_scoped3A_7 = arith.constant 2 : i32
    "tpu.region"() ({
      %run_scoped3A_877 = tpu.sem_alloc : memref<!tpu.dma_semaphore, #tpu.memory_space<semaphore_mem>>
      %dma_start3A = arith.constant 0 : i32
      %dma_start3A_878 = tpu.memref_slice %arg8[%run_scoped3A_7, %dma_start3A] : memref<4x128xf32, #tpu.memory_space<vmem>> -> memref<1x128xf32, #tpu.memory_space<vmem>>
      %dma_start3A_879 = tpu.memref_squeeze %dma_start3A_878 : memref<1x128xf32, #tpu.memory_space<vmem>> -> memref<128xf32, #tpu.memory_space<vmem>>
      %dma_start3A_880 = tpu.memref_slice %arg4[%mul3A_5] : memref<2048xf32, #tpu.memory_space<hbm>> -> memref<128xf32, #tpu.memory_space<hbm>>
      %dma_start3A_881 = arith.constant 0 : i32
      %dma_start3A_882 = tpu.memref_slice %arg8[%run_scoped3A_7, %dma_start3A_881] : memref<4x128xf32, #tpu.memory_space<vmem>> -> memref<1x128xf32, #tpu.memory_space<vmem>>
      %dma_start3A_883 = tpu.memref_squeeze %dma_start3A_882 : memref<1x128xf32, #tpu.memory_space<vmem>> -> memref<128xf32, #tpu.memory_space<vmem>>
      %dma_start3A_884 = tpu.memref_slice %arg4[%mul3A_5] : memref<2048xf32, #tpu.memory_space<hbm>> -> memref<128xf32, #tpu.memory_space<hbm>>
      tpu.enqueue_dma source(%dma_start3A_884 : memref<128xf32, #tpu.memory_space<hbm>>) target(%dma_start3A_883 : memref<128xf32, #tpu.memory_space<vmem>>) target_semaphore(%run_scoped3A_877 : memref<!tpu.dma_semaphore, #tpu.memory_space<semaphore_mem>>)
      %dma_wait3A_885 = arith.constant 0 : i32
      %dma_wait3A_886 = tpu.memref_slice %arg8[%run_scoped3A_7, %dma_wait3A_885] : memref<4x128xf32, #tpu.memory_space<vmem>> -> memref<1x128xf32, #tpu.memory_space<vmem>>
      %dma_wait3A_887 = tpu.memref_squeeze %dma_wait3A_886 : memref<1x128xf32, #tpu.memory_space<vmem>> -> memref<128xf32, #tpu.memory_space<vmem>>
      %dma_wait3A_888 = tpu.memref_slice %arg4[%mul3A_5] : memref<2048xf32, #tpu.memory_space<hbm>> -> memref<128xf32, #tpu.memory_space<hbm>>
      %dma_wait3A_889 = arith.constant 0 : i32
      %dma_wait3A_890 = tpu.memref_slice %arg8[%run_scoped3A_7, %dma_wait3A_889] : memref<4x128xf32, #tpu.memory_space<vmem>> -> memref<1x128xf32, #tpu.memory_space<vmem>>
      %dma_wait3A_891 = tpu.memref_squeeze %dma_wait3A_890 : memref<1x128xf32, #tpu.memory_space<vmem>> -> memref<128xf32, #tpu.memory_space<vmem>>
      %dma_wait3A_892 = tpu.memref_slice %arg4[%mul3A_5] : memref<2048xf32, #tpu.memory_space<hbm>> -> memref<128xf32, #tpu.memory_space<hbm>>
      tpu.wait_dma2 semaphore(%run_scoped3A_877 : memref<!tpu.dma_semaphore, #tpu.memory_space<semaphore_mem>>) src(%dma_wait3A_892 : memref<128xf32, #tpu.memory_space<hbm>>) dst(%dma_wait3A_891 : memref<128xf32, #tpu.memory_space<vmem>>)
      tpu.yield
    }) : () -> ()
    %run_scoped3A_8 = arith.constant 3 : i32
    "tpu.region"() ({
      %run_scoped3A_877 = tpu.sem_alloc : memref<!tpu.dma_semaphore, #tpu.memory_space<semaphore_mem>>
      %dma_start3A = arith.constant 0 : i32
      %dma_start3A_878 = tpu.memref_slice %arg8[%run_scoped3A_8, %dma_start3A] : memref<4x128xf32, #tpu.memory_space<vmem>> -> memref<1x128xf32, #tpu.memory_space<vmem>>
      %dma_start3A_879 = tpu.memref_squeeze %dma_start3A_878 : memref<1x128xf32, #tpu.memory_space<vmem>> -> memref<128xf32, #tpu.memory_space<vmem>>
      %dma_start3A_880 = tpu.memref_slice %arg5[%mul3A_5] : memref<2048xf32, #tpu.memory_space<hbm>> -> memref<128xf32, #tpu.memory_space<hbm>>
      %dma_start3A_881 = arith.constant 0 : i32
      %dma_start3A_882 = tpu.memref_slice %arg8[%run_scoped3A_8, %dma_start3A_881] : memref<4x128xf32, #tpu.memory_space<vmem>> -> memref<1x128xf32, #tpu.memory_space<vmem>>
      %dma_start3A_883 = tpu.memref_squeeze %dma_start3A_882 : memref<1x128xf32, #tpu.memory_space<vmem>> -> memref<128xf32, #tpu.memory_space<vmem>>
      %dma_start3A_884 = tpu.memref_slice %arg5[%mul3A_5] : memref<2048xf32, #tpu.memory_space<hbm>> -> memref<128xf32, #tpu.memory_space<hbm>>
      tpu.enqueue_dma source(%dma_start3A_884 : memref<128xf32, #tpu.memory_space<hbm>>) target(%dma_start3A_883 : memref<128xf32, #tpu.memory_space<vmem>>) target_semaphore(%run_scoped3A_877 : memref<!tpu.dma_semaphore, #tpu.memory_space<semaphore_mem>>)
      %dma_wait3A_885 = arith.constant 0 : i32
      %dma_wait3A_886 = tpu.memref_slice %arg8[%run_scoped3A_8, %dma_wait3A_885] : memref<4x128xf32, #tpu.memory_space<vmem>> -> memref<1x128xf32, #tpu.memory_space<vmem>>
      %dma_wait3A_887 = tpu.memref_squeeze %dma_wait3A_886 : memref<1x128xf32, #tpu.memory_space<vmem>> -> memref<128xf32, #tpu.memory_space<vmem>>
      %dma_wait3A_888 = tpu.memref_slice %arg5[%mul3A_5] : memref<2048xf32, #tpu.memory_space<hbm>> -> memref<128xf32, #tpu.memory_space<hbm>>
      %dma_wait3A_889 = arith.constant 0 : i32
      %dma_wait3A_890 = tpu.memref_slice %arg8[%run_scoped3A_8, %dma_wait3A_889] : memref<4x128xf32, #tpu.memory_space<vmem>> -> memref<1x128xf32, #tpu.memory_space<vmem>>
      %dma_wait3A_891 = tpu.memref_squeeze %dma_wait3A_890 : memref<1x128xf32, #tpu.memory_space<vmem>> -> memref<128xf32, #tpu.memory_space<vmem>>
      %dma_wait3A_892 = tpu.memref_slice %arg5[%mul3A_5] : memref<2048xf32, #tpu.memory_space<hbm>> -> memref<128xf32, #tpu.memory_space<hbm>>
      tpu.wait_dma2 semaphore(%run_scoped3A_877 : memref<!tpu.dma_semaphore, #tpu.memory_space<semaphore_mem>>) src(%dma_wait3A_892 : memref<128xf32, #tpu.memory_space<hbm>>) dst(%dma_wait3A_891 : memref<128xf32, #tpu.memory_space<vmem>>)
      tpu.yield
    }) : () -> ()
    %iota3A = tpu.iota {dimensions = array<i32: 0>} : vector<16xi32>
    %broadcast_in_dim3A = arith.constant 1 : i32
    %broadcast_in_dim3A_9 = vector.broadcast %broadcast_in_dim3A : i32 to vector<16xi32>
    %broadcast_in_dim3A_10 = arith.constant 0 : i32
    %broadcast_in_dim3A_11 = vector.broadcast %broadcast_in_dim3A_10 : i32 to vector<16xi32>
    %get3A = arith.constant 0 : i32
    %get3A_12 = arith.index_cast %get3A : i32 to index
    %get3A_13 = arith.constant 0 : index
    %get3A_14 = tpu.vector_load %arg8[%get3A_12, %get3A_13] {strides = array<i32>} : memref<4x128xf32, #tpu.memory_space<vmem>>, vector<16xf32>,
    %get3A_15 = arith.constant 1 : i32
    %get3A_16 = arith.index_cast %get3A_15 : i32 to index
    %get3A_17 = arith.constant 0 : index
    %get3A_18 = tpu.vector_load %arg8[%get3A_16, %get3A_17] {strides = array<i32>} : memref<4x128xf32, #tpu.memory_space<vmem>>, vector<16xf32>,
    %get3A_19 = arith.constant 2 : i32
    %get3A_20 = arith.index_cast %get3A_19 : i32 to index
    %get3A_21 = arith.constant 0 : index
    %get3A_22 = tpu.vector_load %arg8[%get3A_20, %get3A_21] {strides = array<i32>} : memref<4x128xf32, #tpu.memory_space<vmem>>, vector<16xf32>,
    %get3A_23 = arith.constant 3 : i32
    %get3A_24 = arith.index_cast %get3A_23 : i32 to index
    %get3A_25 = arith.constant 0 : index
    %get3A_26 = tpu.vector_load %arg8[%get3A_24, %get3A_25] {strides = array<i32>} : memref<4x128xf32, #tpu.memory_space<vmem>>, vector<16xf32>,
    %sub3A_27 = arith.subf %get3A_22, %get3A_14 : vector<16xf32>
    %sub3A_28 = arith.subf %get3A_26, %get3A_18 : vector<16xf32>
    %mul3A_29 = arith.mulf %sub3A_27, %sub3A_28 : vector<16xf32>
    %gt3A = arith.constant 1.440000e+02 : f32
    %gt3A_30 = vector.broadcast %gt3A : f32 to vector<16xf32>
    %gt3A_31 = arith.cmpf ogt, %mul3A_29, %gt3A_30 : vector<16xf32>
    %select_n3A = arith.select %gt3A_31, %broadcast_in_dim3A_9, %broadcast_in_dim3A_11 : vector<16xi1>, vector<16xi32>
    %gt3A_32 = arith.constant 5.760000e+02 : f32
    %gt3A_33 = vector.broadcast %gt3A_32 : f32 to vector<16xf32>
    %gt3A_34 = arith.cmpf ogt, %mul3A_29, %gt3A_33 : vector<16xf32>
    %select_n3A_35 = arith.select %gt3A_34, %broadcast_in_dim3A_9, %broadcast_in_dim3A_11 : vector<16xi1>, vector<16xi32>
    %add3A_36 = arith.addi %select_n3A, %select_n3A_35 : vector<16xi32>
    %gt3A_37 = arith.constant 2.304000e+03 : f32
    %gt3A_38 = vector.broadcast %gt3A_37 : f32 to vector<16xf32>
    %gt3A_39 = arith.cmpf ogt, %mul3A_29, %gt3A_38 : vector<16xf32>
    %select_n3A_40 = arith.select %gt3A_39, %broadcast_in_dim3A_9, %broadcast_in_dim3A_11 : vector<16xi1>, vector<16xi32>
    %add3A_41 = arith.addi %add3A_36, %select_n3A_40 : vector<16xi32>
    %shift_right_arithmetic3A_42 = arith.constant 128 : i32
    %shift_right_arithmetic3A_43 = vector.broadcast %shift_right_arithmetic3A_42 : i32 to vector<16xi32>
    %shift_right_arithmetic3A_44 = arith.shrsi %shift_right_arithmetic3A_43, %add3A_41 : vector<16xi32>
    %eq3A = arith.constant 0 : i32
    %eq3A_45 = vector.broadcast %eq3A : i32 to vector<16xi32>
    %eq3A_46 = arith.cmpi eq, %add3A_41, %eq3A_45 : vector<16xi32>
    %eq3A_47 = arith.constant 1 : i32
    %eq3A_48 = vector.broadcast %eq3A_47 : i32 to vector<16xi32>
    %eq3A_49 = arith.cmpi eq, %add3A_41, %eq3A_48 : vector<16xi32>
    %eq3A_50 = arith.constant 2 : i32
    %eq3A_51 = vector.broadcast %eq3A_50 : i32 to vector<16xi32>
    %eq3A_52 = arith.cmpi eq, %add3A_41, %eq3A_51 : vector<16xi32>
    %jit3A = arith.constant 20480 : i32
    %jit3A_53 = arith.constant 21504 : i32
    %broadcast_in_dim3A_54 = vector.broadcast %jit3A : i32 to vector<16xi32>
    %broadcast_in_dim3A_55 = vector.broadcast %jit3A_53 : i32 to vector<16xi32>
    %select_n3A_56 = arith.select %eq3A_52, %broadcast_in_dim3A_54, %broadcast_in_dim3A_55 : vector<16xi1>, vector<16xi32>
    %jit3A_57 = arith.constant 16384 : i32
    %broadcast_in_dim3A_58 = vector.broadcast %jit3A_57 : i32 to vector<16xi32>
    %select_n3A_59 = arith.select %eq3A_49, %broadcast_in_dim3A_58, %select_n3A_56 : vector<16xi1>, vector<16xi32>
    %jit3A_60 = arith.constant 0 : i32
    %broadcast_in_dim3A_61 = vector.broadcast %jit3A_60 : i32 to vector<16xi32>
    %select_n3A_62 = arith.select %eq3A_46, %broadcast_in_dim3A_61, %select_n3A_59 : vector<16xi1>, vector<16xi32>
    %eq3A_63 = arith.constant 0 : i32
    %eq3A_64 = vector.broadcast %eq3A_63 : i32 to vector<16xi32>
    %eq3A_65 = arith.cmpi eq, %add3A_41, %eq3A_64 : vector<16xi32>
    %eq3A_66 = arith.constant 1 : i32
    %eq3A_67 = vector.broadcast %eq3A_66 : i32 to vector<16xi32>
    %eq3A_68 = arith.cmpi eq, %add3A_41, %eq3A_67 : vector<16xi32>
    %eq3A_69 = arith.constant 2 : i32
    %eq3A_70 = vector.broadcast %eq3A_69 : i32 to vector<16xi32>
    %eq3A_71 = arith.cmpi eq, %add3A_41, %eq3A_70 : vector<16xi32>
    %jit3A_72 = arith.constant 6.250000e-02 : f32
    %jit3A_73 = arith.constant 3.125000e-02 : f32
    %broadcast_in_dim3A_74 = vector.broadcast %jit3A_72 : f32 to vector<16xf32>
    %broadcast_in_dim3A_75 = vector.broadcast %jit3A_73 : f32 to vector<16xf32>
    %select_n3A_76 = arith.select %eq3A_71, %broadcast_in_dim3A_74, %broadcast_in_dim3A_75 : vector<16xi1>, vector<16xf32>
    %jit3A_77 = arith.constant 1.250000e-01 : f32
    %broadcast_in_dim3A_78 = vector.broadcast %jit3A_77 : f32 to vector<16xf32>
    %select_n3A_79 = arith.select %eq3A_68, %broadcast_in_dim3A_78, %select_n3A_76 : vector<16xi1>, vector<16xf32>
    %jit3A_80 = arith.constant 2.500000e-01 : f32
    %broadcast_in_dim3A_81 = vector.broadcast %jit3A_80 : f32 to vector<16xf32>
    %select_n3A_82 = arith.select %eq3A_65, %broadcast_in_dim3A_81, %select_n3A_79 : vector<16xi1>, vector<16xf32>
    %mul3A_83 = arith.mulf %get3A_14, %select_n3A_82 : vector<16xf32>
    %swap3A = arith.constant 0 : index
    %swap3A_84 = tpu.vector_load %arg10[%swap3A] {strides = array<i32>} : memref<576xf32, #tpu.memory_space<vmem>>, vector<16xf32>,
    tpu.vector_store %arg10[%swap3A], %mul3A_83 {strides = array<i32>} : memref<576xf32, #tpu.memory_space<vmem>>, vector<16xf32>,
    %mul3A_85 = arith.mulf %get3A_18, %select_n3A_82 : vector<16xf32>
    %swap3A_86 = arith.constant 144 : index
    %swap3A_87 = tpu.vector_load %arg10[%swap3A_86] {strides = array<i32>} : memref<576xf32, #tpu.memory_space<vmem>>, vector<16xf32>,
    tpu.vector_store %arg10[%swap3A_86], %mul3A_85 {strides = array<i32>} : memref<576xf32, #tpu.memory_space<vmem>>, vector<16xf32>,
    %sub3A_88 = arith.subf %get3A_22, %get3A_14 : vector<16xf32>
    %mul3A_89 = arith.mulf %sub3A_88, %select_n3A_82 : vector<16xf32>
    %swap3A_90 = arith.constant 288 : index
    %swap3A_91 = tpu.vector_load %arg10[%swap3A_90] {strides = array<i32>} : memref<576xf32, #tpu.memory_space<vmem>>, vector<16xf32>,
    tpu.vector_store %arg10[%swap3A_90], %mul3A_89 {strides = array<i32>} : memref<576xf32, #tpu.memory_space<vmem>>, vector<16xf32>,
    %sub3A_92 = arith.subf %get3A_26, %get3A_18 : vector<16xf32>
    %mul3A_93 = arith.mulf %sub3A_92, %select_n3A_82 : vector<16xf32>
    %swap3A_94 = arith.constant 432 : index
    %swap3A_95 = tpu.vector_load %arg10[%swap3A_94] {strides = array<i32>} : memref<576xf32, #tpu.memory_space<vmem>>, vector<16xf32>,
    tpu.vector_store %arg10[%swap3A_94], %mul3A_93 {strides = array<i32>} : memref<576xf32, #tpu.memory_space<vmem>>, vector<16xf32>,
    %swap3A_96 = arith.constant 0 : index
    %swap3A_97 = tpu.vector_load %arg9[%swap3A_96] {strides = array<i32>} : memref<288xi32, #tpu.memory_space<vmem>>, vector<16xi32>,
    tpu.vector_store %arg9[%swap3A_96], %shift_right_arithmetic3A_44 {strides = array<i32>} : memref<288xi32, #tpu.memory_space<vmem>>, vector<16xi32>,
    %swap3A_98 = arith.constant 144 : index
    %swap3A_99 = tpu.vector_load %arg9[%swap3A_98] {strides = array<i32>} : memref<288xi32, #tpu.memory_space<vmem>>, vector<16xi32>,
    tpu.vector_store %arg9[%swap3A_98], %select_n3A_62 {strides = array<i32>} : memref<288xi32, #tpu.memory_space<vmem>>, vector<16xi32>,
    %get3A_100 = arith.constant 0 : i32
    %get3A_101 = arith.index_cast %get3A_100 : i32 to index
    %get3A_102 = arith.constant 16 : index
    %get3A_103 = tpu.vector_load %arg8[%get3A_101, %get3A_102] {strides = array<i32>} : memref<4x128xf32, #tpu.memory_space<vmem>>, vector<16xf32>,
    %get3A_104 = arith.constant 1 : i32
    %get3A_105 = arith.index_cast %get3A_104 : i32 to index
    %get3A_106 = arith.constant 16 : index
    %get3A_107 = tpu.vector_load %arg8[%get3A_105, %get3A_106] {strides = array<i32>} : memref<4x128xf32, #tpu.memory_space<vmem>>, vector<16xf32>,
    %get3A_108 = arith.constant 2 : i32
    %get3A_109 = arith.index_cast %get3A_108 : i32 to index
    %get3A_110 = arith.constant 16 : index
    %get3A_111 = tpu.vector_load %arg8[%get3A_109, %get3A_110] {strides = array<i32>} : memref<4x128xf32, #tpu.memory_space<vmem>>, vector<16xf32>,
    %get3A_112 = arith.constant 3 : i32
    %get3A_113 = arith.index_cast %get3A_112 : i32 to index
    %get3A_114 = arith.constant 16 : index
    %get3A_115 = tpu.vector_load %arg8[%get3A_113, %get3A_114] {strides = array<i32>} : memref<4x128xf32, #tpu.memory_space<vmem>>, vector<16xf32>,
    %sub3A_116 = arith.subf %get3A_111, %get3A_103 : vector<16xf32>
    %sub3A_117 = arith.subf %get3A_115, %get3A_107 : vector<16xf32>
    %mul3A_118 = arith.mulf %sub3A_116, %sub3A_117 : vector<16xf32>
    %gt3A_119 = arith.constant 1.440000e+02 : f32
    %gt3A_120 = vector.broadcast %gt3A_119 : f32 to vector<16xf32>
    %gt3A_121 = arith.cmpf ogt, %mul3A_118, %gt3A_120 : vector<16xf32>
    %select_n3A_122 = arith.select %gt3A_121, %broadcast_in_dim3A_9, %broadcast_in_dim3A_11 : vector<16xi1>, vector<16xi32>
    %gt3A_123 = arith.constant 5.760000e+02 : f32
    %gt3A_124 = vector.broadcast %gt3A_123 : f32 to vector<16xf32>
    %gt3A_125 = arith.cmpf ogt, %mul3A_118, %gt3A_124 : vector<16xf32>
    %select_n3A_126 = arith.select %gt3A_125, %broadcast_in_dim3A_9, %broadcast_in_dim3A_11 : vector<16xi1>, vector<16xi32>
    %add3A_127 = arith.addi %select_n3A_122, %select_n3A_126 : vector<16xi32>
    %gt3A_128 = arith.constant 2.304000e+03 : f32
    %gt3A_129 = vector.broadcast %gt3A_128 : f32 to vector<16xf32>
    %gt3A_130 = arith.cmpf ogt, %mul3A_118, %gt3A_129 : vector<16xf32>
    %select_n3A_131 = arith.select %gt3A_130, %broadcast_in_dim3A_9, %broadcast_in_dim3A_11 : vector<16xi1>, vector<16xi32>
    %add3A_132 = arith.addi %add3A_127, %select_n3A_131 : vector<16xi32>
    %shift_right_arithmetic3A_133 = arith.constant 128 : i32
    %shift_right_arithmetic3A_134 = vector.broadcast %shift_right_arithmetic3A_133 : i32 to vector<16xi32>
    %shift_right_arithmetic3A_135 = arith.shrsi %shift_right_arithmetic3A_134, %add3A_132 : vector<16xi32>
    %eq3A_136 = arith.constant 0 : i32
    %eq3A_137 = vector.broadcast %eq3A_136 : i32 to vector<16xi32>
    %eq3A_138 = arith.cmpi eq, %add3A_132, %eq3A_137 : vector<16xi32>
    %eq3A_139 = arith.constant 1 : i32
    %eq3A_140 = vector.broadcast %eq3A_139 : i32 to vector<16xi32>
    %eq3A_141 = arith.cmpi eq, %add3A_132, %eq3A_140 : vector<16xi32>
    %eq3A_142 = arith.constant 2 : i32
    %eq3A_143 = vector.broadcast %eq3A_142 : i32 to vector<16xi32>
    %eq3A_144 = arith.cmpi eq, %add3A_132, %eq3A_143 : vector<16xi32>
    %jit3A_145 = arith.constant 20480 : i32
    %jit3A_146 = arith.constant 21504 : i32
    %broadcast_in_dim3A_147 = vector.broadcast %jit3A_145 : i32 to vector<16xi32>
    %broadcast_in_dim3A_148 = vector.broadcast %jit3A_146 : i32 to vector<16xi32>
    %select_n3A_149 = arith.select %eq3A_144, %broadcast_in_dim3A_147, %broadcast_in_dim3A_148 : vector<16xi1>, vector<16xi32>
    %jit3A_150 = arith.constant 16384 : i32
    %broadcast_in_dim3A_151 = vector.broadcast %jit3A_150 : i32 to vector<16xi32>
    %select_n3A_152 = arith.select %eq3A_141, %broadcast_in_dim3A_151, %select_n3A_149 : vector<16xi1>, vector<16xi32>
    %jit3A_153 = arith.constant 0 : i32
    %broadcast_in_dim3A_154 = vector.broadcast %jit3A_153 : i32 to vector<16xi32>
    %select_n3A_155 = arith.select %eq3A_138, %broadcast_in_dim3A_154, %select_n3A_152 : vector<16xi1>, vector<16xi32>
    %eq3A_156 = arith.constant 0 : i32
    %eq3A_157 = vector.broadcast %eq3A_156 : i32 to vector<16xi32>
    %eq3A_158 = arith.cmpi eq, %add3A_132, %eq3A_157 : vector<16xi32>
    %eq3A_159 = arith.constant 1 : i32
    %eq3A_160 = vector.broadcast %eq3A_159 : i32 to vector<16xi32>
    %eq3A_161 = arith.cmpi eq, %add3A_132, %eq3A_160 : vector<16xi32>
    %eq3A_162 = arith.constant 2 : i32
    %eq3A_163 = vector.broadcast %eq3A_162 : i32 to vector<16xi32>
    %eq3A_164 = arith.cmpi eq, %add3A_132, %eq3A_163 : vector<16xi32>
    %jit3A_165 = arith.constant 6.250000e-02 : f32
    %jit3A_166 = arith.constant 3.125000e-02 : f32
    %broadcast_in_dim3A_167 = vector.broadcast %jit3A_165 : f32 to vector<16xf32>
    %broadcast_in_dim3A_168 = vector.broadcast %jit3A_166 : f32 to vector<16xf32>
    %select_n3A_169 = arith.select %eq3A_164, %broadcast_in_dim3A_167, %broadcast_in_dim3A_168 : vector<16xi1>, vector<16xf32>
    %jit3A_170 = arith.constant 1.250000e-01 : f32
    %broadcast_in_dim3A_171 = vector.broadcast %jit3A_170 : f32 to vector<16xf32>
    %select_n3A_172 = arith.select %eq3A_161, %broadcast_in_dim3A_171, %select_n3A_169 : vector<16xi1>, vector<16xf32>
    %jit3A_173 = arith.constant 2.500000e-01 : f32
    %broadcast_in_dim3A_174 = vector.broadcast %jit3A_173 : f32 to vector<16xf32>
    %select_n3A_175 = arith.select %eq3A_158, %broadcast_in_dim3A_174, %select_n3A_172 : vector<16xi1>, vector<16xf32>
    %mul3A_176 = arith.mulf %get3A_103, %select_n3A_175 : vector<16xf32>
    %swap3A_177 = arith.constant 16 : index
    %swap3A_178 = tpu.vector_load %arg10[%swap3A_177] {strides = array<i32>} : memref<576xf32, #tpu.memory_space<vmem>>, vector<16xf32>,
    tpu.vector_store %arg10[%swap3A_177], %mul3A_176 {strides = array<i32>} : memref<576xf32, #tpu.memory_space<vmem>>, vector<16xf32>,
    %mul3A_179 = arith.mulf %get3A_107, %select_n3A_175 : vector<16xf32>
    %swap3A_180 = arith.constant 160 : index
    %swap3A_181 = tpu.vector_load %arg10[%swap3A_180] {strides = array<i32>} : memref<576xf32, #tpu.memory_space<vmem>>, vector<16xf32>,
    tpu.vector_store %arg10[%swap3A_180], %mul3A_179 {strides = array<i32>} : memref<576xf32, #tpu.memory_space<vmem>>, vector<16xf32>,
    %sub3A_182 = arith.subf %get3A_111, %get3A_103 : vector<16xf32>
    %mul3A_183 = arith.mulf %sub3A_182, %select_n3A_175 : vector<16xf32>
    %swap3A_184 = arith.constant 304 : index
    %swap3A_185 = tpu.vector_load %arg10[%swap3A_184] {strides = array<i32>} : memref<576xf32, #tpu.memory_space<vmem>>, vector<16xf32>,
    tpu.vector_store %arg10[%swap3A_184], %mul3A_183 {strides = array<i32>} : memref<576xf32, #tpu.memory_space<vmem>>, vector<16xf32>,
    %sub3A_186 = arith.subf %get3A_115, %get3A_107 : vector<16xf32>
    %mul3A_187 = arith.mulf %sub3A_186, %select_n3A_175 : vector<16xf32>
    %swap3A_188 = arith.constant 448 : index
    %swap3A_189 = tpu.vector_load %arg10[%swap3A_188] {strides = array<i32>} : memref<576xf32, #tpu.memory_space<vmem>>, vector<16xf32>,
    tpu.vector_store %arg10[%swap3A_188], %mul3A_187 {strides = array<i32>} : memref<576xf32, #tpu.memory_space<vmem>>, vector<16xf32>,
    %swap3A_190 = arith.constant 16 : index
    %swap3A_191 = tpu.vector_load %arg9[%swap3A_190] {strides = array<i32>} : memref<288xi32, #tpu.memory_space<vmem>>, vector<16xi32>,
    tpu.vector_store %arg9[%swap3A_190], %shift_right_arithmetic3A_135 {strides = array<i32>} : memref<288xi32, #tpu.memory_space<vmem>>, vector<16xi32>,
    %swap3A_192 = arith.constant 160 : index
    %swap3A_193 = tpu.vector_load %arg9[%swap3A_192] {strides = array<i32>} : memref<288xi32, #tpu.memory_space<vmem>>, vector<16xi32>,
    tpu.vector_store %arg9[%swap3A_192], %select_n3A_155 {strides = array<i32>} : memref<288xi32, #tpu.memory_space<vmem>>, vector<16xi32>,
    %get3A_194 = arith.constant 0 : i32
    %get3A_195 = arith.index_cast %get3A_194 : i32 to index
    %get3A_196 = arith.constant 32 : index
    %get3A_197 = tpu.vector_load %arg8[%get3A_195, %get3A_196] {strides = array<i32>} : memref<4x128xf32, #tpu.memory_space<vmem>>, vector<16xf32>,
    %get3A_198 = arith.constant 1 : i32
    %get3A_199 = arith.index_cast %get3A_198 : i32 to index
    %get3A_200 = arith.constant 32 : index
    %get3A_201 = tpu.vector_load %arg8[%get3A_199, %get3A_200] {strides = array<i32>} : memref<4x128xf32, #tpu.memory_space<vmem>>, vector<16xf32>,
    %get3A_202 = arith.constant 2 : i32
    %get3A_203 = arith.index_cast %get3A_202 : i32 to index
    %get3A_204 = arith.constant 32 : index
    %get3A_205 = tpu.vector_load %arg8[%get3A_203, %get3A_204] {strides = array<i32>} : memref<4x128xf32, #tpu.memory_space<vmem>>, vector<16xf32>,
    %get3A_206 = arith.constant 3 : i32
    %get3A_207 = arith.index_cast %get3A_206 : i32 to index
    %get3A_208 = arith.constant 32 : index
    %get3A_209 = tpu.vector_load %arg8[%get3A_207, %get3A_208] {strides = array<i32>} : memref<4x128xf32, #tpu.memory_space<vmem>>, vector<16xf32>,
    %sub3A_210 = arith.subf %get3A_205, %get3A_197 : vector<16xf32>
    %sub3A_211 = arith.subf %get3A_209, %get3A_201 : vector<16xf32>
    %mul3A_212 = arith.mulf %sub3A_210, %sub3A_211 : vector<16xf32>
    %gt3A_213 = arith.constant 1.440000e+02 : f32
    %gt3A_214 = vector.broadcast %gt3A_213 : f32 to vector<16xf32>
    %gt3A_215 = arith.cmpf ogt, %mul3A_212, %gt3A_214 : vector<16xf32>
    %select_n3A_216 = arith.select %gt3A_215, %broadcast_in_dim3A_9, %broadcast_in_dim3A_11 : vector<16xi1>, vector<16xi32>
    %gt3A_217 = arith.constant 5.760000e+02 : f32
    %gt3A_218 = vector.broadcast %gt3A_217 : f32 to vector<16xf32>
    %gt3A_219 = arith.cmpf ogt, %mul3A_212, %gt3A_218 : vector<16xf32>
    %select_n3A_220 = arith.select %gt3A_219, %broadcast_in_dim3A_9, %broadcast_in_dim3A_11 : vector<16xi1>, vector<16xi32>
    %add3A_221 = arith.addi %select_n3A_216, %select_n3A_220 : vector<16xi32>
    %gt3A_222 = arith.constant 2.304000e+03 : f32
    %gt3A_223 = vector.broadcast %gt3A_222 : f32 to vector<16xf32>
    %gt3A_224 = arith.cmpf ogt, %mul3A_212, %gt3A_223 : vector<16xf32>
    %select_n3A_225 = arith.select %gt3A_224, %broadcast_in_dim3A_9, %broadcast_in_dim3A_11 : vector<16xi1>, vector<16xi32>
    %add3A_226 = arith.addi %add3A_221, %select_n3A_225 : vector<16xi32>
    %shift_right_arithmetic3A_227 = arith.constant 128 : i32
    %shift_right_arithmetic3A_228 = vector.broadcast %shift_right_arithmetic3A_227 : i32 to vector<16xi32>
    %shift_right_arithmetic3A_229 = arith.shrsi %shift_right_arithmetic3A_228, %add3A_226 : vector<16xi32>
    %eq3A_230 = arith.constant 0 : i32
    %eq3A_231 = vector.broadcast %eq3A_230 : i32 to vector<16xi32>
    %eq3A_232 = arith.cmpi eq, %add3A_226, %eq3A_231 : vector<16xi32>
    %eq3A_233 = arith.constant 1 : i32
    %eq3A_234 = vector.broadcast %eq3A_233 : i32 to vector<16xi32>
    %eq3A_235 = arith.cmpi eq, %add3A_226, %eq3A_234 : vector<16xi32>
    %eq3A_236 = arith.constant 2 : i32
    %eq3A_237 = vector.broadcast %eq3A_236 : i32 to vector<16xi32>
    %eq3A_238 = arith.cmpi eq, %add3A_226, %eq3A_237 : vector<16xi32>
    %jit3A_239 = arith.constant 20480 : i32
    %jit3A_240 = arith.constant 21504 : i32
    %broadcast_in_dim3A_241 = vector.broadcast %jit3A_239 : i32 to vector<16xi32>
    %broadcast_in_dim3A_242 = vector.broadcast %jit3A_240 : i32 to vector<16xi32>
    %select_n3A_243 = arith.select %eq3A_238, %broadcast_in_dim3A_241, %broadcast_in_dim3A_242 : vector<16xi1>, vector<16xi32>
    %jit3A_244 = arith.constant 16384 : i32
    %broadcast_in_dim3A_245 = vector.broadcast %jit3A_244 : i32 to vector<16xi32>
    %select_n3A_246 = arith.select %eq3A_235, %broadcast_in_dim3A_245, %select_n3A_243 : vector<16xi1>, vector<16xi32>
    %jit3A_247 = arith.constant 0 : i32
    %broadcast_in_dim3A_248 = vector.broadcast %jit3A_247 : i32 to vector<16xi32>
    %select_n3A_249 = arith.select %eq3A_232, %broadcast_in_dim3A_248, %select_n3A_246 : vector<16xi1>, vector<16xi32>
    %eq3A_250 = arith.constant 0 : i32
    %eq3A_251 = vector.broadcast %eq3A_250 : i32 to vector<16xi32>
    %eq3A_252 = arith.cmpi eq, %add3A_226, %eq3A_251 : vector<16xi32>
    %eq3A_253 = arith.constant 1 : i32
    %eq3A_254 = vector.broadcast %eq3A_253 : i32 to vector<16xi32>
    %eq3A_255 = arith.cmpi eq, %add3A_226, %eq3A_254 : vector<16xi32>
    %eq3A_256 = arith.constant 2 : i32
    %eq3A_257 = vector.broadcast %eq3A_256 : i32 to vector<16xi32>
    %eq3A_258 = arith.cmpi eq, %add3A_226, %eq3A_257 : vector<16xi32>
    %jit3A_259 = arith.constant 6.250000e-02 : f32
    %jit3A_260 = arith.constant 3.125000e-02 : f32
    %broadcast_in_dim3A_261 = vector.broadcast %jit3A_259 : f32 to vector<16xf32>
    %broadcast_in_dim3A_262 = vector.broadcast %jit3A_260 : f32 to vector<16xf32>
    %select_n3A_263 = arith.select %eq3A_258, %broadcast_in_dim3A_261, %broadcast_in_dim3A_262 : vector<16xi1>, vector<16xf32>
    %jit3A_264 = arith.constant 1.250000e-01 : f32
    %broadcast_in_dim3A_265 = vector.broadcast %jit3A_264 : f32 to vector<16xf32>
    %select_n3A_266 = arith.select %eq3A_255, %broadcast_in_dim3A_265, %select_n3A_263 : vector<16xi1>, vector<16xf32>
    %jit3A_267 = arith.constant 2.500000e-01 : f32
    %broadcast_in_dim3A_268 = vector.broadcast %jit3A_267 : f32 to vector<16xf32>
    %select_n3A_269 = arith.select %eq3A_252, %broadcast_in_dim3A_268, %select_n3A_266 : vector<16xi1>, vector<16xf32>
    %mul3A_270 = arith.mulf %get3A_197, %select_n3A_269 : vector<16xf32>
    %swap3A_271 = arith.constant 32 : index
    %swap3A_272 = tpu.vector_load %arg10[%swap3A_271] {strides = array<i32>} : memref<576xf32, #tpu.memory_space<vmem>>, vector<16xf32>,
    tpu.vector_store %arg10[%swap3A_271], %mul3A_270 {strides = array<i32>} : memref<576xf32, #tpu.memory_space<vmem>>, vector<16xf32>,
    %mul3A_273 = arith.mulf %get3A_201, %select_n3A_269 : vector<16xf32>
    %swap3A_274 = arith.constant 176 : index
    %swap3A_275 = tpu.vector_load %arg10[%swap3A_274] {strides = array<i32>} : memref<576xf32, #tpu.memory_space<vmem>>, vector<16xf32>,
    tpu.vector_store %arg10[%swap3A_274], %mul3A_273 {strides = array<i32>} : memref<576xf32, #tpu.memory_space<vmem>>, vector<16xf32>,
    %sub3A_276 = arith.subf %get3A_205, %get3A_197 : vector<16xf32>
    %mul3A_277 = arith.mulf %sub3A_276, %select_n3A_269 : vector<16xf32>
    %swap3A_278 = arith.constant 320 : index
    %swap3A_279 = tpu.vector_load %arg10[%swap3A_278] {strides = array<i32>} : memref<576xf32, #tpu.memory_space<vmem>>, vector<16xf32>,
    tpu.vector_store %arg10[%swap3A_278], %mul3A_277 {strides = array<i32>} : memref<576xf32, #tpu.memory_space<vmem>>, vector<16xf32>,
    %sub3A_280 = arith.subf %get3A_209, %get3A_201 : vector<16xf32>
    %mul3A_281 = arith.mulf %sub3A_280, %select_n3A_269 : vector<16xf32>
    %swap3A_282 = arith.constant 464 : index
    %swap3A_283 = tpu.vector_load %arg10[%swap3A_282] {strides = array<i32>} : memref<576xf32, #tpu.memory_space<vmem>>, vector<16xf32>,
    tpu.vector_store %arg10[%swap3A_282], %mul3A_281 {strides = array<i32>} : memref<576xf32, #tpu.memory_space<vmem>>, vector<16xf32>,
    %swap3A_284 = arith.constant 32 : index
    %swap3A_285 = tpu.vector_load %arg9[%swap3A_284] {strides = array<i32>} : memref<288xi32, #tpu.memory_space<vmem>>, vector<16xi32>,
    tpu.vector_store %arg9[%swap3A_284], %shift_right_arithmetic3A_229 {strides = array<i32>} : memref<288xi32, #tpu.memory_space<vmem>>, vector<16xi32>,
    %swap3A_286 = arith.constant 176 : index
    %swap3A_287 = tpu.vector_load %arg9[%swap3A_286] {strides = array<i32>} : memref<288xi32, #tpu.memory_space<vmem>>, vector<16xi32>,
    tpu.vector_store %arg9[%swap3A_286], %select_n3A_249 {strides = array<i32>} : memref<288xi32, #tpu.memory_space<vmem>>, vector<16xi32>,
    %get3A_288 = arith.constant 0 : i32
    %get3A_289 = arith.index_cast %get3A_288 : i32 to index
    %get3A_290 = arith.constant 48 : index
    %get3A_291 = tpu.vector_load %arg8[%get3A_289, %get3A_290] {strides = array<i32>} : memref<4x128xf32, #tpu.memory_space<vmem>>, vector<16xf32>,
    %get3A_292 = arith.constant 1 : i32
    %get3A_293 = arith.index_cast %get3A_292 : i32 to index
    %get3A_294 = arith.constant 48 : index
    %get3A_295 = tpu.vector_load %arg8[%get3A_293, %get3A_294] {strides = array<i32>} : memref<4x128xf32, #tpu.memory_space<vmem>>, vector<16xf32>,
    %get3A_296 = arith.constant 2 : i32
    %get3A_297 = arith.index_cast %get3A_296 : i32 to index
    %get3A_298 = arith.constant 48 : index
    %get3A_299 = tpu.vector_load %arg8[%get3A_297, %get3A_298] {strides = array<i32>} : memref<4x128xf32, #tpu.memory_space<vmem>>, vector<16xf32>,
    %get3A_300 = arith.constant 3 : i32
    %get3A_301 = arith.index_cast %get3A_300 : i32 to index
    %get3A_302 = arith.constant 48 : index
    %get3A_303 = tpu.vector_load %arg8[%get3A_301, %get3A_302] {strides = array<i32>} : memref<4x128xf32, #tpu.memory_space<vmem>>, vector<16xf32>,
    %sub3A_304 = arith.subf %get3A_299, %get3A_291 : vector<16xf32>
    %sub3A_305 = arith.subf %get3A_303, %get3A_295 : vector<16xf32>
    %mul3A_306 = arith.mulf %sub3A_304, %sub3A_305 : vector<16xf32>
    %gt3A_307 = arith.constant 1.440000e+02 : f32
    %gt3A_308 = vector.broadcast %gt3A_307 : f32 to vector<16xf32>
    %gt3A_309 = arith.cmpf ogt, %mul3A_306, %gt3A_308 : vector<16xf32>
    %select_n3A_310 = arith.select %gt3A_309, %broadcast_in_dim3A_9, %broadcast_in_dim3A_11 : vector<16xi1>, vector<16xi32>
    %gt3A_311 = arith.constant 5.760000e+02 : f32
    %gt3A_312 = vector.broadcast %gt3A_311 : f32 to vector<16xf32>
    %gt3A_313 = arith.cmpf ogt, %mul3A_306, %gt3A_312 : vector<16xf32>
    %select_n3A_314 = arith.select %gt3A_313, %broadcast_in_dim3A_9, %broadcast_in_dim3A_11 : vector<16xi1>, vector<16xi32>
    %add3A_315 = arith.addi %select_n3A_310, %select_n3A_314 : vector<16xi32>
    %gt3A_316 = arith.constant 2.304000e+03 : f32
    %gt3A_317 = vector.broadcast %gt3A_316 : f32 to vector<16xf32>
    %gt3A_318 = arith.cmpf ogt, %mul3A_306, %gt3A_317 : vector<16xf32>
    %select_n3A_319 = arith.select %gt3A_318, %broadcast_in_dim3A_9, %broadcast_in_dim3A_11 : vector<16xi1>, vector<16xi32>
    %add3A_320 = arith.addi %add3A_315, %select_n3A_319 : vector<16xi32>
    %shift_right_arithmetic3A_321 = arith.constant 128 : i32
    %shift_right_arithmetic3A_322 = vector.broadcast %shift_right_arithmetic3A_321 : i32 to vector<16xi32>
    %shift_right_arithmetic3A_323 = arith.shrsi %shift_right_arithmetic3A_322, %add3A_320 : vector<16xi32>
    %eq3A_324 = arith.constant 0 : i32
    %eq3A_325 = vector.broadcast %eq3A_324 : i32 to vector<16xi32>
    %eq3A_326 = arith.cmpi eq, %add3A_320, %eq3A_325 : vector<16xi32>
    %eq3A_327 = arith.constant 1 : i32
    %eq3A_328 = vector.broadcast %eq3A_327 : i32 to vector<16xi32>
    %eq3A_329 = arith.cmpi eq, %add3A_320, %eq3A_328 : vector<16xi32>
    %eq3A_330 = arith.constant 2 : i32
    %eq3A_331 = vector.broadcast %eq3A_330 : i32 to vector<16xi32>
    %eq3A_332 = arith.cmpi eq, %add3A_320, %eq3A_331 : vector<16xi32>
    %jit3A_333 = arith.constant 20480 : i32
    %jit3A_334 = arith.constant 21504 : i32
    %broadcast_in_dim3A_335 = vector.broadcast %jit3A_333 : i32 to vector<16xi32>
    %broadcast_in_dim3A_336 = vector.broadcast %jit3A_334 : i32 to vector<16xi32>
    %select_n3A_337 = arith.select %eq3A_332, %broadcast_in_dim3A_335, %broadcast_in_dim3A_336 : vector<16xi1>, vector<16xi32>
    %jit3A_338 = arith.constant 16384 : i32
    %broadcast_in_dim3A_339 = vector.broadcast %jit3A_338 : i32 to vector<16xi32>
    %select_n3A_340 = arith.select %eq3A_329, %broadcast_in_dim3A_339, %select_n3A_337 : vector<16xi1>, vector<16xi32>
    %jit3A_341 = arith.constant 0 : i32
    %broadcast_in_dim3A_342 = vector.broadcast %jit3A_341 : i32 to vector<16xi32>
    %select_n3A_343 = arith.select %eq3A_326, %broadcast_in_dim3A_342, %select_n3A_340 : vector<16xi1>, vector<16xi32>
    %eq3A_344 = arith.constant 0 : i32
    %eq3A_345 = vector.broadcast %eq3A_344 : i32 to vector<16xi32>
    %eq3A_346 = arith.cmpi eq, %add3A_320, %eq3A_345 : vector<16xi32>
    %eq3A_347 = arith.constant 1 : i32
    %eq3A_348 = vector.broadcast %eq3A_347 : i32 to vector<16xi32>
    %eq3A_349 = arith.cmpi eq, %add3A_320, %eq3A_348 : vector<16xi32>
    %eq3A_350 = arith.constant 2 : i32
    %eq3A_351 = vector.broadcast %eq3A_350 : i32 to vector<16xi32>
    %eq3A_352 = arith.cmpi eq, %add3A_320, %eq3A_351 : vector<16xi32>
    %jit3A_353 = arith.constant 6.250000e-02 : f32
    %jit3A_354 = arith.constant 3.125000e-02 : f32
    %broadcast_in_dim3A_355 = vector.broadcast %jit3A_353 : f32 to vector<16xf32>
    %broadcast_in_dim3A_356 = vector.broadcast %jit3A_354 : f32 to vector<16xf32>
    %select_n3A_357 = arith.select %eq3A_352, %broadcast_in_dim3A_355, %broadcast_in_dim3A_356 : vector<16xi1>, vector<16xf32>
    %jit3A_358 = arith.constant 1.250000e-01 : f32
    %broadcast_in_dim3A_359 = vector.broadcast %jit3A_358 : f32 to vector<16xf32>
    %select_n3A_360 = arith.select %eq3A_349, %broadcast_in_dim3A_359, %select_n3A_357 : vector<16xi1>, vector<16xf32>
    %jit3A_361 = arith.constant 2.500000e-01 : f32
    %broadcast_in_dim3A_362 = vector.broadcast %jit3A_361 : f32 to vector<16xf32>
    %select_n3A_363 = arith.select %eq3A_346, %broadcast_in_dim3A_362, %select_n3A_360 : vector<16xi1>, vector<16xf32>
    %mul3A_364 = arith.mulf %get3A_291, %select_n3A_363 : vector<16xf32>
    %swap3A_365 = arith.constant 48 : index
    %swap3A_366 = tpu.vector_load %arg10[%swap3A_365] {strides = array<i32>} : memref<576xf32, #tpu.memory_space<vmem>>, vector<16xf32>,
    tpu.vector_store %arg10[%swap3A_365], %mul3A_364 {strides = array<i32>} : memref<576xf32, #tpu.memory_space<vmem>>, vector<16xf32>,
    %mul3A_367 = arith.mulf %get3A_295, %select_n3A_363 : vector<16xf32>
    %swap3A_368 = arith.constant 192 : index
    %swap3A_369 = tpu.vector_load %arg10[%swap3A_368] {strides = array<i32>} : memref<576xf32, #tpu.memory_space<vmem>>, vector<16xf32>,
    tpu.vector_store %arg10[%swap3A_368], %mul3A_367 {strides = array<i32>} : memref<576xf32, #tpu.memory_space<vmem>>, vector<16xf32>,
    %sub3A_370 = arith.subf %get3A_299, %get3A_291 : vector<16xf32>
    %mul3A_371 = arith.mulf %sub3A_370, %select_n3A_363 : vector<16xf32>
    %swap3A_372 = arith.constant 336 : index
    %swap3A_373 = tpu.vector_load %arg10[%swap3A_372] {strides = array<i32>} : memref<576xf32, #tpu.memory_space<vmem>>, vector<16xf32>,
    tpu.vector_store %arg10[%swap3A_372], %mul3A_371 {strides = array<i32>} : memref<576xf32, #tpu.memory_space<vmem>>, vector<16xf32>,
    %sub3A_374 = arith.subf %get3A_303, %get3A_295 : vector<16xf32>
    %mul3A_375 = arith.mulf %sub3A_374, %select_n3A_363 : vector<16xf32>
    %swap3A_376 = arith.constant 480 : index
    %swap3A_377 = tpu.vector_load %arg10[%swap3A_376] {strides = array<i32>} : memref<576xf32, #tpu.memory_space<vmem>>, vector<16xf32>,
    tpu.vector_store %arg10[%swap3A_376], %mul3A_375 {strides = array<i32>} : memref<576xf32, #tpu.memory_space<vmem>>, vector<16xf32>,
    %swap3A_378 = arith.constant 48 : index
    %swap3A_379 = tpu.vector_load %arg9[%swap3A_378] {strides = array<i32>} : memref<288xi32, #tpu.memory_space<vmem>>, vector<16xi32>,
    tpu.vector_store %arg9[%swap3A_378], %shift_right_arithmetic3A_323 {strides = array<i32>} : memref<288xi32, #tpu.memory_space<vmem>>, vector<16xi32>,
    %swap3A_380 = arith.constant 192 : index
    %swap3A_381 = tpu.vector_load %arg9[%swap3A_380] {strides = array<i32>} : memref<288xi32, #tpu.memory_space<vmem>>, vector<16xi32>,
    tpu.vector_store %arg9[%swap3A_380], %select_n3A_343 {strides = array<i32>} : memref<288xi32, #tpu.memory_space<vmem>>, vector<16xi32>,
    %get3A_382 = arith.constant 0 : i32
    %get3A_383 = arith.index_cast %get3A_382 : i32 to index
    %get3A_384 = arith.constant 64 : index
    %get3A_385 = tpu.vector_load %arg8[%get3A_383, %get3A_384] {strides = array<i32>} : memref<4x128xf32, #tpu.memory_space<vmem>>, vector<16xf32>,
    %get3A_386 = arith.constant 1 : i32
    %get3A_387 = arith.index_cast %get3A_386 : i32 to index
    %get3A_388 = arith.constant 64 : index
    %get3A_389 = tpu.vector_load %arg8[%get3A_387, %get3A_388] {strides = array<i32>} : memref<4x128xf32, #tpu.memory_space<vmem>>, vector<16xf32>,
    %get3A_390 = arith.constant 2 : i32
    %get3A_391 = arith.index_cast %get3A_390 : i32 to index
    %get3A_392 = arith.constant 64 : index
    %get3A_393 = tpu.vector_load %arg8[%get3A_391, %get3A_392] {strides = array<i32>} : memref<4x128xf32, #tpu.memory_space<vmem>>, vector<16xf32>,
    %get3A_394 = arith.constant 3 : i32
    %get3A_395 = arith.index_cast %get3A_394 : i32 to index
    %get3A_396 = arith.constant 64 : index
    %get3A_397 = tpu.vector_load %arg8[%get3A_395, %get3A_396] {strides = array<i32>} : memref<4x128xf32, #tpu.memory_space<vmem>>, vector<16xf32>,
    %sub3A_398 = arith.subf %get3A_393, %get3A_385 : vector<16xf32>
    %sub3A_399 = arith.subf %get3A_397, %get3A_389 : vector<16xf32>
    %mul3A_400 = arith.mulf %sub3A_398, %sub3A_399 : vector<16xf32>
    %gt3A_401 = arith.constant 1.440000e+02 : f32
    %gt3A_402 = vector.broadcast %gt3A_401 : f32 to vector<16xf32>
    %gt3A_403 = arith.cmpf ogt, %mul3A_400, %gt3A_402 : vector<16xf32>
    %select_n3A_404 = arith.select %gt3A_403, %broadcast_in_dim3A_9, %broadcast_in_dim3A_11 : vector<16xi1>, vector<16xi32>
    %gt3A_405 = arith.constant 5.760000e+02 : f32
    %gt3A_406 = vector.broadcast %gt3A_405 : f32 to vector<16xf32>
    %gt3A_407 = arith.cmpf ogt, %mul3A_400, %gt3A_406 : vector<16xf32>
    %select_n3A_408 = arith.select %gt3A_407, %broadcast_in_dim3A_9, %broadcast_in_dim3A_11 : vector<16xi1>, vector<16xi32>
    %add3A_409 = arith.addi %select_n3A_404, %select_n3A_408 : vector<16xi32>
    %gt3A_410 = arith.constant 2.304000e+03 : f32
    %gt3A_411 = vector.broadcast %gt3A_410 : f32 to vector<16xf32>
    %gt3A_412 = arith.cmpf ogt, %mul3A_400, %gt3A_411 : vector<16xf32>
    %select_n3A_413 = arith.select %gt3A_412, %broadcast_in_dim3A_9, %broadcast_in_dim3A_11 : vector<16xi1>, vector<16xi32>
    %add3A_414 = arith.addi %add3A_409, %select_n3A_413 : vector<16xi32>
    %shift_right_arithmetic3A_415 = arith.constant 128 : i32
    %shift_right_arithmetic3A_416 = vector.broadcast %shift_right_arithmetic3A_415 : i32 to vector<16xi32>
    %shift_right_arithmetic3A_417 = arith.shrsi %shift_right_arithmetic3A_416, %add3A_414 : vector<16xi32>
    %eq3A_418 = arith.constant 0 : i32
    %eq3A_419 = vector.broadcast %eq3A_418 : i32 to vector<16xi32>
    %eq3A_420 = arith.cmpi eq, %add3A_414, %eq3A_419 : vector<16xi32>
    %eq3A_421 = arith.constant 1 : i32
    %eq3A_422 = vector.broadcast %eq3A_421 : i32 to vector<16xi32>
    %eq3A_423 = arith.cmpi eq, %add3A_414, %eq3A_422 : vector<16xi32>
    %eq3A_424 = arith.constant 2 : i32
    %eq3A_425 = vector.broadcast %eq3A_424 : i32 to vector<16xi32>
    %eq3A_426 = arith.cmpi eq, %add3A_414, %eq3A_425 : vector<16xi32>
    %jit3A_427 = arith.constant 20480 : i32
    %jit3A_428 = arith.constant 21504 : i32
    %broadcast_in_dim3A_429 = vector.broadcast %jit3A_427 : i32 to vector<16xi32>
    %broadcast_in_dim3A_430 = vector.broadcast %jit3A_428 : i32 to vector<16xi32>
    %select_n3A_431 = arith.select %eq3A_426, %broadcast_in_dim3A_429, %broadcast_in_dim3A_430 : vector<16xi1>, vector<16xi32>
    %jit3A_432 = arith.constant 16384 : i32
    %broadcast_in_dim3A_433 = vector.broadcast %jit3A_432 : i32 to vector<16xi32>
    %select_n3A_434 = arith.select %eq3A_423, %broadcast_in_dim3A_433, %select_n3A_431 : vector<16xi1>, vector<16xi32>
    %jit3A_435 = arith.constant 0 : i32
    %broadcast_in_dim3A_436 = vector.broadcast %jit3A_435 : i32 to vector<16xi32>
    %select_n3A_437 = arith.select %eq3A_420, %broadcast_in_dim3A_436, %select_n3A_434 : vector<16xi1>, vector<16xi32>
    %eq3A_438 = arith.constant 0 : i32
    %eq3A_439 = vector.broadcast %eq3A_438 : i32 to vector<16xi32>
    %eq3A_440 = arith.cmpi eq, %add3A_414, %eq3A_439 : vector<16xi32>
    %eq3A_441 = arith.constant 1 : i32
    %eq3A_442 = vector.broadcast %eq3A_441 : i32 to vector<16xi32>
    %eq3A_443 = arith.cmpi eq, %add3A_414, %eq3A_442 : vector<16xi32>
    %eq3A_444 = arith.constant 2 : i32
    %eq3A_445 = vector.broadcast %eq3A_444 : i32 to vector<16xi32>
    %eq3A_446 = arith.cmpi eq, %add3A_414, %eq3A_445 : vector<16xi32>
    %jit3A_447 = arith.constant 6.250000e-02 : f32
    %jit3A_448 = arith.constant 3.125000e-02 : f32
    %broadcast_in_dim3A_449 = vector.broadcast %jit3A_447 : f32 to vector<16xf32>
    %broadcast_in_dim3A_450 = vector.broadcast %jit3A_448 : f32 to vector<16xf32>
    %select_n3A_451 = arith.select %eq3A_446, %broadcast_in_dim3A_449, %broadcast_in_dim3A_450 : vector<16xi1>, vector<16xf32>
    %jit3A_452 = arith.constant 1.250000e-01 : f32
    %broadcast_in_dim3A_453 = vector.broadcast %jit3A_452 : f32 to vector<16xf32>
    %select_n3A_454 = arith.select %eq3A_443, %broadcast_in_dim3A_453, %select_n3A_451 : vector<16xi1>, vector<16xf32>
    %jit3A_455 = arith.constant 2.500000e-01 : f32
    %broadcast_in_dim3A_456 = vector.broadcast %jit3A_455 : f32 to vector<16xf32>
    %select_n3A_457 = arith.select %eq3A_440, %broadcast_in_dim3A_456, %select_n3A_454 : vector<16xi1>, vector<16xf32>
    %mul3A_458 = arith.mulf %get3A_385, %select_n3A_457 : vector<16xf32>
    %swap3A_459 = arith.constant 64 : index
    %swap3A_460 = tpu.vector_load %arg10[%swap3A_459] {strides = array<i32>} : memref<576xf32, #tpu.memory_space<vmem>>, vector<16xf32>,
    tpu.vector_store %arg10[%swap3A_459], %mul3A_458 {strides = array<i32>} : memref<576xf32, #tpu.memory_space<vmem>>, vector<16xf32>,
    %mul3A_461 = arith.mulf %get3A_389, %select_n3A_457 : vector<16xf32>
    %swap3A_462 = arith.constant 208 : index
    %swap3A_463 = tpu.vector_load %arg10[%swap3A_462] {strides = array<i32>} : memref<576xf32, #tpu.memory_space<vmem>>, vector<16xf32>,
    tpu.vector_store %arg10[%swap3A_462], %mul3A_461 {strides = array<i32>} : memref<576xf32, #tpu.memory_space<vmem>>, vector<16xf32>,
    %sub3A_464 = arith.subf %get3A_393, %get3A_385 : vector<16xf32>
    %mul3A_465 = arith.mulf %sub3A_464, %select_n3A_457 : vector<16xf32>
    %swap3A_466 = arith.constant 352 : index
    %swap3A_467 = tpu.vector_load %arg10[%swap3A_466] {strides = array<i32>} : memref<576xf32, #tpu.memory_space<vmem>>, vector<16xf32>,
    tpu.vector_store %arg10[%swap3A_466], %mul3A_465 {strides = array<i32>} : memref<576xf32, #tpu.memory_space<vmem>>, vector<16xf32>,
    %sub3A_468 = arith.subf %get3A_397, %get3A_389 : vector<16xf32>
    %mul3A_469 = arith.mulf %sub3A_468, %select_n3A_457 : vector<16xf32>
    %swap3A_470 = arith.constant 496 : index
    %swap3A_471 = tpu.vector_load %arg10[%swap3A_470] {strides = array<i32>} : memref<576xf32, #tpu.memory_space<vmem>>, vector<16xf32>,
    tpu.vector_store %arg10[%swap3A_470], %mul3A_469 {strides = array<i32>} : memref<576xf32, #tpu.memory_space<vmem>>, vector<16xf32>,
    %swap3A_472 = arith.constant 64 : index
    %swap3A_473 = tpu.vector_load %arg9[%swap3A_472] {strides = array<i32>} : memref<288xi32, #tpu.memory_space<vmem>>, vector<16xi32>,
    tpu.vector_store %arg9[%swap3A_472], %shift_right_arithmetic3A_417 {strides = array<i32>} : memref<288xi32, #tpu.memory_space<vmem>>, vector<16xi32>,
    %swap3A_474 = arith.constant 208 : index
    %swap3A_475 = tpu.vector_load %arg9[%swap3A_474] {strides = array<i32>} : memref<288xi32, #tpu.memory_space<vmem>>, vector<16xi32>,
    tpu.vector_store %arg9[%swap3A_474], %select_n3A_437 {strides = array<i32>} : memref<288xi32, #tpu.memory_space<vmem>>, vector<16xi32>,
    %get3A_476 = arith.constant 0 : i32
    %get3A_477 = arith.index_cast %get3A_476 : i32 to index
    %get3A_478 = arith.constant 80 : index
    %get3A_479 = tpu.vector_load %arg8[%get3A_477, %get3A_478] {strides = array<i32>} : memref<4x128xf32, #tpu.memory_space<vmem>>, vector<16xf32>,
    %get3A_480 = arith.constant 1 : i32
    %get3A_481 = arith.index_cast %get3A_480 : i32 to index
    %get3A_482 = arith.constant 80 : index
    %get3A_483 = tpu.vector_load %arg8[%get3A_481, %get3A_482] {strides = array<i32>} : memref<4x128xf32, #tpu.memory_space<vmem>>, vector<16xf32>,
    %get3A_484 = arith.constant 2 : i32
    %get3A_485 = arith.index_cast %get3A_484 : i32 to index
    %get3A_486 = arith.constant 80 : index
    %get3A_487 = tpu.vector_load %arg8[%get3A_485, %get3A_486] {strides = array<i32>} : memref<4x128xf32, #tpu.memory_space<vmem>>, vector<16xf32>,
    %get3A_488 = arith.constant 3 : i32
    %get3A_489 = arith.index_cast %get3A_488 : i32 to index
    %get3A_490 = arith.constant 80 : index
    %get3A_491 = tpu.vector_load %arg8[%get3A_489, %get3A_490] {strides = array<i32>} : memref<4x128xf32, #tpu.memory_space<vmem>>, vector<16xf32>,
    %sub3A_492 = arith.subf %get3A_487, %get3A_479 : vector<16xf32>
    %sub3A_493 = arith.subf %get3A_491, %get3A_483 : vector<16xf32>
    %mul3A_494 = arith.mulf %sub3A_492, %sub3A_493 : vector<16xf32>
    %gt3A_495 = arith.constant 1.440000e+02 : f32
    %gt3A_496 = vector.broadcast %gt3A_495 : f32 to vector<16xf32>
    %gt3A_497 = arith.cmpf ogt, %mul3A_494, %gt3A_496 : vector<16xf32>
    %select_n3A_498 = arith.select %gt3A_497, %broadcast_in_dim3A_9, %broadcast_in_dim3A_11 : vector<16xi1>, vector<16xi32>
    %gt3A_499 = arith.constant 5.760000e+02 : f32
    %gt3A_500 = vector.broadcast %gt3A_499 : f32 to vector<16xf32>
    %gt3A_501 = arith.cmpf ogt, %mul3A_494, %gt3A_500 : vector<16xf32>
    %select_n3A_502 = arith.select %gt3A_501, %broadcast_in_dim3A_9, %broadcast_in_dim3A_11 : vector<16xi1>, vector<16xi32>
    %add3A_503 = arith.addi %select_n3A_498, %select_n3A_502 : vector<16xi32>
    %gt3A_504 = arith.constant 2.304000e+03 : f32
    %gt3A_505 = vector.broadcast %gt3A_504 : f32 to vector<16xf32>
    %gt3A_506 = arith.cmpf ogt, %mul3A_494, %gt3A_505 : vector<16xf32>
    %select_n3A_507 = arith.select %gt3A_506, %broadcast_in_dim3A_9, %broadcast_in_dim3A_11 : vector<16xi1>, vector<16xi32>
    %add3A_508 = arith.addi %add3A_503, %select_n3A_507 : vector<16xi32>
    %shift_right_arithmetic3A_509 = arith.constant 128 : i32
    %shift_right_arithmetic3A_510 = vector.broadcast %shift_right_arithmetic3A_509 : i32 to vector<16xi32>
    %shift_right_arithmetic3A_511 = arith.shrsi %shift_right_arithmetic3A_510, %add3A_508 : vector<16xi32>
    %eq3A_512 = arith.constant 0 : i32
    %eq3A_513 = vector.broadcast %eq3A_512 : i32 to vector<16xi32>
    %eq3A_514 = arith.cmpi eq, %add3A_508, %eq3A_513 : vector<16xi32>
    %eq3A_515 = arith.constant 1 : i32
    %eq3A_516 = vector.broadcast %eq3A_515 : i32 to vector<16xi32>
    %eq3A_517 = arith.cmpi eq, %add3A_508, %eq3A_516 : vector<16xi32>
    %eq3A_518 = arith.constant 2 : i32
    %eq3A_519 = vector.broadcast %eq3A_518 : i32 to vector<16xi32>
    %eq3A_520 = arith.cmpi eq, %add3A_508, %eq3A_519 : vector<16xi32>
    %jit3A_521 = arith.constant 20480 : i32
    %jit3A_522 = arith.constant 21504 : i32
    %broadcast_in_dim3A_523 = vector.broadcast %jit3A_521 : i32 to vector<16xi32>
    %broadcast_in_dim3A_524 = vector.broadcast %jit3A_522 : i32 to vector<16xi32>
    %select_n3A_525 = arith.select %eq3A_520, %broadcast_in_dim3A_523, %broadcast_in_dim3A_524 : vector<16xi1>, vector<16xi32>
    %jit3A_526 = arith.constant 16384 : i32
    %broadcast_in_dim3A_527 = vector.broadcast %jit3A_526 : i32 to vector<16xi32>
    %select_n3A_528 = arith.select %eq3A_517, %broadcast_in_dim3A_527, %select_n3A_525 : vector<16xi1>, vector<16xi32>
    %jit3A_529 = arith.constant 0 : i32
    %broadcast_in_dim3A_530 = vector.broadcast %jit3A_529 : i32 to vector<16xi32>
    %select_n3A_531 = arith.select %eq3A_514, %broadcast_in_dim3A_530, %select_n3A_528 : vector<16xi1>, vector<16xi32>
    %eq3A_532 = arith.constant 0 : i32
    %eq3A_533 = vector.broadcast %eq3A_532 : i32 to vector<16xi32>
    %eq3A_534 = arith.cmpi eq, %add3A_508, %eq3A_533 : vector<16xi32>
    %eq3A_535 = arith.constant 1 : i32
    %eq3A_536 = vector.broadcast %eq3A_535 : i32 to vector<16xi32>
    %eq3A_537 = arith.cmpi eq, %add3A_508, %eq3A_536 : vector<16xi32>
    %eq3A_538 = arith.constant 2 : i32
    %eq3A_539 = vector.broadcast %eq3A_538 : i32 to vector<16xi32>
    %eq3A_540 = arith.cmpi eq, %add3A_508, %eq3A_539 : vector<16xi32>
    %jit3A_541 = arith.constant 6.250000e-02 : f32
    %jit3A_542 = arith.constant 3.125000e-02 : f32
    %broadcast_in_dim3A_543 = vector.broadcast %jit3A_541 : f32 to vector<16xf32>
    %broadcast_in_dim3A_544 = vector.broadcast %jit3A_542 : f32 to vector<16xf32>
    %select_n3A_545 = arith.select %eq3A_540, %broadcast_in_dim3A_543, %broadcast_in_dim3A_544 : vector<16xi1>, vector<16xf32>
    %jit3A_546 = arith.constant 1.250000e-01 : f32
    %broadcast_in_dim3A_547 = vector.broadcast %jit3A_546 : f32 to vector<16xf32>
    %select_n3A_548 = arith.select %eq3A_537, %broadcast_in_dim3A_547, %select_n3A_545 : vector<16xi1>, vector<16xf32>
    %jit3A_549 = arith.constant 2.500000e-01 : f32
    %broadcast_in_dim3A_550 = vector.broadcast %jit3A_549 : f32 to vector<16xf32>
    %select_n3A_551 = arith.select %eq3A_534, %broadcast_in_dim3A_550, %select_n3A_548 : vector<16xi1>, vector<16xf32>
    %mul3A_552 = arith.mulf %get3A_479, %select_n3A_551 : vector<16xf32>
    %swap3A_553 = arith.constant 80 : index
    %swap3A_554 = tpu.vector_load %arg10[%swap3A_553] {strides = array<i32>} : memref<576xf32, #tpu.memory_space<vmem>>, vector<16xf32>,
    tpu.vector_store %arg10[%swap3A_553], %mul3A_552 {strides = array<i32>} : memref<576xf32, #tpu.memory_space<vmem>>, vector<16xf32>,
    %mul3A_555 = arith.mulf %get3A_483, %select_n3A_551 : vector<16xf32>
    %swap3A_556 = arith.constant 224 : index
    %swap3A_557 = tpu.vector_load %arg10[%swap3A_556] {strides = array<i32>} : memref<576xf32, #tpu.memory_space<vmem>>, vector<16xf32>,
    tpu.vector_store %arg10[%swap3A_556], %mul3A_555 {strides = array<i32>} : memref<576xf32, #tpu.memory_space<vmem>>, vector<16xf32>,
    %sub3A_558 = arith.subf %get3A_487, %get3A_479 : vector<16xf32>
    %mul3A_559 = arith.mulf %sub3A_558, %select_n3A_551 : vector<16xf32>
    %swap3A_560 = arith.constant 368 : index
    %swap3A_561 = tpu.vector_load %arg10[%swap3A_560] {strides = array<i32>} : memref<576xf32, #tpu.memory_space<vmem>>, vector<16xf32>,
    tpu.vector_store %arg10[%swap3A_560], %mul3A_559 {strides = array<i32>} : memref<576xf32, #tpu.memory_space<vmem>>, vector<16xf32>,
    %sub3A_562 = arith.subf %get3A_491, %get3A_483 : vector<16xf32>
    %mul3A_563 = arith.mulf %sub3A_562, %select_n3A_551 : vector<16xf32>
    %swap3A_564 = arith.constant 512 : index
    %swap3A_565 = tpu.vector_load %arg10[%swap3A_564] {strides = array<i32>} : memref<576xf32, #tpu.memory_space<vmem>>, vector<16xf32>,
    tpu.vector_store %arg10[%swap3A_564], %mul3A_563 {strides = array<i32>} : memref<576xf32, #tpu.memory_space<vmem>>, vector<16xf32>,
    %swap3A_566 = arith.constant 80 : index
    %swap3A_567 = tpu.vector_load %arg9[%swap3A_566] {strides = array<i32>} : memref<288xi32, #tpu.memory_space<vmem>>, vector<16xi32>,
    tpu.vector_store %arg9[%swap3A_566], %shift_right_arithmetic3A_511 {strides = array<i32>} : memref<288xi32, #tpu.memory_space<vmem>>, vector<16xi32>,
    %swap3A_568 = arith.constant 224 : index
    %swap3A_569 = tpu.vector_load %arg9[%swap3A_568] {strides = array<i32>} : memref<288xi32, #tpu.memory_space<vmem>>, vector<16xi32>,
    tpu.vector_store %arg9[%swap3A_568], %select_n3A_531 {strides = array<i32>} : memref<288xi32, #tpu.memory_space<vmem>>, vector<16xi32>,
    %get3A_570 = arith.constant 0 : i32
    %get3A_571 = arith.index_cast %get3A_570 : i32 to index
    %get3A_572 = arith.constant 96 : index
    %get3A_573 = tpu.vector_load %arg8[%get3A_571, %get3A_572] {strides = array<i32>} : memref<4x128xf32, #tpu.memory_space<vmem>>, vector<16xf32>,
    %get3A_574 = arith.constant 1 : i32
    %get3A_575 = arith.index_cast %get3A_574 : i32 to index
    %get3A_576 = arith.constant 96 : index
    %get3A_577 = tpu.vector_load %arg8[%get3A_575, %get3A_576] {strides = array<i32>} : memref<4x128xf32, #tpu.memory_space<vmem>>, vector<16xf32>,
    %get3A_578 = arith.constant 2 : i32
    %get3A_579 = arith.index_cast %get3A_578 : i32 to index
    %get3A_580 = arith.constant 96 : index
    %get3A_581 = tpu.vector_load %arg8[%get3A_579, %get3A_580] {strides = array<i32>} : memref<4x128xf32, #tpu.memory_space<vmem>>, vector<16xf32>,
    %get3A_582 = arith.constant 3 : i32
    %get3A_583 = arith.index_cast %get3A_582 : i32 to index
    %get3A_584 = arith.constant 96 : index
    %get3A_585 = tpu.vector_load %arg8[%get3A_583, %get3A_584] {strides = array<i32>} : memref<4x128xf32, #tpu.memory_space<vmem>>, vector<16xf32>,
    %sub3A_586 = arith.subf %get3A_581, %get3A_573 : vector<16xf32>
    %sub3A_587 = arith.subf %get3A_585, %get3A_577 : vector<16xf32>
    %mul3A_588 = arith.mulf %sub3A_586, %sub3A_587 : vector<16xf32>
    %gt3A_589 = arith.constant 1.440000e+02 : f32
    %gt3A_590 = vector.broadcast %gt3A_589 : f32 to vector<16xf32>
    %gt3A_591 = arith.cmpf ogt, %mul3A_588, %gt3A_590 : vector<16xf32>
    %select_n3A_592 = arith.select %gt3A_591, %broadcast_in_dim3A_9, %broadcast_in_dim3A_11 : vector<16xi1>, vector<16xi32>
    %gt3A_593 = arith.constant 5.760000e+02 : f32
    %gt3A_594 = vector.broadcast %gt3A_593 : f32 to vector<16xf32>
    %gt3A_595 = arith.cmpf ogt, %mul3A_588, %gt3A_594 : vector<16xf32>
    %select_n3A_596 = arith.select %gt3A_595, %broadcast_in_dim3A_9, %broadcast_in_dim3A_11 : vector<16xi1>, vector<16xi32>
    %add3A_597 = arith.addi %select_n3A_592, %select_n3A_596 : vector<16xi32>
    %gt3A_598 = arith.constant 2.304000e+03 : f32
    %gt3A_599 = vector.broadcast %gt3A_598 : f32 to vector<16xf32>
    %gt3A_600 = arith.cmpf ogt, %mul3A_588, %gt3A_599 : vector<16xf32>
    %select_n3A_601 = arith.select %gt3A_600, %broadcast_in_dim3A_9, %broadcast_in_dim3A_11 : vector<16xi1>, vector<16xi32>
    %add3A_602 = arith.addi %add3A_597, %select_n3A_601 : vector<16xi32>
    %shift_right_arithmetic3A_603 = arith.constant 128 : i32
    %shift_right_arithmetic3A_604 = vector.broadcast %shift_right_arithmetic3A_603 : i32 to vector<16xi32>
    %shift_right_arithmetic3A_605 = arith.shrsi %shift_right_arithmetic3A_604, %add3A_602 : vector<16xi32>
    %eq3A_606 = arith.constant 0 : i32
    %eq3A_607 = vector.broadcast %eq3A_606 : i32 to vector<16xi32>
    %eq3A_608 = arith.cmpi eq, %add3A_602, %eq3A_607 : vector<16xi32>
    %eq3A_609 = arith.constant 1 : i32
    %eq3A_610 = vector.broadcast %eq3A_609 : i32 to vector<16xi32>
    %eq3A_611 = arith.cmpi eq, %add3A_602, %eq3A_610 : vector<16xi32>
    %eq3A_612 = arith.constant 2 : i32
    %eq3A_613 = vector.broadcast %eq3A_612 : i32 to vector<16xi32>
    %eq3A_614 = arith.cmpi eq, %add3A_602, %eq3A_613 : vector<16xi32>
    %jit3A_615 = arith.constant 20480 : i32
    %jit3A_616 = arith.constant 21504 : i32
    %broadcast_in_dim3A_617 = vector.broadcast %jit3A_615 : i32 to vector<16xi32>
    %broadcast_in_dim3A_618 = vector.broadcast %jit3A_616 : i32 to vector<16xi32>
    %select_n3A_619 = arith.select %eq3A_614, %broadcast_in_dim3A_617, %broadcast_in_dim3A_618 : vector<16xi1>, vector<16xi32>
    %jit3A_620 = arith.constant 16384 : i32
    %broadcast_in_dim3A_621 = vector.broadcast %jit3A_620 : i32 to vector<16xi32>
    %select_n3A_622 = arith.select %eq3A_611, %broadcast_in_dim3A_621, %select_n3A_619 : vector<16xi1>, vector<16xi32>
    %jit3A_623 = arith.constant 0 : i32
    %broadcast_in_dim3A_624 = vector.broadcast %jit3A_623 : i32 to vector<16xi32>
    %select_n3A_625 = arith.select %eq3A_608, %broadcast_in_dim3A_624, %select_n3A_622 : vector<16xi1>, vector<16xi32>
    %eq3A_626 = arith.constant 0 : i32
    %eq3A_627 = vector.broadcast %eq3A_626 : i32 to vector<16xi32>
    %eq3A_628 = arith.cmpi eq, %add3A_602, %eq3A_627 : vector<16xi32>
    %eq3A_629 = arith.constant 1 : i32
    %eq3A_630 = vector.broadcast %eq3A_629 : i32 to vector<16xi32>
    %eq3A_631 = arith.cmpi eq, %add3A_602, %eq3A_630 : vector<16xi32>
    %eq3A_632 = arith.constant 2 : i32
    %eq3A_633 = vector.broadcast %eq3A_632 : i32 to vector<16xi32>
    %eq3A_634 = arith.cmpi eq, %add3A_602, %eq3A_633 : vector<16xi32>
    %jit3A_635 = arith.constant 6.250000e-02 : f32
    %jit3A_636 = arith.constant 3.125000e-02 : f32
    %broadcast_in_dim3A_637 = vector.broadcast %jit3A_635 : f32 to vector<16xf32>
    %broadcast_in_dim3A_638 = vector.broadcast %jit3A_636 : f32 to vector<16xf32>
    %select_n3A_639 = arith.select %eq3A_634, %broadcast_in_dim3A_637, %broadcast_in_dim3A_638 : vector<16xi1>, vector<16xf32>
    %jit3A_640 = arith.constant 1.250000e-01 : f32
    %broadcast_in_dim3A_641 = vector.broadcast %jit3A_640 : f32 to vector<16xf32>
    %select_n3A_642 = arith.select %eq3A_631, %broadcast_in_dim3A_641, %select_n3A_639 : vector<16xi1>, vector<16xf32>
    %jit3A_643 = arith.constant 2.500000e-01 : f32
    %broadcast_in_dim3A_644 = vector.broadcast %jit3A_643 : f32 to vector<16xf32>
    %select_n3A_645 = arith.select %eq3A_628, %broadcast_in_dim3A_644, %select_n3A_642 : vector<16xi1>, vector<16xf32>
    %mul3A_646 = arith.mulf %get3A_573, %select_n3A_645 : vector<16xf32>
    %swap3A_647 = arith.constant 96 : index
    %swap3A_648 = tpu.vector_load %arg10[%swap3A_647] {strides = array<i32>} : memref<576xf32, #tpu.memory_space<vmem>>, vector<16xf32>,
    tpu.vector_store %arg10[%swap3A_647], %mul3A_646 {strides = array<i32>} : memref<576xf32, #tpu.memory_space<vmem>>, vector<16xf32>,
    %mul3A_649 = arith.mulf %get3A_577, %select_n3A_645 : vector<16xf32>
    %swap3A_650 = arith.constant 240 : index
    %swap3A_651 = tpu.vector_load %arg10[%swap3A_650] {strides = array<i32>} : memref<576xf32, #tpu.memory_space<vmem>>, vector<16xf32>,
    tpu.vector_store %arg10[%swap3A_650], %mul3A_649 {strides = array<i32>} : memref<576xf32, #tpu.memory_space<vmem>>, vector<16xf32>,
    %sub3A_652 = arith.subf %get3A_581, %get3A_573 : vector<16xf32>
    %mul3A_653 = arith.mulf %sub3A_652, %select_n3A_645 : vector<16xf32>
    %swap3A_654 = arith.constant 384 : index
    %swap3A_655 = tpu.vector_load %arg10[%swap3A_654] {strides = array<i32>} : memref<576xf32, #tpu.memory_space<vmem>>, vector<16xf32>,
    tpu.vector_store %arg10[%swap3A_654], %mul3A_653 {strides = array<i32>} : memref<576xf32, #tpu.memory_space<vmem>>, vector<16xf32>,
    %sub3A_656 = arith.subf %get3A_585, %get3A_577 : vector<16xf32>
    %mul3A_657 = arith.mulf %sub3A_656, %select_n3A_645 : vector<16xf32>
    %swap3A_658 = arith.constant 528 : index
    %swap3A_659 = tpu.vector_load %arg10[%swap3A_658] {strides = array<i32>} : memref<576xf32, #tpu.memory_space<vmem>>, vector<16xf32>,
    tpu.vector_store %arg10[%swap3A_658], %mul3A_657 {strides = array<i32>} : memref<576xf32, #tpu.memory_space<vmem>>, vector<16xf32>,
    %swap3A_660 = arith.constant 96 : index
    %swap3A_661 = tpu.vector_load %arg9[%swap3A_660] {strides = array<i32>} : memref<288xi32, #tpu.memory_space<vmem>>, vector<16xi32>,
    tpu.vector_store %arg9[%swap3A_660], %shift_right_arithmetic3A_605 {strides = array<i32>} : memref<288xi32, #tpu.memory_space<vmem>>, vector<16xi32>,
    %swap3A_662 = arith.constant 240 : index
    %swap3A_663 = tpu.vector_load %arg9[%swap3A_662] {strides = array<i32>} : memref<288xi32, #tpu.memory_space<vmem>>, vector<16xi32>,
    tpu.vector_store %arg9[%swap3A_662], %select_n3A_625 {strides = array<i32>} : memref<288xi32, #tpu.memory_space<vmem>>, vector<16xi32>,
    %get3A_664 = arith.constant 0 : i32
    %get3A_665 = arith.index_cast %get3A_664 : i32 to index
    %get3A_666 = arith.constant 112 : index
    %get3A_667 = tpu.vector_load %arg8[%get3A_665, %get3A_666] {strides = array<i32>} : memref<4x128xf32, #tpu.memory_space<vmem>>, vector<16xf32>,
    %get3A_668 = arith.constant 1 : i32
    %get3A_669 = arith.index_cast %get3A_668 : i32 to index
    %get3A_670 = arith.constant 112 : index
    %get3A_671 = tpu.vector_load %arg8[%get3A_669, %get3A_670] {strides = array<i32>} : memref<4x128xf32, #tpu.memory_space<vmem>>, vector<16xf32>,
    %get3A_672 = arith.constant 2 : i32
    %get3A_673 = arith.index_cast %get3A_672 : i32 to index
    %get3A_674 = arith.constant 112 : index
    %get3A_675 = tpu.vector_load %arg8[%get3A_673, %get3A_674] {strides = array<i32>} : memref<4x128xf32, #tpu.memory_space<vmem>>, vector<16xf32>,
    %get3A_676 = arith.constant 3 : i32
    %get3A_677 = arith.index_cast %get3A_676 : i32 to index
    %get3A_678 = arith.constant 112 : index
    %get3A_679 = tpu.vector_load %arg8[%get3A_677, %get3A_678] {strides = array<i32>} : memref<4x128xf32, #tpu.memory_space<vmem>>, vector<16xf32>,
    %sub3A_680 = arith.subf %get3A_675, %get3A_667 : vector<16xf32>
    %sub3A_681 = arith.subf %get3A_679, %get3A_671 : vector<16xf32>
    %mul3A_682 = arith.mulf %sub3A_680, %sub3A_681 : vector<16xf32>
    %gt3A_683 = arith.constant 1.440000e+02 : f32
    %gt3A_684 = vector.broadcast %gt3A_683 : f32 to vector<16xf32>
    %gt3A_685 = arith.cmpf ogt, %mul3A_682, %gt3A_684 : vector<16xf32>
    %select_n3A_686 = arith.select %gt3A_685, %broadcast_in_dim3A_9, %broadcast_in_dim3A_11 : vector<16xi1>, vector<16xi32>
    %gt3A_687 = arith.constant 5.760000e+02 : f32
    %gt3A_688 = vector.broadcast %gt3A_687 : f32 to vector<16xf32>
    %gt3A_689 = arith.cmpf ogt, %mul3A_682, %gt3A_688 : vector<16xf32>
    %select_n3A_690 = arith.select %gt3A_689, %broadcast_in_dim3A_9, %broadcast_in_dim3A_11 : vector<16xi1>, vector<16xi32>
    %add3A_691 = arith.addi %select_n3A_686, %select_n3A_690 : vector<16xi32>
    %gt3A_692 = arith.constant 2.304000e+03 : f32
    %gt3A_693 = vector.broadcast %gt3A_692 : f32 to vector<16xf32>
    %gt3A_694 = arith.cmpf ogt, %mul3A_682, %gt3A_693 : vector<16xf32>
    %select_n3A_695 = arith.select %gt3A_694, %broadcast_in_dim3A_9, %broadcast_in_dim3A_11 : vector<16xi1>, vector<16xi32>
    %add3A_696 = arith.addi %add3A_691, %select_n3A_695 : vector<16xi32>
    %shift_right_arithmetic3A_697 = arith.constant 128 : i32
    %shift_right_arithmetic3A_698 = vector.broadcast %shift_right_arithmetic3A_697 : i32 to vector<16xi32>
    %shift_right_arithmetic3A_699 = arith.shrsi %shift_right_arithmetic3A_698, %add3A_696 : vector<16xi32>
    %eq3A_700 = arith.constant 0 : i32
    %eq3A_701 = vector.broadcast %eq3A_700 : i32 to vector<16xi32>
    %eq3A_702 = arith.cmpi eq, %add3A_696, %eq3A_701 : vector<16xi32>
    %eq3A_703 = arith.constant 1 : i32
    %eq3A_704 = vector.broadcast %eq3A_703 : i32 to vector<16xi32>
    %eq3A_705 = arith.cmpi eq, %add3A_696, %eq3A_704 : vector<16xi32>
    %eq3A_706 = arith.constant 2 : i32
    %eq3A_707 = vector.broadcast %eq3A_706 : i32 to vector<16xi32>
    %eq3A_708 = arith.cmpi eq, %add3A_696, %eq3A_707 : vector<16xi32>
    %jit3A_709 = arith.constant 20480 : i32
    %jit3A_710 = arith.constant 21504 : i32
    %broadcast_in_dim3A_711 = vector.broadcast %jit3A_709 : i32 to vector<16xi32>
    %broadcast_in_dim3A_712 = vector.broadcast %jit3A_710 : i32 to vector<16xi32>
    %select_n3A_713 = arith.select %eq3A_708, %broadcast_in_dim3A_711, %broadcast_in_dim3A_712 : vector<16xi1>, vector<16xi32>
    %jit3A_714 = arith.constant 16384 : i32
    %broadcast_in_dim3A_715 = vector.broadcast %jit3A_714 : i32 to vector<16xi32>
    %select_n3A_716 = arith.select %eq3A_705, %broadcast_in_dim3A_715, %select_n3A_713 : vector<16xi1>, vector<16xi32>
    %jit3A_717 = arith.constant 0 : i32
    %broadcast_in_dim3A_718 = vector.broadcast %jit3A_717 : i32 to vector<16xi32>
    %select_n3A_719 = arith.select %eq3A_702, %broadcast_in_dim3A_718, %select_n3A_716 : vector<16xi1>, vector<16xi32>
    %eq3A_720 = arith.constant 0 : i32
    %eq3A_721 = vector.broadcast %eq3A_720 : i32 to vector<16xi32>
    %eq3A_722 = arith.cmpi eq, %add3A_696, %eq3A_721 : vector<16xi32>
    %eq3A_723 = arith.constant 1 : i32
    %eq3A_724 = vector.broadcast %eq3A_723 : i32 to vector<16xi32>
    %eq3A_725 = arith.cmpi eq, %add3A_696, %eq3A_724 : vector<16xi32>
    %eq3A_726 = arith.constant 2 : i32
    %eq3A_727 = vector.broadcast %eq3A_726 : i32 to vector<16xi32>
    %eq3A_728 = arith.cmpi eq, %add3A_696, %eq3A_727 : vector<16xi32>
    %jit3A_729 = arith.constant 6.250000e-02 : f32
    %jit3A_730 = arith.constant 3.125000e-02 : f32
    %broadcast_in_dim3A_731 = vector.broadcast %jit3A_729 : f32 to vector<16xf32>
    %broadcast_in_dim3A_732 = vector.broadcast %jit3A_730 : f32 to vector<16xf32>
    %select_n3A_733 = arith.select %eq3A_728, %broadcast_in_dim3A_731, %broadcast_in_dim3A_732 : vector<16xi1>, vector<16xf32>
    %jit3A_734 = arith.constant 1.250000e-01 : f32
    %broadcast_in_dim3A_735 = vector.broadcast %jit3A_734 : f32 to vector<16xf32>
    %select_n3A_736 = arith.select %eq3A_725, %broadcast_in_dim3A_735, %select_n3A_733 : vector<16xi1>, vector<16xf32>
    %jit3A_737 = arith.constant 2.500000e-01 : f32
    %broadcast_in_dim3A_738 = vector.broadcast %jit3A_737 : f32 to vector<16xf32>
    %select_n3A_739 = arith.select %eq3A_722, %broadcast_in_dim3A_738, %select_n3A_736 : vector<16xi1>, vector<16xf32>
    %mul3A_740 = arith.mulf %get3A_667, %select_n3A_739 : vector<16xf32>
    %swap3A_741 = arith.constant 112 : index
    %swap3A_742 = tpu.vector_load %arg10[%swap3A_741] {strides = array<i32>} : memref<576xf32, #tpu.memory_space<vmem>>, vector<16xf32>,
    tpu.vector_store %arg10[%swap3A_741], %mul3A_740 {strides = array<i32>} : memref<576xf32, #tpu.memory_space<vmem>>, vector<16xf32>,
    %mul3A_743 = arith.mulf %get3A_671, %select_n3A_739 : vector<16xf32>
    %swap3A_744 = arith.constant 256 : index
    %swap3A_745 = tpu.vector_load %arg10[%swap3A_744] {strides = array<i32>} : memref<576xf32, #tpu.memory_space<vmem>>, vector<16xf32>,
    tpu.vector_store %arg10[%swap3A_744], %mul3A_743 {strides = array<i32>} : memref<576xf32, #tpu.memory_space<vmem>>, vector<16xf32>,
    %sub3A_746 = arith.subf %get3A_675, %get3A_667 : vector<16xf32>
    %mul3A_747 = arith.mulf %sub3A_746, %select_n3A_739 : vector<16xf32>
    %swap3A_748 = arith.constant 400 : index
    %swap3A_749 = tpu.vector_load %arg10[%swap3A_748] {strides = array<i32>} : memref<576xf32, #tpu.memory_space<vmem>>, vector<16xf32>,
    tpu.vector_store %arg10[%swap3A_748], %mul3A_747 {strides = array<i32>} : memref<576xf32, #tpu.memory_space<vmem>>, vector<16xf32>,
    %sub3A_750 = arith.subf %get3A_679, %get3A_671 : vector<16xf32>
    %mul3A_751 = arith.mulf %sub3A_750, %select_n3A_739 : vector<16xf32>
    %swap3A_752 = arith.constant 544 : index
    %swap3A_753 = tpu.vector_load %arg10[%swap3A_752] {strides = array<i32>} : memref<576xf32, #tpu.memory_space<vmem>>, vector<16xf32>,
    tpu.vector_store %arg10[%swap3A_752], %mul3A_751 {strides = array<i32>} : memref<576xf32, #tpu.memory_space<vmem>>, vector<16xf32>,
    %swap3A_754 = arith.constant 112 : index
    %swap3A_755 = tpu.vector_load %arg9[%swap3A_754] {strides = array<i32>} : memref<288xi32, #tpu.memory_space<vmem>>, vector<16xi32>,
    tpu.vector_store %arg9[%swap3A_754], %shift_right_arithmetic3A_699 {strides = array<i32>} : memref<288xi32, #tpu.memory_space<vmem>>, vector<16xi32>,
    %swap3A_756 = arith.constant 256 : index
    %swap3A_757 = tpu.vector_load %arg9[%swap3A_756] {strides = array<i32>} : memref<288xi32, #tpu.memory_space<vmem>>, vector<16xi32>,
    tpu.vector_store %arg9[%swap3A_756], %select_n3A_719 {strides = array<i32>} : memref<288xi32, #tpu.memory_space<vmem>>, vector<16xi32>,
    %shift_right_arithmetic3A_758 = arith.constant 3 : i32
    %shift_right_arithmetic3A_759 = vector.broadcast %shift_right_arithmetic3A_758 : i32 to vector<16xi32>
    %shift_right_arithmetic3A_760 = arith.shrsi %iota3A, %shift_right_arithmetic3A_759 : vector<16xi32>
    %add3A_761 = arith.constant 0 : i32
    %add3A_762 = vector.broadcast %add3A_761 : i32 to vector<16xi32>
    %add3A_763 = arith.addi %shift_right_arithmetic3A_760, %add3A_762 : vector<16xi32>
    %shift_right_arithmetic3A_764 = arith.constant 3 : i32
    %shift_right_arithmetic3A_765 = vector.broadcast %shift_right_arithmetic3A_764 : i32 to vector<16xi32>
    %shift_right_arithmetic3A_766 = arith.shrsi %iota3A, %shift_right_arithmetic3A_765 : vector<16xi32>
    %add3A_767 = arith.constant 2 : i32
    %add3A_768 = vector.broadcast %add3A_767 : i32 to vector<16xi32>
    %add3A_769 = arith.addi %shift_right_arithmetic3A_766, %add3A_768 : vector<16xi32>
    %shift_right_arithmetic3A_770 = arith.constant 3 : i32
    %shift_right_arithmetic3A_771 = vector.broadcast %shift_right_arithmetic3A_770 : i32 to vector<16xi32>
    %shift_right_arithmetic3A_772 = arith.shrsi %iota3A, %shift_right_arithmetic3A_771 : vector<16xi32>
    %add3A_773 = arith.constant 4 : i32
    %add3A_774 = vector.broadcast %add3A_773 : i32 to vector<16xi32>
    %add3A_775 = arith.addi %shift_right_arithmetic3A_772, %add3A_774 : vector<16xi32>
    %shift_right_arithmetic3A_776 = arith.constant 3 : i32
    %shift_right_arithmetic3A_777 = vector.broadcast %shift_right_arithmetic3A_776 : i32 to vector<16xi32>
    %shift_right_arithmetic3A_778 = arith.shrsi %iota3A, %shift_right_arithmetic3A_777 : vector<16xi32>
    %add3A_779 = arith.constant 6 : i32
    %add3A_780 = vector.broadcast %add3A_779 : i32 to vector<16xi32>
    %add3A_781 = arith.addi %shift_right_arithmetic3A_778, %add3A_780 : vector<16xi32>
    %shift_right_arithmetic3A_782 = arith.constant 3 : i32
    %shift_right_arithmetic3A_783 = vector.broadcast %shift_right_arithmetic3A_782 : i32 to vector<16xi32>
    %shift_right_arithmetic3A_784 = arith.shrsi %iota3A, %shift_right_arithmetic3A_783 : vector<16xi32>
    %add3A_785 = arith.constant 8 : i32
    %add3A_786 = vector.broadcast %add3A_785 : i32 to vector<16xi32>
    %add3A_787 = arith.addi %shift_right_arithmetic3A_784, %add3A_786 : vector<16xi32>
    %shift_right_arithmetic3A_788 = arith.constant 3 : i32
    %shift_right_arithmetic3A_789 = vector.broadcast %shift_right_arithmetic3A_788 : i32 to vector<16xi32>
    %shift_right_arithmetic3A_790 = arith.shrsi %iota3A, %shift_right_arithmetic3A_789 : vector<16xi32>
    %add3A_791 = arith.constant 10 : i32
    %add3A_792 = vector.broadcast %add3A_791 : i32 to vector<16xi32>
    %add3A_793 = arith.addi %shift_right_arithmetic3A_790, %add3A_792 : vector<16xi32>
    %shift_right_arithmetic3A_794 = arith.constant 3 : i32
    %shift_right_arithmetic3A_795 = vector.broadcast %shift_right_arithmetic3A_794 : i32 to vector<16xi32>
    %shift_right_arithmetic3A_796 = arith.shrsi %iota3A, %shift_right_arithmetic3A_795 : vector<16xi32>
    %add3A_797 = arith.constant 12 : i32
    %add3A_798 = vector.broadcast %add3A_797 : i32 to vector<16xi32>
    %add3A_799 = arith.addi %shift_right_arithmetic3A_796, %add3A_798 : vector<16xi32>
    %shift_right_arithmetic3A_800 = arith.constant 3 : i32
    %shift_right_arithmetic3A_801 = vector.broadcast %shift_right_arithmetic3A_800 : i32 to vector<16xi32>
    %shift_right_arithmetic3A_802 = arith.shrsi %iota3A, %shift_right_arithmetic3A_801 : vector<16xi32>
    %add3A_803 = arith.constant 14 : i32
    %add3A_804 = vector.broadcast %add3A_803 : i32 to vector<16xi32>
    %add3A_805 = arith.addi %shift_right_arithmetic3A_802, %add3A_804 : vector<16xi32>
    %shift_right_arithmetic3A_806 = arith.constant 3 : i32
    %shift_right_arithmetic3A_807 = vector.broadcast %shift_right_arithmetic3A_806 : i32 to vector<16xi32>
    %shift_right_arithmetic3A_808 = arith.shrsi %iota3A, %shift_right_arithmetic3A_807 : vector<16xi32>
    %add3A_809 = arith.constant 16 : i32
    %add3A_810 = vector.broadcast %add3A_809 : i32 to vector<16xi32>
    %add3A_811 = arith.addi %shift_right_arithmetic3A_808, %add3A_810 : vector<16xi32>
    %shift_right_arithmetic3A_812 = arith.constant 3 : i32
    %shift_right_arithmetic3A_813 = vector.broadcast %shift_right_arithmetic3A_812 : i32 to vector<16xi32>
    %shift_right_arithmetic3A_814 = arith.shrsi %iota3A, %shift_right_arithmetic3A_813 : vector<16xi32>
    %add3A_815 = arith.constant 18 : i32
    %add3A_816 = vector.broadcast %add3A_815 : i32 to vector<16xi32>
    %add3A_817 = arith.addi %shift_right_arithmetic3A_814, %add3A_816 : vector<16xi32>
    %shift_right_arithmetic3A_818 = arith.constant 3 : i32
    %shift_right_arithmetic3A_819 = vector.broadcast %shift_right_arithmetic3A_818 : i32 to vector<16xi32>
    %shift_right_arithmetic3A_820 = arith.shrsi %iota3A, %shift_right_arithmetic3A_819 : vector<16xi32>
    %add3A_821 = arith.constant 20 : i32
    %add3A_822 = vector.broadcast %add3A_821 : i32 to vector<16xi32>
    %add3A_823 = arith.addi %shift_right_arithmetic3A_820, %add3A_822 : vector<16xi32>
    %shift_right_arithmetic3A_824 = arith.constant 3 : i32
    %shift_right_arithmetic3A_825 = vector.broadcast %shift_right_arithmetic3A_824 : i32 to vector<16xi32>
    %shift_right_arithmetic3A_826 = arith.shrsi %iota3A, %shift_right_arithmetic3A_825 : vector<16xi32>
    %add3A_827 = arith.constant 22 : i32
    %add3A_828 = vector.broadcast %add3A_827 : i32 to vector<16xi32>
    %add3A_829 = arith.addi %shift_right_arithmetic3A_826, %add3A_828 : vector<16xi32>
    %and3A_830 = arith.constant 7 : i32
    %and3A_831 = vector.broadcast %and3A_830 : i32 to vector<16xi32>
    %and3A_832 = arith.andi %iota3A, %and3A_831 : vector<16xi32>
    %convert_element_type3A = arith.sitofp %iota3A : vector<16xi32> to vector<16xf32>
    %add3A_833 = arith.constant 5.000000e-01 : f32
    %add3A_834 = vector.broadcast %add3A_833 : f32 to vector<16xf32>
    %add3A_835 = arith.addf %convert_element_type3A, %add3A_834 : vector<16xf32>
    %div3A = arith.constant 7.000000e+00 : f32
    %div3A_836 = vector.broadcast %div3A : f32 to vector<16xf32>
    %div3A_837 = arith.divf %add3A_835, %div3A_836 : vector<16xf32>
    %swap3A_838 = arith.constant 576 : index
    %swap3A_839 = tpu.vector_load %arg19[%swap3A_838] {strides = array<i32>} : memref<608xf32, #tpu.memory_space<vmem>>, vector<16xf32>,
    tpu.vector_store %arg19[%swap3A_838], %div3A_837 {strides = array<i32>} : memref<608xf32, #tpu.memory_space<vmem>>, vector<16xf32>,
    %gt3A_840 = arith.constant 0 : i32
    %gt3A_841 = arith.cmpi sgt, %sub3A_3, %gt3A_840 : i32
    %convert_element_type3A_842 = arith.extui %gt3A_841 : i1 to i32
    %cond3A = arith.constant 0 : i32
    %cond3A_843 = arith.cmpi ne, %convert_element_type3A_842, %cond3A : i32
    scf.if %cond3A_843 {
      %add3A_877 = arith.constant 0 : i32
      %add3A_878 = arith.addi %add3A_877, %shift_right_arithmetic3A_2 : i32
      %jit3A_879 = arith.constant 7 : i32
      %div3A_880 = arith.divsi %add3A_878, %jit3A_879 : i32
      %sign3A = arith.constant 0 : i32
      %sign3A_881 = arith.cmpi sgt, %add3A_878, %sign3A : i32
      %sign3A_882 = arith.extui %sign3A_881 : i1 to i32
      %sign3A_883 = arith.constant 0 : i32
      %sign3A_884 = arith.cmpi slt, %add3A_878, %sign3A_883 : i32
      %sign3A_885 = arith.extui %sign3A_884 : i1 to i32
      %sign3A_886 = arith.subi %sign3A_882, %sign3A_885 : i32
      %sign3A_887 = arith.constant 0 : i32
      %sign3A_888 = arith.cmpi sgt, %jit3A_879, %sign3A_887 : i32
      %sign3A_889 = arith.extui %sign3A_888 : i1 to i32
      %sign3A_890 = arith.constant 0 : i32
      %sign3A_891 = arith.cmpi slt, %jit3A_879, %sign3A_890 : i32
      %sign3A_892 = arith.extui %sign3A_891 : i1 to i32
      %sign3A_893 = arith.subi %sign3A_889, %sign3A_892 : i32
      %ne3A = arith.cmpi ne, %sign3A_886, %sign3A_893 : i32
      %rem3A = arith.remsi %add3A_878, %jit3A_879 : i32
      %ne3A_894 = arith.constant 0 : i32
      %ne3A_895 = arith.cmpi ne, %rem3A, %ne3A_894 : i32
      %and3A_896 = arith.andi %ne3A, %ne3A_895 : i1
      %sub3A_897 = arith.constant 1 : i32
      %sub3A_898 = arith.subi %div3A_880, %sub3A_897 : i32
      %select_n3A_899 = arith.select %and3A_896, %sub3A_898, %div3A_880 : i32
      %mul3A_900 = arith.constant 7 : i32
      %mul3A_901 = arith.muli %select_n3A_899, %mul3A_900 : i32
      %sub3A_902 = arith.subi %add3A_878, %mul3A_901 : i32
      %add3A_903 = arith.constant 576 : i32
      %add3A_904 = arith.addi %add3A_903, %select_n3A_899 : i32
      %get3A_905 = arith.index_cast %add3A_904 : i32 to index
      %get3A_906 = tpu.vector_load %arg19[%get3A_905] {strides = array<i32>} : memref<608xf32, #tpu.memory_space<vmem>>, vector<16xf32>,
      %slice3A = vector.extract_strided_slice %get3A_906 {offsets = [0], sizes = [1], strides = [1]} : vector<16xf32> to vector<1xf32>
      %squeeze3A = vector.extract %slice3A[0] : f32 from vector<1xf32>
      %add3A_907 = arith.constant 576 : i32
      %add3A_908 = arith.addi %add3A_907, %sub3A_902 : i32
      %get3A_909 = arith.index_cast %add3A_908 : i32 to index
      %get3A_910 = tpu.vector_load %arg19[%get3A_909] {strides = array<i32>} : memref<608xf32, #tpu.memory_space<vmem>>, vector<16xf32>,
      %slice3A_911 = vector.extract_strided_slice %get3A_910 {offsets = [0], sizes = [1], strides = [1]} : vector<16xf32> to vector<1xf32>
      %squeeze3A_912 = vector.extract %slice3A_911[0] : f32 from vector<1xf32>
      %get3A_913 = arith.constant 0 : index
      %get3A_914 = tpu.vector_load %arg10[%get3A_913] {strides = array<i32>} : memref<576xf32, #tpu.memory_space<vmem>>, vector<16xf32>,
      %get3A_915 = arith.constant 144 : index
      %get3A_916 = tpu.vector_load %arg10[%get3A_915] {strides = array<i32>} : memref<576xf32, #tpu.memory_space<vmem>>, vector<16xf32>,
      %get3A_917 = arith.constant 288 : index
      %get3A_918 = tpu.vector_load %arg10[%get3A_917] {strides = array<i32>} : memref<576xf32, #tpu.memory_space<vmem>>, vector<16xf32>,
      %get3A_919 = arith.constant 432 : index
      %get3A_920 = tpu.vector_load %arg10[%get3A_919] {strides = array<i32>} : memref<576xf32, #tpu.memory_space<vmem>>, vector<16xf32>,
      %get3A_921 = arith.constant 0 : index
      %get3A_922 = tpu.vector_load %arg9[%get3A_921] {strides = array<i32>} : memref<288xi32, #tpu.memory_space<vmem>>, vector<16xi32>,
      %get3A_923 = arith.constant 144 : index
      %get3A_924 = tpu.vector_load %arg9[%get3A_923] {strides = array<i32>} : memref<288xi32, #tpu.memory_space<vmem>>, vector<16xi32>,
      %sub3A_925 = arith.constant 1 : i32
      %sub3A_926 = vector.broadcast %sub3A_925 : i32 to vector<16xi32>
      %sub3A_927 = arith.subi %get3A_922, %sub3A_926 : vector<16xi32>
      %mul3A_928 = vector.broadcast %squeeze3A_912 : f32 to vector<16xf32>
      %mul3A_929 = arith.mulf %get3A_918, %mul3A_928 : vector<16xf32>
      %add3A_930 = arith.addf %get3A_914, %mul3A_929 : vector<16xf32>
      %mul3A_931 = vector.broadcast %squeeze3A : f32 to vector<16xf32>
      %mul3A_932 = arith.mulf %get3A_920, %mul3A_931 : vector<16xf32>
      %add3A_933 = arith.addf %get3A_916, %mul3A_932 : vector<16xf32>
      %convert_element_type3A_934 = arith.fptosi %add3A_930 : vector<16xf32> to vector<16xi32>
      %convert_element_type3A_935 = arith.fptosi %add3A_933 : vector<16xf32> to vector<16xi32>
      %convert_element_type3A_936 = arith.sitofp %convert_element_type3A_934 : vector<16xi32> to vector<16xf32>
      %sub3A_937 = arith.subf %add3A_930, %convert_element_type3A_936 : vector<16xf32>
      %convert_element_type3A_938 = arith.sitofp %convert_element_type3A_935 : vector<16xi32> to vector<16xf32>
      %sub3A_939 = arith.subf %add3A_933, %convert_element_type3A_938 : vector<16xf32>
      %min3A = arith.minsi %convert_element_type3A_934, %sub3A_927 : vector<16xi32>
      %min3A_940 = arith.minsi %convert_element_type3A_935, %sub3A_927 : vector<16xi32>
      %add3A_941 = arith.constant 1 : i32
      %add3A_942 = vector.broadcast %add3A_941 : i32 to vector<16xi32>
      %add3A_943 = arith.addi %convert_element_type3A_934, %add3A_942 : vector<16xi32>
      %min3A_944 = arith.minsi %add3A_943, %sub3A_927 : vector<16xi32>
      %add3A_945 = arith.constant 1 : i32
      %add3A_946 = vector.broadcast %add3A_945 : i32 to vector<16xi32>
      %add3A_947 = arith.addi %convert_element_type3A_935, %add3A_946 : vector<16xi32>
      %min3A_948 = arith.minsi %add3A_947, %sub3A_927 : vector<16xi32>
      %mul3A_949 = arith.muli %min3A_940, %get3A_922 : vector<16xi32>
      %add3A_950 = arith.addi %get3A_924, %mul3A_949 : vector<16xi32>
      %mul3A_951 = arith.muli %min3A_948, %get3A_922 : vector<16xi32>
      %add3A_952 = arith.addi %get3A_924, %mul3A_951 : vector<16xi32>
      %add3A_953 = arith.addi %add3A_950, %min3A : vector<16xi32>
      %swap3A_954 = arith.constant 0 : index
      %swap3A_955 = tpu.vector_load %arg11[%swap3A_954] {strides = array<i32>} : memref<128xi32, #tpu.memory_space<vmem>>, vector<16xi32>,
      tpu.vector_store %arg11[%swap3A_954], %add3A_953 {strides = array<i32>} : memref<128xi32, #tpu.memory_space<vmem>>, vector<16xi32>,
      %add3A_956 = arith.addi %add3A_950, %min3A_944 : vector<16xi32>
      %swap3A_957 = arith.constant 32 : index
      %swap3A_958 = tpu.vector_load %arg11[%swap3A_957] {strides = array<i32>} : memref<128xi32, #tpu.memory_space<vmem>>, vector<16xi32>,
      tpu.vector_store %arg11[%swap3A_957], %add3A_956 {strides = array<i32>} : memref<128xi32, #tpu.memory_space<vmem>>, vector<16xi32>,
      %add3A_959 = arith.addi %add3A_952, %min3A : vector<16xi32>
      %swap3A_960 = arith.constant 64 : index
      %swap3A_961 = tpu.vector_load %arg11[%swap3A_960] {strides = array<i32>} : memref<128xi32, #tpu.memory_space<vmem>>, vector<16xi32>,
      tpu.vector_store %arg11[%swap3A_960], %add3A_959 {strides = array<i32>} : memref<128xi32, #tpu.memory_space<vmem>>, vector<16xi32>,
      %add3A_962 = arith.addi %add3A_952, %min3A_944 : vector<16xi32>
      %swap3A_963 = arith.constant 96 : index
      %swap3A_964 = tpu.vector_load %arg11[%swap3A_963] {strides = array<i32>} : memref<128xi32, #tpu.memory_space<vmem>>, vector<16xi32>,
      tpu.vector_store %arg11[%swap3A_963], %add3A_962 {strides = array<i32>} : memref<128xi32, #tpu.memory_space<vmem>>, vector<16xi32>,
      %sub3A_965 = arith.constant 1.000000e+00 : f32
      %sub3A_966 = vector.broadcast %sub3A_965 : f32 to vector<16xf32>
      %sub3A_967 = arith.subf %sub3A_966, %sub3A_937 : vector<16xf32>
      %sub3A_968 = arith.constant 1.000000e+00 : f32
      %sub3A_969 = vector.broadcast %sub3A_968 : f32 to vector<16xf32>
      %sub3A_970 = arith.subf %sub3A_969, %sub3A_939 : vector<16xf32>
      %mul3A_971 = arith.mulf %sub3A_970, %sub3A_967 : vector<16xf32>
      %swap3A_972 = arith.constant 0 : index
      %swap3A_973 = tpu.vector_load %arg19[%swap3A_972] {strides = array<i32>} : memref<608xf32, #tpu.memory_space<vmem>>, vector<16xf32>,
      tpu.vector_store %arg19[%swap3A_972], %mul3A_971 {strides = array<i32>} : memref<608xf32, #tpu.memory_space<vmem>>, vector<16xf32>,
      %mul3A_974 = arith.mulf %sub3A_970, %sub3A_937 : vector<16xf32>
      %swap3A_975 = arith.constant 144 : index
      %swap3A_976 = tpu.vector_load %arg19[%swap3A_975] {strides = array<i32>} : memref<608xf32, #tpu.memory_space<vmem>>, vector<16xf32>,
      tpu.vector_store %arg19[%swap3A_975], %mul3A_974 {strides = array<i32>} : memref<608xf32, #tpu.memory_space<vmem>>, vector<16xf32>,
      %mul3A_977 = arith.mulf %sub3A_939, %sub3A_967 : vector<16xf32>
      %swap3A_978 = arith.constant 288 : index
      %swap3A_979 = tpu.vector_load %arg19[%swap3A_978] {strides = array<i32>} : memref<608xf32, #tpu.memory_space<vmem>>, vector<16xf32>,
      tpu.vector_store %arg19[%swap3A_978], %mul3A_977 {strides = array<i32>} : memref<608xf32, #tpu.memory_space<vmem>>, vector<16xf32>,
      %mul3A_980 = arith.mulf %sub3A_939, %sub3A_937 : vector<16xf32>
      %swap3A_981 = arith.constant 432 : index
      %swap3A_982 = tpu.vector_load %arg19[%swap3A_981] {strides = array<i32>} : memref<608xf32, #tpu.memory_space<vmem>>, vector<16xf32>,
      tpu.vector_store %arg19[%swap3A_981], %mul3A_980 {strides = array<i32>} : memref<608xf32, #tpu.memory_space<vmem>>, vector<16xf32>,
      %get3A_983 = arith.constant 16 : index
      %get3A_984 = tpu.vector_load %arg10[%get3A_983] {strides = array<i32>} : memref<576xf32, #tpu.memory_space<vmem>>, vector<16xf32>,
      %get3A_985 = arith.constant 160 : index
      %get3A_986 = tpu.vector_load %arg10[%get3A_985] {strides = array<i32>} : memref<576xf32, #tpu.memory_space<vmem>>, vector<16xf32>,
      %get3A_987 = arith.constant 304 : index
      %get3A_988 = tpu.vector_load %arg10[%get3A_987] {strides = array<i32>} : memref<576xf32, #tpu.memory_space<vmem>>, vector<16xf32>,
      %get3A_989 = arith.constant 448 : index
      %get3A_990 = tpu.vector_load %arg10[%get3A_989] {strides = array<i32>} : memref<576xf32, #tpu.memory_space<vmem>>, vector<16xf32>,
      %get3A_991 = arith.constant 16 : index
      %get3A_992 = tpu.vector_load %arg9[%get3A_991] {strides = array<i32>} : memref<288xi32, #tpu.memory_space<vmem>>, vector<16xi32>,
      %get3A_993 = arith.constant 160 : index
      %get3A_994 = tpu.vector_load %arg9[%get3A_993] {strides = array<i32>} : memref<288xi32, #tpu.memory_space<vmem>>, vector<16xi32>,
      %sub3A_995 = arith.constant 1 : i32
      %sub3A_996 = vector.broadcast %sub3A_995 : i32 to vector<16xi32>
      %sub3A_997 = arith.subi %get3A_992, %sub3A_996 : vector<16xi32>
      %mul3A_998 = vector.broadcast %squeeze3A_912 : f32 to vector<16xf32>
      %mul3A_999 = arith.mulf %get3A_988, %mul3A_998 : vector<16xf32>
      %add3A_1000 = arith.addf %get3A_984, %mul3A_999 : vector<16xf32>
      %mul3A_1001 = vector.broadcast %squeeze3A : f32 to vector<16xf32>
      %mul3A_1002 = arith.mulf %get3A_990, %mul3A_1001 : vector<16xf32>
      %add3A_1003 = arith.addf %get3A_986, %mul3A_1002 : vector<16xf32>
      %convert_element_type3A_1004 = arith.fptosi %add3A_1000 : vector<16xf32> to vector<16xi32>
      %convert_element_type3A_1005 = arith.fptosi %add3A_1003 : vector<16xf32> to vector<16xi32>
      %convert_element_type3A_1006 = arith.sitofp %convert_element_type3A_1004 : vector<16xi32> to vector<16xf32>
      %sub3A_1007 = arith.subf %add3A_1000, %convert_element_type3A_1006 : vector<16xf32>
      %convert_element_type3A_1008 = arith.sitofp %convert_element_type3A_1005 : vector<16xi32> to vector<16xf32>
      %sub3A_1009 = arith.subf %add3A_1003, %convert_element_type3A_1008 : vector<16xf32>
      %min3A_1010 = arith.minsi %convert_element_type3A_1004, %sub3A_997 : vector<16xi32>
      %min3A_1011 = arith.minsi %convert_element_type3A_1005, %sub3A_997 : vector<16xi32>
      %add3A_1012 = arith.constant 1 : i32
      %add3A_1013 = vector.broadcast %add3A_1012 : i32 to vector<16xi32>
      %add3A_1014 = arith.addi %convert_element_type3A_1004, %add3A_1013 : vector<16xi32>
      %min3A_1015 = arith.minsi %add3A_1014, %sub3A_997 : vector<16xi32>
      %add3A_1016 = arith.constant 1 : i32
      %add3A_1017 = vector.broadcast %add3A_1016 : i32 to vector<16xi32>
      %add3A_1018 = arith.addi %convert_element_type3A_1005, %add3A_1017 : vector<16xi32>
      %min3A_1019 = arith.minsi %add3A_1018, %sub3A_997 : vector<16xi32>
      %mul3A_1020 = arith.muli %min3A_1011, %get3A_992 : vector<16xi32>
      %add3A_1021 = arith.addi %get3A_994, %mul3A_1020 : vector<16xi32>
      %mul3A_1022 = arith.muli %min3A_1019, %get3A_992 : vector<16xi32>
      %add3A_1023 = arith.addi %get3A_994, %mul3A_1022 : vector<16xi32>
      %add3A_1024 = arith.addi %add3A_1021, %min3A_1010 : vector<16xi32>
      %swap3A_1025 = arith.constant 16 : index
      %swap3A_1026 = tpu.vector_load %arg11[%swap3A_1025] {strides = array<i32>} : memref<128xi32, #tpu.memory_space<vmem>>, vector<16xi32>,
      tpu.vector_store %arg11[%swap3A_1025], %add3A_1024 {strides = array<i32>} : memref<128xi32, #tpu.memory_space<vmem>>, vector<16xi32>,
      %add3A_1027 = arith.addi %add3A_1021, %min3A_1015 : vector<16xi32>
      %swap3A_1028 = arith.constant 48 : index
      %swap3A_1029 = tpu.vector_load %arg11[%swap3A_1028] {strides = array<i32>} : memref<128xi32, #tpu.memory_space<vmem>>, vector<16xi32>,
      tpu.vector_store %arg11[%swap3A_1028], %add3A_1027 {strides = array<i32>} : memref<128xi32, #tpu.memory_space<vmem>>, vector<16xi32>,
      %add3A_1030 = arith.addi %add3A_1023, %min3A_1010 : vector<16xi32>
      %swap3A_1031 = arith.constant 80 : index
      %swap3A_1032 = tpu.vector_load %arg11[%swap3A_1031] {strides = array<i32>} : memref<128xi32, #tpu.memory_space<vmem>>, vector<16xi32>,
      tpu.vector_store %arg11[%swap3A_1031], %add3A_1030 {strides = array<i32>} : memref<128xi32, #tpu.memory_space<vmem>>, vector<16xi32>,
      %add3A_1033 = arith.addi %add3A_1023, %min3A_1015 : vector<16xi32>
      %swap3A_1034 = arith.constant 112 : index
      %swap3A_1035 = tpu.vector_load %arg11[%swap3A_1034] {strides = array<i32>} : memref<128xi32, #tpu.memory_space<vmem>>, vector<16xi32>,
      tpu.vector_store %arg11[%swap3A_1034], %add3A_1033 {strides = array<i32>} : memref<128xi32, #tpu.memory_space<vmem>>, vector<16xi32>,
      %sub3A_1036 = arith.constant 1.000000e+00 : f32
      %sub3A_1037 = vector.broadcast %sub3A_1036 : f32 to vector<16xf32>
      %sub3A_1038 = arith.subf %sub3A_1037, %sub3A_1007 : vector<16xf32>
      %sub3A_1039 = arith.constant 1.000000e+00 : f32
      %sub3A_1040 = vector.broadcast %sub3A_1039 : f32 to vector<16xf32>
      %sub3A_1041 = arith.subf %sub3A_1040, %sub3A_1009 : vector<16xf32>
      %mul3A_1042 = arith.mulf %sub3A_1041, %sub3A_1038 : vector<16xf32>
      %swap3A_1043 = arith.constant 16 : index
      %swap3A_1044 = tpu.vector_load %arg19[%swap3A_1043] {strides = array<i32>} : memref<608xf32, #tpu.memory_space<vmem>>, vector<16xf32>,
      tpu.vector_store %arg19[%swap3A_1043], %mul3A_1042 {strides = array<i32>} : memref<608xf32, #tpu.memory_space<vmem>>, vector<16xf32>,
      %mul3A_1045 = arith.mulf %sub3A_1041, %sub3A_1007 : vector<16xf32>
      %swap3A_1046 = arith.constant 160 : index
      %swap3A_1047 = tpu.vector_load %arg19[%swap3A_1046] {strides = array<i32>} : memref<608xf32, #tpu.memory_space<vmem>>, vector<16xf32>,
      tpu.vector_store %arg19[%swap3A_1046], %mul3A_1045 {strides = array<i32>} : memref<608xf32, #tpu.memory_space<vmem>>, vector<16xf32>,
      %mul3A_1048 = arith.mulf %sub3A_1009, %sub3A_1038 : vector<16xf32>
      %swap3A_1049 = arith.constant 304 : index
      %swap3A_1050 = tpu.vector_load %arg19[%swap3A_1049] {strides = array<i32>} : memref<608xf32, #tpu.memory_space<vmem>>, vector<16xf32>,
      tpu.vector_store %arg19[%swap3A_1049], %mul3A_1048 {strides = array<i32>} : memref<608xf32, #tpu.memory_space<vmem>>, vector<16xf32>,
      %mul3A_1051 = arith.mulf %sub3A_1009, %sub3A_1007 : vector<16xf32>
      %swap3A_1052 = arith.constant 448 : index
      %swap3A_1053 = tpu.vector_load %arg19[%swap3A_1052] {strides = array<i32>} : memref<608xf32, #tpu.memory_space<vmem>>, vector<16xf32>,
      tpu.vector_store %arg19[%swap3A_1052], %mul3A_1051 {strides = array<i32>} : memref<608xf32, #tpu.memory_space<vmem>>, vector<16xf32>,
      %dma_start3A = arith.constant 0 : i32
      %dma_start3A_1054 = arith.constant 0 : i32
      %dma_start3A_1055 = tpu.memref_slice %arg6[%dma_start3A, %dma_start3A_1054] : memref<21760x192xf32, #tpu.memory_space<hbm>> -> memref<21760x192xf32, #tpu.memory_space<hbm>>
      tpu.enqueue_indirect_dma source(%dma_start3A_1055 : memref<21760x192xf32, #tpu.memory_space<hbm>>) target(%arg15 : memref<128x192xf32, #tpu.memory_space<vmem>>) offsets(%arg11 : memref<128xi32, #tpu.memory_space<vmem>>) semaphore(%arg21 : memref<!tpu.dma_semaphore, #tpu.memory_space<semaphore_mem>>)
    } else {
    }
    %gt3A_844 = arith.constant 0 : i32
    %gt3A_845 = arith.cmpi sgt, %sub3A_3, %gt3A_844 : i32
    %convert_element_type3A_846 = arith.extui %gt3A_845 : i1 to i32
    %cond3A_847 = arith.constant 0 : i32
    %cond3A_848 = arith.cmpi ne, %convert_element_type3A_846, %cond3A_847 : i32
    scf.if %cond3A_848 {
      %add3A_877 = arith.constant 0 : i32
      %add3A_878 = arith.addi %add3A_877, %shift_right_arithmetic3A_2 : i32
      %jit3A_879 = arith.constant 7 : i32
      %div3A_880 = arith.divsi %add3A_878, %jit3A_879 : i32
      %sign3A = arith.constant 0 : i32
      %sign3A_881 = arith.cmpi sgt, %add3A_878, %sign3A : i32
      %sign3A_882 = arith.extui %sign3A_881 : i1 to i32
      %sign3A_883 = arith.constant 0 : i32
      %sign3A_884 = arith.cmpi slt, %add3A_878, %sign3A_883 : i32
      %sign3A_885 = arith.extui %sign3A_884 : i1 to i32
      %sign3A_886 = arith.subi %sign3A_882, %sign3A_885 : i32
      %sign3A_887 = arith.constant 0 : i32
      %sign3A_888 = arith.cmpi sgt, %jit3A_879, %sign3A_887 : i32
      %sign3A_889 = arith.extui %sign3A_888 : i1 to i32
      %sign3A_890 = arith.constant 0 : i32
      %sign3A_891 = arith.cmpi slt, %jit3A_879, %sign3A_890 : i32
      %sign3A_892 = arith.extui %sign3A_891 : i1 to i32
      %sign3A_893 = arith.subi %sign3A_889, %sign3A_892 : i32
      %ne3A = arith.cmpi ne, %sign3A_886, %sign3A_893 : i32
      %rem3A = arith.remsi %add3A_878, %jit3A_879 : i32
      %ne3A_894 = arith.constant 0 : i32
      %ne3A_895 = arith.cmpi ne, %rem3A, %ne3A_894 : i32
      %and3A_896 = arith.andi %ne3A, %ne3A_895 : i1
      %sub3A_897 = arith.constant 1 : i32
      %sub3A_898 = arith.subi %div3A_880, %sub3A_897 : i32
      %select_n3A_899 = arith.select %and3A_896, %sub3A_898, %div3A_880 : i32
      %mul3A_900 = arith.constant 7 : i32
      %mul3A_901 = arith.muli %select_n3A_899, %mul3A_900 : i32
      %sub3A_902 = arith.subi %add3A_878, %mul3A_901 : i32
      %add3A_903 = arith.constant 576 : i32
      %add3A_904 = arith.addi %add3A_903, %select_n3A_899 : i32
      %get3A_905 = arith.index_cast %add3A_904 : i32 to index
      %get3A_906 = tpu.vector_load %arg19[%get3A_905] {strides = array<i32>} : memref<608xf32, #tpu.memory_space<vmem>>, vector<16xf32>,
      %slice3A = vector.extract_strided_slice %get3A_906 {offsets = [0], sizes = [1], strides = [1]} : vector<16xf32> to vector<1xf32>
      %squeeze3A = vector.extract %slice3A[0] : f32 from vector<1xf32>
      %add3A_907 = arith.constant 576 : i32
      %add3A_908 = arith.addi %add3A_907, %sub3A_902 : i32
      %get3A_909 = arith.index_cast %add3A_908 : i32 to index
      %get3A_910 = tpu.vector_load %arg19[%get3A_909] {strides = array<i32>} : memref<608xf32, #tpu.memory_space<vmem>>, vector<16xf32>,
      %slice3A_911 = vector.extract_strided_slice %get3A_910 {offsets = [0], sizes = [1], strides = [1]} : vector<16xf32> to vector<1xf32>
      %squeeze3A_912 = vector.extract %slice3A_911[0] : f32 from vector<1xf32>
      %get3A_913 = arith.constant 32 : index
      %get3A_914 = tpu.vector_load %arg10[%get3A_913] {strides = array<i32>} : memref<576xf32, #tpu.memory_space<vmem>>, vector<16xf32>,
      %get3A_915 = arith.constant 176 : index
      %get3A_916 = tpu.vector_load %arg10[%get3A_915] {strides = array<i32>} : memref<576xf32, #tpu.memory_space<vmem>>, vector<16xf32>,
      %get3A_917 = arith.constant 320 : index
      %get3A_918 = tpu.vector_load %arg10[%get3A_917] {strides = array<i32>} : memref<576xf32, #tpu.memory_space<vmem>>, vector<16xf32>,
      %get3A_919 = arith.constant 464 : index
      %get3A_920 = tpu.vector_load %arg10[%get3A_919] {strides = array<i32>} : memref<576xf32, #tpu.memory_space<vmem>>, vector<16xf32>,
      %get3A_921 = arith.constant 32 : index
      %get3A_922 = tpu.vector_load %arg9[%get3A_921] {strides = array<i32>} : memref<288xi32, #tpu.memory_space<vmem>>, vector<16xi32>,
      %get3A_923 = arith.constant 176 : index
      %get3A_924 = tpu.vector_load %arg9[%get3A_923] {strides = array<i32>} : memref<288xi32, #tpu.memory_space<vmem>>, vector<16xi32>,
      %sub3A_925 = arith.constant 1 : i32
      %sub3A_926 = vector.broadcast %sub3A_925 : i32 to vector<16xi32>
      %sub3A_927 = arith.subi %get3A_922, %sub3A_926 : vector<16xi32>
      %mul3A_928 = vector.broadcast %squeeze3A_912 : f32 to vector<16xf32>
      %mul3A_929 = arith.mulf %get3A_918, %mul3A_928 : vector<16xf32>
      %add3A_930 = arith.addf %get3A_914, %mul3A_929 : vector<16xf32>
      %mul3A_931 = vector.broadcast %squeeze3A : f32 to vector<16xf32>
      %mul3A_932 = arith.mulf %get3A_920, %mul3A_931 : vector<16xf32>
      %add3A_933 = arith.addf %get3A_916, %mul3A_932 : vector<16xf32>
      %convert_element_type3A_934 = arith.fptosi %add3A_930 : vector<16xf32> to vector<16xi32>
      %convert_element_type3A_935 = arith.fptosi %add3A_933 : vector<16xf32> to vector<16xi32>
      %convert_element_type3A_936 = arith.sitofp %convert_element_type3A_934 : vector<16xi32> to vector<16xf32>
      %sub3A_937 = arith.subf %add3A_930, %convert_element_type3A_936 : vector<16xf32>
      %convert_element_type3A_938 = arith.sitofp %convert_element_type3A_935 : vector<16xi32> to vector<16xf32>
      %sub3A_939 = arith.subf %add3A_933, %convert_element_type3A_938 : vector<16xf32>
      %min3A = arith.minsi %convert_element_type3A_934, %sub3A_927 : vector<16xi32>
      %min3A_940 = arith.minsi %convert_element_type3A_935, %sub3A_927 : vector<16xi32>
      %add3A_941 = arith.constant 1 : i32
      %add3A_942 = vector.broadcast %add3A_941 : i32 to vector<16xi32>
      %add3A_943 = arith.addi %convert_element_type3A_934, %add3A_942 : vector<16xi32>
      %min3A_944 = arith.minsi %add3A_943, %sub3A_927 : vector<16xi32>
      %add3A_945 = arith.constant 1 : i32
      %add3A_946 = vector.broadcast %add3A_945 : i32 to vector<16xi32>
      %add3A_947 = arith.addi %convert_element_type3A_935, %add3A_946 : vector<16xi32>
      %min3A_948 = arith.minsi %add3A_947, %sub3A_927 : vector<16xi32>
      %mul3A_949 = arith.muli %min3A_940, %get3A_922 : vector<16xi32>
      %add3A_950 = arith.addi %get3A_924, %mul3A_949 : vector<16xi32>
      %mul3A_951 = arith.muli %min3A_948, %get3A_922 : vector<16xi32>
      %add3A_952 = arith.addi %get3A_924, %mul3A_951 : vector<16xi32>
      %add3A_953 = arith.addi %add3A_950, %min3A : vector<16xi32>
      %swap3A_954 = arith.constant 0 : index
      %swap3A_955 = tpu.vector_load %arg12[%swap3A_954] {strides = array<i32>} : memref<128xi32, #tpu.memory_space<vmem>>, vector<16xi32>,
      tpu.vector_store %arg12[%swap3A_954], %add3A_953 {strides = array<i32>} : memref<128xi32, #tpu.memory_space<vmem>>, vector<16xi32>,
      %add3A_956 = arith.addi %add3A_950, %min3A_944 : vector<16xi32>
      %swap3A_957 = arith.constant 32 : index
      %swap3A_958 = tpu.vector_load %arg12[%swap3A_957] {strides = array<i32>} : memref<128xi32, #tpu.memory_space<vmem>>, vector<16xi32>,
      tpu.vector_store %arg12[%swap3A_957], %add3A_956 {strides = array<i32>} : memref<128xi32, #tpu.memory_space<vmem>>, vector<16xi32>,
      %add3A_959 = arith.addi %add3A_952, %min3A : vector<16xi32>
      %swap3A_960 = arith.constant 64 : index
      %swap3A_961 = tpu.vector_load %arg12[%swap3A_960] {strides = array<i32>} : memref<128xi32, #tpu.memory_space<vmem>>, vector<16xi32>,
      tpu.vector_store %arg12[%swap3A_960], %add3A_959 {strides = array<i32>} : memref<128xi32, #tpu.memory_space<vmem>>, vector<16xi32>,
      %add3A_962 = arith.addi %add3A_952, %min3A_944 : vector<16xi32>
      %swap3A_963 = arith.constant 96 : index
      %swap3A_964 = tpu.vector_load %arg12[%swap3A_963] {strides = array<i32>} : memref<128xi32, #tpu.memory_space<vmem>>, vector<16xi32>,
      tpu.vector_store %arg12[%swap3A_963], %add3A_962 {strides = array<i32>} : memref<128xi32, #tpu.memory_space<vmem>>, vector<16xi32>,
      %sub3A_965 = arith.constant 1.000000e+00 : f32
      %sub3A_966 = vector.broadcast %sub3A_965 : f32 to vector<16xf32>
      %sub3A_967 = arith.subf %sub3A_966, %sub3A_937 : vector<16xf32>
      %sub3A_968 = arith.constant 1.000000e+00 : f32
      %sub3A_969 = vector.broadcast %sub3A_968 : f32 to vector<16xf32>
      %sub3A_970 = arith.subf %sub3A_969, %sub3A_939 : vector<16xf32>
      %mul3A_971 = arith.mulf %sub3A_970, %sub3A_967 : vector<16xf32>
      %swap3A_972 = arith.constant 32 : index
      %swap3A_973 = tpu.vector_load %arg19[%swap3A_972] {strides = array<i32>} : memref<608xf32, #tpu.memory_space<vmem>>, vector<16xf32>,
      tpu.vector_store %arg19[%swap3A_972], %mul3A_971 {strides = array<i32>} : memref<608xf32, #tpu.memory_space<vmem>>, vector<16xf32>,
      %mul3A_974 = arith.mulf %sub3A_970, %sub3A_937 : vector<16xf32>
      %swap3A_975 = arith.constant 176 : index
      %swap3A_976 = tpu.vector_load %arg19[%swap3A_975] {strides = array<i32>} : memref<608xf32, #tpu.memory_space<vmem>>, vector<16xf32>,
      tpu.vector_store %arg19[%swap3A_975], %mul3A_974 {strides = array<i32>} : memref<608xf32, #tpu.memory_space<vmem>>, vector<16xf32>,
      %mul3A_977 = arith.mulf %sub3A_939, %sub3A_967 : vector<16xf32>
      %swap3A_978 = arith.constant 320 : index
      %swap3A_979 = tpu.vector_load %arg19[%swap3A_978] {strides = array<i32>} : memref<608xf32, #tpu.memory_space<vmem>>, vector<16xf32>,
      tpu.vector_store %arg19[%swap3A_978], %mul3A_977 {strides = array<i32>} : memref<608xf32, #tpu.memory_space<vmem>>, vector<16xf32>,
      %mul3A_980 = arith.mulf %sub3A_939, %sub3A_937 : vector<16xf32>
      %swap3A_981 = arith.constant 464 : index
      %swap3A_982 = tpu.vector_load %arg19[%swap3A_981] {strides = array<i32>} : memref<608xf32, #tpu.memory_space<vmem>>, vector<16xf32>,
      tpu.vector_store %arg19[%swap3A_981], %mul3A_980 {strides = array<i32>} : memref<608xf32, #tpu.memory_space<vmem>>, vector<16xf32>,
      %get3A_983 = arith.constant 48 : index
      %get3A_984 = tpu.vector_load %arg10[%get3A_983] {strides = array<i32>} : memref<576xf32, #tpu.memory_space<vmem>>, vector<16xf32>,
      %get3A_985 = arith.constant 192 : index
      %get3A_986 = tpu.vector_load %arg10[%get3A_985] {strides = array<i32>} : memref<576xf32, #tpu.memory_space<vmem>>, vector<16xf32>,
      %get3A_987 = arith.constant 336 : index
      %get3A_988 = tpu.vector_load %arg10[%get3A_987] {strides = array<i32>} : memref<576xf32, #tpu.memory_space<vmem>>, vector<16xf32>,
      %get3A_989 = arith.constant 480 : index
      %get3A_990 = tpu.vector_load %arg10[%get3A_989] {strides = array<i32>} : memref<576xf32, #tpu.memory_space<vmem>>, vector<16xf32>,
      %get3A_991 = arith.constant 48 : index
      %get3A_992 = tpu.vector_load %arg9[%get3A_991] {strides = array<i32>} : memref<288xi32, #tpu.memory_space<vmem>>, vector<16xi32>,
      %get3A_993 = arith.constant 192 : index
      %get3A_994 = tpu.vector_load %arg9[%get3A_993] {strides = array<i32>} : memref<288xi32, #tpu.memory_space<vmem>>, vector<16xi32>,
      %sub3A_995 = arith.constant 1 : i32
      %sub3A_996 = vector.broadcast %sub3A_995 : i32 to vector<16xi32>
      %sub3A_997 = arith.subi %get3A_992, %sub3A_996 : vector<16xi32>
      %mul3A_998 = vector.broadcast %squeeze3A_912 : f32 to vector<16xf32>
      %mul3A_999 = arith.mulf %get3A_988, %mul3A_998 : vector<16xf32>
      %add3A_1000 = arith.addf %get3A_984, %mul3A_999 : vector<16xf32>
      %mul3A_1001 = vector.broadcast %squeeze3A : f32 to vector<16xf32>
      %mul3A_1002 = arith.mulf %get3A_990, %mul3A_1001 : vector<16xf32>
      %add3A_1003 = arith.addf %get3A_986, %mul3A_1002 : vector<16xf32>
      %convert_element_type3A_1004 = arith.fptosi %add3A_1000 : vector<16xf32> to vector<16xi32>
      %convert_element_type3A_1005 = arith.fptosi %add3A_1003 : vector<16xf32> to vector<16xi32>
      %convert_element_type3A_1006 = arith.sitofp %convert_element_type3A_1004 : vector<16xi32> to vector<16xf32>
      %sub3A_1007 = arith.subf %add3A_1000, %convert_element_type3A_1006 : vector<16xf32>
      %convert_element_type3A_1008 = arith.sitofp %convert_element_type3A_1005 : vector<16xi32> to vector<16xf32>
      %sub3A_1009 = arith.subf %add3A_1003, %convert_element_type3A_1008 : vector<16xf32>
      %min3A_1010 = arith.minsi %convert_element_type3A_1004, %sub3A_997 : vector<16xi32>
      %min3A_1011 = arith.minsi %convert_element_type3A_1005, %sub3A_997 : vector<16xi32>
      %add3A_1012 = arith.constant 1 : i32
      %add3A_1013 = vector.broadcast %add3A_1012 : i32 to vector<16xi32>
      %add3A_1014 = arith.addi %convert_element_type3A_1004, %add3A_1013 : vector<16xi32>
      %min3A_1015 = arith.minsi %add3A_1014, %sub3A_997 : vector<16xi32>
      %add3A_1016 = arith.constant 1 : i32
      %add3A_1017 = vector.broadcast %add3A_1016 : i32 to vector<16xi32>
      %add3A_1018 = arith.addi %convert_element_type3A_1005, %add3A_1017 : vector<16xi32>
      %min3A_1019 = arith.minsi %add3A_1018, %sub3A_997 : vector<16xi32>
      %mul3A_1020 = arith.muli %min3A_1011, %get3A_992 : vector<16xi32>
      %add3A_1021 = arith.addi %get3A_994, %mul3A_1020 : vector<16xi32>
      %mul3A_1022 = arith.muli %min3A_1019, %get3A_992 : vector<16xi32>
      %add3A_1023 = arith.addi %get3A_994, %mul3A_1022 : vector<16xi32>
      %add3A_1024 = arith.addi %add3A_1021, %min3A_1010 : vector<16xi32>
      %swap3A_1025 = arith.constant 16 : index
      %swap3A_1026 = tpu.vector_load %arg12[%swap3A_1025] {strides = array<i32>} : memref<128xi32, #tpu.memory_space<vmem>>, vector<16xi32>,
      tpu.vector_store %arg12[%swap3A_1025], %add3A_1024 {strides = array<i32>} : memref<128xi32, #tpu.memory_space<vmem>>, vector<16xi32>,
      %add3A_1027 = arith.addi %add3A_1021, %min3A_1015 : vector<16xi32>
      %swap3A_1028 = arith.constant 48 : index
      %swap3A_1029 = tpu.vector_load %arg12[%swap3A_1028] {strides = array<i32>} : memref<128xi32, #tpu.memory_space<vmem>>, vector<16xi32>,
      tpu.vector_store %arg12[%swap3A_1028], %add3A_1027 {strides = array<i32>} : memref<128xi32, #tpu.memory_space<vmem>>, vector<16xi32>,
      %add3A_1030 = arith.addi %add3A_1023, %min3A_1010 : vector<16xi32>
      %swap3A_1031 = arith.constant 80 : index
      %swap3A_1032 = tpu.vector_load %arg12[%swap3A_1031] {strides = array<i32>} : memref<128xi32, #tpu.memory_space<vmem>>, vector<16xi32>,
      tpu.vector_store %arg12[%swap3A_1031], %add3A_1030 {strides = array<i32>} : memref<128xi32, #tpu.memory_space<vmem>>, vector<16xi32>,
      %add3A_1033 = arith.addi %add3A_1023, %min3A_1015 : vector<16xi32>
      %swap3A_1034 = arith.constant 112 : index
      %swap3A_1035 = tpu.vector_load %arg12[%swap3A_1034] {strides = array<i32>} : memref<128xi32, #tpu.memory_space<vmem>>, vector<16xi32>,
      tpu.vector_store %arg12[%swap3A_1034], %add3A_1033 {strides = array<i32>} : memref<128xi32, #tpu.memory_space<vmem>>, vector<16xi32>,
      %sub3A_1036 = arith.constant 1.000000e+00 : f32
      %sub3A_1037 = vector.broadcast %sub3A_1036 : f32 to vector<16xf32>
      %sub3A_1038 = arith.subf %sub3A_1037, %sub3A_1007 : vector<16xf32>
      %sub3A_1039 = arith.constant 1.000000e+00 : f32
      %sub3A_1040 = vector.broadcast %sub3A_1039 : f32 to vector<16xf32>
      %sub3A_1041 = arith.subf %sub3A_1040, %sub3A_1009 : vector<16xf32>
      %mul3A_1042 = arith.mulf %sub3A_1041, %sub3A_1038 : vector<16xf32>
      %swap3A_1043 = arith.constant 48 : index
      %swap3A_1044 = tpu.vector_load %arg19[%swap3A_1043] {strides = array<i32>} : memref<608xf32, #tpu.memory_space<vmem>>, vector<16xf32>,
      tpu.vector_store %arg19[%swap3A_1043], %mul3A_1042 {strides = array<i32>} : memref<608xf32, #tpu.memory_space<vmem>>, vector<16xf32>,
      %mul3A_1045 = arith.mulf %sub3A_1041, %sub3A_1007 : vector<16xf32>
      %swap3A_1046 = arith.constant 192 : index
      %swap3A_1047 = tpu.vector_load %arg19[%swap3A_1046] {strides = array<i32>} : memref<608xf32, #tpu.memory_space<vmem>>, vector<16xf32>,
      tpu.vector_store %arg19[%swap3A_1046], %mul3A_1045 {strides = array<i32>} : memref<608xf32, #tpu.memory_space<vmem>>, vector<16xf32>,
      %mul3A_1048 = arith.mulf %sub3A_1009, %sub3A_1038 : vector<16xf32>
      %swap3A_1049 = arith.constant 336 : index
      %swap3A_1050 = tpu.vector_load %arg19[%swap3A_1049] {strides = array<i32>} : memref<608xf32, #tpu.memory_space<vmem>>, vector<16xf32>,
      tpu.vector_store %arg19[%swap3A_1049], %mul3A_1048 {strides = array<i32>} : memref<608xf32, #tpu.memory_space<vmem>>, vector<16xf32>,
      %mul3A_1051 = arith.mulf %sub3A_1009, %sub3A_1007 : vector<16xf32>
      %swap3A_1052 = arith.constant 480 : index
      %swap3A_1053 = tpu.vector_load %arg19[%swap3A_1052] {strides = array<i32>} : memref<608xf32, #tpu.memory_space<vmem>>, vector<16xf32>,
      tpu.vector_store %arg19[%swap3A_1052], %mul3A_1051 {strides = array<i32>} : memref<608xf32, #tpu.memory_space<vmem>>, vector<16xf32>,
      %dma_start3A = arith.constant 0 : i32
      %dma_start3A_1054 = arith.constant 0 : i32
      %dma_start3A_1055 = tpu.memref_slice %arg6[%dma_start3A, %dma_start3A_1054] : memref<21760x192xf32, #tpu.memory_space<hbm>> -> memref<21760x192xf32, #tpu.memory_space<hbm>>
      tpu.enqueue_indirect_dma source(%dma_start3A_1055 : memref<21760x192xf32, #tpu.memory_space<hbm>>) target(%arg16 : memref<128x192xf32, #tpu.memory_space<vmem>>) offsets(%arg12 : memref<128xi32, #tpu.memory_space<vmem>>) semaphore(%arg22 : memref<!tpu.dma_semaphore, #tpu.memory_space<semaphore_mem>>)
    } else {
    }
    %gt3A_849 = arith.constant 0 : i32
    %gt3A_850 = arith.cmpi sgt, %sub3A_3, %gt3A_849 : i32
    %convert_element_type3A_851 = arith.extui %gt3A_850 : i1 to i32
    %cond3A_852 = arith.constant 0 : i32
    %cond3A_853 = arith.cmpi ne, %convert_element_type3A_851, %cond3A_852 : i32
    scf.if %cond3A_853 {
      %add3A_877 = arith.constant 0 : i32
      %add3A_878 = arith.addi %add3A_877, %shift_right_arithmetic3A_2 : i32
      %jit3A_879 = arith.constant 7 : i32
      %div3A_880 = arith.divsi %add3A_878, %jit3A_879 : i32
      %sign3A = arith.constant 0 : i32
      %sign3A_881 = arith.cmpi sgt, %add3A_878, %sign3A : i32
      %sign3A_882 = arith.extui %sign3A_881 : i1 to i32
      %sign3A_883 = arith.constant 0 : i32
      %sign3A_884 = arith.cmpi slt, %add3A_878, %sign3A_883 : i32
      %sign3A_885 = arith.extui %sign3A_884 : i1 to i32
      %sign3A_886 = arith.subi %sign3A_882, %sign3A_885 : i32
      %sign3A_887 = arith.constant 0 : i32
      %sign3A_888 = arith.cmpi sgt, %jit3A_879, %sign3A_887 : i32
      %sign3A_889 = arith.extui %sign3A_888 : i1 to i32
      %sign3A_890 = arith.constant 0 : i32
      %sign3A_891 = arith.cmpi slt, %jit3A_879, %sign3A_890 : i32
      %sign3A_892 = arith.extui %sign3A_891 : i1 to i32
      %sign3A_893 = arith.subi %sign3A_889, %sign3A_892 : i32
      %ne3A = arith.cmpi ne, %sign3A_886, %sign3A_893 : i32
      %rem3A = arith.remsi %add3A_878, %jit3A_879 : i32
      %ne3A_894 = arith.constant 0 : i32
      %ne3A_895 = arith.cmpi ne, %rem3A, %ne3A_894 : i32
      %and3A_896 = arith.andi %ne3A, %ne3A_895 : i1
      %sub3A_897 = arith.constant 1 : i32
      %sub3A_898 = arith.subi %div3A_880, %sub3A_897 : i32
      %select_n3A_899 = arith.select %and3A_896, %sub3A_898, %div3A_880 : i32
      %mul3A_900 = arith.constant 7 : i32
      %mul3A_901 = arith.muli %select_n3A_899, %mul3A_900 : i32
      %sub3A_902 = arith.subi %add3A_878, %mul3A_901 : i32
      %add3A_903 = arith.constant 576 : i32
      %add3A_904 = arith.addi %add3A_903, %select_n3A_899 : i32
      %get3A_905 = arith.index_cast %add3A_904 : i32 to index
      %get3A_906 = tpu.vector_load %arg19[%get3A_905] {strides = array<i32>} : memref<608xf32, #tpu.memory_space<vmem>>, vector<16xf32>,
      %slice3A = vector.extract_strided_slice %get3A_906 {offsets = [0], sizes = [1], strides = [1]} : vector<16xf32> to vector<1xf32>
      %squeeze3A = vector.extract %slice3A[0] : f32 from vector<1xf32>
      %add3A_907 = arith.constant 576 : i32
      %add3A_908 = arith.addi %add3A_907, %sub3A_902 : i32
      %get3A_909 = arith.index_cast %add3A_908 : i32 to index
      %get3A_910 = tpu.vector_load %arg19[%get3A_909] {strides = array<i32>} : memref<608xf32, #tpu.memory_space<vmem>>, vector<16xf32>,
      %slice3A_911 = vector.extract_strided_slice %get3A_910 {offsets = [0], sizes = [1], strides = [1]} : vector<16xf32> to vector<1xf32>
      %squeeze3A_912 = vector.extract %slice3A_911[0] : f32 from vector<1xf32>
      %get3A_913 = arith.constant 64 : index
      %get3A_914 = tpu.vector_load %arg10[%get3A_913] {strides = array<i32>} : memref<576xf32, #tpu.memory_space<vmem>>, vector<16xf32>,
      %get3A_915 = arith.constant 208 : index
      %get3A_916 = tpu.vector_load %arg10[%get3A_915] {strides = array<i32>} : memref<576xf32, #tpu.memory_space<vmem>>, vector<16xf32>,
      %get3A_917 = arith.constant 352 : index
      %get3A_918 = tpu.vector_load %arg10[%get3A_917] {strides = array<i32>} : memref<576xf32, #tpu.memory_space<vmem>>, vector<16xf32>,
      %get3A_919 = arith.constant 496 : index
      %get3A_920 = tpu.vector_load %arg10[%get3A_919] {strides = array<i32>} : memref<576xf32, #tpu.memory_space<vmem>>, vector<16xf32>,
      %get3A_921 = arith.constant 64 : index
      %get3A_922 = tpu.vector_load %arg9[%get3A_921] {strides = array<i32>} : memref<288xi32, #tpu.memory_space<vmem>>, vector<16xi32>,
      %get3A_923 = arith.constant 208 : index
      %get3A_924 = tpu.vector_load %arg9[%get3A_923] {strides = array<i32>} : memref<288xi32, #tpu.memory_space<vmem>>, vector<16xi32>,
      %sub3A_925 = arith.constant 1 : i32
      %sub3A_926 = vector.broadcast %sub3A_925 : i32 to vector<16xi32>
      %sub3A_927 = arith.subi %get3A_922, %sub3A_926 : vector<16xi32>
      %mul3A_928 = vector.broadcast %squeeze3A_912 : f32 to vector<16xf32>
      %mul3A_929 = arith.mulf %get3A_918, %mul3A_928 : vector<16xf32>
      %add3A_930 = arith.addf %get3A_914, %mul3A_929 : vector<16xf32>
      %mul3A_931 = vector.broadcast %squeeze3A : f32 to vector<16xf32>
      %mul3A_932 = arith.mulf %get3A_920, %mul3A_931 : vector<16xf32>
      %add3A_933 = arith.addf %get3A_916, %mul3A_932 : vector<16xf32>
      %convert_element_type3A_934 = arith.fptosi %add3A_930 : vector<16xf32> to vector<16xi32>
      %convert_element_type3A_935 = arith.fptosi %add3A_933 : vector<16xf32> to vector<16xi32>
      %convert_element_type3A_936 = arith.sitofp %convert_element_type3A_934 : vector<16xi32> to vector<16xf32>
      %sub3A_937 = arith.subf %add3A_930, %convert_element_type3A_936 : vector<16xf32>
      %convert_element_type3A_938 = arith.sitofp %convert_element_type3A_935 : vector<16xi32> to vector<16xf32>
      %sub3A_939 = arith.subf %add3A_933, %convert_element_type3A_938 : vector<16xf32>
      %min3A = arith.minsi %convert_element_type3A_934, %sub3A_927 : vector<16xi32>
      %min3A_940 = arith.minsi %convert_element_type3A_935, %sub3A_927 : vector<16xi32>
      %add3A_941 = arith.constant 1 : i32
      %add3A_942 = vector.broadcast %add3A_941 : i32 to vector<16xi32>
      %add3A_943 = arith.addi %convert_element_type3A_934, %add3A_942 : vector<16xi32>
      %min3A_944 = arith.minsi %add3A_943, %sub3A_927 : vector<16xi32>
      %add3A_945 = arith.constant 1 : i32
      %add3A_946 = vector.broadcast %add3A_945 : i32 to vector<16xi32>
      %add3A_947 = arith.addi %convert_element_type3A_935, %add3A_946 : vector<16xi32>
      %min3A_948 = arith.minsi %add3A_947, %sub3A_927 : vector<16xi32>
      %mul3A_949 = arith.muli %min3A_940, %get3A_922 : vector<16xi32>
      %add3A_950 = arith.addi %get3A_924, %mul3A_949 : vector<16xi32>
      %mul3A_951 = arith.muli %min3A_948, %get3A_922 : vector<16xi32>
      %add3A_952 = arith.addi %get3A_924, %mul3A_951 : vector<16xi32>
      %add3A_953 = arith.addi %add3A_950, %min3A : vector<16xi32>
      %swap3A_954 = arith.constant 0 : index
      %swap3A_955 = tpu.vector_load %arg13[%swap3A_954] {strides = array<i32>} : memref<128xi32, #tpu.memory_space<vmem>>, vector<16xi32>,
      tpu.vector_store %arg13[%swap3A_954], %add3A_953 {strides = array<i32>} : memref<128xi32, #tpu.memory_space<vmem>>, vector<16xi32>,
      %add3A_956 = arith.addi %add3A_950, %min3A_944 : vector<16xi32>
      %swap3A_957 = arith.constant 32 : index
      %swap3A_958 = tpu.vector_load %arg13[%swap3A_957] {strides = array<i32>} : memref<128xi32, #tpu.memory_space<vmem>>, vector<16xi32>,
      tpu.vector_store %arg13[%swap3A_957], %add3A_956 {strides = array<i32>} : memref<128xi32, #tpu.memory_space<vmem>>, vector<16xi32>,
      %add3A_959 = arith.addi %add3A_952, %min3A : vector<16xi32>
      %swap3A_960 = arith.constant 64 : index
      %swap3A_961 = tpu.vector_load %arg13[%swap3A_960] {strides = array<i32>} : memref<128xi32, #tpu.memory_space<vmem>>, vector<16xi32>,
      tpu.vector_store %arg13[%swap3A_960], %add3A_959 {strides = array<i32>} : memref<128xi32, #tpu.memory_space<vmem>>, vector<16xi32>,
      %add3A_962 = arith.addi %add3A_952, %min3A_944 : vector<16xi32>
      %swap3A_963 = arith.constant 96 : index
      %swap3A_964 = tpu.vector_load %arg13[%swap3A_963] {strides = array<i32>} : memref<128xi32, #tpu.memory_space<vmem>>, vector<16xi32>,
      tpu.vector_store %arg13[%swap3A_963], %add3A_962 {strides = array<i32>} : memref<128xi32, #tpu.memory_space<vmem>>, vector<16xi32>,
      %sub3A_965 = arith.constant 1.000000e+00 : f32
      %sub3A_966 = vector.broadcast %sub3A_965 : f32 to vector<16xf32>
      %sub3A_967 = arith.subf %sub3A_966, %sub3A_937 : vector<16xf32>
      %sub3A_968 = arith.constant 1.000000e+00 : f32
      %sub3A_969 = vector.broadcast %sub3A_968 : f32 to vector<16xf32>
      %sub3A_970 = arith.subf %sub3A_969, %sub3A_939 : vector<16xf32>
      %mul3A_971 = arith.mulf %sub3A_970, %sub3A_967 : vector<16xf32>
      %swap3A_972 = arith.constant 64 : index
      %swap3A_973 = tpu.vector_load %arg19[%swap3A_972] {strides = array<i32>} : memref<608xf32, #tpu.memory_space<vmem>>, vector<16xf32>,
      tpu.vector_store %arg19[%swap3A_972], %mul3A_971 {strides = array<i32>} : memref<608xf32, #tpu.memory_space<vmem>>, vector<16xf32>,
      %mul3A_974 = arith.mulf %sub3A_970, %sub3A_937 : vector<16xf32>
      %swap3A_975 = arith.constant 208 : index
      %swap3A_976 = tpu.vector_load %arg19[%swap3A_975] {strides = array<i32>} : memref<608xf32, #tpu.memory_space<vmem>>, vector<16xf32>,
      tpu.vector_store %arg19[%swap3A_975], %mul3A_974 {strides = array<i32>} : memref<608xf32, #tpu.memory_space<vmem>>, vector<16xf32>,
      %mul3A_977 = arith.mulf %sub3A_939, %sub3A_967 : vector<16xf32>
      %swap3A_978 = arith.constant 352 : index
      %swap3A_979 = tpu.vector_load %arg19[%swap3A_978] {strides = array<i32>} : memref<608xf32, #tpu.memory_space<vmem>>, vector<16xf32>,
      tpu.vector_store %arg19[%swap3A_978], %mul3A_977 {strides = array<i32>} : memref<608xf32, #tpu.memory_space<vmem>>, vector<16xf32>,
      %mul3A_980 = arith.mulf %sub3A_939, %sub3A_937 : vector<16xf32>
      %swap3A_981 = arith.constant 496 : index
      %swap3A_982 = tpu.vector_load %arg19[%swap3A_981] {strides = array<i32>} : memref<608xf32, #tpu.memory_space<vmem>>, vector<16xf32>,
      tpu.vector_store %arg19[%swap3A_981], %mul3A_980 {strides = array<i32>} : memref<608xf32, #tpu.memory_space<vmem>>, vector<16xf32>,
      %get3A_983 = arith.constant 80 : index
      %get3A_984 = tpu.vector_load %arg10[%get3A_983] {strides = array<i32>} : memref<576xf32, #tpu.memory_space<vmem>>, vector<16xf32>,
      %get3A_985 = arith.constant 224 : index
      %get3A_986 = tpu.vector_load %arg10[%get3A_985] {strides = array<i32>} : memref<576xf32, #tpu.memory_space<vmem>>, vector<16xf32>,
      %get3A_987 = arith.constant 368 : index
      %get3A_988 = tpu.vector_load %arg10[%get3A_987] {strides = array<i32>} : memref<576xf32, #tpu.memory_space<vmem>>, vector<16xf32>,
      %get3A_989 = arith.constant 512 : index
      %get3A_990 = tpu.vector_load %arg10[%get3A_989] {strides = array<i32>} : memref<576xf32, #tpu.memory_space<vmem>>, vector<16xf32>,
      %get3A_991 = arith.constant 80 : index
      %get3A_992 = tpu.vector_load %arg9[%get3A_991] {strides = array<i32>} : memref<288xi32, #tpu.memory_space<vmem>>, vector<16xi32>,
      %get3A_993 = arith.constant 224 : index
      %get3A_994 = tpu.vector_load %arg9[%get3A_993] {strides = array<i32>} : memref<288xi32, #tpu.memory_space<vmem>>, vector<16xi32>,
      %sub3A_995 = arith.constant 1 : i32
      %sub3A_996 = vector.broadcast %sub3A_995 : i32 to vector<16xi32>
      %sub3A_997 = arith.subi %get3A_992, %sub3A_996 : vector<16xi32>
      %mul3A_998 = vector.broadcast %squeeze3A_912 : f32 to vector<16xf32>
      %mul3A_999 = arith.mulf %get3A_988, %mul3A_998 : vector<16xf32>
      %add3A_1000 = arith.addf %get3A_984, %mul3A_999 : vector<16xf32>
      %mul3A_1001 = vector.broadcast %squeeze3A : f32 to vector<16xf32>
      %mul3A_1002 = arith.mulf %get3A_990, %mul3A_1001 : vector<16xf32>
      %add3A_1003 = arith.addf %get3A_986, %mul3A_1002 : vector<16xf32>
      %convert_element_type3A_1004 = arith.fptosi %add3A_1000 : vector<16xf32> to vector<16xi32>
      %convert_element_type3A_1005 = arith.fptosi %add3A_1003 : vector<16xf32> to vector<16xi32>
      %convert_element_type3A_1006 = arith.sitofp %convert_element_type3A_1004 : vector<16xi32> to vector<16xf32>
      %sub3A_1007 = arith.subf %add3A_1000, %convert_element_type3A_1006 : vector<16xf32>
      %convert_element_type3A_1008 = arith.sitofp %convert_element_type3A_1005 : vector<16xi32> to vector<16xf32>
      %sub3A_1009 = arith.subf %add3A_1003, %convert_element_type3A_1008 : vector<16xf32>
      %min3A_1010 = arith.minsi %convert_element_type3A_1004, %sub3A_997 : vector<16xi32>
      %min3A_1011 = arith.minsi %convert_element_type3A_1005, %sub3A_997 : vector<16xi32>
      %add3A_1012 = arith.constant 1 : i32
      %add3A_1013 = vector.broadcast %add3A_1012 : i32 to vector<16xi32>
      %add3A_1014 = arith.addi %convert_element_type3A_1004, %add3A_1013 : vector<16xi32>
      %min3A_1015 = arith.minsi %add3A_1014, %sub3A_997 : vector<16xi32>
      %add3A_1016 = arith.constant 1 : i32
      %add3A_1017 = vector.broadcast %add3A_1016 : i32 to vector<16xi32>
      %add3A_1018 = arith.addi %convert_element_type3A_1005, %add3A_1017 : vector<16xi32>
      %min3A_1019 = arith.minsi %add3A_1018, %sub3A_997 : vector<16xi32>
      %mul3A_1020 = arith.muli %min3A_1011, %get3A_992 : vector<16xi32>
      %add3A_1021 = arith.addi %get3A_994, %mul3A_1020 : vector<16xi32>
      %mul3A_1022 = arith.muli %min3A_1019, %get3A_992 : vector<16xi32>
      %add3A_1023 = arith.addi %get3A_994, %mul3A_1022 : vector<16xi32>
      %add3A_1024 = arith.addi %add3A_1021, %min3A_1010 : vector<16xi32>
      %swap3A_1025 = arith.constant 16 : index
      %swap3A_1026 = tpu.vector_load %arg13[%swap3A_1025] {strides = array<i32>} : memref<128xi32, #tpu.memory_space<vmem>>, vector<16xi32>,
      tpu.vector_store %arg13[%swap3A_1025], %add3A_1024 {strides = array<i32>} : memref<128xi32, #tpu.memory_space<vmem>>, vector<16xi32>,
      %add3A_1027 = arith.addi %add3A_1021, %min3A_1015 : vector<16xi32>
      %swap3A_1028 = arith.constant 48 : index
      %swap3A_1029 = tpu.vector_load %arg13[%swap3A_1028] {strides = array<i32>} : memref<128xi32, #tpu.memory_space<vmem>>, vector<16xi32>,
      tpu.vector_store %arg13[%swap3A_1028], %add3A_1027 {strides = array<i32>} : memref<128xi32, #tpu.memory_space<vmem>>, vector<16xi32>,
      %add3A_1030 = arith.addi %add3A_1023, %min3A_1010 : vector<16xi32>
      %swap3A_1031 = arith.constant 80 : index
      %swap3A_1032 = tpu.vector_load %arg13[%swap3A_1031] {strides = array<i32>} : memref<128xi32, #tpu.memory_space<vmem>>, vector<16xi32>,
      tpu.vector_store %arg13[%swap3A_1031], %add3A_1030 {strides = array<i32>} : memref<128xi32, #tpu.memory_space<vmem>>, vector<16xi32>,
      %add3A_1033 = arith.addi %add3A_1023, %min3A_1015 : vector<16xi32>
      %swap3A_1034 = arith.constant 112 : index
      %swap3A_1035 = tpu.vector_load %arg13[%swap3A_1034] {strides = array<i32>} : memref<128xi32, #tpu.memory_space<vmem>>, vector<16xi32>,
      tpu.vector_store %arg13[%swap3A_1034], %add3A_1033 {strides = array<i32>} : memref<128xi32, #tpu.memory_space<vmem>>, vector<16xi32>,
      %sub3A_1036 = arith.constant 1.000000e+00 : f32
      %sub3A_1037 = vector.broadcast %sub3A_1036 : f32 to vector<16xf32>
      %sub3A_1038 = arith.subf %sub3A_1037, %sub3A_1007 : vector<16xf32>
      %sub3A_1039 = arith.constant 1.000000e+00 : f32
      %sub3A_1040 = vector.broadcast %sub3A_1039 : f32 to vector<16xf32>
      %sub3A_1041 = arith.subf %sub3A_1040, %sub3A_1009 : vector<16xf32>
      %mul3A_1042 = arith.mulf %sub3A_1041, %sub3A_1038 : vector<16xf32>
      %swap3A_1043 = arith.constant 80 : index
      %swap3A_1044 = tpu.vector_load %arg19[%swap3A_1043] {strides = array<i32>} : memref<608xf32, #tpu.memory_space<vmem>>, vector<16xf32>,
      tpu.vector_store %arg19[%swap3A_1043], %mul3A_1042 {strides = array<i32>} : memref<608xf32, #tpu.memory_space<vmem>>, vector<16xf32>,
      %mul3A_1045 = arith.mulf %sub3A_1041, %sub3A_1007 : vector<16xf32>
      %swap3A_1046 = arith.constant 224 : index
      %swap3A_1047 = tpu.vector_load %arg19[%swap3A_1046] {strides = array<i32>} : memref<608xf32, #tpu.memory_space<vmem>>, vector<16xf32>,
      tpu.vector_store %arg19[%swap3A_1046], %mul3A_1045 {strides = array<i32>} : memref<608xf32, #tpu.memory_space<vmem>>, vector<16xf32>,
      %mul3A_1048 = arith.mulf %sub3A_1009, %sub3A_1038 : vector<16xf32>
      %swap3A_1049 = arith.constant 368 : index
      %swap3A_1050 = tpu.vector_load %arg19[%swap3A_1049] {strides = array<i32>} : memref<608xf32, #tpu.memory_space<vmem>>, vector<16xf32>,
      tpu.vector_store %arg19[%swap3A_1049], %mul3A_1048 {strides = array<i32>} : memref<608xf32, #tpu.memory_space<vmem>>, vector<16xf32>,
      %mul3A_1051 = arith.mulf %sub3A_1009, %sub3A_1007 : vector<16xf32>
      %swap3A_1052 = arith.constant 512 : index
      %swap3A_1053 = tpu.vector_load %arg19[%swap3A_1052] {strides = array<i32>} : memref<608xf32, #tpu.memory_space<vmem>>, vector<16xf32>,
      tpu.vector_store %arg19[%swap3A_1052], %mul3A_1051 {strides = array<i32>} : memref<608xf32, #tpu.memory_space<vmem>>, vector<16xf32>,
      %dma_start3A = arith.constant 0 : i32
      %dma_start3A_1054 = arith.constant 0 : i32
      %dma_start3A_1055 = tpu.memref_slice %arg6[%dma_start3A, %dma_start3A_1054] : memref<21760x192xf32, #tpu.memory_space<hbm>> -> memref<21760x192xf32, #tpu.memory_space<hbm>>
      tpu.enqueue_indirect_dma source(%dma_start3A_1055 : memref<21760x192xf32, #tpu.memory_space<hbm>>) target(%arg17 : memref<128x192xf32, #tpu.memory_space<vmem>>) offsets(%arg13 : memref<128xi32, #tpu.memory_space<vmem>>) semaphore(%arg23 : memref<!tpu.dma_semaphore, #tpu.memory_space<semaphore_mem>>)
    } else {
    }
    %gt3A_854 = arith.constant 0 : i32
    %gt3A_855 = arith.cmpi sgt, %sub3A_3, %gt3A_854 : i32
    %convert_element_type3A_856 = arith.extui %gt3A_855 : i1 to i32
    %cond3A_857 = arith.constant 0 : i32
    %cond3A_858 = arith.cmpi ne, %convert_element_type3A_856, %cond3A_857 : i32
    scf.if %cond3A_858 {
      %add3A_877 = arith.constant 0 : i32
      %add3A_878 = arith.addi %add3A_877, %shift_right_arithmetic3A_2 : i32
      %jit3A_879 = arith.constant 7 : i32
      %div3A_880 = arith.divsi %add3A_878, %jit3A_879 : i32
      %sign3A = arith.constant 0 : i32
      %sign3A_881 = arith.cmpi sgt, %add3A_878, %sign3A : i32
      %sign3A_882 = arith.extui %sign3A_881 : i1 to i32
      %sign3A_883 = arith.constant 0 : i32
      %sign3A_884 = arith.cmpi slt, %add3A_878, %sign3A_883 : i32
      %sign3A_885 = arith.extui %sign3A_884 : i1 to i32
      %sign3A_886 = arith.subi %sign3A_882, %sign3A_885 : i32
      %sign3A_887 = arith.constant 0 : i32
      %sign3A_888 = arith.cmpi sgt, %jit3A_879, %sign3A_887 : i32
      %sign3A_889 = arith.extui %sign3A_888 : i1 to i32
      %sign3A_890 = arith.constant 0 : i32
      %sign3A_891 = arith.cmpi slt, %jit3A_879, %sign3A_890 : i32
      %sign3A_892 = arith.extui %sign3A_891 : i1 to i32
      %sign3A_893 = arith.subi %sign3A_889, %sign3A_892 : i32
      %ne3A = arith.cmpi ne, %sign3A_886, %sign3A_893 : i32
      %rem3A = arith.remsi %add3A_878, %jit3A_879 : i32
      %ne3A_894 = arith.constant 0 : i32
      %ne3A_895 = arith.cmpi ne, %rem3A, %ne3A_894 : i32
      %and3A_896 = arith.andi %ne3A, %ne3A_895 : i1
      %sub3A_897 = arith.constant 1 : i32
      %sub3A_898 = arith.subi %div3A_880, %sub3A_897 : i32
      %select_n3A_899 = arith.select %and3A_896, %sub3A_898, %div3A_880 : i32
      %mul3A_900 = arith.constant 7 : i32
      %mul3A_901 = arith.muli %select_n3A_899, %mul3A_900 : i32
      %sub3A_902 = arith.subi %add3A_878, %mul3A_901 : i32
      %add3A_903 = arith.constant 576 : i32
      %add3A_904 = arith.addi %add3A_903, %select_n3A_899 : i32
      %get3A_905 = arith.index_cast %add3A_904 : i32 to index
      %get3A_906 = tpu.vector_load %arg19[%get3A_905] {strides = array<i32>} : memref<608xf32, #tpu.memory_space<vmem>>, vector<16xf32>,
      %slice3A = vector.extract_strided_slice %get3A_906 {offsets = [0], sizes = [1], strides = [1]} : vector<16xf32> to vector<1xf32>
      %squeeze3A = vector.extract %slice3A[0] : f32 from vector<1xf32>
      %add3A_907 = arith.constant 576 : i32
      %add3A_908 = arith.addi %add3A_907, %sub3A_902 : i32
      %get3A_909 = arith.index_cast %add3A_908 : i32 to index
      %get3A_910 = tpu.vector_load %arg19[%get3A_909] {strides = array<i32>} : memref<608xf32, #tpu.memory_space<vmem>>, vector<16xf32>,
      %slice3A_911 = vector.extract_strided_slice %get3A_910 {offsets = [0], sizes = [1], strides = [1]} : vector<16xf32> to vector<1xf32>
      %squeeze3A_912 = vector.extract %slice3A_911[0] : f32 from vector<1xf32>
      %get3A_913 = arith.constant 96 : index
      %get3A_914 = tpu.vector_load %arg10[%get3A_913] {strides = array<i32>} : memref<576xf32, #tpu.memory_space<vmem>>, vector<16xf32>,
      %get3A_915 = arith.constant 240 : index
      %get3A_916 = tpu.vector_load %arg10[%get3A_915] {strides = array<i32>} : memref<576xf32, #tpu.memory_space<vmem>>, vector<16xf32>,
      %get3A_917 = arith.constant 384 : index
      %get3A_918 = tpu.vector_load %arg10[%get3A_917] {strides = array<i32>} : memref<576xf32, #tpu.memory_space<vmem>>, vector<16xf32>,
      %get3A_919 = arith.constant 528 : index
      %get3A_920 = tpu.vector_load %arg10[%get3A_919] {strides = array<i32>} : memref<576xf32, #tpu.memory_space<vmem>>, vector<16xf32>,
      %get3A_921 = arith.constant 96 : index
      %get3A_922 = tpu.vector_load %arg9[%get3A_921] {strides = array<i32>} : memref<288xi32, #tpu.memory_space<vmem>>, vector<16xi32>,
      %get3A_923 = arith.constant 240 : index
      %get3A_924 = tpu.vector_load %arg9[%get3A_923] {strides = array<i32>} : memref<288xi32, #tpu.memory_space<vmem>>, vector<16xi32>,
      %sub3A_925 = arith.constant 1 : i32
      %sub3A_926 = vector.broadcast %sub3A_925 : i32 to vector<16xi32>
      %sub3A_927 = arith.subi %get3A_922, %sub3A_926 : vector<16xi32>
      %mul3A_928 = vector.broadcast %squeeze3A_912 : f32 to vector<16xf32>
      %mul3A_929 = arith.mulf %get3A_918, %mul3A_928 : vector<16xf32>
      %add3A_930 = arith.addf %get3A_914, %mul3A_929 : vector<16xf32>
      %mul3A_931 = vector.broadcast %squeeze3A : f32 to vector<16xf32>
      %mul3A_932 = arith.mulf %get3A_920, %mul3A_931 : vector<16xf32>
      %add3A_933 = arith.addf %get3A_916, %mul3A_932 : vector<16xf32>
      %convert_element_type3A_934 = arith.fptosi %add3A_930 : vector<16xf32> to vector<16xi32>
      %convert_element_type3A_935 = arith.fptosi %add3A_933 : vector<16xf32> to vector<16xi32>
      %convert_element_type3A_936 = arith.sitofp %convert_element_type3A_934 : vector<16xi32> to vector<16xf32>
      %sub3A_937 = arith.subf %add3A_930, %convert_element_type3A_936 : vector<16xf32>
      %convert_element_type3A_938 = arith.sitofp %convert_element_type3A_935 : vector<16xi32> to vector<16xf32>
      %sub3A_939 = arith.subf %add3A_933, %convert_element_type3A_938 : vector<16xf32>
      %min3A = arith.minsi %convert_element_type3A_934, %sub3A_927 : vector<16xi32>
      %min3A_940 = arith.minsi %convert_element_type3A_935, %sub3A_927 : vector<16xi32>
      %add3A_941 = arith.constant 1 : i32
      %add3A_942 = vector.broadcast %add3A_941 : i32 to vector<16xi32>
      %add3A_943 = arith.addi %convert_element_type3A_934, %add3A_942 : vector<16xi32>
      %min3A_944 = arith.minsi %add3A_943, %sub3A_927 : vector<16xi32>
      %add3A_945 = arith.constant 1 : i32
      %add3A_946 = vector.broadcast %add3A_945 : i32 to vector<16xi32>
      %add3A_947 = arith.addi %convert_element_type3A_935, %add3A_946 : vector<16xi32>
      %min3A_948 = arith.minsi %add3A_947, %sub3A_927 : vector<16xi32>
      %mul3A_949 = arith.muli %min3A_940, %get3A_922 : vector<16xi32>
      %add3A_950 = arith.addi %get3A_924, %mul3A_949 : vector<16xi32>
      %mul3A_951 = arith.muli %min3A_948, %get3A_922 : vector<16xi32>
      %add3A_952 = arith.addi %get3A_924, %mul3A_951 : vector<16xi32>
      %add3A_953 = arith.addi %add3A_950, %min3A : vector<16xi32>
      %swap3A_954 = arith.constant 0 : index
      %swap3A_955 = tpu.vector_load %arg14[%swap3A_954] {strides = array<i32>} : memref<128xi32, #tpu.memory_space<vmem>>, vector<16xi32>,
      tpu.vector_store %arg14[%swap3A_954], %add3A_953 {strides = array<i32>} : memref<128xi32, #tpu.memory_space<vmem>>, vector<16xi32>,
      %add3A_956 = arith.addi %add3A_950, %min3A_944 : vector<16xi32>
      %swap3A_957 = arith.constant 32 : index
      %swap3A_958 = tpu.vector_load %arg14[%swap3A_957] {strides = array<i32>} : memref<128xi32, #tpu.memory_space<vmem>>, vector<16xi32>,
      tpu.vector_store %arg14[%swap3A_957], %add3A_956 {strides = array<i32>} : memref<128xi32, #tpu.memory_space<vmem>>, vector<16xi32>,
      %add3A_959 = arith.addi %add3A_952, %min3A : vector<16xi32>
      %swap3A_960 = arith.constant 64 : index
      %swap3A_961 = tpu.vector_load %arg14[%swap3A_960] {strides = array<i32>} : memref<128xi32, #tpu.memory_space<vmem>>, vector<16xi32>,
      tpu.vector_store %arg14[%swap3A_960], %add3A_959 {strides = array<i32>} : memref<128xi32, #tpu.memory_space<vmem>>, vector<16xi32>,
      %add3A_962 = arith.addi %add3A_952, %min3A_944 : vector<16xi32>
      %swap3A_963 = arith.constant 96 : index
      %swap3A_964 = tpu.vector_load %arg14[%swap3A_963] {strides = array<i32>} : memref<128xi32, #tpu.memory_space<vmem>>, vector<16xi32>,
      tpu.vector_store %arg14[%swap3A_963], %add3A_962 {strides = array<i32>} : memref<128xi32, #tpu.memory_space<vmem>>, vector<16xi32>,
      %sub3A_965 = arith.constant 1.000000e+00 : f32
      %sub3A_966 = vector.broadcast %sub3A_965 : f32 to vector<16xf32>
      %sub3A_967 = arith.subf %sub3A_966, %sub3A_937 : vector<16xf32>
      %sub3A_968 = arith.constant 1.000000e+00 : f32
      %sub3A_969 = vector.broadcast %sub3A_968 : f32 to vector<16xf32>
      %sub3A_970 = arith.subf %sub3A_969, %sub3A_939 : vector<16xf32>
      %mul3A_971 = arith.mulf %sub3A_970, %sub3A_967 : vector<16xf32>
      %swap3A_972 = arith.constant 96 : index
      %swap3A_973 = tpu.vector_load %arg19[%swap3A_972] {strides = array<i32>} : memref<608xf32, #tpu.memory_space<vmem>>, vector<16xf32>,
      tpu.vector_store %arg19[%swap3A_972], %mul3A_971 {strides = array<i32>} : memref<608xf32, #tpu.memory_space<vmem>>, vector<16xf32>,
      %mul3A_974 = arith.mulf %sub3A_970, %sub3A_937 : vector<16xf32>
      %swap3A_975 = arith.constant 240 : index
      %swap3A_976 = tpu.vector_load %arg19[%swap3A_975] {strides = array<i32>} : memref<608xf32, #tpu.memory_space<vmem>>, vector<16xf32>,
      tpu.vector_store %arg19[%swap3A_975], %mul3A_974 {strides = array<i32>} : memref<608xf32, #tpu.memory_space<vmem>>, vector<16xf32>,
      %mul3A_977 = arith.mulf %sub3A_939, %sub3A_967 : vector<16xf32>
      %swap3A_978 = arith.constant 384 : index
      %swap3A_979 = tpu.vector_load %arg19[%swap3A_978] {strides = array<i32>} : memref<608xf32, #tpu.memory_space<vmem>>, vector<16xf32>,
      tpu.vector_store %arg19[%swap3A_978], %mul3A_977 {strides = array<i32>} : memref<608xf32, #tpu.memory_space<vmem>>, vector<16xf32>,
      %mul3A_980 = arith.mulf %sub3A_939, %sub3A_937 : vector<16xf32>
      %swap3A_981 = arith.constant 528 : index
      %swap3A_982 = tpu.vector_load %arg19[%swap3A_981] {strides = array<i32>} : memref<608xf32, #tpu.memory_space<vmem>>, vector<16xf32>,
      tpu.vector_store %arg19[%swap3A_981], %mul3A_980 {strides = array<i32>} : memref<608xf32, #tpu.memory_space<vmem>>, vector<16xf32>,
      %get3A_983 = arith.constant 112 : index
      %get3A_984 = tpu.vector_load %arg10[%get3A_983] {strides = array<i32>} : memref<576xf32, #tpu.memory_space<vmem>>, vector<16xf32>,
      %get3A_985 = arith.constant 256 : index
      %get3A_986 = tpu.vector_load %arg10[%get3A_985] {strides = array<i32>} : memref<576xf32, #tpu.memory_space<vmem>>, vector<16xf32>,
      %get3A_987 = arith.constant 400 : index
      %get3A_988 = tpu.vector_load %arg10[%get3A_987] {strides = array<i32>} : memref<576xf32, #tpu.memory_space<vmem>>, vector<16xf32>,
      %get3A_989 = arith.constant 544 : index
      %get3A_990 = tpu.vector_load %arg10[%get3A_989] {strides = array<i32>} : memref<576xf32, #tpu.memory_space<vmem>>, vector<16xf32>,
      %get3A_991 = arith.constant 112 : index
      %get3A_992 = tpu.vector_load %arg9[%get3A_991] {strides = array<i32>} : memref<288xi32, #tpu.memory_space<vmem>>, vector<16xi32>,
      %get3A_993 = arith.constant 256 : index
      %get3A_994 = tpu.vector_load %arg9[%get3A_993] {strides = array<i32>} : memref<288xi32, #tpu.memory_space<vmem>>, vector<16xi32>,
      %sub3A_995 = arith.constant 1 : i32
      %sub3A_996 = vector.broadcast %sub3A_995 : i32 to vector<16xi32>
      %sub3A_997 = arith.subi %get3A_992, %sub3A_996 : vector<16xi32>
      %mul3A_998 = vector.broadcast %squeeze3A_912 : f32 to vector<16xf32>
      %mul3A_999 = arith.mulf %get3A_988, %mul3A_998 : vector<16xf32>
      %add3A_1000 = arith.addf %get3A_984, %mul3A_999 : vector<16xf32>
      %mul3A_1001 = vector.broadcast %squeeze3A : f32 to vector<16xf32>
      %mul3A_1002 = arith.mulf %get3A_990, %mul3A_1001 : vector<16xf32>
      %add3A_1003 = arith.addf %get3A_986, %mul3A_1002 : vector<16xf32>
      %convert_element_type3A_1004 = arith.fptosi %add3A_1000 : vector<16xf32> to vector<16xi32>
      %convert_element_type3A_1005 = arith.fptosi %add3A_1003 : vector<16xf32> to vector<16xi32>
      %convert_element_type3A_1006 = arith.sitofp %convert_element_type3A_1004 : vector<16xi32> to vector<16xf32>
      %sub3A_1007 = arith.subf %add3A_1000, %convert_element_type3A_1006 : vector<16xf32>
      %convert_element_type3A_1008 = arith.sitofp %convert_element_type3A_1005 : vector<16xi32> to vector<16xf32>
      %sub3A_1009 = arith.subf %add3A_1003, %convert_element_type3A_1008 : vector<16xf32>
      %min3A_1010 = arith.minsi %convert_element_type3A_1004, %sub3A_997 : vector<16xi32>
      %min3A_1011 = arith.minsi %convert_element_type3A_1005, %sub3A_997 : vector<16xi32>
      %add3A_1012 = arith.constant 1 : i32
      %add3A_1013 = vector.broadcast %add3A_1012 : i32 to vector<16xi32>
      %add3A_1014 = arith.addi %convert_element_type3A_1004, %add3A_1013 : vector<16xi32>
      %min3A_1015 = arith.minsi %add3A_1014, %sub3A_997 : vector<16xi32>
      %add3A_1016 = arith.constant 1 : i32
      %add3A_1017 = vector.broadcast %add3A_1016 : i32 to vector<16xi32>
      %add3A_1018 = arith.addi %convert_element_type3A_1005, %add3A_1017 : vector<16xi32>
      %min3A_1019 = arith.minsi %add3A_1018, %sub3A_997 : vector<16xi32>
      %mul3A_1020 = arith.muli %min3A_1011, %get3A_992 : vector<16xi32>
      %add3A_1021 = arith.addi %get3A_994, %mul3A_1020 : vector<16xi32>
      %mul3A_1022 = arith.muli %min3A_1019, %get3A_992 : vector<16xi32>
      %add3A_1023 = arith.addi %get3A_994, %mul3A_1022 : vector<16xi32>
      %add3A_1024 = arith.addi %add3A_1021, %min3A_1010 : vector<16xi32>
      %swap3A_1025 = arith.constant 16 : index
      %swap3A_1026 = tpu.vector_load %arg14[%swap3A_1025] {strides = array<i32>} : memref<128xi32, #tpu.memory_space<vmem>>, vector<16xi32>,
      tpu.vector_store %arg14[%swap3A_1025], %add3A_1024 {strides = array<i32>} : memref<128xi32, #tpu.memory_space<vmem>>, vector<16xi32>,
      %add3A_1027 = arith.addi %add3A_1021, %min3A_1015 : vector<16xi32>
      %swap3A_1028 = arith.constant 48 : index
      %swap3A_1029 = tpu.vector_load %arg14[%swap3A_1028] {strides = array<i32>} : memref<128xi32, #tpu.memory_space<vmem>>, vector<16xi32>,
      tpu.vector_store %arg14[%swap3A_1028], %add3A_1027 {strides = array<i32>} : memref<128xi32, #tpu.memory_space<vmem>>, vector<16xi32>,
      %add3A_1030 = arith.addi %add3A_1023, %min3A_1010 : vector<16xi32>
      %swap3A_1031 = arith.constant 80 : index
      %swap3A_1032 = tpu.vector_load %arg14[%swap3A_1031] {strides = array<i32>} : memref<128xi32, #tpu.memory_space<vmem>>, vector<16xi32>,
      tpu.vector_store %arg14[%swap3A_1031], %add3A_1030 {strides = array<i32>} : memref<128xi32, #tpu.memory_space<vmem>>, vector<16xi32>,
      %add3A_1033 = arith.addi %add3A_1023, %min3A_1015 : vector<16xi32>
      %swap3A_1034 = arith.constant 112 : index
      %swap3A_1035 = tpu.vector_load %arg14[%swap3A_1034] {strides = array<i32>} : memref<128xi32, #tpu.memory_space<vmem>>, vector<16xi32>,
      tpu.vector_store %arg14[%swap3A_1034], %add3A_1033 {strides = array<i32>} : memref<128xi32, #tpu.memory_space<vmem>>, vector<16xi32>,
      %sub3A_1036 = arith.constant 1.000000e+00 : f32
      %sub3A_1037 = vector.broadcast %sub3A_1036 : f32 to vector<16xf32>
      %sub3A_1038 = arith.subf %sub3A_1037, %sub3A_1007 : vector<16xf32>
      %sub3A_1039 = arith.constant 1.000000e+00 : f32
      %sub3A_1040 = vector.broadcast %sub3A_1039 : f32 to vector<16xf32>
      %sub3A_1041 = arith.subf %sub3A_1040, %sub3A_1009 : vector<16xf32>
      %mul3A_1042 = arith.mulf %sub3A_1041, %sub3A_1038 : vector<16xf32>
      %swap3A_1043 = arith.constant 112 : index
      %swap3A_1044 = tpu.vector_load %arg19[%swap3A_1043] {strides = array<i32>} : memref<608xf32, #tpu.memory_space<vmem>>, vector<16xf32>,
      tpu.vector_store %arg19[%swap3A_1043], %mul3A_1042 {strides = array<i32>} : memref<608xf32, #tpu.memory_space<vmem>>, vector<16xf32>,
      %mul3A_1045 = arith.mulf %sub3A_1041, %sub3A_1007 : vector<16xf32>
      %swap3A_1046 = arith.constant 256 : index
      %swap3A_1047 = tpu.vector_load %arg19[%swap3A_1046] {strides = array<i32>} : memref<608xf32, #tpu.memory_space<vmem>>, vector<16xf32>,
      tpu.vector_store %arg19[%swap3A_1046], %mul3A_1045 {strides = array<i32>} : memref<608xf32, #tpu.memory_space<vmem>>, vector<16xf32>,
      %mul3A_1048 = arith.mulf %sub3A_1009, %sub3A_1038 : vector<16xf32>
      %swap3A_1049 = arith.constant 400 : index
      %swap3A_1050 = tpu.vector_load %arg19[%swap3A_1049] {strides = array<i32>} : memref<608xf32, #tpu.memory_space<vmem>>, vector<16xf32>,
      tpu.vector_store %arg19[%swap3A_1049], %mul3A_1048 {strides = array<i32>} : memref<608xf32, #tpu.memory_space<vmem>>, vector<16xf32>,
      %mul3A_1051 = arith.mulf %sub3A_1009, %sub3A_1007 : vector<16xf32>
      %swap3A_1052 = arith.constant 544 : index
      %swap3A_1053 = tpu.vector_load %arg19[%swap3A_1052] {strides = array<i32>} : memref<608xf32, #tpu.memory_space<vmem>>, vector<16xf32>,
      tpu.vector_store %arg19[%swap3A_1052], %mul3A_1051 {strides = array<i32>} : memref<608xf32, #tpu.memory_space<vmem>>, vector<16xf32>,
      %dma_start3A = arith.constant 0 : i32
      %dma_start3A_1054 = arith.constant 0 : i32
      %dma_start3A_1055 = tpu.memref_slice %arg6[%dma_start3A, %dma_start3A_1054] : memref<21760x192xf32, #tpu.memory_space<hbm>> -> memref<21760x192xf32, #tpu.memory_space<hbm>>
      tpu.enqueue_indirect_dma source(%dma_start3A_1055 : memref<21760x192xf32, #tpu.memory_space<hbm>>) target(%arg18 : memref<128x192xf32, #tpu.memory_space<vmem>>) offsets(%arg14 : memref<128xi32, #tpu.memory_space<vmem>>) semaphore(%arg24 : memref<!tpu.dma_semaphore, #tpu.memory_space<semaphore_mem>>)
    } else {
    }
    %scan3A = arith.constant 0 : i32
    %scan3A_859 = arith.constant 0 : i32
    %scan3A_860 = arith.constant 25 : i32
    %scan3A_861 = arith.addi %scan3A_859, %scan3A_860 : i32
    %scan3A_862 = arith.constant 1 : i32
    %scan3A_863 = scf.for %scan3A_877 = %scan3A_859 to %scan3A_861 step %scan3A_862 iter_args(%scan3A_878 = %scan3A) -> (i32)  : i32 {
      %lt3A = arith.cmpi slt, %scan3A_877, %sub3A_3 : i32
      %convert_element_type3A_879 = arith.extui %lt3A : i1 to i32
      %cond3A_880 = arith.constant 0 : i32
      %cond3A_881 = arith.cmpi ne, %convert_element_type3A_879, %cond3A_880 : i32
      scf.if %cond3A_881 {
        %mul3A_883 = arith.constant 2 : i32
        %mul3A_884 = arith.muli %mul3A_883, %scan3A_877 : i32
        %add3A_885 = arith.addi %mul3A_884, %shift_right_arithmetic3A_2 : i32
        %jit3A_886 = arith.constant 7 : i32
        %div3A_887 = arith.divsi %add3A_885, %jit3A_886 : i32
        %sign3A = arith.constant 0 : i32
        %sign3A_888 = arith.cmpi sgt, %add3A_885, %sign3A : i32
        %sign3A_889 = arith.extui %sign3A_888 : i1 to i32
        %sign3A_890 = arith.constant 0 : i32
        %sign3A_891 = arith.cmpi slt, %add3A_885, %sign3A_890 : i32
        %sign3A_892 = arith.extui %sign3A_891 : i1 to i32
        %sign3A_893 = arith.subi %sign3A_889, %sign3A_892 : i32
        %sign3A_894 = arith.constant 0 : i32
        %sign3A_895 = arith.cmpi sgt, %jit3A_886, %sign3A_894 : i32
        %sign3A_896 = arith.extui %sign3A_895 : i1 to i32
        %sign3A_897 = arith.constant 0 : i32
        %sign3A_898 = arith.cmpi slt, %jit3A_886, %sign3A_897 : i32
        %sign3A_899 = arith.extui %sign3A_898 : i1 to i32
        %sign3A_900 = arith.subi %sign3A_896, %sign3A_899 : i32
        %ne3A = arith.cmpi ne, %sign3A_893, %sign3A_900 : i32
        %rem3A = arith.remsi %add3A_885, %jit3A_886 : i32
        %ne3A_901 = arith.constant 0 : i32
        %ne3A_902 = arith.cmpi ne, %rem3A, %ne3A_901 : i32
        %and3A_903 = arith.andi %ne3A, %ne3A_902 : i1
        %sub3A_904 = arith.constant 1 : i32
        %sub3A_905 = arith.subi %div3A_887, %sub3A_904 : i32
        %select_n3A_906 = arith.select %and3A_903, %sub3A_905, %div3A_887 : i32
        %mul3A_907 = arith.constant 7 : i32
        %mul3A_908 = arith.muli %select_n3A_906, %mul3A_907 : i32
        %sub3A_909 = arith.subi %add3A_885, %mul3A_908 : i32
        %dma_wait3A_910 = arith.constant 0 : i32
        %dma_wait3A_911 = arith.constant 0 : i32
        %dma_wait3A_912 = tpu.memref_slice %arg6[%dma_wait3A_910, %dma_wait3A_911] : memref<21760x192xf32, #tpu.memory_space<hbm>> -> memref<21760x192xf32, #tpu.memory_space<hbm>>
        tpu.wait_indirect_dma semaphore(%arg21 : memref<!tpu.dma_semaphore, #tpu.memory_space<semaphore_mem>>) src(%dma_wait3A_912 : memref<21760x192xf32, #tpu.memory_space<hbm>>) dst(%arg15 : memref<128x192xf32, #tpu.memory_space<vmem>>)
        %ge3A = arith.constant 1 : i32
        %ge3A_913 = arith.cmpi sge, %scan3A_877, %ge3A : i32
        %convert_element_type3A_914 = arith.extui %ge3A_913 : i1 to i32
        %cond3A_915 = arith.constant 0 : i32
        %cond3A_916 = arith.cmpi ne, %convert_element_type3A_914, %cond3A_915 : i32
        scf.if %cond3A_916 {
          %dma_wait3A_987 = arith.constant 0 : i32
          %dma_wait3A_988 = arith.constant 0 : i32
          %dma_wait3A_989 = arith.constant 0 : i32
          %dma_wait3A_990 = arith.constant 0 : i32
          %dma_wait3A_991 = arith.constant 0 : i32
          %dma_wait3A_992 = arith.constant 0 : i32
          %dma_wait3A_993 = tpu.memref_slice %arg7[%dma_wait3A_987, %dma_wait3A_988, %dma_wait3A_990, %dma_wait3A_989, %dma_wait3A_991, %dma_wait3A_992] : memref<7x7x24x16x8x128xf32, #tpu.memory_space<hbm>> -> memref<1x1x24x1x8x128xf32, #tpu.memory_space<hbm>>
          %dma_wait3A_994 = tpu.memref_squeeze %dma_wait3A_993 : memref<1x1x24x1x8x128xf32, #tpu.memory_space<hbm>> -> memref<24x8x128xf32, #tpu.memory_space<hbm>>
          %dma_wait3A_995 = arith.constant 0 : i32
          %dma_wait3A_996 = arith.constant 0 : i32
          %dma_wait3A_997 = arith.constant 0 : i32
          %dma_wait3A_998 = tpu.memref_slice %arg7[%dma_wait3A_987, %dma_wait3A_988, %dma_wait3A_995, %dma_wait3A_989, %dma_wait3A_996, %dma_wait3A_997] : memref<7x7x24x16x8x128xf32, #tpu.memory_space<hbm>> -> memref<1x1x24x1x8x128xf32, #tpu.memory_space<hbm>>
          %dma_wait3A_999 = tpu.memref_squeeze %dma_wait3A_998 : memref<1x1x24x1x8x128xf32, #tpu.memory_space<hbm>> -> memref<24x8x128xf32, #tpu.memory_space<hbm>>
          tpu.wait_dma2 semaphore(%arg25 : memref<!tpu.dma_semaphore, #tpu.memory_space<semaphore_mem>>) src(%arg20 : memref<24x8x128xf32, #tpu.memory_space<vmem>>) dst(%dma_wait3A_999 : memref<24x8x128xf32, #tpu.memory_space<hbm>>)
        } else {
        }
        %scan3A_917 = arith.constant 0 : i32
        %scan3A_918 = arith.constant 0 : i32
        %scan3A_919 = arith.constant 32 : i32
        %scan3A_920 = arith.addi %scan3A_918, %scan3A_919 : i32
        %scan3A_921 = arith.constant 1 : i32
        %scan3A_922 = scf.for %scan3A_987 = %scan3A_918 to %scan3A_920 step %scan3A_921 iter_args(%scan3A_988 = %scan3A_917) -> (i32)  : i32 {
          %add3A_989 = arith.constant 0 : i32
          %add3A_990 = arith.addi %add3A_989, %scan3A_987 : i32
          %add3A_991 = arith.constant 0 : i32
          %add3A_992 = arith.addi %add3A_991, %add3A_990 : i32
          %get3A_993 = arith.index_cast %add3A_992 : i32 to index
          %get3A_994 = tpu.vector_load %arg19[%get3A_993] {strides = array<i32>} : memref<608xf32, #tpu.memory_space<vmem>>, vector<16xf32>,
          %slice3A = vector.extract_strided_slice %get3A_994 {offsets = [0], sizes = [1], strides = [1]} : vector<16xf32> to vector<1xf32>
          %squeeze3A = vector.extract %slice3A[0] : f32 from vector<1xf32>
          %add3A_995 = arith.constant 144 : i32
          %add3A_996 = arith.addi %add3A_995, %add3A_990 : i32
          %get3A_997 = arith.index_cast %add3A_996 : i32 to index
          %get3A_998 = tpu.vector_load %arg19[%get3A_997] {strides = array<i32>} : memref<608xf32, #tpu.memory_space<vmem>>, vector<16xf32>,
          %slice3A_999 = vector.extract_strided_slice %get3A_998 {offsets = [0], sizes = [1], strides = [1]} : vector<16xf32> to vector<1xf32>
          %squeeze3A_1000 = vector.extract %slice3A_999[0] : f32 from vector<1xf32>
          %add3A_1001 = arith.constant 288 : i32
          %add3A_1002 = arith.addi %add3A_1001, %add3A_990 : i32
          %get3A_1003 = arith.index_cast %add3A_1002 : i32 to index
          %get3A_1004 = tpu.vector_load %arg19[%get3A_1003] {strides = array<i32>} : memref<608xf32, #tpu.memory_space<vmem>>, vector<16xf32>,
          %slice3A_1005 = vector.extract_strided_slice %get3A_1004 {offsets = [0], sizes = [1], strides = [1]} : vector<16xf32> to vector<1xf32>
          %squeeze3A_1006 = vector.extract %slice3A_1005[0] : f32 from vector<1xf32>
          %add3A_1007 = arith.constant 432 : i32
          %add3A_1008 = arith.addi %add3A_1007, %add3A_990 : i32
          %get3A_1009 = arith.index_cast %add3A_1008 : i32 to index
          %get3A_1010 = tpu.vector_load %arg19[%get3A_1009] {strides = array<i32>} : memref<608xf32, #tpu.memory_space<vmem>>, vector<16xf32>,
          %slice3A_1011 = vector.extract_strided_slice %get3A_1010 {offsets = [0], sizes = [1], strides = [1]} : vector<16xf32> to vector<1xf32>
          %squeeze3A_1012 = vector.extract %slice3A_1011[0] : f32 from vector<1xf32>
          %get3A_1013 = arith.index_cast %scan3A_987 : i32 to index
          %get3A_1014 = arith.constant 0 : index
          %get3A_1015 = tpu.vector_load %arg15[%get3A_1013, %get3A_1014] {strides = array<i32>} : memref<128x192xf32, #tpu.memory_space<vmem>>, vector<16xf32>,
          %mul3A_1016 = vector.broadcast %squeeze3A : f32 to vector<16xf32>
          %mul3A_1017 = arith.mulf %mul3A_1016, %get3A_1015 : vector<16xf32>
          %add3A_1018 = arith.constant 32 : i32
          %add3A_1019 = arith.addi %add3A_1018, %scan3A_987 : i32
          %get3A_1020 = arith.index_cast %add3A_1019 : i32 to index
          %get3A_1021 = arith.constant 0 : index
          %get3A_1022 = tpu.vector_load %arg15[%get3A_1020, %get3A_1021] {strides = array<i32>} : memref<128x192xf32, #tpu.memory_space<vmem>>, vector<16xf32>,
          %mul3A_1023 = vector.broadcast %squeeze3A_1000 : f32 to vector<16xf32>
          %mul3A_1024 = arith.mulf %mul3A_1023, %get3A_1022 : vector<16xf32>
          %add3A_1025 = arith.addf %mul3A_1017, %mul3A_1024 : vector<16xf32>
          %add3A_1026 = arith.constant 64 : i32
          %add3A_1027 = arith.addi %add3A_1026, %scan3A_987 : i32
          %get3A_1028 = arith.index_cast %add3A_1027 : i32 to index
          %get3A_1029 = arith.constant 0 : index
          %get3A_1030 = tpu.vector_load %arg15[%get3A_1028, %get3A_1029] {strides = array<i32>} : memref<128x192xf32, #tpu.memory_space<vmem>>, vector<16xf32>,
          %mul3A_1031 = vector.broadcast %squeeze3A_1006 : f32 to vector<16xf32>
          %mul3A_1032 = arith.mulf %mul3A_1031, %get3A_1030 : vector<16xf32>
          %add3A_1033 = arith.addf %add3A_1025, %mul3A_1032 : vector<16xf32>
          %add3A_1034 = arith.constant 96 : i32
          %add3A_1035 = arith.addi %add3A_1034, %scan3A_987 : i32
          %get3A_1036 = arith.index_cast %add3A_1035 : i32 to index
          %get3A_1037 = arith.constant 0 : index
          %get3A_1038 = tpu.vector_load %arg15[%get3A_1036, %get3A_1037] {strides = array<i32>} : memref<128x192xf32, #tpu.memory_space<vmem>>, vector<16xf32>,
          %mul3A_1039 = vector.broadcast %squeeze3A_1012 : f32 to vector<16xf32>
          %mul3A_1040 = arith.mulf %mul3A_1039, %get3A_1038 : vector<16xf32>
          %add3A_1041 = arith.addf %add3A_1033, %mul3A_1040 : vector<16xf32>
          %get3A_1042 = arith.index_cast %scan3A_987 : i32 to index
          %get3A_1043 = arith.constant 16 : index
          %get3A_1044 = tpu.vector_load %arg15[%get3A_1042, %get3A_1043] {strides = array<i32>} : memref<128x192xf32, #tpu.memory_space<vmem>>, vector<16xf32>,
          %mul3A_1045 = vector.broadcast %squeeze3A : f32 to vector<16xf32>
          %mul3A_1046 = arith.mulf %mul3A_1045, %get3A_1044 : vector<16xf32>
          %add3A_1047 = arith.constant 32 : i32
          %add3A_1048 = arith.addi %add3A_1047, %scan3A_987 : i32
          %get3A_1049 = arith.index_cast %add3A_1048 : i32 to index
          %get3A_1050 = arith.constant 16 : index
          %get3A_1051 = tpu.vector_load %arg15[%get3A_1049, %get3A_1050] {strides = array<i32>} : memref<128x192xf32, #tpu.memory_space<vmem>>, vector<16xf32>,
          %mul3A_1052 = vector.broadcast %squeeze3A_1000 : f32 to vector<16xf32>
          %mul3A_1053 = arith.mulf %mul3A_1052, %get3A_1051 : vector<16xf32>
          %add3A_1054 = arith.addf %mul3A_1046, %mul3A_1053 : vector<16xf32>
          %add3A_1055 = arith.constant 64 : i32
          %add3A_1056 = arith.addi %add3A_1055, %scan3A_987 : i32
          %get3A_1057 = arith.index_cast %add3A_1056 : i32 to index
          %get3A_1058 = arith.constant 16 : index
          %get3A_1059 = tpu.vector_load %arg15[%get3A_1057, %get3A_1058] {strides = array<i32>} : memref<128x192xf32, #tpu.memory_space<vmem>>, vector<16xf32>,
          %mul3A_1060 = vector.broadcast %squeeze3A_1006 : f32 to vector<16xf32>
          %mul3A_1061 = arith.mulf %mul3A_1060, %get3A_1059 : vector<16xf32>
          %add3A_1062 = arith.addf %add3A_1054, %mul3A_1061 : vector<16xf32>
          %add3A_1063 = arith.constant 96 : i32
          %add3A_1064 = arith.addi %add3A_1063, %scan3A_987 : i32
          %get3A_1065 = arith.index_cast %add3A_1064 : i32 to index
          %get3A_1066 = arith.constant 16 : index
          %get3A_1067 = tpu.vector_load %arg15[%get3A_1065, %get3A_1066] {strides = array<i32>} : memref<128x192xf32, #tpu.memory_space<vmem>>, vector<16xf32>,
          %mul3A_1068 = vector.broadcast %squeeze3A_1012 : f32 to vector<16xf32>
          %mul3A_1069 = arith.mulf %mul3A_1068, %get3A_1067 : vector<16xf32>
          %add3A_1070 = arith.addf %add3A_1062, %mul3A_1069 : vector<16xf32>
          %get3A_1071 = arith.index_cast %scan3A_987 : i32 to index
          %get3A_1072 = arith.constant 32 : index
          %get3A_1073 = tpu.vector_load %arg15[%get3A_1071, %get3A_1072] {strides = array<i32>} : memref<128x192xf32, #tpu.memory_space<vmem>>, vector<16xf32>,
          %mul3A_1074 = vector.broadcast %squeeze3A : f32 to vector<16xf32>
          %mul3A_1075 = arith.mulf %mul3A_1074, %get3A_1073 : vector<16xf32>
          %add3A_1076 = arith.constant 32 : i32
          %add3A_1077 = arith.addi %add3A_1076, %scan3A_987 : i32
          %get3A_1078 = arith.index_cast %add3A_1077 : i32 to index
          %get3A_1079 = arith.constant 32 : index
          %get3A_1080 = tpu.vector_load %arg15[%get3A_1078, %get3A_1079] {strides = array<i32>} : memref<128x192xf32, #tpu.memory_space<vmem>>, vector<16xf32>,
          %mul3A_1081 = vector.broadcast %squeeze3A_1000 : f32 to vector<16xf32>
          %mul3A_1082 = arith.mulf %mul3A_1081, %get3A_1080 : vector<16xf32>
          %add3A_1083 = arith.addf %mul3A_1075, %mul3A_1082 : vector<16xf32>
          %add3A_1084 = arith.constant 64 : i32
          %add3A_1085 = arith.addi %add3A_1084, %scan3A_987 : i32
          %get3A_1086 = arith.index_cast %add3A_1085 : i32 to index
          %get3A_1087 = arith.constant 32 : index
          %get3A_1088 = tpu.vector_load %arg15[%get3A_1086, %get3A_1087] {strides = array<i32>} : memref<128x192xf32, #tpu.memory_space<vmem>>, vector<16xf32>,
          %mul3A_1089 = vector.broadcast %squeeze3A_1006 : f32 to vector<16xf32>
          %mul3A_1090 = arith.mulf %mul3A_1089, %get3A_1088 : vector<16xf32>
          %add3A_1091 = arith.addf %add3A_1083, %mul3A_1090 : vector<16xf32>
          %add3A_1092 = arith.constant 96 : i32
          %add3A_1093 = arith.addi %add3A_1092, %scan3A_987 : i32
          %get3A_1094 = arith.index_cast %add3A_1093 : i32 to index
          %get3A_1095 = arith.constant 32 : index
          %get3A_1096 = tpu.vector_load %arg15[%get3A_1094, %get3A_1095] {strides = array<i32>} : memref<128x192xf32, #tpu.memory_space<vmem>>, vector<16xf32>,
          %mul3A_1097 = vector.broadcast %squeeze3A_1012 : f32 to vector<16xf32>
          %mul3A_1098 = arith.mulf %mul3A_1097, %get3A_1096 : vector<16xf32>
          %add3A_1099 = arith.addf %add3A_1091, %mul3A_1098 : vector<16xf32>
          %get3A_1100 = arith.index_cast %scan3A_987 : i32 to index
          %get3A_1101 = arith.constant 48 : index
          %get3A_1102 = tpu.vector_load %arg15[%get3A_1100, %get3A_1101] {strides = array<i32>} : memref<128x192xf32, #tpu.memory_space<vmem>>, vector<16xf32>,
          %mul3A_1103 = vector.broadcast %squeeze3A : f32 to vector<16xf32>
          %mul3A_1104 = arith.mulf %mul3A_1103, %get3A_1102 : vector<16xf32>
          %add3A_1105 = arith.constant 32 : i32
          %add3A_1106 = arith.addi %add3A_1105, %scan3A_987 : i32
          %get3A_1107 = arith.index_cast %add3A_1106 : i32 to index
          %get3A_1108 = arith.constant 48 : index
          %get3A_1109 = tpu.vector_load %arg15[%get3A_1107, %get3A_1108] {strides = array<i32>} : memref<128x192xf32, #tpu.memory_space<vmem>>, vector<16xf32>,
          %mul3A_1110 = vector.broadcast %squeeze3A_1000 : f32 to vector<16xf32>
          %mul3A_1111 = arith.mulf %mul3A_1110, %get3A_1109 : vector<16xf32>
          %add3A_1112 = arith.addf %mul3A_1104, %mul3A_1111 : vector<16xf32>
          %add3A_1113 = arith.constant 64 : i32
          %add3A_1114 = arith.addi %add3A_1113, %scan3A_987 : i32
          %get3A_1115 = arith.index_cast %add3A_1114 : i32 to index
          %get3A_1116 = arith.constant 48 : index
          %get3A_1117 = tpu.vector_load %arg15[%get3A_1115, %get3A_1116] {strides = array<i32>} : memref<128x192xf32, #tpu.memory_space<vmem>>, vector<16xf32>,
          %mul3A_1118 = vector.broadcast %squeeze3A_1006 : f32 to vector<16xf32>
          %mul3A_1119 = arith.mulf %mul3A_1118, %get3A_1117 : vector<16xf32>
          %add3A_1120 = arith.addf %add3A_1112, %mul3A_1119 : vector<16xf32>
          %add3A_1121 = arith.constant 96 : i32
          %add3A_1122 = arith.addi %add3A_1121, %scan3A_987 : i32
          %get3A_1123 = arith.index_cast %add3A_1122 : i32 to index
          %get3A_1124 = arith.constant 48 : index
          %get3A_1125 = tpu.vector_load %arg15[%get3A_1123, %get3A_1124] {strides = array<i32>} : memref<128x192xf32, #tpu.memory_space<vmem>>, vector<16xf32>,
          %mul3A_1126 = vector.broadcast %squeeze3A_1012 : f32 to vector<16xf32>
          %mul3A_1127 = arith.mulf %mul3A_1126, %get3A_1125 : vector<16xf32>
          %add3A_1128 = arith.addf %add3A_1120, %mul3A_1127 : vector<16xf32>
          %get3A_1129 = arith.index_cast %scan3A_987 : i32 to index
          %get3A_1130 = arith.constant 64 : index
          %get3A_1131 = tpu.vector_load %arg15[%get3A_1129, %get3A_1130] {strides = array<i32>} : memref<128x192xf32, #tpu.memory_space<vmem>>, vector<16xf32>,
          %mul3A_1132 = vector.broadcast %squeeze3A : f32 to vector<16xf32>
          %mul3A_1133 = arith.mulf %mul3A_1132, %get3A_1131 : vector<16xf32>
          %add3A_1134 = arith.constant 32 : i32
          %add3A_1135 = arith.addi %add3A_1134, %scan3A_987 : i32
          %get3A_1136 = arith.index_cast %add3A_1135 : i32 to index
          %get3A_1137 = arith.constant 64 : index
          %get3A_1138 = tpu.vector_load %arg15[%get3A_1136, %get3A_1137] {strides = array<i32>} : memref<128x192xf32, #tpu.memory_space<vmem>>, vector<16xf32>,
          %mul3A_1139 = vector.broadcast %squeeze3A_1000 : f32 to vector<16xf32>
          %mul3A_1140 = arith.mulf %mul3A_1139, %get3A_1138 : vector<16xf32>
          %add3A_1141 = arith.addf %mul3A_1133, %mul3A_1140 : vector<16xf32>
          %add3A_1142 = arith.constant 64 : i32
          %add3A_1143 = arith.addi %add3A_1142, %scan3A_987 : i32
          %get3A_1144 = arith.index_cast %add3A_1143 : i32 to index
          %get3A_1145 = arith.constant 64 : index
          %get3A_1146 = tpu.vector_load %arg15[%get3A_1144, %get3A_1145] {strides = array<i32>} : memref<128x192xf32, #tpu.memory_space<vmem>>, vector<16xf32>,
          %mul3A_1147 = vector.broadcast %squeeze3A_1006 : f32 to vector<16xf32>
          %mul3A_1148 = arith.mulf %mul3A_1147, %get3A_1146 : vector<16xf32>
          %add3A_1149 = arith.addf %add3A_1141, %mul3A_1148 : vector<16xf32>
          %add3A_1150 = arith.constant 96 : i32
          %add3A_1151 = arith.addi %add3A_1150, %scan3A_987 : i32
          %get3A_1152 = arith.index_cast %add3A_1151 : i32 to index
          %get3A_1153 = arith.constant 64 : index
          %get3A_1154 = tpu.vector_load %arg15[%get3A_1152, %get3A_1153] {strides = array<i32>} : memref<128x192xf32, #tpu.memory_space<vmem>>, vector<16xf32>,
          %mul3A_1155 = vector.broadcast %squeeze3A_1012 : f32 to vector<16xf32>
          %mul3A_1156 = arith.mulf %mul3A_1155, %get3A_1154 : vector<16xf32>
          %add3A_1157 = arith.addf %add3A_1149, %mul3A_1156 : vector<16xf32>
          %get3A_1158 = arith.index_cast %scan3A_987 : i32 to index
          %get3A_1159 = arith.constant 80 : index
          %get3A_1160 = tpu.vector_load %arg15[%get3A_1158, %get3A_1159] {strides = array<i32>} : memref<128x192xf32, #tpu.memory_space<vmem>>, vector<16xf32>,
          %mul3A_1161 = vector.broadcast %squeeze3A : f32 to vector<16xf32>
          %mul3A_1162 = arith.mulf %mul3A_1161, %get3A_1160 : vector<16xf32>
          %add3A_1163 = arith.constant 32 : i32
          %add3A_1164 = arith.addi %add3A_1163, %scan3A_987 : i32
          %get3A_1165 = arith.index_cast %add3A_1164 : i32 to index
          %get3A_1166 = arith.constant 80 : index
          %get3A_1167 = tpu.vector_load %arg15[%get3A_1165, %get3A_1166] {strides = array<i32>} : memref<128x192xf32, #tpu.memory_space<vmem>>, vector<16xf32>,
          %mul3A_1168 = vector.broadcast %squeeze3A_1000 : f32 to vector<16xf32>
          %mul3A_1169 = arith.mulf %mul3A_1168, %get3A_1167 : vector<16xf32>
          %add3A_1170 = arith.addf %mul3A_1162, %mul3A_1169 : vector<16xf32>
          %add3A_1171 = arith.constant 64 : i32
          %add3A_1172 = arith.addi %add3A_1171, %scan3A_987 : i32
          %get3A_1173 = arith.index_cast %add3A_1172 : i32 to index
          %get3A_1174 = arith.constant 80 : index
          %get3A_1175 = tpu.vector_load %arg15[%get3A_1173, %get3A_1174] {strides = array<i32>} : memref<128x192xf32, #tpu.memory_space<vmem>>, vector<16xf32>,
          %mul3A_1176 = vector.broadcast %squeeze3A_1006 : f32 to vector<16xf32>
          %mul3A_1177 = arith.mulf %mul3A_1176, %get3A_1175 : vector<16xf32>
          %add3A_1178 = arith.addf %add3A_1170, %mul3A_1177 : vector<16xf32>
          %add3A_1179 = arith.constant 96 : i32
          %add3A_1180 = arith.addi %add3A_1179, %scan3A_987 : i32
          %get3A_1181 = arith.index_cast %add3A_1180 : i32 to index
          %get3A_1182 = arith.constant 80 : index
          %get3A_1183 = tpu.vector_load %arg15[%get3A_1181, %get3A_1182] {strides = array<i32>} : memref<128x192xf32, #tpu.memory_space<vmem>>, vector<16xf32>,
          %mul3A_1184 = vector.broadcast %squeeze3A_1012 : f32 to vector<16xf32>
          %mul3A_1185 = arith.mulf %mul3A_1184, %get3A_1183 : vector<16xf32>
          %add3A_1186 = arith.addf %add3A_1178, %mul3A_1185 : vector<16xf32>
          %get3A_1187 = arith.index_cast %scan3A_987 : i32 to index
          %get3A_1188 = arith.constant 96 : index
          %get3A_1189 = tpu.vector_load %arg15[%get3A_1187, %get3A_1188] {strides = array<i32>} : memref<128x192xf32, #tpu.memory_space<vmem>>, vector<16xf32>,
          %mul3A_1190 = vector.broadcast %squeeze3A : f32 to vector<16xf32>
          %mul3A_1191 = arith.mulf %mul3A_1190, %get3A_1189 : vector<16xf32>
          %add3A_1192 = arith.constant 32 : i32
          %add3A_1193 = arith.addi %add3A_1192, %scan3A_987 : i32
          %get3A_1194 = arith.index_cast %add3A_1193 : i32 to index
          %get3A_1195 = arith.constant 96 : index
          %get3A_1196 = tpu.vector_load %arg15[%get3A_1194, %get3A_1195] {strides = array<i32>} : memref<128x192xf32, #tpu.memory_space<vmem>>, vector<16xf32>,
          %mul3A_1197 = vector.broadcast %squeeze3A_1000 : f32 to vector<16xf32>
          %mul3A_1198 = arith.mulf %mul3A_1197, %get3A_1196 : vector<16xf32>
          %add3A_1199 = arith.addf %mul3A_1191, %mul3A_1198 : vector<16xf32>
          %add3A_1200 = arith.constant 64 : i32
          %add3A_1201 = arith.addi %add3A_1200, %scan3A_987 : i32
          %get3A_1202 = arith.index_cast %add3A_1201 : i32 to index
          %get3A_1203 = arith.constant 96 : index
          %get3A_1204 = tpu.vector_load %arg15[%get3A_1202, %get3A_1203] {strides = array<i32>} : memref<128x192xf32, #tpu.memory_space<vmem>>, vector<16xf32>,
          %mul3A_1205 = vector.broadcast %squeeze3A_1006 : f32 to vector<16xf32>
          %mul3A_1206 = arith.mulf %mul3A_1205, %get3A_1204 : vector<16xf32>
          %add3A_1207 = arith.addf %add3A_1199, %mul3A_1206 : vector<16xf32>
          %add3A_1208 = arith.constant 96 : i32
          %add3A_1209 = arith.addi %add3A_1208, %scan3A_987 : i32
          %get3A_1210 = arith.index_cast %add3A_1209 : i32 to index
          %get3A_1211 = arith.constant 96 : index
          %get3A_1212 = tpu.vector_load %arg15[%get3A_1210, %get3A_1211] {strides = array<i32>} : memref<128x192xf32, #tpu.memory_space<vmem>>, vector<16xf32>,
          %mul3A_1213 = vector.broadcast %squeeze3A_1012 : f32 to vector<16xf32>
          %mul3A_1214 = arith.mulf %mul3A_1213, %get3A_1212 : vector<16xf32>
          %add3A_1215 = arith.addf %add3A_1207, %mul3A_1214 : vector<16xf32>
          %get3A_1216 = arith.index_cast %scan3A_987 : i32 to index
          %get3A_1217 = arith.constant 112 : index
          %get3A_1218 = tpu.vector_load %arg15[%get3A_1216, %get3A_1217] {strides = array<i32>} : memref<128x192xf32, #tpu.memory_space<vmem>>, vector<16xf32>,
          %mul3A_1219 = vector.broadcast %squeeze3A : f32 to vector<16xf32>
          %mul3A_1220 = arith.mulf %mul3A_1219, %get3A_1218 : vector<16xf32>
          %add3A_1221 = arith.constant 32 : i32
          %add3A_1222 = arith.addi %add3A_1221, %scan3A_987 : i32
          %get3A_1223 = arith.index_cast %add3A_1222 : i32 to index
          %get3A_1224 = arith.constant 112 : index
          %get3A_1225 = tpu.vector_load %arg15[%get3A_1223, %get3A_1224] {strides = array<i32>} : memref<128x192xf32, #tpu.memory_space<vmem>>, vector<16xf32>,
          %mul3A_1226 = vector.broadcast %squeeze3A_1000 : f32 to vector<16xf32>
          %mul3A_1227 = arith.mulf %mul3A_1226, %get3A_1225 : vector<16xf32>
          %add3A_1228 = arith.addf %mul3A_1220, %mul3A_1227 : vector<16xf32>
          %add3A_1229 = arith.constant 64 : i32
          %add3A_1230 = arith.addi %add3A_1229, %scan3A_987 : i32
          %get3A_1231 = arith.index_cast %add3A_1230 : i32 to index
          %get3A_1232 = arith.constant 112 : index
          %get3A_1233 = tpu.vector_load %arg15[%get3A_1231, %get3A_1232] {strides = array<i32>} : memref<128x192xf32, #tpu.memory_space<vmem>>, vector<16xf32>,
          %mul3A_1234 = vector.broadcast %squeeze3A_1006 : f32 to vector<16xf32>
          %mul3A_1235 = arith.mulf %mul3A_1234, %get3A_1233 : vector<16xf32>
          %add3A_1236 = arith.addf %add3A_1228, %mul3A_1235 : vector<16xf32>
          %add3A_1237 = arith.constant 96 : i32
          %add3A_1238 = arith.addi %add3A_1237, %scan3A_987 : i32
          %get3A_1239 = arith.index_cast %add3A_1238 : i32 to index
          %get3A_1240 = arith.constant 112 : index
          %get3A_1241 = tpu.vector_load %arg15[%get3A_1239, %get3A_1240] {strides = array<i32>} : memref<128x192xf32, #tpu.memory_space<vmem>>, vector<16xf32>,
          %mul3A_1242 = vector.broadcast %squeeze3A_1012 : f32 to vector<16xf32>
          %mul3A_1243 = arith.mulf %mul3A_1242, %get3A_1241 : vector<16xf32>
          %add3A_1244 = arith.addf %add3A_1236, %mul3A_1243 : vector<16xf32>
          %get3A_1245 = arith.index_cast %scan3A_987 : i32 to index
          %get3A_1246 = arith.constant 128 : index
          %get3A_1247 = tpu.vector_load %arg15[%get3A_1245, %get3A_1246] {strides = array<i32>} : memref<128x192xf32, #tpu.memory_space<vmem>>, vector<16xf32>,
          %mul3A_1248 = vector.broadcast %squeeze3A : f32 to vector<16xf32>
          %mul3A_1249 = arith.mulf %mul3A_1248, %get3A_1247 : vector<16xf32>
          %add3A_1250 = arith.constant 32 : i32
          %add3A_1251 = arith.addi %add3A_1250, %scan3A_987 : i32
          %get3A_1252 = arith.index_cast %add3A_1251 : i32 to index
          %get3A_1253 = arith.constant 128 : index
          %get3A_1254 = tpu.vector_load %arg15[%get3A_1252, %get3A_1253] {strides = array<i32>} : memref<128x192xf32, #tpu.memory_space<vmem>>, vector<16xf32>,
          %mul3A_1255 = vector.broadcast %squeeze3A_1000 : f32 to vector<16xf32>
          %mul3A_1256 = arith.mulf %mul3A_1255, %get3A_1254 : vector<16xf32>
          %add3A_1257 = arith.addf %mul3A_1249, %mul3A_1256 : vector<16xf32>
          %add3A_1258 = arith.constant 64 : i32
          %add3A_1259 = arith.addi %add3A_1258, %scan3A_987 : i32
          %get3A_1260 = arith.index_cast %add3A_1259 : i32 to index
          %get3A_1261 = arith.constant 128 : index
          %get3A_1262 = tpu.vector_load %arg15[%get3A_1260, %get3A_1261] {strides = array<i32>} : memref<128x192xf32, #tpu.memory_space<vmem>>, vector<16xf32>,
          %mul3A_1263 = vector.broadcast %squeeze3A_1006 : f32 to vector<16xf32>
          %mul3A_1264 = arith.mulf %mul3A_1263, %get3A_1262 : vector<16xf32>
          %add3A_1265 = arith.addf %add3A_1257, %mul3A_1264 : vector<16xf32>
          %add3A_1266 = arith.constant 96 : i32
          %add3A_1267 = arith.addi %add3A_1266, %scan3A_987 : i32
          %get3A_1268 = arith.index_cast %add3A_1267 : i32 to index
          %get3A_1269 = arith.constant 128 : index
          %get3A_1270 = tpu.vector_load %arg15[%get3A_1268, %get3A_1269] {strides = array<i32>} : memref<128x192xf32, #tpu.memory_space<vmem>>, vector<16xf32>,
          %mul3A_1271 = vector.broadcast %squeeze3A_1012 : f32 to vector<16xf32>
          %mul3A_1272 = arith.mulf %mul3A_1271, %get3A_1270 : vector<16xf32>
          %add3A_1273 = arith.addf %add3A_1265, %mul3A_1272 : vector<16xf32>
          %get3A_1274 = arith.index_cast %scan3A_987 : i32 to index
          %get3A_1275 = arith.constant 144 : index
          %get3A_1276 = tpu.vector_load %arg15[%get3A_1274, %get3A_1275] {strides = array<i32>} : memref<128x192xf32, #tpu.memory_space<vmem>>, vector<16xf32>,
          %mul3A_1277 = vector.broadcast %squeeze3A : f32 to vector<16xf32>
          %mul3A_1278 = arith.mulf %mul3A_1277, %get3A_1276 : vector<16xf32>
          %add3A_1279 = arith.constant 32 : i32
          %add3A_1280 = arith.addi %add3A_1279, %scan3A_987 : i32
          %get3A_1281 = arith.index_cast %add3A_1280 : i32 to index
          %get3A_1282 = arith.constant 144 : index
          %get3A_1283 = tpu.vector_load %arg15[%get3A_1281, %get3A_1282] {strides = array<i32>} : memref<128x192xf32, #tpu.memory_space<vmem>>, vector<16xf32>,
          %mul3A_1284 = vector.broadcast %squeeze3A_1000 : f32 to vector<16xf32>
          %mul3A_1285 = arith.mulf %mul3A_1284, %get3A_1283 : vector<16xf32>
          %add3A_1286 = arith.addf %mul3A_1278, %mul3A_1285 : vector<16xf32>
          %add3A_1287 = arith.constant 64 : i32
          %add3A_1288 = arith.addi %add3A_1287, %scan3A_987 : i32
          %get3A_1289 = arith.index_cast %add3A_1288 : i32 to index
          %get3A_1290 = arith.constant 144 : index
          %get3A_1291 = tpu.vector_load %arg15[%get3A_1289, %get3A_1290] {strides = array<i32>} : memref<128x192xf32, #tpu.memory_space<vmem>>, vector<16xf32>,
          %mul3A_1292 = vector.broadcast %squeeze3A_1006 : f32 to vector<16xf32>
          %mul3A_1293 = arith.mulf %mul3A_1292, %get3A_1291 : vector<16xf32>
          %add3A_1294 = arith.addf %add3A_1286, %mul3A_1293 : vector<16xf32>
          %add3A_1295 = arith.constant 96 : i32
          %add3A_1296 = arith.addi %add3A_1295, %scan3A_987 : i32
          %get3A_1297 = arith.index_cast %add3A_1296 : i32 to index
          %get3A_1298 = arith.constant 144 : index
          %get3A_1299 = tpu.vector_load %arg15[%get3A_1297, %get3A_1298] {strides = array<i32>} : memref<128x192xf32, #tpu.memory_space<vmem>>, vector<16xf32>,
          %mul3A_1300 = vector.broadcast %squeeze3A_1012 : f32 to vector<16xf32>
          %mul3A_1301 = arith.mulf %mul3A_1300, %get3A_1299 : vector<16xf32>
          %add3A_1302 = arith.addf %add3A_1294, %mul3A_1301 : vector<16xf32>
          %get3A_1303 = arith.index_cast %scan3A_987 : i32 to index
          %get3A_1304 = arith.constant 160 : index
          %get3A_1305 = tpu.vector_load %arg15[%get3A_1303, %get3A_1304] {strides = array<i32>} : memref<128x192xf32, #tpu.memory_space<vmem>>, vector<16xf32>,
          %mul3A_1306 = vector.broadcast %squeeze3A : f32 to vector<16xf32>
          %mul3A_1307 = arith.mulf %mul3A_1306, %get3A_1305 : vector<16xf32>
          %add3A_1308 = arith.constant 32 : i32
          %add3A_1309 = arith.addi %add3A_1308, %scan3A_987 : i32
          %get3A_1310 = arith.index_cast %add3A_1309 : i32 to index
          %get3A_1311 = arith.constant 160 : index
          %get3A_1312 = tpu.vector_load %arg15[%get3A_1310, %get3A_1311] {strides = array<i32>} : memref<128x192xf32, #tpu.memory_space<vmem>>, vector<16xf32>,
          %mul3A_1313 = vector.broadcast %squeeze3A_1000 : f32 to vector<16xf32>
          %mul3A_1314 = arith.mulf %mul3A_1313, %get3A_1312 : vector<16xf32>
          %add3A_1315 = arith.addf %mul3A_1307, %mul3A_1314 : vector<16xf32>
          %add3A_1316 = arith.constant 64 : i32
          %add3A_1317 = arith.addi %add3A_1316, %scan3A_987 : i32
          %get3A_1318 = arith.index_cast %add3A_1317 : i32 to index
          %get3A_1319 = arith.constant 160 : index
          %get3A_1320 = tpu.vector_load %arg15[%get3A_1318, %get3A_1319] {strides = array<i32>} : memref<128x192xf32, #tpu.memory_space<vmem>>, vector<16xf32>,
          %mul3A_1321 = vector.broadcast %squeeze3A_1006 : f32 to vector<16xf32>
          %mul3A_1322 = arith.mulf %mul3A_1321, %get3A_1320 : vector<16xf32>
          %add3A_1323 = arith.addf %add3A_1315, %mul3A_1322 : vector<16xf32>
          %add3A_1324 = arith.constant 96 : i32
          %add3A_1325 = arith.addi %add3A_1324, %scan3A_987 : i32
          %get3A_1326 = arith.index_cast %add3A_1325 : i32 to index
          %get3A_1327 = arith.constant 160 : index
          %get3A_1328 = tpu.vector_load %arg15[%get3A_1326, %get3A_1327] {strides = array<i32>} : memref<128x192xf32, #tpu.memory_space<vmem>>, vector<16xf32>,
          %mul3A_1329 = vector.broadcast %squeeze3A_1012 : f32 to vector<16xf32>
          %mul3A_1330 = arith.mulf %mul3A_1329, %get3A_1328 : vector<16xf32>
          %add3A_1331 = arith.addf %add3A_1323, %mul3A_1330 : vector<16xf32>
          %get3A_1332 = arith.index_cast %scan3A_987 : i32 to index
          %get3A_1333 = arith.constant 176 : index
          %get3A_1334 = tpu.vector_load %arg15[%get3A_1332, %get3A_1333] {strides = array<i32>} : memref<128x192xf32, #tpu.memory_space<vmem>>, vector<16xf32>,
          %mul3A_1335 = vector.broadcast %squeeze3A : f32 to vector<16xf32>
          %mul3A_1336 = arith.mulf %mul3A_1335, %get3A_1334 : vector<16xf32>
          %add3A_1337 = arith.constant 32 : i32
          %add3A_1338 = arith.addi %add3A_1337, %scan3A_987 : i32
          %get3A_1339 = arith.index_cast %add3A_1338 : i32 to index
          %get3A_1340 = arith.constant 176 : index
          %get3A_1341 = tpu.vector_load %arg15[%get3A_1339, %get3A_1340] {strides = array<i32>} : memref<128x192xf32, #tpu.memory_space<vmem>>, vector<16xf32>,
          %mul3A_1342 = vector.broadcast %squeeze3A_1000 : f32 to vector<16xf32>
          %mul3A_1343 = arith.mulf %mul3A_1342, %get3A_1341 : vector<16xf32>
          %add3A_1344 = arith.addf %mul3A_1336, %mul3A_1343 : vector<16xf32>
          %add3A_1345 = arith.constant 64 : i32
          %add3A_1346 = arith.addi %add3A_1345, %scan3A_987 : i32
          %get3A_1347 = arith.index_cast %add3A_1346 : i32 to index
          %get3A_1348 = arith.constant 176 : index
          %get3A_1349 = tpu.vector_load %arg15[%get3A_1347, %get3A_1348] {strides = array<i32>} : memref<128x192xf32, #tpu.memory_space<vmem>>, vector<16xf32>,
          %mul3A_1350 = vector.broadcast %squeeze3A_1006 : f32 to vector<16xf32>
          %mul3A_1351 = arith.mulf %mul3A_1350, %get3A_1349 : vector<16xf32>
          %add3A_1352 = arith.addf %add3A_1344, %mul3A_1351 : vector<16xf32>
          %add3A_1353 = arith.constant 96 : i32
          %add3A_1354 = arith.addi %add3A_1353, %scan3A_987 : i32
          %get3A_1355 = arith.index_cast %add3A_1354 : i32 to index
          %get3A_1356 = arith.constant 176 : index
          %get3A_1357 = tpu.vector_load %arg15[%get3A_1355, %get3A_1356] {strides = array<i32>} : memref<128x192xf32, #tpu.memory_space<vmem>>, vector<16xf32>,
          %mul3A_1358 = vector.broadcast %squeeze3A_1012 : f32 to vector<16xf32>
          %mul3A_1359 = arith.mulf %mul3A_1358, %get3A_1357 : vector<16xf32>
          %add3A_1360 = arith.addf %add3A_1352, %mul3A_1359 : vector<16xf32>
          %broadcast_in_dim3A_1361 = arith.constant 0 : i32
          %broadcast_in_dim3A_1362 = vector.broadcast %broadcast_in_dim3A_1361 : i32 to vector<16xi32>
          %add3A_1363 = vector.broadcast %add3A_990 : i32 to vector<16xi32>
          %add3A_1364 = arith.addi %broadcast_in_dim3A_1362, %add3A_1363 : vector<16xi32>
          tpu.vector_store_idx %arg20[%add3A_763, %and3A_832, %add3A_1364], %add3A_1041 : memref<24x8x128xf32, #tpu.memory_space<vmem>>[vector<16xi32>, vector<16xi32>, vector<16xi32>], vector<16xf32>,
          tpu.vector_store_idx %arg20[%add3A_769, %and3A_832, %add3A_1364], %add3A_1070 : memref<24x8x128xf32, #tpu.memory_space<vmem>>[vector<16xi32>, vector<16xi32>, vector<16xi32>], vector<16xf32>,
          tpu.vector_store_idx %arg20[%add3A_775, %and3A_832, %add3A_1364], %add3A_1099 : memref<24x8x128xf32, #tpu.memory_space<vmem>>[vector<16xi32>, vector<16xi32>, vector<16xi32>], vector<16xf32>,
          tpu.vector_store_idx %arg20[%add3A_781, %and3A_832, %add3A_1364], %add3A_1128 : memref<24x8x128xf32, #tpu.memory_space<vmem>>[vector<16xi32>, vector<16xi32>, vector<16xi32>], vector<16xf32>,
          tpu.vector_store_idx %arg20[%add3A_787, %and3A_832, %add3A_1364], %add3A_1157 : memref<24x8x128xf32, #tpu.memory_space<vmem>>[vector<16xi32>, vector<16xi32>, vector<16xi32>], vector<16xf32>,
          tpu.vector_store_idx %arg20[%add3A_793, %and3A_832, %add3A_1364], %add3A_1186 : memref<24x8x128xf32, #tpu.memory_space<vmem>>[vector<16xi32>, vector<16xi32>, vector<16xi32>], vector<16xf32>,
          tpu.vector_store_idx %arg20[%add3A_799, %and3A_832, %add3A_1364], %add3A_1215 : memref<24x8x128xf32, #tpu.memory_space<vmem>>[vector<16xi32>, vector<16xi32>, vector<16xi32>], vector<16xf32>,
          tpu.vector_store_idx %arg20[%add3A_805, %and3A_832, %add3A_1364], %add3A_1244 : memref<24x8x128xf32, #tpu.memory_space<vmem>>[vector<16xi32>, vector<16xi32>, vector<16xi32>], vector<16xf32>,
          tpu.vector_store_idx %arg20[%add3A_811, %and3A_832, %add3A_1364], %add3A_1273 : memref<24x8x128xf32, #tpu.memory_space<vmem>>[vector<16xi32>, vector<16xi32>, vector<16xi32>], vector<16xf32>,
          tpu.vector_store_idx %arg20[%add3A_817, %and3A_832, %add3A_1364], %add3A_1302 : memref<24x8x128xf32, #tpu.memory_space<vmem>>[vector<16xi32>, vector<16xi32>, vector<16xi32>], vector<16xf32>,
          tpu.vector_store_idx %arg20[%add3A_823, %and3A_832, %add3A_1364], %add3A_1331 : memref<24x8x128xf32, #tpu.memory_space<vmem>>[vector<16xi32>, vector<16xi32>, vector<16xi32>], vector<16xf32>,
          tpu.vector_store_idx %arg20[%add3A_829, %and3A_832, %add3A_1364], %add3A_1360 : memref<24x8x128xf32, #tpu.memory_space<vmem>>[vector<16xi32>, vector<16xi32>, vector<16xi32>], vector<16xf32>,
          %scan3A_1365 = arith.constant 0 : i32
          scf.yield %scan3A_1365 : i32
        }
        %scan3A_923 = arith.constant 32 : i32
        %add3A_924 = arith.constant 1 : i32
        %add3A_925 = arith.addi %scan3A_877, %add3A_924 : i32
        %lt3A_926 = arith.cmpi slt, %add3A_925, %sub3A_3 : i32
        %convert_element_type3A_927 = arith.extui %lt3A_926 : i1 to i32
        %cond3A_928 = arith.constant 0 : i32
        %cond3A_929 = arith.cmpi ne, %convert_element_type3A_927, %cond3A_928 : i32
        scf.if %cond3A_929 {
          %mul3A_987 = arith.constant 2 : i32
          %mul3A_988 = arith.muli %mul3A_987, %add3A_925 : i32
          %add3A_989 = arith.addi %mul3A_988, %shift_right_arithmetic3A_2 : i32
          %jit3A_990 = arith.constant 7 : i32
          %div3A_991 = arith.divsi %add3A_989, %jit3A_990 : i32
          %sign3A_992 = arith.constant 0 : i32
          %sign3A_993 = arith.cmpi sgt, %add3A_989, %sign3A_992 : i32
          %sign3A_994 = arith.extui %sign3A_993 : i1 to i32
          %sign3A_995 = arith.constant 0 : i32
          %sign3A_996 = arith.cmpi slt, %add3A_989, %sign3A_995 : i32
          %sign3A_997 = arith.extui %sign3A_996 : i1 to i32
          %sign3A_998 = arith.subi %sign3A_994, %sign3A_997 : i32
          %sign3A_999 = arith.constant 0 : i32
          %sign3A_1000 = arith.cmpi sgt, %jit3A_990, %sign3A_999 : i32
          %sign3A_1001 = arith.extui %sign3A_1000 : i1 to i32
          %sign3A_1002 = arith.constant 0 : i32
          %sign3A_1003 = arith.cmpi slt, %jit3A_990, %sign3A_1002 : i32
          %sign3A_1004 = arith.extui %sign3A_1003 : i1 to i32
          %sign3A_1005 = arith.subi %sign3A_1001, %sign3A_1004 : i32
          %ne3A_1006 = arith.cmpi ne, %sign3A_998, %sign3A_1005 : i32
          %rem3A_1007 = arith.remsi %add3A_989, %jit3A_990 : i32
          %ne3A_1008 = arith.constant 0 : i32
          %ne3A_1009 = arith.cmpi ne, %rem3A_1007, %ne3A_1008 : i32
          %and3A_1010 = arith.andi %ne3A_1006, %ne3A_1009 : i1
          %sub3A_1011 = arith.constant 1 : i32
          %sub3A_1012 = arith.subi %div3A_991, %sub3A_1011 : i32
          %select_n3A_1013 = arith.select %and3A_1010, %sub3A_1012, %div3A_991 : i32
          %mul3A_1014 = arith.constant 7 : i32
          %mul3A_1015 = arith.muli %select_n3A_1013, %mul3A_1014 : i32
          %sub3A_1016 = arith.subi %add3A_989, %mul3A_1015 : i32
          %add3A_1017 = arith.constant 576 : i32
          %add3A_1018 = arith.addi %add3A_1017, %select_n3A_1013 : i32
          %get3A_1019 = arith.index_cast %add3A_1018 : i32 to index
          %get3A_1020 = tpu.vector_load %arg19[%get3A_1019] {strides = array<i32>} : memref<608xf32, #tpu.memory_space<vmem>>, vector<16xf32>,
          %slice3A = vector.extract_strided_slice %get3A_1020 {offsets = [0], sizes = [1], strides = [1]} : vector<16xf32> to vector<1xf32>
          %squeeze3A = vector.extract %slice3A[0] : f32 from vector<1xf32>
          %add3A_1021 = arith.constant 576 : i32
          %add3A_1022 = arith.addi %add3A_1021, %sub3A_1016 : i32
          %get3A_1023 = arith.index_cast %add3A_1022 : i32 to index
          %get3A_1024 = tpu.vector_load %arg19[%get3A_1023] {strides = array<i32>} : memref<608xf32, #tpu.memory_space<vmem>>, vector<16xf32>,
          %slice3A_1025 = vector.extract_strided_slice %get3A_1024 {offsets = [0], sizes = [1], strides = [1]} : vector<16xf32> to vector<1xf32>
          %squeeze3A_1026 = vector.extract %slice3A_1025[0] : f32 from vector<1xf32>
          %get3A_1027 = arith.constant 0 : index
          %get3A_1028 = tpu.vector_load %arg10[%get3A_1027] {strides = array<i32>} : memref<576xf32, #tpu.memory_space<vmem>>, vector<16xf32>,
          %get3A_1029 = arith.constant 144 : index
          %get3A_1030 = tpu.vector_load %arg10[%get3A_1029] {strides = array<i32>} : memref<576xf32, #tpu.memory_space<vmem>>, vector<16xf32>,
          %get3A_1031 = arith.constant 288 : index
          %get3A_1032 = tpu.vector_load %arg10[%get3A_1031] {strides = array<i32>} : memref<576xf32, #tpu.memory_space<vmem>>, vector<16xf32>,
          %get3A_1033 = arith.constant 432 : index
          %get3A_1034 = tpu.vector_load %arg10[%get3A_1033] {strides = array<i32>} : memref<576xf32, #tpu.memory_space<vmem>>, vector<16xf32>,
          %get3A_1035 = arith.constant 0 : index
          %get3A_1036 = tpu.vector_load %arg9[%get3A_1035] {strides = array<i32>} : memref<288xi32, #tpu.memory_space<vmem>>, vector<16xi32>,
          %get3A_1037 = arith.constant 144 : index
          %get3A_1038 = tpu.vector_load %arg9[%get3A_1037] {strides = array<i32>} : memref<288xi32, #tpu.memory_space<vmem>>, vector<16xi32>,
          %sub3A_1039 = arith.constant 1 : i32
          %sub3A_1040 = vector.broadcast %sub3A_1039 : i32 to vector<16xi32>
          %sub3A_1041 = arith.subi %get3A_1036, %sub3A_1040 : vector<16xi32>
          %mul3A_1042 = vector.broadcast %squeeze3A_1026 : f32 to vector<16xf32>
          %mul3A_1043 = arith.mulf %get3A_1032, %mul3A_1042 : vector<16xf32>
          %add3A_1044 = arith.addf %get3A_1028, %mul3A_1043 : vector<16xf32>
          %mul3A_1045 = vector.broadcast %squeeze3A : f32 to vector<16xf32>
          %mul3A_1046 = arith.mulf %get3A_1034, %mul3A_1045 : vector<16xf32>
          %add3A_1047 = arith.addf %get3A_1030, %mul3A_1046 : vector<16xf32>
          %convert_element_type3A_1048 = arith.fptosi %add3A_1044 : vector<16xf32> to vector<16xi32>
          %convert_element_type3A_1049 = arith.fptosi %add3A_1047 : vector<16xf32> to vector<16xi32>
          %convert_element_type3A_1050 = arith.sitofp %convert_element_type3A_1048 : vector<16xi32> to vector<16xf32>
          %sub3A_1051 = arith.subf %add3A_1044, %convert_element_type3A_1050 : vector<16xf32>
          %convert_element_type3A_1052 = arith.sitofp %convert_element_type3A_1049 : vector<16xi32> to vector<16xf32>
          %sub3A_1053 = arith.subf %add3A_1047, %convert_element_type3A_1052 : vector<16xf32>
          %min3A = arith.minsi %convert_element_type3A_1048, %sub3A_1041 : vector<16xi32>
          %min3A_1054 = arith.minsi %convert_element_type3A_1049, %sub3A_1041 : vector<16xi32>
          %add3A_1055 = arith.constant 1 : i32
          %add3A_1056 = vector.broadcast %add3A_1055 : i32 to vector<16xi32>
          %add3A_1057 = arith.addi %convert_element_type3A_1048, %add3A_1056 : vector<16xi32>
          %min3A_1058 = arith.minsi %add3A_1057, %sub3A_1041 : vector<16xi32>
          %add3A_1059 = arith.constant 1 : i32
          %add3A_1060 = vector.broadcast %add3A_1059 : i32 to vector<16xi32>
          %add3A_1061 = arith.addi %convert_element_type3A_1049, %add3A_1060 : vector<16xi32>
          %min3A_1062 = arith.minsi %add3A_1061, %sub3A_1041 : vector<16xi32>
          %mul3A_1063 = arith.muli %min3A_1054, %get3A_1036 : vector<16xi32>
          %add3A_1064 = arith.addi %get3A_1038, %mul3A_1063 : vector<16xi32>
          %mul3A_1065 = arith.muli %min3A_1062, %get3A_1036 : vector<16xi32>
          %add3A_1066 = arith.addi %get3A_1038, %mul3A_1065 : vector<16xi32>
          %add3A_1067 = arith.addi %add3A_1064, %min3A : vector<16xi32>
          %swap3A_1068 = arith.constant 0 : index
          %swap3A_1069 = tpu.vector_load %arg11[%swap3A_1068] {strides = array<i32>} : memref<128xi32, #tpu.memory_space<vmem>>, vector<16xi32>,
          tpu.vector_store %arg11[%swap3A_1068], %add3A_1067 {strides = array<i32>} : memref<128xi32, #tpu.memory_space<vmem>>, vector<16xi32>,
          %add3A_1070 = arith.addi %add3A_1064, %min3A_1058 : vector<16xi32>
          %swap3A_1071 = arith.constant 32 : index
          %swap3A_1072 = tpu.vector_load %arg11[%swap3A_1071] {strides = array<i32>} : memref<128xi32, #tpu.memory_space<vmem>>, vector<16xi32>,
          tpu.vector_store %arg11[%swap3A_1071], %add3A_1070 {strides = array<i32>} : memref<128xi32, #tpu.memory_space<vmem>>, vector<16xi32>,
          %add3A_1073 = arith.addi %add3A_1066, %min3A : vector<16xi32>
          %swap3A_1074 = arith.constant 64 : index
          %swap3A_1075 = tpu.vector_load %arg11[%swap3A_1074] {strides = array<i32>} : memref<128xi32, #tpu.memory_space<vmem>>, vector<16xi32>,
          tpu.vector_store %arg11[%swap3A_1074], %add3A_1073 {strides = array<i32>} : memref<128xi32, #tpu.memory_space<vmem>>, vector<16xi32>,
          %add3A_1076 = arith.addi %add3A_1066, %min3A_1058 : vector<16xi32>
          %swap3A_1077 = arith.constant 96 : index
          %swap3A_1078 = tpu.vector_load %arg11[%swap3A_1077] {strides = array<i32>} : memref<128xi32, #tpu.memory_space<vmem>>, vector<16xi32>,
          tpu.vector_store %arg11[%swap3A_1077], %add3A_1076 {strides = array<i32>} : memref<128xi32, #tpu.memory_space<vmem>>, vector<16xi32>,
          %sub3A_1079 = arith.constant 1.000000e+00 : f32
          %sub3A_1080 = vector.broadcast %sub3A_1079 : f32 to vector<16xf32>
          %sub3A_1081 = arith.subf %sub3A_1080, %sub3A_1051 : vector<16xf32>
          %sub3A_1082 = arith.constant 1.000000e+00 : f32
          %sub3A_1083 = vector.broadcast %sub3A_1082 : f32 to vector<16xf32>
          %sub3A_1084 = arith.subf %sub3A_1083, %sub3A_1053 : vector<16xf32>
          %mul3A_1085 = arith.mulf %sub3A_1084, %sub3A_1081 : vector<16xf32>
          %swap3A_1086 = arith.constant 0 : index
          %swap3A_1087 = tpu.vector_load %arg19[%swap3A_1086] {strides = array<i32>} : memref<608xf32, #tpu.memory_space<vmem>>, vector<16xf32>,
          tpu.vector_store %arg19[%swap3A_1086], %mul3A_1085 {strides = array<i32>} : memref<608xf32, #tpu.memory_space<vmem>>, vector<16xf32>,
          %mul3A_1088 = arith.mulf %sub3A_1084, %sub3A_1051 : vector<16xf32>
          %swap3A_1089 = arith.constant 144 : index
          %swap3A_1090 = tpu.vector_load %arg19[%swap3A_1089] {strides = array<i32>} : memref<608xf32, #tpu.memory_space<vmem>>, vector<16xf32>,
          tpu.vector_store %arg19[%swap3A_1089], %mul3A_1088 {strides = array<i32>} : memref<608xf32, #tpu.memory_space<vmem>>, vector<16xf32>,
          %mul3A_1091 = arith.mulf %sub3A_1053, %sub3A_1081 : vector<16xf32>
          %swap3A_1092 = arith.constant 288 : index
          %swap3A_1093 = tpu.vector_load %arg19[%swap3A_1092] {strides = array<i32>} : memref<608xf32, #tpu.memory_space<vmem>>, vector<16xf32>,
          tpu.vector_store %arg19[%swap3A_1092], %mul3A_1091 {strides = array<i32>} : memref<608xf32, #tpu.memory_space<vmem>>, vector<16xf32>,
          %mul3A_1094 = arith.mulf %sub3A_1053, %sub3A_1051 : vector<16xf32>
          %swap3A_1095 = arith.constant 432 : index
          %swap3A_1096 = tpu.vector_load %arg19[%swap3A_1095] {strides = array<i32>} : memref<608xf32, #tpu.memory_space<vmem>>, vector<16xf32>,
          tpu.vector_store %arg19[%swap3A_1095], %mul3A_1094 {strides = array<i32>} : memref<608xf32, #tpu.memory_space<vmem>>, vector<16xf32>,
          %get3A_1097 = arith.constant 16 : index
          %get3A_1098 = tpu.vector_load %arg10[%get3A_1097] {strides = array<i32>} : memref<576xf32, #tpu.memory_space<vmem>>, vector<16xf32>,
          %get3A_1099 = arith.constant 160 : index
          %get3A_1100 = tpu.vector_load %arg10[%get3A_1099] {strides = array<i32>} : memref<576xf32, #tpu.memory_space<vmem>>, vector<16xf32>,
          %get3A_1101 = arith.constant 304 : index
          %get3A_1102 = tpu.vector_load %arg10[%get3A_1101] {strides = array<i32>} : memref<576xf32, #tpu.memory_space<vmem>>, vector<16xf32>,
          %get3A_1103 = arith.constant 448 : index
          %get3A_1104 = tpu.vector_load %arg10[%get3A_1103] {strides = array<i32>} : memref<576xf32, #tpu.memory_space<vmem>>, vector<16xf32>,
          %get3A_1105 = arith.constant 16 : index
          %get3A_1106 = tpu.vector_load %arg9[%get3A_1105] {strides = array<i32>} : memref<288xi32, #tpu.memory_space<vmem>>, vector<16xi32>,
          %get3A_1107 = arith.constant 160 : index
          %get3A_1108 = tpu.vector_load %arg9[%get3A_1107] {strides = array<i32>} : memref<288xi32, #tpu.memory_space<vmem>>, vector<16xi32>,
          %sub3A_1109 = arith.constant 1 : i32
          %sub3A_1110 = vector.broadcast %sub3A_1109 : i32 to vector<16xi32>
          %sub3A_1111 = arith.subi %get3A_1106, %sub3A_1110 : vector<16xi32>
          %mul3A_1112 = vector.broadcast %squeeze3A_1026 : f32 to vector<16xf32>
          %mul3A_1113 = arith.mulf %get3A_1102, %mul3A_1112 : vector<16xf32>
          %add3A_1114 = arith.addf %get3A_1098, %mul3A_1113 : vector<16xf32>
          %mul3A_1115 = vector.broadcast %squeeze3A : f32 to vector<16xf32>
          %mul3A_1116 = arith.mulf %get3A_1104, %mul3A_1115 : vector<16xf32>
          %add3A_1117 = arith.addf %get3A_1100, %mul3A_1116 : vector<16xf32>
          %convert_element_type3A_1118 = arith.fptosi %add3A_1114 : vector<16xf32> to vector<16xi32>
          %convert_element_type3A_1119 = arith.fptosi %add3A_1117 : vector<16xf32> to vector<16xi32>
          %convert_element_type3A_1120 = arith.sitofp %convert_element_type3A_1118 : vector<16xi32> to vector<16xf32>
          %sub3A_1121 = arith.subf %add3A_1114, %convert_element_type3A_1120 : vector<16xf32>
          %convert_element_type3A_1122 = arith.sitofp %convert_element_type3A_1119 : vector<16xi32> to vector<16xf32>
          %sub3A_1123 = arith.subf %add3A_1117, %convert_element_type3A_1122 : vector<16xf32>
          %min3A_1124 = arith.minsi %convert_element_type3A_1118, %sub3A_1111 : vector<16xi32>
          %min3A_1125 = arith.minsi %convert_element_type3A_1119, %sub3A_1111 : vector<16xi32>
          %add3A_1126 = arith.constant 1 : i32
          %add3A_1127 = vector.broadcast %add3A_1126 : i32 to vector<16xi32>
          %add3A_1128 = arith.addi %convert_element_type3A_1118, %add3A_1127 : vector<16xi32>
          %min3A_1129 = arith.minsi %add3A_1128, %sub3A_1111 : vector<16xi32>
          %add3A_1130 = arith.constant 1 : i32
          %add3A_1131 = vector.broadcast %add3A_1130 : i32 to vector<16xi32>
          %add3A_1132 = arith.addi %convert_element_type3A_1119, %add3A_1131 : vector<16xi32>
          %min3A_1133 = arith.minsi %add3A_1132, %sub3A_1111 : vector<16xi32>
          %mul3A_1134 = arith.muli %min3A_1125, %get3A_1106 : vector<16xi32>
          %add3A_1135 = arith.addi %get3A_1108, %mul3A_1134 : vector<16xi32>
          %mul3A_1136 = arith.muli %min3A_1133, %get3A_1106 : vector<16xi32>
          %add3A_1137 = arith.addi %get3A_1108, %mul3A_1136 : vector<16xi32>
          %add3A_1138 = arith.addi %add3A_1135, %min3A_1124 : vector<16xi32>
          %swap3A_1139 = arith.constant 16 : index
          %swap3A_1140 = tpu.vector_load %arg11[%swap3A_1139] {strides = array<i32>} : memref<128xi32, #tpu.memory_space<vmem>>, vector<16xi32>,
          tpu.vector_store %arg11[%swap3A_1139], %add3A_1138 {strides = array<i32>} : memref<128xi32, #tpu.memory_space<vmem>>, vector<16xi32>,
          %add3A_1141 = arith.addi %add3A_1135, %min3A_1129 : vector<16xi32>
          %swap3A_1142 = arith.constant 48 : index
          %swap3A_1143 = tpu.vector_load %arg11[%swap3A_1142] {strides = array<i32>} : memref<128xi32, #tpu.memory_space<vmem>>, vector<16xi32>,
          tpu.vector_store %arg11[%swap3A_1142], %add3A_1141 {strides = array<i32>} : memref<128xi32, #tpu.memory_space<vmem>>, vector<16xi32>,
          %add3A_1144 = arith.addi %add3A_1137, %min3A_1124 : vector<16xi32>
          %swap3A_1145 = arith.constant 80 : index
          %swap3A_1146 = tpu.vector_load %arg11[%swap3A_1145] {strides = array<i32>} : memref<128xi32, #tpu.memory_space<vmem>>, vector<16xi32>,
          tpu.vector_store %arg11[%swap3A_1145], %add3A_1144 {strides = array<i32>} : memref<128xi32, #tpu.memory_space<vmem>>, vector<16xi32>,
          %add3A_1147 = arith.addi %add3A_1137, %min3A_1129 : vector<16xi32>
          %swap3A_1148 = arith.constant 112 : index
          %swap3A_1149 = tpu.vector_load %arg11[%swap3A_1148] {strides = array<i32>} : memref<128xi32, #tpu.memory_space<vmem>>, vector<16xi32>,
          tpu.vector_store %arg11[%swap3A_1148], %add3A_1147 {strides = array<i32>} : memref<128xi32, #tpu.memory_space<vmem>>, vector<16xi32>,
          %sub3A_1150 = arith.constant 1.000000e+00 : f32
          %sub3A_1151 = vector.broadcast %sub3A_1150 : f32 to vector<16xf32>
          %sub3A_1152 = arith.subf %sub3A_1151, %sub3A_1121 : vector<16xf32>
          %sub3A_1153 = arith.constant 1.000000e+00 : f32
          %sub3A_1154 = vector.broadcast %sub3A_1153 : f32 to vector<16xf32>
          %sub3A_1155 = arith.subf %sub3A_1154, %sub3A_1123 : vector<16xf32>
          %mul3A_1156 = arith.mulf %sub3A_1155, %sub3A_1152 : vector<16xf32>
          %swap3A_1157 = arith.constant 16 : index
          %swap3A_1158 = tpu.vector_load %arg19[%swap3A_1157] {strides = array<i32>} : memref<608xf32, #tpu.memory_space<vmem>>, vector<16xf32>,
          tpu.vector_store %arg19[%swap3A_1157], %mul3A_1156 {strides = array<i32>} : memref<608xf32, #tpu.memory_space<vmem>>, vector<16xf32>,
          %mul3A_1159 = arith.mulf %sub3A_1155, %sub3A_1121 : vector<16xf32>
          %swap3A_1160 = arith.constant 160 : index
          %swap3A_1161 = tpu.vector_load %arg19[%swap3A_1160] {strides = array<i32>} : memref<608xf32, #tpu.memory_space<vmem>>, vector<16xf32>,
          tpu.vector_store %arg19[%swap3A_1160], %mul3A_1159 {strides = array<i32>} : memref<608xf32, #tpu.memory_space<vmem>>, vector<16xf32>,
          %mul3A_1162 = arith.mulf %sub3A_1123, %sub3A_1152 : vector<16xf32>
          %swap3A_1163 = arith.constant 304 : index
          %swap3A_1164 = tpu.vector_load %arg19[%swap3A_1163] {strides = array<i32>} : memref<608xf32, #tpu.memory_space<vmem>>, vector<16xf32>,
          tpu.vector_store %arg19[%swap3A_1163], %mul3A_1162 {strides = array<i32>} : memref<608xf32, #tpu.memory_space<vmem>>, vector<16xf32>,
          %mul3A_1165 = arith.mulf %sub3A_1123, %sub3A_1121 : vector<16xf32>
          %swap3A_1166 = arith.constant 448 : index
          %swap3A_1167 = tpu.vector_load %arg19[%swap3A_1166] {strides = array<i32>} : memref<608xf32, #tpu.memory_space<vmem>>, vector<16xf32>,
          tpu.vector_store %arg19[%swap3A_1166], %mul3A_1165 {strides = array<i32>} : memref<608xf32, #tpu.memory_space<vmem>>, vector<16xf32>,
          %dma_start3A_1168 = arith.constant 0 : i32
          %dma_start3A_1169 = arith.constant 0 : i32
          %dma_start3A_1170 = tpu.memref_slice %arg6[%dma_start3A_1168, %dma_start3A_1169] : memref<21760x192xf32, #tpu.memory_space<hbm>> -> memref<21760x192xf32, #tpu.memory_space<hbm>>
          tpu.enqueue_indirect_dma source(%dma_start3A_1170 : memref<21760x192xf32, #tpu.memory_space<hbm>>) target(%arg15 : memref<128x192xf32, #tpu.memory_space<vmem>>) offsets(%arg11 : memref<128xi32, #tpu.memory_space<vmem>>) semaphore(%arg21 : memref<!tpu.dma_semaphore, #tpu.memory_space<semaphore_mem>>)
        } else {
        }
        %dma_wait3A_930 = arith.constant 0 : i32
        %dma_wait3A_931 = arith.constant 0 : i32
        %dma_wait3A_932 = tpu.memref_slice %arg6[%dma_wait3A_930, %dma_wait3A_931] : memref<21760x192xf32, #tpu.memory_space<hbm>> -> memref<21760x192xf32, #tpu.memory_space<hbm>>
        tpu.wait_indirect_dma semaphore(%arg22 : memref<!tpu.dma_semaphore, #tpu.memory_space<semaphore_mem>>) src(%dma_wait3A_932 : memref<21760x192xf32, #tpu.memory_space<hbm>>) dst(%arg16 : memref<128x192xf32, #tpu.memory_space<vmem>>)
        %scan3A_933 = arith.constant 0 : i32
        %scan3A_934 = arith.constant 0 : i32
        %scan3A_935 = arith.constant 32 : i32
        %scan3A_936 = arith.addi %scan3A_934, %scan3A_935 : i32
        %scan3A_937 = arith.constant 1 : i32
        %scan3A_938 = scf.for %scan3A_987 = %scan3A_934 to %scan3A_936 step %scan3A_937 iter_args(%scan3A_988 = %scan3A_933) -> (i32)  : i32 {
          %add3A_989 = arith.constant 32 : i32
          %add3A_990 = arith.addi %add3A_989, %scan3A_987 : i32
          %add3A_991 = arith.constant 0 : i32
          %add3A_992 = arith.addi %add3A_991, %add3A_990 : i32
          %get3A_993 = arith.index_cast %add3A_992 : i32 to index
          %get3A_994 = tpu.vector_load %arg19[%get3A_993] {strides = array<i32>} : memref<608xf32, #tpu.memory_space<vmem>>, vector<16xf32>,
          %slice3A = vector.extract_strided_slice %get3A_994 {offsets = [0], sizes = [1], strides = [1]} : vector<16xf32> to vector<1xf32>
          %squeeze3A = vector.extract %slice3A[0] : f32 from vector<1xf32>
          %add3A_995 = arith.constant 144 : i32
          %add3A_996 = arith.addi %add3A_995, %add3A_990 : i32
          %get3A_997 = arith.index_cast %add3A_996 : i32 to index
          %get3A_998 = tpu.vector_load %arg19[%get3A_997] {strides = array<i32>} : memref<608xf32, #tpu.memory_space<vmem>>, vector<16xf32>,
          %slice3A_999 = vector.extract_strided_slice %get3A_998 {offsets = [0], sizes = [1], strides = [1]} : vector<16xf32> to vector<1xf32>
          %squeeze3A_1000 = vector.extract %slice3A_999[0] : f32 from vector<1xf32>
          %add3A_1001 = arith.constant 288 : i32
          %add3A_1002 = arith.addi %add3A_1001, %add3A_990 : i32
          %get3A_1003 = arith.index_cast %add3A_1002 : i32 to index
          %get3A_1004 = tpu.vector_load %arg19[%get3A_1003] {strides = array<i32>} : memref<608xf32, #tpu.memory_space<vmem>>, vector<16xf32>,
          %slice3A_1005 = vector.extract_strided_slice %get3A_1004 {offsets = [0], sizes = [1], strides = [1]} : vector<16xf32> to vector<1xf32>
          %squeeze3A_1006 = vector.extract %slice3A_1005[0] : f32 from vector<1xf32>
          %add3A_1007 = arith.constant 432 : i32
          %add3A_1008 = arith.addi %add3A_1007, %add3A_990 : i32
          %get3A_1009 = arith.index_cast %add3A_1008 : i32 to index
          %get3A_1010 = tpu.vector_load %arg19[%get3A_1009] {strides = array<i32>} : memref<608xf32, #tpu.memory_space<vmem>>, vector<16xf32>,
          %slice3A_1011 = vector.extract_strided_slice %get3A_1010 {offsets = [0], sizes = [1], strides = [1]} : vector<16xf32> to vector<1xf32>
          %squeeze3A_1012 = vector.extract %slice3A_1011[0] : f32 from vector<1xf32>
          %get3A_1013 = arith.index_cast %scan3A_987 : i32 to index
          %get3A_1014 = arith.constant 0 : index
          %get3A_1015 = tpu.vector_load %arg16[%get3A_1013, %get3A_1014] {strides = array<i32>} : memref<128x192xf32, #tpu.memory_space<vmem>>, vector<16xf32>,
          %mul3A_1016 = vector.broadcast %squeeze3A : f32 to vector<16xf32>
          %mul3A_1017 = arith.mulf %mul3A_1016, %get3A_1015 : vector<16xf32>
          %add3A_1018 = arith.constant 32 : i32
          %add3A_1019 = arith.addi %add3A_1018, %scan3A_987 : i32
          %get3A_1020 = arith.index_cast %add3A_1019 : i32 to index
          %get3A_1021 = arith.constant 0 : index
          %get3A_1022 = tpu.vector_load %arg16[%get3A_1020, %get3A_1021] {strides = array<i32>} : memref<128x192xf32, #tpu.memory_space<vmem>>, vector<16xf32>,
          %mul3A_1023 = vector.broadcast %squeeze3A_1000 : f32 to vector<16xf32>
          %mul3A_1024 = arith.mulf %mul3A_1023, %get3A_1022 : vector<16xf32>
          %add3A_1025 = arith.addf %mul3A_1017, %mul3A_1024 : vector<16xf32>
          %add3A_1026 = arith.constant 64 : i32
          %add3A_1027 = arith.addi %add3A_1026, %scan3A_987 : i32
          %get3A_1028 = arith.index_cast %add3A_1027 : i32 to index
          %get3A_1029 = arith.constant 0 : index
          %get3A_1030 = tpu.vector_load %arg16[%get3A_1028, %get3A_1029] {strides = array<i32>} : memref<128x192xf32, #tpu.memory_space<vmem>>, vector<16xf32>,
          %mul3A_1031 = vector.broadcast %squeeze3A_1006 : f32 to vector<16xf32>
          %mul3A_1032 = arith.mulf %mul3A_1031, %get3A_1030 : vector<16xf32>
          %add3A_1033 = arith.addf %add3A_1025, %mul3A_1032 : vector<16xf32>
          %add3A_1034 = arith.constant 96 : i32
          %add3A_1035 = arith.addi %add3A_1034, %scan3A_987 : i32
          %get3A_1036 = arith.index_cast %add3A_1035 : i32 to index
          %get3A_1037 = arith.constant 0 : index
          %get3A_1038 = tpu.vector_load %arg16[%get3A_1036, %get3A_1037] {strides = array<i32>} : memref<128x192xf32, #tpu.memory_space<vmem>>, vector<16xf32>,
          %mul3A_1039 = vector.broadcast %squeeze3A_1012 : f32 to vector<16xf32>
          %mul3A_1040 = arith.mulf %mul3A_1039, %get3A_1038 : vector<16xf32>
          %add3A_1041 = arith.addf %add3A_1033, %mul3A_1040 : vector<16xf32>
          %get3A_1042 = arith.index_cast %scan3A_987 : i32 to index
          %get3A_1043 = arith.constant 16 : index
          %get3A_1044 = tpu.vector_load %arg16[%get3A_1042, %get3A_1043] {strides = array<i32>} : memref<128x192xf32, #tpu.memory_space<vmem>>, vector<16xf32>,
          %mul3A_1045 = vector.broadcast %squeeze3A : f32 to vector<16xf32>
          %mul3A_1046 = arith.mulf %mul3A_1045, %get3A_1044 : vector<16xf32>
          %add3A_1047 = arith.constant 32 : i32
          %add3A_1048 = arith.addi %add3A_1047, %scan3A_987 : i32
          %get3A_1049 = arith.index_cast %add3A_1048 : i32 to index
          %get3A_1050 = arith.constant 16 : index
          %get3A_1051 = tpu.vector_load %arg16[%get3A_1049, %get3A_1050] {strides = array<i32>} : memref<128x192xf32, #tpu.memory_space<vmem>>, vector<16xf32>,
          %mul3A_1052 = vector.broadcast %squeeze3A_1000 : f32 to vector<16xf32>
          %mul3A_1053 = arith.mulf %mul3A_1052, %get3A_1051 : vector<16xf32>
          %add3A_1054 = arith.addf %mul3A_1046, %mul3A_1053 : vector<16xf32>
          %add3A_1055 = arith.constant 64 : i32
          %add3A_1056 = arith.addi %add3A_1055, %scan3A_987 : i32
          %get3A_1057 = arith.index_cast %add3A_1056 : i32 to index
          %get3A_1058 = arith.constant 16 : index
          %get3A_1059 = tpu.vector_load %arg16[%get3A_1057, %get3A_1058] {strides = array<i32>} : memref<128x192xf32, #tpu.memory_space<vmem>>, vector<16xf32>,
          %mul3A_1060 = vector.broadcast %squeeze3A_1006 : f32 to vector<16xf32>
          %mul3A_1061 = arith.mulf %mul3A_1060, %get3A_1059 : vector<16xf32>
          %add3A_1062 = arith.addf %add3A_1054, %mul3A_1061 : vector<16xf32>
          %add3A_1063 = arith.constant 96 : i32
          %add3A_1064 = arith.addi %add3A_1063, %scan3A_987 : i32
          %get3A_1065 = arith.index_cast %add3A_1064 : i32 to index
          %get3A_1066 = arith.constant 16 : index
          %get3A_1067 = tpu.vector_load %arg16[%get3A_1065, %get3A_1066] {strides = array<i32>} : memref<128x192xf32, #tpu.memory_space<vmem>>, vector<16xf32>,
          %mul3A_1068 = vector.broadcast %squeeze3A_1012 : f32 to vector<16xf32>
          %mul3A_1069 = arith.mulf %mul3A_1068, %get3A_1067 : vector<16xf32>
          %add3A_1070 = arith.addf %add3A_1062, %mul3A_1069 : vector<16xf32>
          %get3A_1071 = arith.index_cast %scan3A_987 : i32 to index
          %get3A_1072 = arith.constant 32 : index
          %get3A_1073 = tpu.vector_load %arg16[%get3A_1071, %get3A_1072] {strides = array<i32>} : memref<128x192xf32, #tpu.memory_space<vmem>>, vector<16xf32>,
          %mul3A_1074 = vector.broadcast %squeeze3A : f32 to vector<16xf32>
          %mul3A_1075 = arith.mulf %mul3A_1074, %get3A_1073 : vector<16xf32>
          %add3A_1076 = arith.constant 32 : i32
          %add3A_1077 = arith.addi %add3A_1076, %scan3A_987 : i32
          %get3A_1078 = arith.index_cast %add3A_1077 : i32 to index
          %get3A_1079 = arith.constant 32 : index
          %get3A_1080 = tpu.vector_load %arg16[%get3A_1078, %get3A_1079] {strides = array<i32>} : memref<128x192xf32, #tpu.memory_space<vmem>>, vector<16xf32>,
          %mul3A_1081 = vector.broadcast %squeeze3A_1000 : f32 to vector<16xf32>
          %mul3A_1082 = arith.mulf %mul3A_1081, %get3A_1080 : vector<16xf32>
          %add3A_1083 = arith.addf %mul3A_1075, %mul3A_1082 : vector<16xf32>
          %add3A_1084 = arith.constant 64 : i32
          %add3A_1085 = arith.addi %add3A_1084, %scan3A_987 : i32
          %get3A_1086 = arith.index_cast %add3A_1085 : i32 to index
          %get3A_1087 = arith.constant 32 : index
          %get3A_1088 = tpu.vector_load %arg16[%get3A_1086, %get3A_1087] {strides = array<i32>} : memref<128x192xf32, #tpu.memory_space<vmem>>, vector<16xf32>,
          %mul3A_1089 = vector.broadcast %squeeze3A_1006 : f32 to vector<16xf32>
          %mul3A_1090 = arith.mulf %mul3A_1089, %get3A_1088 : vector<16xf32>
          %add3A_1091 = arith.addf %add3A_1083, %mul3A_1090 : vector<16xf32>
          %add3A_1092 = arith.constant 96 : i32
          %add3A_1093 = arith.addi %add3A_1092, %scan3A_987 : i32
          %get3A_1094 = arith.index_cast %add3A_1093 : i32 to index
          %get3A_1095 = arith.constant 32 : index
          %get3A_1096 = tpu.vector_load %arg16[%get3A_1094, %get3A_1095] {strides = array<i32>} : memref<128x192xf32, #tpu.memory_space<vmem>>, vector<16xf32>,
          %mul3A_1097 = vector.broadcast %squeeze3A_1012 : f32 to vector<16xf32>
          %mul3A_1098 = arith.mulf %mul3A_1097, %get3A_1096 : vector<16xf32>
          %add3A_1099 = arith.addf %add3A_1091, %mul3A_1098 : vector<16xf32>
          %get3A_1100 = arith.index_cast %scan3A_987 : i32 to index
          %get3A_1101 = arith.constant 48 : index
          %get3A_1102 = tpu.vector_load %arg16[%get3A_1100, %get3A_1101] {strides = array<i32>} : memref<128x192xf32, #tpu.memory_space<vmem>>, vector<16xf32>,
          %mul3A_1103 = vector.broadcast %squeeze3A : f32 to vector<16xf32>
          %mul3A_1104 = arith.mulf %mul3A_1103, %get3A_1102 : vector<16xf32>
          %add3A_1105 = arith.constant 32 : i32
          %add3A_1106 = arith.addi %add3A_1105, %scan3A_987 : i32
          %get3A_1107 = arith.index_cast %add3A_1106 : i32 to index
          %get3A_1108 = arith.constant 48 : index
          %get3A_1109 = tpu.vector_load %arg16[%get3A_1107, %get3A_1108] {strides = array<i32>} : memref<128x192xf32, #tpu.memory_space<vmem>>, vector<16xf32>,
          %mul3A_1110 = vector.broadcast %squeeze3A_1000 : f32 to vector<16xf32>
          %mul3A_1111 = arith.mulf %mul3A_1110, %get3A_1109 : vector<16xf32>
          %add3A_1112 = arith.addf %mul3A_1104, %mul3A_1111 : vector<16xf32>
          %add3A_1113 = arith.constant 64 : i32
          %add3A_1114 = arith.addi %add3A_1113, %scan3A_987 : i32
          %get3A_1115 = arith.index_cast %add3A_1114 : i32 to index
          %get3A_1116 = arith.constant 48 : index
          %get3A_1117 = tpu.vector_load %arg16[%get3A_1115, %get3A_1116] {strides = array<i32>} : memref<128x192xf32, #tpu.memory_space<vmem>>, vector<16xf32>,
          %mul3A_1118 = vector.broadcast %squeeze3A_1006 : f32 to vector<16xf32>
          %mul3A_1119 = arith.mulf %mul3A_1118, %get3A_1117 : vector<16xf32>
          %add3A_1120 = arith.addf %add3A_1112, %mul3A_1119 : vector<16xf32>
          %add3A_1121 = arith.constant 96 : i32
          %add3A_1122 = arith.addi %add3A_1121, %scan3A_987 : i32
          %get3A_1123 = arith.index_cast %add3A_1122 : i32 to index
          %get3A_1124 = arith.constant 48 : index
          %get3A_1125 = tpu.vector_load %arg16[%get3A_1123, %get3A_1124] {strides = array<i32>} : memref<128x192xf32, #tpu.memory_space<vmem>>, vector<16xf32>,
          %mul3A_1126 = vector.broadcast %squeeze3A_1012 : f32 to vector<16xf32>
          %mul3A_1127 = arith.mulf %mul3A_1126, %get3A_1125 : vector<16xf32>
          %add3A_1128 = arith.addf %add3A_1120, %mul3A_1127 : vector<16xf32>
          %get3A_1129 = arith.index_cast %scan3A_987 : i32 to index
          %get3A_1130 = arith.constant 64 : index
          %get3A_1131 = tpu.vector_load %arg16[%get3A_1129, %get3A_1130] {strides = array<i32>} : memref<128x192xf32, #tpu.memory_space<vmem>>, vector<16xf32>,
          %mul3A_1132 = vector.broadcast %squeeze3A : f32 to vector<16xf32>
          %mul3A_1133 = arith.mulf %mul3A_1132, %get3A_1131 : vector<16xf32>
          %add3A_1134 = arith.constant 32 : i32
          %add3A_1135 = arith.addi %add3A_1134, %scan3A_987 : i32
          %get3A_1136 = arith.index_cast %add3A_1135 : i32 to index
          %get3A_1137 = arith.constant 64 : index
          %get3A_1138 = tpu.vector_load %arg16[%get3A_1136, %get3A_1137] {strides = array<i32>} : memref<128x192xf32, #tpu.memory_space<vmem>>, vector<16xf32>,
          %mul3A_1139 = vector.broadcast %squeeze3A_1000 : f32 to vector<16xf32>
          %mul3A_1140 = arith.mulf %mul3A_1139, %get3A_1138 : vector<16xf32>
          %add3A_1141 = arith.addf %mul3A_1133, %mul3A_1140 : vector<16xf32>
          %add3A_1142 = arith.constant 64 : i32
          %add3A_1143 = arith.addi %add3A_1142, %scan3A_987 : i32
          %get3A_1144 = arith.index_cast %add3A_1143 : i32 to index
          %get3A_1145 = arith.constant 64 : index
          %get3A_1146 = tpu.vector_load %arg16[%get3A_1144, %get3A_1145] {strides = array<i32>} : memref<128x192xf32, #tpu.memory_space<vmem>>, vector<16xf32>,
          %mul3A_1147 = vector.broadcast %squeeze3A_1006 : f32 to vector<16xf32>
          %mul3A_1148 = arith.mulf %mul3A_1147, %get3A_1146 : vector<16xf32>
          %add3A_1149 = arith.addf %add3A_1141, %mul3A_1148 : vector<16xf32>
          %add3A_1150 = arith.constant 96 : i32
          %add3A_1151 = arith.addi %add3A_1150, %scan3A_987 : i32
          %get3A_1152 = arith.index_cast %add3A_1151 : i32 to index
          %get3A_1153 = arith.constant 64 : index
          %get3A_1154 = tpu.vector_load %arg16[%get3A_1152, %get3A_1153] {strides = array<i32>} : memref<128x192xf32, #tpu.memory_space<vmem>>, vector<16xf32>,
          %mul3A_1155 = vector.broadcast %squeeze3A_1012 : f32 to vector<16xf32>
          %mul3A_1156 = arith.mulf %mul3A_1155, %get3A_1154 : vector<16xf32>
          %add3A_1157 = arith.addf %add3A_1149, %mul3A_1156 : vector<16xf32>
          %get3A_1158 = arith.index_cast %scan3A_987 : i32 to index
          %get3A_1159 = arith.constant 80 : index
          %get3A_1160 = tpu.vector_load %arg16[%get3A_1158, %get3A_1159] {strides = array<i32>} : memref<128x192xf32, #tpu.memory_space<vmem>>, vector<16xf32>,
          %mul3A_1161 = vector.broadcast %squeeze3A : f32 to vector<16xf32>
          %mul3A_1162 = arith.mulf %mul3A_1161, %get3A_1160 : vector<16xf32>
          %add3A_1163 = arith.constant 32 : i32
          %add3A_1164 = arith.addi %add3A_1163, %scan3A_987 : i32
          %get3A_1165 = arith.index_cast %add3A_1164 : i32 to index
          %get3A_1166 = arith.constant 80 : index
          %get3A_1167 = tpu.vector_load %arg16[%get3A_1165, %get3A_1166] {strides = array<i32>} : memref<128x192xf32, #tpu.memory_space<vmem>>, vector<16xf32>,
          %mul3A_1168 = vector.broadcast %squeeze3A_1000 : f32 to vector<16xf32>
          %mul3A_1169 = arith.mulf %mul3A_1168, %get3A_1167 : vector<16xf32>
          %add3A_1170 = arith.addf %mul3A_1162, %mul3A_1169 : vector<16xf32>
          %add3A_1171 = arith.constant 64 : i32
          %add3A_1172 = arith.addi %add3A_1171, %scan3A_987 : i32
          %get3A_1173 = arith.index_cast %add3A_1172 : i32 to index
          %get3A_1174 = arith.constant 80 : index
          %get3A_1175 = tpu.vector_load %arg16[%get3A_1173, %get3A_1174] {strides = array<i32>} : memref<128x192xf32, #tpu.memory_space<vmem>>, vector<16xf32>,
          %mul3A_1176 = vector.broadcast %squeeze3A_1006 : f32 to vector<16xf32>
          %mul3A_1177 = arith.mulf %mul3A_1176, %get3A_1175 : vector<16xf32>
          %add3A_1178 = arith.addf %add3A_1170, %mul3A_1177 : vector<16xf32>
          %add3A_1179 = arith.constant 96 : i32
          %add3A_1180 = arith.addi %add3A_1179, %scan3A_987 : i32
          %get3A_1181 = arith.index_cast %add3A_1180 : i32 to index
          %get3A_1182 = arith.constant 80 : index
          %get3A_1183 = tpu.vector_load %arg16[%get3A_1181, %get3A_1182] {strides = array<i32>} : memref<128x192xf32, #tpu.memory_space<vmem>>, vector<16xf32>,
          %mul3A_1184 = vector.broadcast %squeeze3A_1012 : f32 to vector<16xf32>
          %mul3A_1185 = arith.mulf %mul3A_1184, %get3A_1183 : vector<16xf32>
          %add3A_1186 = arith.addf %add3A_1178, %mul3A_1185 : vector<16xf32>
          %get3A_1187 = arith.index_cast %scan3A_987 : i32 to index
          %get3A_1188 = arith.constant 96 : index
          %get3A_1189 = tpu.vector_load %arg16[%get3A_1187, %get3A_1188] {strides = array<i32>} : memref<128x192xf32, #tpu.memory_space<vmem>>, vector<16xf32>,
          %mul3A_1190 = vector.broadcast %squeeze3A : f32 to vector<16xf32>
          %mul3A_1191 = arith.mulf %mul3A_1190, %get3A_1189 : vector<16xf32>
          %add3A_1192 = arith.constant 32 : i32
          %add3A_1193 = arith.addi %add3A_1192, %scan3A_987 : i32
          %get3A_1194 = arith.index_cast %add3A_1193 : i32 to index
          %get3A_1195 = arith.constant 96 : index
          %get3A_1196 = tpu.vector_load %arg16[%get3A_1194, %get3A_1195] {strides = array<i32>} : memref<128x192xf32, #tpu.memory_space<vmem>>, vector<16xf32>,
          %mul3A_1197 = vector.broadcast %squeeze3A_1000 : f32 to vector<16xf32>
          %mul3A_1198 = arith.mulf %mul3A_1197, %get3A_1196 : vector<16xf32>
          %add3A_1199 = arith.addf %mul3A_1191, %mul3A_1198 : vector<16xf32>
          %add3A_1200 = arith.constant 64 : i32
          %add3A_1201 = arith.addi %add3A_1200, %scan3A_987 : i32
          %get3A_1202 = arith.index_cast %add3A_1201 : i32 to index
          %get3A_1203 = arith.constant 96 : index
          %get3A_1204 = tpu.vector_load %arg16[%get3A_1202, %get3A_1203] {strides = array<i32>} : memref<128x192xf32, #tpu.memory_space<vmem>>, vector<16xf32>,
          %mul3A_1205 = vector.broadcast %squeeze3A_1006 : f32 to vector<16xf32>
          %mul3A_1206 = arith.mulf %mul3A_1205, %get3A_1204 : vector<16xf32>
          %add3A_1207 = arith.addf %add3A_1199, %mul3A_1206 : vector<16xf32>
          %add3A_1208 = arith.constant 96 : i32
          %add3A_1209 = arith.addi %add3A_1208, %scan3A_987 : i32
          %get3A_1210 = arith.index_cast %add3A_1209 : i32 to index
          %get3A_1211 = arith.constant 96 : index
          %get3A_1212 = tpu.vector_load %arg16[%get3A_1210, %get3A_1211] {strides = array<i32>} : memref<128x192xf32, #tpu.memory_space<vmem>>, vector<16xf32>,
          %mul3A_1213 = vector.broadcast %squeeze3A_1012 : f32 to vector<16xf32>
          %mul3A_1214 = arith.mulf %mul3A_1213, %get3A_1212 : vector<16xf32>
          %add3A_1215 = arith.addf %add3A_1207, %mul3A_1214 : vector<16xf32>
          %get3A_1216 = arith.index_cast %scan3A_987 : i32 to index
          %get3A_1217 = arith.constant 112 : index
          %get3A_1218 = tpu.vector_load %arg16[%get3A_1216, %get3A_1217] {strides = array<i32>} : memref<128x192xf32, #tpu.memory_space<vmem>>, vector<16xf32>,
          %mul3A_1219 = vector.broadcast %squeeze3A : f32 to vector<16xf32>
          %mul3A_1220 = arith.mulf %mul3A_1219, %get3A_1218 : vector<16xf32>
          %add3A_1221 = arith.constant 32 : i32
          %add3A_1222 = arith.addi %add3A_1221, %scan3A_987 : i32
          %get3A_1223 = arith.index_cast %add3A_1222 : i32 to index
          %get3A_1224 = arith.constant 112 : index
          %get3A_1225 = tpu.vector_load %arg16[%get3A_1223, %get3A_1224] {strides = array<i32>} : memref<128x192xf32, #tpu.memory_space<vmem>>, vector<16xf32>,
          %mul3A_1226 = vector.broadcast %squeeze3A_1000 : f32 to vector<16xf32>
          %mul3A_1227 = arith.mulf %mul3A_1226, %get3A_1225 : vector<16xf32>
          %add3A_1228 = arith.addf %mul3A_1220, %mul3A_1227 : vector<16xf32>
          %add3A_1229 = arith.constant 64 : i32
          %add3A_1230 = arith.addi %add3A_1229, %scan3A_987 : i32
          %get3A_1231 = arith.index_cast %add3A_1230 : i32 to index
          %get3A_1232 = arith.constant 112 : index
          %get3A_1233 = tpu.vector_load %arg16[%get3A_1231, %get3A_1232] {strides = array<i32>} : memref<128x192xf32, #tpu.memory_space<vmem>>, vector<16xf32>,
          %mul3A_1234 = vector.broadcast %squeeze3A_1006 : f32 to vector<16xf32>
          %mul3A_1235 = arith.mulf %mul3A_1234, %get3A_1233 : vector<16xf32>
          %add3A_1236 = arith.addf %add3A_1228, %mul3A_1235 : vector<16xf32>
          %add3A_1237 = arith.constant 96 : i32
          %add3A_1238 = arith.addi %add3A_1237, %scan3A_987 : i32
          %get3A_1239 = arith.index_cast %add3A_1238 : i32 to index
          %get3A_1240 = arith.constant 112 : index
          %get3A_1241 = tpu.vector_load %arg16[%get3A_1239, %get3A_1240] {strides = array<i32>} : memref<128x192xf32, #tpu.memory_space<vmem>>, vector<16xf32>,
          %mul3A_1242 = vector.broadcast %squeeze3A_1012 : f32 to vector<16xf32>
          %mul3A_1243 = arith.mulf %mul3A_1242, %get3A_1241 : vector<16xf32>
          %add3A_1244 = arith.addf %add3A_1236, %mul3A_1243 : vector<16xf32>
          %get3A_1245 = arith.index_cast %scan3A_987 : i32 to index
          %get3A_1246 = arith.constant 128 : index
          %get3A_1247 = tpu.vector_load %arg16[%get3A_1245, %get3A_1246] {strides = array<i32>} : memref<128x192xf32, #tpu.memory_space<vmem>>, vector<16xf32>,
          %mul3A_1248 = vector.broadcast %squeeze3A : f32 to vector<16xf32>
          %mul3A_1249 = arith.mulf %mul3A_1248, %get3A_1247 : vector<16xf32>
          %add3A_1250 = arith.constant 32 : i32
          %add3A_1251 = arith.addi %add3A_1250, %scan3A_987 : i32
          %get3A_1252 = arith.index_cast %add3A_1251 : i32 to index
          %get3A_1253 = arith.constant 128 : index
          %get3A_1254 = tpu.vector_load %arg16[%get3A_1252, %get3A_1253] {strides = array<i32>} : memref<128x192xf32, #tpu.memory_space<vmem>>, vector<16xf32>,
          %mul3A_1255 = vector.broadcast %squeeze3A_1000 : f32 to vector<16xf32>
          %mul3A_1256 = arith.mulf %mul3A_1255, %get3A_1254 : vector<16xf32>
          %add3A_1257 = arith.addf %mul3A_1249, %mul3A_1256 : vector<16xf32>
          %add3A_1258 = arith.constant 64 : i32
          %add3A_1259 = arith.addi %add3A_1258, %scan3A_987 : i32
          %get3A_1260 = arith.index_cast %add3A_1259 : i32 to index
          %get3A_1261 = arith.constant 128 : index
          %get3A_1262 = tpu.vector_load %arg16[%get3A_1260, %get3A_1261] {strides = array<i32>} : memref<128x192xf32, #tpu.memory_space<vmem>>, vector<16xf32>,
          %mul3A_1263 = vector.broadcast %squeeze3A_1006 : f32 to vector<16xf32>
          %mul3A_1264 = arith.mulf %mul3A_1263, %get3A_1262 : vector<16xf32>
          %add3A_1265 = arith.addf %add3A_1257, %mul3A_1264 : vector<16xf32>
          %add3A_1266 = arith.constant 96 : i32
          %add3A_1267 = arith.addi %add3A_1266, %scan3A_987 : i32
          %get3A_1268 = arith.index_cast %add3A_1267 : i32 to index
          %get3A_1269 = arith.constant 128 : index
          %get3A_1270 = tpu.vector_load %arg16[%get3A_1268, %get3A_1269] {strides = array<i32>} : memref<128x192xf32, #tpu.memory_space<vmem>>, vector<16xf32>,
          %mul3A_1271 = vector.broadcast %squeeze3A_1012 : f32 to vector<16xf32>
          %mul3A_1272 = arith.mulf %mul3A_1271, %get3A_1270 : vector<16xf32>
          %add3A_1273 = arith.addf %add3A_1265, %mul3A_1272 : vector<16xf32>
          %get3A_1274 = arith.index_cast %scan3A_987 : i32 to index
          %get3A_1275 = arith.constant 144 : index
          %get3A_1276 = tpu.vector_load %arg16[%get3A_1274, %get3A_1275] {strides = array<i32>} : memref<128x192xf32, #tpu.memory_space<vmem>>, vector<16xf32>,
          %mul3A_1277 = vector.broadcast %squeeze3A : f32 to vector<16xf32>
          %mul3A_1278 = arith.mulf %mul3A_1277, %get3A_1276 : vector<16xf32>
          %add3A_1279 = arith.constant 32 : i32
          %add3A_1280 = arith.addi %add3A_1279, %scan3A_987 : i32
          %get3A_1281 = arith.index_cast %add3A_1280 : i32 to index
          %get3A_1282 = arith.constant 144 : index
          %get3A_1283 = tpu.vector_load %arg16[%get3A_1281, %get3A_1282] {strides = array<i32>} : memref<128x192xf32, #tpu.memory_space<vmem>>, vector<16xf32>,
          %mul3A_1284 = vector.broadcast %squeeze3A_1000 : f32 to vector<16xf32>
          %mul3A_1285 = arith.mulf %mul3A_1284, %get3A_1283 : vector<16xf32>
          %add3A_1286 = arith.addf %mul3A_1278, %mul3A_1285 : vector<16xf32>
          %add3A_1287 = arith.constant 64 : i32
          %add3A_1288 = arith.addi %add3A_1287, %scan3A_987 : i32
          %get3A_1289 = arith.index_cast %add3A_1288 : i32 to index
          %get3A_1290 = arith.constant 144 : index
          %get3A_1291 = tpu.vector_load %arg16[%get3A_1289, %get3A_1290] {strides = array<i32>} : memref<128x192xf32, #tpu.memory_space<vmem>>, vector<16xf32>,
          %mul3A_1292 = vector.broadcast %squeeze3A_1006 : f32 to vector<16xf32>
          %mul3A_1293 = arith.mulf %mul3A_1292, %get3A_1291 : vector<16xf32>
          %add3A_1294 = arith.addf %add3A_1286, %mul3A_1293 : vector<16xf32>
          %add3A_1295 = arith.constant 96 : i32
          %add3A_1296 = arith.addi %add3A_1295, %scan3A_987 : i32
          %get3A_1297 = arith.index_cast %add3A_1296 : i32 to index
          %get3A_1298 = arith.constant 144 : index
          %get3A_1299 = tpu.vector_load %arg16[%get3A_1297, %get3A_1298] {strides = array<i32>} : memref<128x192xf32, #tpu.memory_space<vmem>>, vector<16xf32>,
          %mul3A_1300 = vector.broadcast %squeeze3A_1012 : f32 to vector<16xf32>
          %mul3A_1301 = arith.mulf %mul3A_1300, %get3A_1299 : vector<16xf32>
          %add3A_1302 = arith.addf %add3A_1294, %mul3A_1301 : vector<16xf32>
          %get3A_1303 = arith.index_cast %scan3A_987 : i32 to index
          %get3A_1304 = arith.constant 160 : index
          %get3A_1305 = tpu.vector_load %arg16[%get3A_1303, %get3A_1304] {strides = array<i32>} : memref<128x192xf32, #tpu.memory_space<vmem>>, vector<16xf32>,
          %mul3A_1306 = vector.broadcast %squeeze3A : f32 to vector<16xf32>
          %mul3A_1307 = arith.mulf %mul3A_1306, %get3A_1305 : vector<16xf32>
          %add3A_1308 = arith.constant 32 : i32
          %add3A_1309 = arith.addi %add3A_1308, %scan3A_987 : i32
          %get3A_1310 = arith.index_cast %add3A_1309 : i32 to index
          %get3A_1311 = arith.constant 160 : index
          %get3A_1312 = tpu.vector_load %arg16[%get3A_1310, %get3A_1311] {strides = array<i32>} : memref<128x192xf32, #tpu.memory_space<vmem>>, vector<16xf32>,
          %mul3A_1313 = vector.broadcast %squeeze3A_1000 : f32 to vector<16xf32>
          %mul3A_1314 = arith.mulf %mul3A_1313, %get3A_1312 : vector<16xf32>
          %add3A_1315 = arith.addf %mul3A_1307, %mul3A_1314 : vector<16xf32>
          %add3A_1316 = arith.constant 64 : i32
          %add3A_1317 = arith.addi %add3A_1316, %scan3A_987 : i32
          %get3A_1318 = arith.index_cast %add3A_1317 : i32 to index
          %get3A_1319 = arith.constant 160 : index
          %get3A_1320 = tpu.vector_load %arg16[%get3A_1318, %get3A_1319] {strides = array<i32>} : memref<128x192xf32, #tpu.memory_space<vmem>>, vector<16xf32>,
          %mul3A_1321 = vector.broadcast %squeeze3A_1006 : f32 to vector<16xf32>
          %mul3A_1322 = arith.mulf %mul3A_1321, %get3A_1320 : vector<16xf32>
          %add3A_1323 = arith.addf %add3A_1315, %mul3A_1322 : vector<16xf32>
          %add3A_1324 = arith.constant 96 : i32
          %add3A_1325 = arith.addi %add3A_1324, %scan3A_987 : i32
          %get3A_1326 = arith.index_cast %add3A_1325 : i32 to index
          %get3A_1327 = arith.constant 160 : index
          %get3A_1328 = tpu.vector_load %arg16[%get3A_1326, %get3A_1327] {strides = array<i32>} : memref<128x192xf32, #tpu.memory_space<vmem>>, vector<16xf32>,
          %mul3A_1329 = vector.broadcast %squeeze3A_1012 : f32 to vector<16xf32>
          %mul3A_1330 = arith.mulf %mul3A_1329, %get3A_1328 : vector<16xf32>
          %add3A_1331 = arith.addf %add3A_1323, %mul3A_1330 : vector<16xf32>
          %get3A_1332 = arith.index_cast %scan3A_987 : i32 to index
          %get3A_1333 = arith.constant 176 : index
          %get3A_1334 = tpu.vector_load %arg16[%get3A_1332, %get3A_1333] {strides = array<i32>} : memref<128x192xf32, #tpu.memory_space<vmem>>, vector<16xf32>,
          %mul3A_1335 = vector.broadcast %squeeze3A : f32 to vector<16xf32>
          %mul3A_1336 = arith.mulf %mul3A_1335, %get3A_1334 : vector<16xf32>
          %add3A_1337 = arith.constant 32 : i32
          %add3A_1338 = arith.addi %add3A_1337, %scan3A_987 : i32
          %get3A_1339 = arith.index_cast %add3A_1338 : i32 to index
          %get3A_1340 = arith.constant 176 : index
          %get3A_1341 = tpu.vector_load %arg16[%get3A_1339, %get3A_1340] {strides = array<i32>} : memref<128x192xf32, #tpu.memory_space<vmem>>, vector<16xf32>,
          %mul3A_1342 = vector.broadcast %squeeze3A_1000 : f32 to vector<16xf32>
          %mul3A_1343 = arith.mulf %mul3A_1342, %get3A_1341 : vector<16xf32>
          %add3A_1344 = arith.addf %mul3A_1336, %mul3A_1343 : vector<16xf32>
          %add3A_1345 = arith.constant 64 : i32
          %add3A_1346 = arith.addi %add3A_1345, %scan3A_987 : i32
          %get3A_1347 = arith.index_cast %add3A_1346 : i32 to index
          %get3A_1348 = arith.constant 176 : index
          %get3A_1349 = tpu.vector_load %arg16[%get3A_1347, %get3A_1348] {strides = array<i32>} : memref<128x192xf32, #tpu.memory_space<vmem>>, vector<16xf32>,
          %mul3A_1350 = vector.broadcast %squeeze3A_1006 : f32 to vector<16xf32>
          %mul3A_1351 = arith.mulf %mul3A_1350, %get3A_1349 : vector<16xf32>
          %add3A_1352 = arith.addf %add3A_1344, %mul3A_1351 : vector<16xf32>
          %add3A_1353 = arith.constant 96 : i32
          %add3A_1354 = arith.addi %add3A_1353, %scan3A_987 : i32
          %get3A_1355 = arith.index_cast %add3A_1354 : i32 to index
          %get3A_1356 = arith.constant 176 : index
          %get3A_1357 = tpu.vector_load %arg16[%get3A_1355, %get3A_1356] {strides = array<i32>} : memref<128x192xf32, #tpu.memory_space<vmem>>, vector<16xf32>,
          %mul3A_1358 = vector.broadcast %squeeze3A_1012 : f32 to vector<16xf32>
          %mul3A_1359 = arith.mulf %mul3A_1358, %get3A_1357 : vector<16xf32>
          %add3A_1360 = arith.addf %add3A_1352, %mul3A_1359 : vector<16xf32>
          %broadcast_in_dim3A_1361 = arith.constant 0 : i32
          %broadcast_in_dim3A_1362 = vector.broadcast %broadcast_in_dim3A_1361 : i32 to vector<16xi32>
          %add3A_1363 = vector.broadcast %add3A_990 : i32 to vector<16xi32>
          %add3A_1364 = arith.addi %broadcast_in_dim3A_1362, %add3A_1363 : vector<16xi32>
          tpu.vector_store_idx %arg20[%add3A_763, %and3A_832, %add3A_1364], %add3A_1041 : memref<24x8x128xf32, #tpu.memory_space<vmem>>[vector<16xi32>, vector<16xi32>, vector<16xi32>], vector<16xf32>,
          tpu.vector_store_idx %arg20[%add3A_769, %and3A_832, %add3A_1364], %add3A_1070 : memref<24x8x128xf32, #tpu.memory_space<vmem>>[vector<16xi32>, vector<16xi32>, vector<16xi32>], vector<16xf32>,
          tpu.vector_store_idx %arg20[%add3A_775, %and3A_832, %add3A_1364], %add3A_1099 : memref<24x8x128xf32, #tpu.memory_space<vmem>>[vector<16xi32>, vector<16xi32>, vector<16xi32>], vector<16xf32>,
          tpu.vector_store_idx %arg20[%add3A_781, %and3A_832, %add3A_1364], %add3A_1128 : memref<24x8x128xf32, #tpu.memory_space<vmem>>[vector<16xi32>, vector<16xi32>, vector<16xi32>], vector<16xf32>,
          tpu.vector_store_idx %arg20[%add3A_787, %and3A_832, %add3A_1364], %add3A_1157 : memref<24x8x128xf32, #tpu.memory_space<vmem>>[vector<16xi32>, vector<16xi32>, vector<16xi32>], vector<16xf32>,
          tpu.vector_store_idx %arg20[%add3A_793, %and3A_832, %add3A_1364], %add3A_1186 : memref<24x8x128xf32, #tpu.memory_space<vmem>>[vector<16xi32>, vector<16xi32>, vector<16xi32>], vector<16xf32>,
          tpu.vector_store_idx %arg20[%add3A_799, %and3A_832, %add3A_1364], %add3A_1215 : memref<24x8x128xf32, #tpu.memory_space<vmem>>[vector<16xi32>, vector<16xi32>, vector<16xi32>], vector<16xf32>,
          tpu.vector_store_idx %arg20[%add3A_805, %and3A_832, %add3A_1364], %add3A_1244 : memref<24x8x128xf32, #tpu.memory_space<vmem>>[vector<16xi32>, vector<16xi32>, vector<16xi32>], vector<16xf32>,
          tpu.vector_store_idx %arg20[%add3A_811, %and3A_832, %add3A_1364], %add3A_1273 : memref<24x8x128xf32, #tpu.memory_space<vmem>>[vector<16xi32>, vector<16xi32>, vector<16xi32>], vector<16xf32>,
          tpu.vector_store_idx %arg20[%add3A_817, %and3A_832, %add3A_1364], %add3A_1302 : memref<24x8x128xf32, #tpu.memory_space<vmem>>[vector<16xi32>, vector<16xi32>, vector<16xi32>], vector<16xf32>,
          tpu.vector_store_idx %arg20[%add3A_823, %and3A_832, %add3A_1364], %add3A_1331 : memref<24x8x128xf32, #tpu.memory_space<vmem>>[vector<16xi32>, vector<16xi32>, vector<16xi32>], vector<16xf32>,
          tpu.vector_store_idx %arg20[%add3A_829, %and3A_832, %add3A_1364], %add3A_1360 : memref<24x8x128xf32, #tpu.memory_space<vmem>>[vector<16xi32>, vector<16xi32>, vector<16xi32>], vector<16xf32>,
          %scan3A_1365 = arith.constant 0 : i32
          scf.yield %scan3A_1365 : i32
        }
        %scan3A_939 = arith.constant 32 : i32
        %add3A_940 = arith.constant 1 : i32
        %add3A_941 = arith.addi %scan3A_877, %add3A_940 : i32
        %lt3A_942 = arith.cmpi slt, %add3A_941, %sub3A_3 : i32
        %convert_element_type3A_943 = arith.extui %lt3A_942 : i1 to i32
        %cond3A_944 = arith.constant 0 : i32
        %cond3A_945 = arith.cmpi ne, %convert_element_type3A_943, %cond3A_944 : i32
        scf.if %cond3A_945 {
          %mul3A_987 = arith.constant 2 : i32
          %mul3A_988 = arith.muli %mul3A_987, %add3A_941 : i32
          %add3A_989 = arith.addi %mul3A_988, %shift_right_arithmetic3A_2 : i32
          %jit3A_990 = arith.constant 7 : i32
          %div3A_991 = arith.divsi %add3A_989, %jit3A_990 : i32
          %sign3A_992 = arith.constant 0 : i32
          %sign3A_993 = arith.cmpi sgt, %add3A_989, %sign3A_992 : i32
          %sign3A_994 = arith.extui %sign3A_993 : i1 to i32
          %sign3A_995 = arith.constant 0 : i32
          %sign3A_996 = arith.cmpi slt, %add3A_989, %sign3A_995 : i32
          %sign3A_997 = arith.extui %sign3A_996 : i1 to i32
          %sign3A_998 = arith.subi %sign3A_994, %sign3A_997 : i32
          %sign3A_999 = arith.constant 0 : i32
          %sign3A_1000 = arith.cmpi sgt, %jit3A_990, %sign3A_999 : i32
          %sign3A_1001 = arith.extui %sign3A_1000 : i1 to i32
          %sign3A_1002 = arith.constant 0 : i32
          %sign3A_1003 = arith.cmpi slt, %jit3A_990, %sign3A_1002 : i32
          %sign3A_1004 = arith.extui %sign3A_1003 : i1 to i32
          %sign3A_1005 = arith.subi %sign3A_1001, %sign3A_1004 : i32
          %ne3A_1006 = arith.cmpi ne, %sign3A_998, %sign3A_1005 : i32
          %rem3A_1007 = arith.remsi %add3A_989, %jit3A_990 : i32
          %ne3A_1008 = arith.constant 0 : i32
          %ne3A_1009 = arith.cmpi ne, %rem3A_1007, %ne3A_1008 : i32
          %and3A_1010 = arith.andi %ne3A_1006, %ne3A_1009 : i1
          %sub3A_1011 = arith.constant 1 : i32
          %sub3A_1012 = arith.subi %div3A_991, %sub3A_1011 : i32
          %select_n3A_1013 = arith.select %and3A_1010, %sub3A_1012, %div3A_991 : i32
          %mul3A_1014 = arith.constant 7 : i32
          %mul3A_1015 = arith.muli %select_n3A_1013, %mul3A_1014 : i32
          %sub3A_1016 = arith.subi %add3A_989, %mul3A_1015 : i32
          %add3A_1017 = arith.constant 576 : i32
          %add3A_1018 = arith.addi %add3A_1017, %select_n3A_1013 : i32
          %get3A_1019 = arith.index_cast %add3A_1018 : i32 to index
          %get3A_1020 = tpu.vector_load %arg19[%get3A_1019] {strides = array<i32>} : memref<608xf32, #tpu.memory_space<vmem>>, vector<16xf32>,
          %slice3A = vector.extract_strided_slice %get3A_1020 {offsets = [0], sizes = [1], strides = [1]} : vector<16xf32> to vector<1xf32>
          %squeeze3A = vector.extract %slice3A[0] : f32 from vector<1xf32>
          %add3A_1021 = arith.constant 576 : i32
          %add3A_1022 = arith.addi %add3A_1021, %sub3A_1016 : i32
          %get3A_1023 = arith.index_cast %add3A_1022 : i32 to index
          %get3A_1024 = tpu.vector_load %arg19[%get3A_1023] {strides = array<i32>} : memref<608xf32, #tpu.memory_space<vmem>>, vector<16xf32>,
          %slice3A_1025 = vector.extract_strided_slice %get3A_1024 {offsets = [0], sizes = [1], strides = [1]} : vector<16xf32> to vector<1xf32>
          %squeeze3A_1026 = vector.extract %slice3A_1025[0] : f32 from vector<1xf32>
          %get3A_1027 = arith.constant 32 : index
          %get3A_1028 = tpu.vector_load %arg10[%get3A_1027] {strides = array<i32>} : memref<576xf32, #tpu.memory_space<vmem>>, vector<16xf32>,
          %get3A_1029 = arith.constant 176 : index
          %get3A_1030 = tpu.vector_load %arg10[%get3A_1029] {strides = array<i32>} : memref<576xf32, #tpu.memory_space<vmem>>, vector<16xf32>,
          %get3A_1031 = arith.constant 320 : index
          %get3A_1032 = tpu.vector_load %arg10[%get3A_1031] {strides = array<i32>} : memref<576xf32, #tpu.memory_space<vmem>>, vector<16xf32>,
          %get3A_1033 = arith.constant 464 : index
          %get3A_1034 = tpu.vector_load %arg10[%get3A_1033] {strides = array<i32>} : memref<576xf32, #tpu.memory_space<vmem>>, vector<16xf32>,
          %get3A_1035 = arith.constant 32 : index
          %get3A_1036 = tpu.vector_load %arg9[%get3A_1035] {strides = array<i32>} : memref<288xi32, #tpu.memory_space<vmem>>, vector<16xi32>,
          %get3A_1037 = arith.constant 176 : index
          %get3A_1038 = tpu.vector_load %arg9[%get3A_1037] {strides = array<i32>} : memref<288xi32, #tpu.memory_space<vmem>>, vector<16xi32>,
          %sub3A_1039 = arith.constant 1 : i32
          %sub3A_1040 = vector.broadcast %sub3A_1039 : i32 to vector<16xi32>
          %sub3A_1041 = arith.subi %get3A_1036, %sub3A_1040 : vector<16xi32>
          %mul3A_1042 = vector.broadcast %squeeze3A_1026 : f32 to vector<16xf32>
          %mul3A_1043 = arith.mulf %get3A_1032, %mul3A_1042 : vector<16xf32>
          %add3A_1044 = arith.addf %get3A_1028, %mul3A_1043 : vector<16xf32>
          %mul3A_1045 = vector.broadcast %squeeze3A : f32 to vector<16xf32>
          %mul3A_1046 = arith.mulf %get3A_1034, %mul3A_1045 : vector<16xf32>
          %add3A_1047 = arith.addf %get3A_1030, %mul3A_1046 : vector<16xf32>
          %convert_element_type3A_1048 = arith.fptosi %add3A_1044 : vector<16xf32> to vector<16xi32>
          %convert_element_type3A_1049 = arith.fptosi %add3A_1047 : vector<16xf32> to vector<16xi32>
          %convert_element_type3A_1050 = arith.sitofp %convert_element_type3A_1048 : vector<16xi32> to vector<16xf32>
          %sub3A_1051 = arith.subf %add3A_1044, %convert_element_type3A_1050 : vector<16xf32>
          %convert_element_type3A_1052 = arith.sitofp %convert_element_type3A_1049 : vector<16xi32> to vector<16xf32>
          %sub3A_1053 = arith.subf %add3A_1047, %convert_element_type3A_1052 : vector<16xf32>
          %min3A = arith.minsi %convert_element_type3A_1048, %sub3A_1041 : vector<16xi32>
          %min3A_1054 = arith.minsi %convert_element_type3A_1049, %sub3A_1041 : vector<16xi32>
          %add3A_1055 = arith.constant 1 : i32
          %add3A_1056 = vector.broadcast %add3A_1055 : i32 to vector<16xi32>
          %add3A_1057 = arith.addi %convert_element_type3A_1048, %add3A_1056 : vector<16xi32>
          %min3A_1058 = arith.minsi %add3A_1057, %sub3A_1041 : vector<16xi32>
          %add3A_1059 = arith.constant 1 : i32
          %add3A_1060 = vector.broadcast %add3A_1059 : i32 to vector<16xi32>
          %add3A_1061 = arith.addi %convert_element_type3A_1049, %add3A_1060 : vector<16xi32>
          %min3A_1062 = arith.minsi %add3A_1061, %sub3A_1041 : vector<16xi32>
          %mul3A_1063 = arith.muli %min3A_1054, %get3A_1036 : vector<16xi32>
          %add3A_1064 = arith.addi %get3A_1038, %mul3A_1063 : vector<16xi32>
          %mul3A_1065 = arith.muli %min3A_1062, %get3A_1036 : vector<16xi32>
          %add3A_1066 = arith.addi %get3A_1038, %mul3A_1065 : vector<16xi32>
          %add3A_1067 = arith.addi %add3A_1064, %min3A : vector<16xi32>
          %swap3A_1068 = arith.constant 0 : index
          %swap3A_1069 = tpu.vector_load %arg12[%swap3A_1068] {strides = array<i32>} : memref<128xi32, #tpu.memory_space<vmem>>, vector<16xi32>,
          tpu.vector_store %arg12[%swap3A_1068], %add3A_1067 {strides = array<i32>} : memref<128xi32, #tpu.memory_space<vmem>>, vector<16xi32>,
          %add3A_1070 = arith.addi %add3A_1064, %min3A_1058 : vector<16xi32>
          %swap3A_1071 = arith.constant 32 : index
          %swap3A_1072 = tpu.vector_load %arg12[%swap3A_1071] {strides = array<i32>} : memref<128xi32, #tpu.memory_space<vmem>>, vector<16xi32>,
          tpu.vector_store %arg12[%swap3A_1071], %add3A_1070 {strides = array<i32>} : memref<128xi32, #tpu.memory_space<vmem>>, vector<16xi32>,
          %add3A_1073 = arith.addi %add3A_1066, %min3A : vector<16xi32>
          %swap3A_1074 = arith.constant 64 : index
          %swap3A_1075 = tpu.vector_load %arg12[%swap3A_1074] {strides = array<i32>} : memref<128xi32, #tpu.memory_space<vmem>>, vector<16xi32>,
          tpu.vector_store %arg12[%swap3A_1074], %add3A_1073 {strides = array<i32>} : memref<128xi32, #tpu.memory_space<vmem>>, vector<16xi32>,
          %add3A_1076 = arith.addi %add3A_1066, %min3A_1058 : vector<16xi32>
          %swap3A_1077 = arith.constant 96 : index
          %swap3A_1078 = tpu.vector_load %arg12[%swap3A_1077] {strides = array<i32>} : memref<128xi32, #tpu.memory_space<vmem>>, vector<16xi32>,
          tpu.vector_store %arg12[%swap3A_1077], %add3A_1076 {strides = array<i32>} : memref<128xi32, #tpu.memory_space<vmem>>, vector<16xi32>,
          %sub3A_1079 = arith.constant 1.000000e+00 : f32
          %sub3A_1080 = vector.broadcast %sub3A_1079 : f32 to vector<16xf32>
          %sub3A_1081 = arith.subf %sub3A_1080, %sub3A_1051 : vector<16xf32>
          %sub3A_1082 = arith.constant 1.000000e+00 : f32
          %sub3A_1083 = vector.broadcast %sub3A_1082 : f32 to vector<16xf32>
          %sub3A_1084 = arith.subf %sub3A_1083, %sub3A_1053 : vector<16xf32>
          %mul3A_1085 = arith.mulf %sub3A_1084, %sub3A_1081 : vector<16xf32>
          %swap3A_1086 = arith.constant 32 : index
          %swap3A_1087 = tpu.vector_load %arg19[%swap3A_1086] {strides = array<i32>} : memref<608xf32, #tpu.memory_space<vmem>>, vector<16xf32>,
          tpu.vector_store %arg19[%swap3A_1086], %mul3A_1085 {strides = array<i32>} : memref<608xf32, #tpu.memory_space<vmem>>, vector<16xf32>,
          %mul3A_1088 = arith.mulf %sub3A_1084, %sub3A_1051 : vector<16xf32>
          %swap3A_1089 = arith.constant 176 : index
          %swap3A_1090 = tpu.vector_load %arg19[%swap3A_1089] {strides = array<i32>} : memref<608xf32, #tpu.memory_space<vmem>>, vector<16xf32>,
          tpu.vector_store %arg19[%swap3A_1089], %mul3A_1088 {strides = array<i32>} : memref<608xf32, #tpu.memory_space<vmem>>, vector<16xf32>,
          %mul3A_1091 = arith.mulf %sub3A_1053, %sub3A_1081 : vector<16xf32>
          %swap3A_1092 = arith.constant 320 : index
          %swap3A_1093 = tpu.vector_load %arg19[%swap3A_1092] {strides = array<i32>} : memref<608xf32, #tpu.memory_space<vmem>>, vector<16xf32>,
          tpu.vector_store %arg19[%swap3A_1092], %mul3A_1091 {strides = array<i32>} : memref<608xf32, #tpu.memory_space<vmem>>, vector<16xf32>,
          %mul3A_1094 = arith.mulf %sub3A_1053, %sub3A_1051 : vector<16xf32>
          %swap3A_1095 = arith.constant 464 : index
          %swap3A_1096 = tpu.vector_load %arg19[%swap3A_1095] {strides = array<i32>} : memref<608xf32, #tpu.memory_space<vmem>>, vector<16xf32>,
          tpu.vector_store %arg19[%swap3A_1095], %mul3A_1094 {strides = array<i32>} : memref<608xf32, #tpu.memory_space<vmem>>, vector<16xf32>,
          %get3A_1097 = arith.constant 48 : index
          %get3A_1098 = tpu.vector_load %arg10[%get3A_1097] {strides = array<i32>} : memref<576xf32, #tpu.memory_space<vmem>>, vector<16xf32>,
          %get3A_1099 = arith.constant 192 : index
          %get3A_1100 = tpu.vector_load %arg10[%get3A_1099] {strides = array<i32>} : memref<576xf32, #tpu.memory_space<vmem>>, vector<16xf32>,
          %get3A_1101 = arith.constant 336 : index
          %get3A_1102 = tpu.vector_load %arg10[%get3A_1101] {strides = array<i32>} : memref<576xf32, #tpu.memory_space<vmem>>, vector<16xf32>,
          %get3A_1103 = arith.constant 480 : index
          %get3A_1104 = tpu.vector_load %arg10[%get3A_1103] {strides = array<i32>} : memref<576xf32, #tpu.memory_space<vmem>>, vector<16xf32>,
          %get3A_1105 = arith.constant 48 : index
          %get3A_1106 = tpu.vector_load %arg9[%get3A_1105] {strides = array<i32>} : memref<288xi32, #tpu.memory_space<vmem>>, vector<16xi32>,
          %get3A_1107 = arith.constant 192 : index
          %get3A_1108 = tpu.vector_load %arg9[%get3A_1107] {strides = array<i32>} : memref<288xi32, #tpu.memory_space<vmem>>, vector<16xi32>,
          %sub3A_1109 = arith.constant 1 : i32
          %sub3A_1110 = vector.broadcast %sub3A_1109 : i32 to vector<16xi32>
          %sub3A_1111 = arith.subi %get3A_1106, %sub3A_1110 : vector<16xi32>
          %mul3A_1112 = vector.broadcast %squeeze3A_1026 : f32 to vector<16xf32>
          %mul3A_1113 = arith.mulf %get3A_1102, %mul3A_1112 : vector<16xf32>
          %add3A_1114 = arith.addf %get3A_1098, %mul3A_1113 : vector<16xf32>
          %mul3A_1115 = vector.broadcast %squeeze3A : f32 to vector<16xf32>
          %mul3A_1116 = arith.mulf %get3A_1104, %mul3A_1115 : vector<16xf32>
          %add3A_1117 = arith.addf %get3A_1100, %mul3A_1116 : vector<16xf32>
          %convert_element_type3A_1118 = arith.fptosi %add3A_1114 : vector<16xf32> to vector<16xi32>
          %convert_element_type3A_1119 = arith.fptosi %add3A_1117 : vector<16xf32> to vector<16xi32>
          %convert_element_type3A_1120 = arith.sitofp %convert_element_type3A_1118 : vector<16xi32> to vector<16xf32>
          %sub3A_1121 = arith.subf %add3A_1114, %convert_element_type3A_1120 : vector<16xf32>
          %convert_element_type3A_1122 = arith.sitofp %convert_element_type3A_1119 : vector<16xi32> to vector<16xf32>
          %sub3A_1123 = arith.subf %add3A_1117, %convert_element_type3A_1122 : vector<16xf32>
          %min3A_1124 = arith.minsi %convert_element_type3A_1118, %sub3A_1111 : vector<16xi32>
          %min3A_1125 = arith.minsi %convert_element_type3A_1119, %sub3A_1111 : vector<16xi32>
          %add3A_1126 = arith.constant 1 : i32
          %add3A_1127 = vector.broadcast %add3A_1126 : i32 to vector<16xi32>
          %add3A_1128 = arith.addi %convert_element_type3A_1118, %add3A_1127 : vector<16xi32>
          %min3A_1129 = arith.minsi %add3A_1128, %sub3A_1111 : vector<16xi32>
          %add3A_1130 = arith.constant 1 : i32
          %add3A_1131 = vector.broadcast %add3A_1130 : i32 to vector<16xi32>
          %add3A_1132 = arith.addi %convert_element_type3A_1119, %add3A_1131 : vector<16xi32>
          %min3A_1133 = arith.minsi %add3A_1132, %sub3A_1111 : vector<16xi32>
          %mul3A_1134 = arith.muli %min3A_1125, %get3A_1106 : vector<16xi32>
          %add3A_1135 = arith.addi %get3A_1108, %mul3A_1134 : vector<16xi32>
          %mul3A_1136 = arith.muli %min3A_1133, %get3A_1106 : vector<16xi32>
          %add3A_1137 = arith.addi %get3A_1108, %mul3A_1136 : vector<16xi32>
          %add3A_1138 = arith.addi %add3A_1135, %min3A_1124 : vector<16xi32>
          %swap3A_1139 = arith.constant 16 : index
          %swap3A_1140 = tpu.vector_load %arg12[%swap3A_1139] {strides = array<i32>} : memref<128xi32, #tpu.memory_space<vmem>>, vector<16xi32>,
          tpu.vector_store %arg12[%swap3A_1139], %add3A_1138 {strides = array<i32>} : memref<128xi32, #tpu.memory_space<vmem>>, vector<16xi32>,
          %add3A_1141 = arith.addi %add3A_1135, %min3A_1129 : vector<16xi32>
          %swap3A_1142 = arith.constant 48 : index
          %swap3A_1143 = tpu.vector_load %arg12[%swap3A_1142] {strides = array<i32>} : memref<128xi32, #tpu.memory_space<vmem>>, vector<16xi32>,
          tpu.vector_store %arg12[%swap3A_1142], %add3A_1141 {strides = array<i32>} : memref<128xi32, #tpu.memory_space<vmem>>, vector<16xi32>,
          %add3A_1144 = arith.addi %add3A_1137, %min3A_1124 : vector<16xi32>
          %swap3A_1145 = arith.constant 80 : index
          %swap3A_1146 = tpu.vector_load %arg12[%swap3A_1145] {strides = array<i32>} : memref<128xi32, #tpu.memory_space<vmem>>, vector<16xi32>,
          tpu.vector_store %arg12[%swap3A_1145], %add3A_1144 {strides = array<i32>} : memref<128xi32, #tpu.memory_space<vmem>>, vector<16xi32>,
          %add3A_1147 = arith.addi %add3A_1137, %min3A_1129 : vector<16xi32>
          %swap3A_1148 = arith.constant 112 : index
          %swap3A_1149 = tpu.vector_load %arg12[%swap3A_1148] {strides = array<i32>} : memref<128xi32, #tpu.memory_space<vmem>>, vector<16xi32>,
          tpu.vector_store %arg12[%swap3A_1148], %add3A_1147 {strides = array<i32>} : memref<128xi32, #tpu.memory_space<vmem>>, vector<16xi32>,
          %sub3A_1150 = arith.constant 1.000000e+00 : f32
          %sub3A_1151 = vector.broadcast %sub3A_1150 : f32 to vector<16xf32>
          %sub3A_1152 = arith.subf %sub3A_1151, %sub3A_1121 : vector<16xf32>
          %sub3A_1153 = arith.constant 1.000000e+00 : f32
          %sub3A_1154 = vector.broadcast %sub3A_1153 : f32 to vector<16xf32>
          %sub3A_1155 = arith.subf %sub3A_1154, %sub3A_1123 : vector<16xf32>
          %mul3A_1156 = arith.mulf %sub3A_1155, %sub3A_1152 : vector<16xf32>
          %swap3A_1157 = arith.constant 48 : index
          %swap3A_1158 = tpu.vector_load %arg19[%swap3A_1157] {strides = array<i32>} : memref<608xf32, #tpu.memory_space<vmem>>, vector<16xf32>,
          tpu.vector_store %arg19[%swap3A_1157], %mul3A_1156 {strides = array<i32>} : memref<608xf32, #tpu.memory_space<vmem>>, vector<16xf32>,
          %mul3A_1159 = arith.mulf %sub3A_1155, %sub3A_1121 : vector<16xf32>
          %swap3A_1160 = arith.constant 192 : index
          %swap3A_1161 = tpu.vector_load %arg19[%swap3A_1160] {strides = array<i32>} : memref<608xf32, #tpu.memory_space<vmem>>, vector<16xf32>,
          tpu.vector_store %arg19[%swap3A_1160], %mul3A_1159 {strides = array<i32>} : memref<608xf32, #tpu.memory_space<vmem>>, vector<16xf32>,
          %mul3A_1162 = arith.mulf %sub3A_1123, %sub3A_1152 : vector<16xf32>
          %swap3A_1163 = arith.constant 336 : index
          %swap3A_1164 = tpu.vector_load %arg19[%swap3A_1163] {strides = array<i32>} : memref<608xf32, #tpu.memory_space<vmem>>, vector<16xf32>,
          tpu.vector_store %arg19[%swap3A_1163], %mul3A_1162 {strides = array<i32>} : memref<608xf32, #tpu.memory_space<vmem>>, vector<16xf32>,
          %mul3A_1165 = arith.mulf %sub3A_1123, %sub3A_1121 : vector<16xf32>
          %swap3A_1166 = arith.constant 480 : index
          %swap3A_1167 = tpu.vector_load %arg19[%swap3A_1166] {strides = array<i32>} : memref<608xf32, #tpu.memory_space<vmem>>, vector<16xf32>,
          tpu.vector_store %arg19[%swap3A_1166], %mul3A_1165 {strides = array<i32>} : memref<608xf32, #tpu.memory_space<vmem>>, vector<16xf32>,
          %dma_start3A_1168 = arith.constant 0 : i32
          %dma_start3A_1169 = arith.constant 0 : i32
          %dma_start3A_1170 = tpu.memref_slice %arg6[%dma_start3A_1168, %dma_start3A_1169] : memref<21760x192xf32, #tpu.memory_space<hbm>> -> memref<21760x192xf32, #tpu.memory_space<hbm>>
          tpu.enqueue_indirect_dma source(%dma_start3A_1170 : memref<21760x192xf32, #tpu.memory_space<hbm>>) target(%arg16 : memref<128x192xf32, #tpu.memory_space<vmem>>) offsets(%arg12 : memref<128xi32, #tpu.memory_space<vmem>>) semaphore(%arg22 : memref<!tpu.dma_semaphore, #tpu.memory_space<semaphore_mem>>)
        } else {
        }
        %dma_wait3A_946 = arith.constant 0 : i32
        %dma_wait3A_947 = arith.constant 0 : i32
        %dma_wait3A_948 = tpu.memref_slice %arg6[%dma_wait3A_946, %dma_wait3A_947] : memref<21760x192xf32, #tpu.memory_space<hbm>> -> memref<21760x192xf32, #tpu.memory_space<hbm>>
        tpu.wait_indirect_dma semaphore(%arg23 : memref<!tpu.dma_semaphore, #tpu.memory_space<semaphore_mem>>) src(%dma_wait3A_948 : memref<21760x192xf32, #tpu.memory_space<hbm>>) dst(%arg17 : memref<128x192xf32, #tpu.memory_space<vmem>>)
        %scan3A_949 = arith.constant 0 : i32
        %scan3A_950 = arith.constant 0 : i32
        %scan3A_951 = arith.constant 32 : i32
        %scan3A_952 = arith.addi %scan3A_950, %scan3A_951 : i32
        %scan3A_953 = arith.constant 1 : i32
        %scan3A_954 = scf.for %scan3A_987 = %scan3A_950 to %scan3A_952 step %scan3A_953 iter_args(%scan3A_988 = %scan3A_949) -> (i32)  : i32 {
          %add3A_989 = arith.constant 64 : i32
          %add3A_990 = arith.addi %add3A_989, %scan3A_987 : i32
          %add3A_991 = arith.constant 0 : i32
          %add3A_992 = arith.addi %add3A_991, %add3A_990 : i32
          %get3A_993 = arith.index_cast %add3A_992 : i32 to index
          %get3A_994 = tpu.vector_load %arg19[%get3A_993] {strides = array<i32>} : memref<608xf32, #tpu.memory_space<vmem>>, vector<16xf32>,
          %slice3A = vector.extract_strided_slice %get3A_994 {offsets = [0], sizes = [1], strides = [1]} : vector<16xf32> to vector<1xf32>
          %squeeze3A = vector.extract %slice3A[0] : f32 from vector<1xf32>
          %add3A_995 = arith.constant 144 : i32
          %add3A_996 = arith.addi %add3A_995, %add3A_990 : i32
          %get3A_997 = arith.index_cast %add3A_996 : i32 to index
          %get3A_998 = tpu.vector_load %arg19[%get3A_997] {strides = array<i32>} : memref<608xf32, #tpu.memory_space<vmem>>, vector<16xf32>,
          %slice3A_999 = vector.extract_strided_slice %get3A_998 {offsets = [0], sizes = [1], strides = [1]} : vector<16xf32> to vector<1xf32>
          %squeeze3A_1000 = vector.extract %slice3A_999[0] : f32 from vector<1xf32>
          %add3A_1001 = arith.constant 288 : i32
          %add3A_1002 = arith.addi %add3A_1001, %add3A_990 : i32
          %get3A_1003 = arith.index_cast %add3A_1002 : i32 to index
          %get3A_1004 = tpu.vector_load %arg19[%get3A_1003] {strides = array<i32>} : memref<608xf32, #tpu.memory_space<vmem>>, vector<16xf32>,
          %slice3A_1005 = vector.extract_strided_slice %get3A_1004 {offsets = [0], sizes = [1], strides = [1]} : vector<16xf32> to vector<1xf32>
          %squeeze3A_1006 = vector.extract %slice3A_1005[0] : f32 from vector<1xf32>
          %add3A_1007 = arith.constant 432 : i32
          %add3A_1008 = arith.addi %add3A_1007, %add3A_990 : i32
          %get3A_1009 = arith.index_cast %add3A_1008 : i32 to index
          %get3A_1010 = tpu.vector_load %arg19[%get3A_1009] {strides = array<i32>} : memref<608xf32, #tpu.memory_space<vmem>>, vector<16xf32>,
          %slice3A_1011 = vector.extract_strided_slice %get3A_1010 {offsets = [0], sizes = [1], strides = [1]} : vector<16xf32> to vector<1xf32>
          %squeeze3A_1012 = vector.extract %slice3A_1011[0] : f32 from vector<1xf32>
          %get3A_1013 = arith.index_cast %scan3A_987 : i32 to index
          %get3A_1014 = arith.constant 0 : index
          %get3A_1015 = tpu.vector_load %arg17[%get3A_1013, %get3A_1014] {strides = array<i32>} : memref<128x192xf32, #tpu.memory_space<vmem>>, vector<16xf32>,
          %mul3A_1016 = vector.broadcast %squeeze3A : f32 to vector<16xf32>
          %mul3A_1017 = arith.mulf %mul3A_1016, %get3A_1015 : vector<16xf32>
          %add3A_1018 = arith.constant 32 : i32
          %add3A_1019 = arith.addi %add3A_1018, %scan3A_987 : i32
          %get3A_1020 = arith.index_cast %add3A_1019 : i32 to index
          %get3A_1021 = arith.constant 0 : index
          %get3A_1022 = tpu.vector_load %arg17[%get3A_1020, %get3A_1021] {strides = array<i32>} : memref<128x192xf32, #tpu.memory_space<vmem>>, vector<16xf32>,
          %mul3A_1023 = vector.broadcast %squeeze3A_1000 : f32 to vector<16xf32>
          %mul3A_1024 = arith.mulf %mul3A_1023, %get3A_1022 : vector<16xf32>
          %add3A_1025 = arith.addf %mul3A_1017, %mul3A_1024 : vector<16xf32>
          %add3A_1026 = arith.constant 64 : i32
          %add3A_1027 = arith.addi %add3A_1026, %scan3A_987 : i32
          %get3A_1028 = arith.index_cast %add3A_1027 : i32 to index
          %get3A_1029 = arith.constant 0 : index
          %get3A_1030 = tpu.vector_load %arg17[%get3A_1028, %get3A_1029] {strides = array<i32>} : memref<128x192xf32, #tpu.memory_space<vmem>>, vector<16xf32>,
          %mul3A_1031 = vector.broadcast %squeeze3A_1006 : f32 to vector<16xf32>
          %mul3A_1032 = arith.mulf %mul3A_1031, %get3A_1030 : vector<16xf32>
          %add3A_1033 = arith.addf %add3A_1025, %mul3A_1032 : vector<16xf32>
          %add3A_1034 = arith.constant 96 : i32
          %add3A_1035 = arith.addi %add3A_1034, %scan3A_987 : i32
          %get3A_1036 = arith.index_cast %add3A_1035 : i32 to index
          %get3A_1037 = arith.constant 0 : index
          %get3A_1038 = tpu.vector_load %arg17[%get3A_1036, %get3A_1037] {strides = array<i32>} : memref<128x192xf32, #tpu.memory_space<vmem>>, vector<16xf32>,
          %mul3A_1039 = vector.broadcast %squeeze3A_1012 : f32 to vector<16xf32>
          %mul3A_1040 = arith.mulf %mul3A_1039, %get3A_1038 : vector<16xf32>
          %add3A_1041 = arith.addf %add3A_1033, %mul3A_1040 : vector<16xf32>
          %get3A_1042 = arith.index_cast %scan3A_987 : i32 to index
          %get3A_1043 = arith.constant 16 : index
          %get3A_1044 = tpu.vector_load %arg17[%get3A_1042, %get3A_1043] {strides = array<i32>} : memref<128x192xf32, #tpu.memory_space<vmem>>, vector<16xf32>,
          %mul3A_1045 = vector.broadcast %squeeze3A : f32 to vector<16xf32>
          %mul3A_1046 = arith.mulf %mul3A_1045, %get3A_1044 : vector<16xf32>
          %add3A_1047 = arith.constant 32 : i32
          %add3A_1048 = arith.addi %add3A_1047, %scan3A_987 : i32
          %get3A_1049 = arith.index_cast %add3A_1048 : i32 to index
          %get3A_1050 = arith.constant 16 : index
          %get3A_1051 = tpu.vector_load %arg17[%get3A_1049, %get3A_1050] {strides = array<i32>} : memref<128x192xf32, #tpu.memory_space<vmem>>, vector<16xf32>,
          %mul3A_1052 = vector.broadcast %squeeze3A_1000 : f32 to vector<16xf32>
          %mul3A_1053 = arith.mulf %mul3A_1052, %get3A_1051 : vector<16xf32>
          %add3A_1054 = arith.addf %mul3A_1046, %mul3A_1053 : vector<16xf32>
          %add3A_1055 = arith.constant 64 : i32
          %add3A_1056 = arith.addi %add3A_1055, %scan3A_987 : i32
          %get3A_1057 = arith.index_cast %add3A_1056 : i32 to index
          %get3A_1058 = arith.constant 16 : index
          %get3A_1059 = tpu.vector_load %arg17[%get3A_1057, %get3A_1058] {strides = array<i32>} : memref<128x192xf32, #tpu.memory_space<vmem>>, vector<16xf32>,
          %mul3A_1060 = vector.broadcast %squeeze3A_1006 : f32 to vector<16xf32>
          %mul3A_1061 = arith.mulf %mul3A_1060, %get3A_1059 : vector<16xf32>
          %add3A_1062 = arith.addf %add3A_1054, %mul3A_1061 : vector<16xf32>
          %add3A_1063 = arith.constant 96 : i32
          %add3A_1064 = arith.addi %add3A_1063, %scan3A_987 : i32
          %get3A_1065 = arith.index_cast %add3A_1064 : i32 to index
          %get3A_1066 = arith.constant 16 : index
          %get3A_1067 = tpu.vector_load %arg17[%get3A_1065, %get3A_1066] {strides = array<i32>} : memref<128x192xf32, #tpu.memory_space<vmem>>, vector<16xf32>,
          %mul3A_1068 = vector.broadcast %squeeze3A_1012 : f32 to vector<16xf32>
          %mul3A_1069 = arith.mulf %mul3A_1068, %get3A_1067 : vector<16xf32>
          %add3A_1070 = arith.addf %add3A_1062, %mul3A_1069 : vector<16xf32>
          %get3A_1071 = arith.index_cast %scan3A_987 : i32 to index
          %get3A_1072 = arith.constant 32 : index
          %get3A_1073 = tpu.vector_load %arg17[%get3A_1071, %get3A_1072] {strides = array<i32>} : memref<128x192xf32, #tpu.memory_space<vmem>>, vector<16xf32>,
          %mul3A_1074 = vector.broadcast %squeeze3A : f32 to vector<16xf32>
          %mul3A_1075 = arith.mulf %mul3A_1074, %get3A_1073 : vector<16xf32>
          %add3A_1076 = arith.constant 32 : i32
          %add3A_1077 = arith.addi %add3A_1076, %scan3A_987 : i32
          %get3A_1078 = arith.index_cast %add3A_1077 : i32 to index
          %get3A_1079 = arith.constant 32 : index
          %get3A_1080 = tpu.vector_load %arg17[%get3A_1078, %get3A_1079] {strides = array<i32>} : memref<128x192xf32, #tpu.memory_space<vmem>>, vector<16xf32>,
          %mul3A_1081 = vector.broadcast %squeeze3A_1000 : f32 to vector<16xf32>
          %mul3A_1082 = arith.mulf %mul3A_1081, %get3A_1080 : vector<16xf32>
          %add3A_1083 = arith.addf %mul3A_1075, %mul3A_1082 : vector<16xf32>
          %add3A_1084 = arith.constant 64 : i32
          %add3A_1085 = arith.addi %add3A_1084, %scan3A_987 : i32
          %get3A_1086 = arith.index_cast %add3A_1085 : i32 to index
          %get3A_1087 = arith.constant 32 : index
          %get3A_1088 = tpu.vector_load %arg17[%get3A_1086, %get3A_1087] {strides = array<i32>} : memref<128x192xf32, #tpu.memory_space<vmem>>, vector<16xf32>,
          %mul3A_1089 = vector.broadcast %squeeze3A_1006 : f32 to vector<16xf32>
          %mul3A_1090 = arith.mulf %mul3A_1089, %get3A_1088 : vector<16xf32>
          %add3A_1091 = arith.addf %add3A_1083, %mul3A_1090 : vector<16xf32>
          %add3A_1092 = arith.constant 96 : i32
          %add3A_1093 = arith.addi %add3A_1092, %scan3A_987 : i32
          %get3A_1094 = arith.index_cast %add3A_1093 : i32 to index
          %get3A_1095 = arith.constant 32 : index
          %get3A_1096 = tpu.vector_load %arg17[%get3A_1094, %get3A_1095] {strides = array<i32>} : memref<128x192xf32, #tpu.memory_space<vmem>>, vector<16xf32>,
          %mul3A_1097 = vector.broadcast %squeeze3A_1012 : f32 to vector<16xf32>
          %mul3A_1098 = arith.mulf %mul3A_1097, %get3A_1096 : vector<16xf32>
          %add3A_1099 = arith.addf %add3A_1091, %mul3A_1098 : vector<16xf32>
          %get3A_1100 = arith.index_cast %scan3A_987 : i32 to index
          %get3A_1101 = arith.constant 48 : index
          %get3A_1102 = tpu.vector_load %arg17[%get3A_1100, %get3A_1101] {strides = array<i32>} : memref<128x192xf32, #tpu.memory_space<vmem>>, vector<16xf32>,
          %mul3A_1103 = vector.broadcast %squeeze3A : f32 to vector<16xf32>
          %mul3A_1104 = arith.mulf %mul3A_1103, %get3A_1102 : vector<16xf32>
          %add3A_1105 = arith.constant 32 : i32
          %add3A_1106 = arith.addi %add3A_1105, %scan3A_987 : i32
          %get3A_1107 = arith.index_cast %add3A_1106 : i32 to index
          %get3A_1108 = arith.constant 48 : index
          %get3A_1109 = tpu.vector_load %arg17[%get3A_1107, %get3A_1108] {strides = array<i32>} : memref<128x192xf32, #tpu.memory_space<vmem>>, vector<16xf32>,
          %mul3A_1110 = vector.broadcast %squeeze3A_1000 : f32 to vector<16xf32>
          %mul3A_1111 = arith.mulf %mul3A_1110, %get3A_1109 : vector<16xf32>
          %add3A_1112 = arith.addf %mul3A_1104, %mul3A_1111 : vector<16xf32>
          %add3A_1113 = arith.constant 64 : i32
          %add3A_1114 = arith.addi %add3A_1113, %scan3A_987 : i32
          %get3A_1115 = arith.index_cast %add3A_1114 : i32 to index
          %get3A_1116 = arith.constant 48 : index
          %get3A_1117 = tpu.vector_load %arg17[%get3A_1115, %get3A_1116] {strides = array<i32>} : memref<128x192xf32, #tpu.memory_space<vmem>>, vector<16xf32>,
          %mul3A_1118 = vector.broadcast %squeeze3A_1006 : f32 to vector<16xf32>
          %mul3A_1119 = arith.mulf %mul3A_1118, %get3A_1117 : vector<16xf32>
          %add3A_1120 = arith.addf %add3A_1112, %mul3A_1119 : vector<16xf32>
          %add3A_1121 = arith.constant 96 : i32
          %add3A_1122 = arith.addi %add3A_1121, %scan3A_987 : i32
          %get3A_1123 = arith.index_cast %add3A_1122 : i32 to index
          %get3A_1124 = arith.constant 48 : index
          %get3A_1125 = tpu.vector_load %arg17[%get3A_1123, %get3A_1124] {strides = array<i32>} : memref<128x192xf32, #tpu.memory_space<vmem>>, vector<16xf32>,
          %mul3A_1126 = vector.broadcast %squeeze3A_1012 : f32 to vector<16xf32>
          %mul3A_1127 = arith.mulf %mul3A_1126, %get3A_1125 : vector<16xf32>
          %add3A_1128 = arith.addf %add3A_1120, %mul3A_1127 : vector<16xf32>
          %get3A_1129 = arith.index_cast %scan3A_987 : i32 to index
          %get3A_1130 = arith.constant 64 : index
          %get3A_1131 = tpu.vector_load %arg17[%get3A_1129, %get3A_1130] {strides = array<i32>} : memref<128x192xf32, #tpu.memory_space<vmem>>, vector<16xf32>,
          %mul3A_1132 = vector.broadcast %squeeze3A : f32 to vector<16xf32>
          %mul3A_1133 = arith.mulf %mul3A_1132, %get3A_1131 : vector<16xf32>
          %add3A_1134 = arith.constant 32 : i32
          %add3A_1135 = arith.addi %add3A_1134, %scan3A_987 : i32
          %get3A_1136 = arith.index_cast %add3A_1135 : i32 to index
          %get3A_1137 = arith.constant 64 : index
          %get3A_1138 = tpu.vector_load %arg17[%get3A_1136, %get3A_1137] {strides = array<i32>} : memref<128x192xf32, #tpu.memory_space<vmem>>, vector<16xf32>,
          %mul3A_1139 = vector.broadcast %squeeze3A_1000 : f32 to vector<16xf32>
          %mul3A_1140 = arith.mulf %mul3A_1139, %get3A_1138 : vector<16xf32>
          %add3A_1141 = arith.addf %mul3A_1133, %mul3A_1140 : vector<16xf32>
          %add3A_1142 = arith.constant 64 : i32
          %add3A_1143 = arith.addi %add3A_1142, %scan3A_987 : i32
          %get3A_1144 = arith.index_cast %add3A_1143 : i32 to index
          %get3A_1145 = arith.constant 64 : index
          %get3A_1146 = tpu.vector_load %arg17[%get3A_1144, %get3A_1145] {strides = array<i32>} : memref<128x192xf32, #tpu.memory_space<vmem>>, vector<16xf32>,
          %mul3A_1147 = vector.broadcast %squeeze3A_1006 : f32 to vector<16xf32>
          %mul3A_1148 = arith.mulf %mul3A_1147, %get3A_1146 : vector<16xf32>
          %add3A_1149 = arith.addf %add3A_1141, %mul3A_1148 : vector<16xf32>
          %add3A_1150 = arith.constant 96 : i32
          %add3A_1151 = arith.addi %add3A_1150, %scan3A_987 : i32
          %get3A_1152 = arith.index_cast %add3A_1151 : i32 to index
          %get3A_1153 = arith.constant 64 : index
          %get3A_1154 = tpu.vector_load %arg17[%get3A_1152, %get3A_1153] {strides = array<i32>} : memref<128x192xf32, #tpu.memory_space<vmem>>, vector<16xf32>,
          %mul3A_1155 = vector.broadcast %squeeze3A_1012 : f32 to vector<16xf32>
          %mul3A_1156 = arith.mulf %mul3A_1155, %get3A_1154 : vector<16xf32>
          %add3A_1157 = arith.addf %add3A_1149, %mul3A_1156 : vector<16xf32>
          %get3A_1158 = arith.index_cast %scan3A_987 : i32 to index
          %get3A_1159 = arith.constant 80 : index
          %get3A_1160 = tpu.vector_load %arg17[%get3A_1158, %get3A_1159] {strides = array<i32>} : memref<128x192xf32, #tpu.memory_space<vmem>>, vector<16xf32>,
          %mul3A_1161 = vector.broadcast %squeeze3A : f32 to vector<16xf32>
          %mul3A_1162 = arith.mulf %mul3A_1161, %get3A_1160 : vector<16xf32>
          %add3A_1163 = arith.constant 32 : i32
          %add3A_1164 = arith.addi %add3A_1163, %scan3A_987 : i32
          %get3A_1165 = arith.index_cast %add3A_1164 : i32 to index
          %get3A_1166 = arith.constant 80 : index
          %get3A_1167 = tpu.vector_load %arg17[%get3A_1165, %get3A_1166] {strides = array<i32>} : memref<128x192xf32, #tpu.memory_space<vmem>>, vector<16xf32>,
          %mul3A_1168 = vector.broadcast %squeeze3A_1000 : f32 to vector<16xf32>
          %mul3A_1169 = arith.mulf %mul3A_1168, %get3A_1167 : vector<16xf32>
          %add3A_1170 = arith.addf %mul3A_1162, %mul3A_1169 : vector<16xf32>
          %add3A_1171 = arith.constant 64 : i32
          %add3A_1172 = arith.addi %add3A_1171, %scan3A_987 : i32
          %get3A_1173 = arith.index_cast %add3A_1172 : i32 to index
          %get3A_1174 = arith.constant 80 : index
          %get3A_1175 = tpu.vector_load %arg17[%get3A_1173, %get3A_1174] {strides = array<i32>} : memref<128x192xf32, #tpu.memory_space<vmem>>, vector<16xf32>,
          %mul3A_1176 = vector.broadcast %squeeze3A_1006 : f32 to vector<16xf32>
          %mul3A_1177 = arith.mulf %mul3A_1176, %get3A_1175 : vector<16xf32>
          %add3A_1178 = arith.addf %add3A_1170, %mul3A_1177 : vector<16xf32>
          %add3A_1179 = arith.constant 96 : i32
          %add3A_1180 = arith.addi %add3A_1179, %scan3A_987 : i32
          %get3A_1181 = arith.index_cast %add3A_1180 : i32 to index
          %get3A_1182 = arith.constant 80 : index
          %get3A_1183 = tpu.vector_load %arg17[%get3A_1181, %get3A_1182] {strides = array<i32>} : memref<128x192xf32, #tpu.memory_space<vmem>>, vector<16xf32>,
          %mul3A_1184 = vector.broadcast %squeeze3A_1012 : f32 to vector<16xf32>
          %mul3A_1185 = arith.mulf %mul3A_1184, %get3A_1183 : vector<16xf32>
          %add3A_1186 = arith.addf %add3A_1178, %mul3A_1185 : vector<16xf32>
          %get3A_1187 = arith.index_cast %scan3A_987 : i32 to index
          %get3A_1188 = arith.constant 96 : index
          %get3A_1189 = tpu.vector_load %arg17[%get3A_1187, %get3A_1188] {strides = array<i32>} : memref<128x192xf32, #tpu.memory_space<vmem>>, vector<16xf32>,
          %mul3A_1190 = vector.broadcast %squeeze3A : f32 to vector<16xf32>
          %mul3A_1191 = arith.mulf %mul3A_1190, %get3A_1189 : vector<16xf32>
          %add3A_1192 = arith.constant 32 : i32
          %add3A_1193 = arith.addi %add3A_1192, %scan3A_987 : i32
          %get3A_1194 = arith.index_cast %add3A_1193 : i32 to index
          %get3A_1195 = arith.constant 96 : index
          %get3A_1196 = tpu.vector_load %arg17[%get3A_1194, %get3A_1195] {strides = array<i32>} : memref<128x192xf32, #tpu.memory_space<vmem>>, vector<16xf32>,
          %mul3A_1197 = vector.broadcast %squeeze3A_1000 : f32 to vector<16xf32>
          %mul3A_1198 = arith.mulf %mul3A_1197, %get3A_1196 : vector<16xf32>
          %add3A_1199 = arith.addf %mul3A_1191, %mul3A_1198 : vector<16xf32>
          %add3A_1200 = arith.constant 64 : i32
          %add3A_1201 = arith.addi %add3A_1200, %scan3A_987 : i32
          %get3A_1202 = arith.index_cast %add3A_1201 : i32 to index
          %get3A_1203 = arith.constant 96 : index
          %get3A_1204 = tpu.vector_load %arg17[%get3A_1202, %get3A_1203] {strides = array<i32>} : memref<128x192xf32, #tpu.memory_space<vmem>>, vector<16xf32>,
          %mul3A_1205 = vector.broadcast %squeeze3A_1006 : f32 to vector<16xf32>
          %mul3A_1206 = arith.mulf %mul3A_1205, %get3A_1204 : vector<16xf32>
          %add3A_1207 = arith.addf %add3A_1199, %mul3A_1206 : vector<16xf32>
          %add3A_1208 = arith.constant 96 : i32
          %add3A_1209 = arith.addi %add3A_1208, %scan3A_987 : i32
          %get3A_1210 = arith.index_cast %add3A_1209 : i32 to index
          %get3A_1211 = arith.constant 96 : index
          %get3A_1212 = tpu.vector_load %arg17[%get3A_1210, %get3A_1211] {strides = array<i32>} : memref<128x192xf32, #tpu.memory_space<vmem>>, vector<16xf32>,
          %mul3A_1213 = vector.broadcast %squeeze3A_1012 : f32 to vector<16xf32>
          %mul3A_1214 = arith.mulf %mul3A_1213, %get3A_1212 : vector<16xf32>
          %add3A_1215 = arith.addf %add3A_1207, %mul3A_1214 : vector<16xf32>
          %get3A_1216 = arith.index_cast %scan3A_987 : i32 to index
          %get3A_1217 = arith.constant 112 : index
          %get3A_1218 = tpu.vector_load %arg17[%get3A_1216, %get3A_1217] {strides = array<i32>} : memref<128x192xf32, #tpu.memory_space<vmem>>, vector<16xf32>,
          %mul3A_1219 = vector.broadcast %squeeze3A : f32 to vector<16xf32>
          %mul3A_1220 = arith.mulf %mul3A_1219, %get3A_1218 : vector<16xf32>
          %add3A_1221 = arith.constant 32 : i32
          %add3A_1222 = arith.addi %add3A_1221, %scan3A_987 : i32
          %get3A_1223 = arith.index_cast %add3A_1222 : i32 to index
          %get3A_1224 = arith.constant 112 : index
          %get3A_1225 = tpu.vector_load %arg17[%get3A_1223, %get3A_1224] {strides = array<i32>} : memref<128x192xf32, #tpu.memory_space<vmem>>, vector<16xf32>,
          %mul3A_1226 = vector.broadcast %squeeze3A_1000 : f32 to vector<16xf32>
          %mul3A_1227 = arith.mulf %mul3A_1226, %get3A_1225 : vector<16xf32>
          %add3A_1228 = arith.addf %mul3A_1220, %mul3A_1227 : vector<16xf32>
          %add3A_1229 = arith.constant 64 : i32
          %add3A_1230 = arith.addi %add3A_1229, %scan3A_987 : i32
          %get3A_1231 = arith.index_cast %add3A_1230 : i32 to index
          %get3A_1232 = arith.constant 112 : index
          %get3A_1233 = tpu.vector_load %arg17[%get3A_1231, %get3A_1232] {strides = array<i32>} : memref<128x192xf32, #tpu.memory_space<vmem>>, vector<16xf32>,
          %mul3A_1234 = vector.broadcast %squeeze3A_1006 : f32 to vector<16xf32>
          %mul3A_1235 = arith.mulf %mul3A_1234, %get3A_1233 : vector<16xf32>
          %add3A_1236 = arith.addf %add3A_1228, %mul3A_1235 : vector<16xf32>
          %add3A_1237 = arith.constant 96 : i32
          %add3A_1238 = arith.addi %add3A_1237, %scan3A_987 : i32
          %get3A_1239 = arith.index_cast %add3A_1238 : i32 to index
          %get3A_1240 = arith.constant 112 : index
          %get3A_1241 = tpu.vector_load %arg17[%get3A_1239, %get3A_1240] {strides = array<i32>} : memref<128x192xf32, #tpu.memory_space<vmem>>, vector<16xf32>,
          %mul3A_1242 = vector.broadcast %squeeze3A_1012 : f32 to vector<16xf32>
          %mul3A_1243 = arith.mulf %mul3A_1242, %get3A_1241 : vector<16xf32>
          %add3A_1244 = arith.addf %add3A_1236, %mul3A_1243 : vector<16xf32>
          %get3A_1245 = arith.index_cast %scan3A_987 : i32 to index
          %get3A_1246 = arith.constant 128 : index
          %get3A_1247 = tpu.vector_load %arg17[%get3A_1245, %get3A_1246] {strides = array<i32>} : memref<128x192xf32, #tpu.memory_space<vmem>>, vector<16xf32>,
          %mul3A_1248 = vector.broadcast %squeeze3A : f32 to vector<16xf32>
          %mul3A_1249 = arith.mulf %mul3A_1248, %get3A_1247 : vector<16xf32>
          %add3A_1250 = arith.constant 32 : i32
          %add3A_1251 = arith.addi %add3A_1250, %scan3A_987 : i32
          %get3A_1252 = arith.index_cast %add3A_1251 : i32 to index
          %get3A_1253 = arith.constant 128 : index
          %get3A_1254 = tpu.vector_load %arg17[%get3A_1252, %get3A_1253] {strides = array<i32>} : memref<128x192xf32, #tpu.memory_space<vmem>>, vector<16xf32>,
          %mul3A_1255 = vector.broadcast %squeeze3A_1000 : f32 to vector<16xf32>
          %mul3A_1256 = arith.mulf %mul3A_1255, %get3A_1254 : vector<16xf32>
          %add3A_1257 = arith.addf %mul3A_1249, %mul3A_1256 : vector<16xf32>
          %add3A_1258 = arith.constant 64 : i32
          %add3A_1259 = arith.addi %add3A_1258, %scan3A_987 : i32
          %get3A_1260 = arith.index_cast %add3A_1259 : i32 to index
          %get3A_1261 = arith.constant 128 : index
          %get3A_1262 = tpu.vector_load %arg17[%get3A_1260, %get3A_1261] {strides = array<i32>} : memref<128x192xf32, #tpu.memory_space<vmem>>, vector<16xf32>,
          %mul3A_1263 = vector.broadcast %squeeze3A_1006 : f32 to vector<16xf32>
          %mul3A_1264 = arith.mulf %mul3A_1263, %get3A_1262 : vector<16xf32>
          %add3A_1265 = arith.addf %add3A_1257, %mul3A_1264 : vector<16xf32>
          %add3A_1266 = arith.constant 96 : i32
          %add3A_1267 = arith.addi %add3A_1266, %scan3A_987 : i32
          %get3A_1268 = arith.index_cast %add3A_1267 : i32 to index
          %get3A_1269 = arith.constant 128 : index
          %get3A_1270 = tpu.vector_load %arg17[%get3A_1268, %get3A_1269] {strides = array<i32>} : memref<128x192xf32, #tpu.memory_space<vmem>>, vector<16xf32>,
          %mul3A_1271 = vector.broadcast %squeeze3A_1012 : f32 to vector<16xf32>
          %mul3A_1272 = arith.mulf %mul3A_1271, %get3A_1270 : vector<16xf32>
          %add3A_1273 = arith.addf %add3A_1265, %mul3A_1272 : vector<16xf32>
          %get3A_1274 = arith.index_cast %scan3A_987 : i32 to index
          %get3A_1275 = arith.constant 144 : index
          %get3A_1276 = tpu.vector_load %arg17[%get3A_1274, %get3A_1275] {strides = array<i32>} : memref<128x192xf32, #tpu.memory_space<vmem>>, vector<16xf32>,
          %mul3A_1277 = vector.broadcast %squeeze3A : f32 to vector<16xf32>
          %mul3A_1278 = arith.mulf %mul3A_1277, %get3A_1276 : vector<16xf32>
          %add3A_1279 = arith.constant 32 : i32
          %add3A_1280 = arith.addi %add3A_1279, %scan3A_987 : i32
          %get3A_1281 = arith.index_cast %add3A_1280 : i32 to index
          %get3A_1282 = arith.constant 144 : index
          %get3A_1283 = tpu.vector_load %arg17[%get3A_1281, %get3A_1282] {strides = array<i32>} : memref<128x192xf32, #tpu.memory_space<vmem>>, vector<16xf32>,
          %mul3A_1284 = vector.broadcast %squeeze3A_1000 : f32 to vector<16xf32>
          %mul3A_1285 = arith.mulf %mul3A_1284, %get3A_1283 : vector<16xf32>
          %add3A_1286 = arith.addf %mul3A_1278, %mul3A_1285 : vector<16xf32>
          %add3A_1287 = arith.constant 64 : i32
          %add3A_1288 = arith.addi %add3A_1287, %scan3A_987 : i32
          %get3A_1289 = arith.index_cast %add3A_1288 : i32 to index
          %get3A_1290 = arith.constant 144 : index
          %get3A_1291 = tpu.vector_load %arg17[%get3A_1289, %get3A_1290] {strides = array<i32>} : memref<128x192xf32, #tpu.memory_space<vmem>>, vector<16xf32>,
          %mul3A_1292 = vector.broadcast %squeeze3A_1006 : f32 to vector<16xf32>
          %mul3A_1293 = arith.mulf %mul3A_1292, %get3A_1291 : vector<16xf32>
          %add3A_1294 = arith.addf %add3A_1286, %mul3A_1293 : vector<16xf32>
          %add3A_1295 = arith.constant 96 : i32
          %add3A_1296 = arith.addi %add3A_1295, %scan3A_987 : i32
          %get3A_1297 = arith.index_cast %add3A_1296 : i32 to index
          %get3A_1298 = arith.constant 144 : index
          %get3A_1299 = tpu.vector_load %arg17[%get3A_1297, %get3A_1298] {strides = array<i32>} : memref<128x192xf32, #tpu.memory_space<vmem>>, vector<16xf32>,
          %mul3A_1300 = vector.broadcast %squeeze3A_1012 : f32 to vector<16xf32>
          %mul3A_1301 = arith.mulf %mul3A_1300, %get3A_1299 : vector<16xf32>
          %add3A_1302 = arith.addf %add3A_1294, %mul3A_1301 : vector<16xf32>
          %get3A_1303 = arith.index_cast %scan3A_987 : i32 to index
          %get3A_1304 = arith.constant 160 : index
          %get3A_1305 = tpu.vector_load %arg17[%get3A_1303, %get3A_1304] {strides = array<i32>} : memref<128x192xf32, #tpu.memory_space<vmem>>, vector<16xf32>,
          %mul3A_1306 = vector.broadcast %squeeze3A : f32 to vector<16xf32>
          %mul3A_1307 = arith.mulf %mul3A_1306, %get3A_1305 : vector<16xf32>
          %add3A_1308 = arith.constant 32 : i32
          %add3A_1309 = arith.addi %add3A_1308, %scan3A_987 : i32
          %get3A_1310 = arith.index_cast %add3A_1309 : i32 to index
          %get3A_1311 = arith.constant 160 : index
          %get3A_1312 = tpu.vector_load %arg17[%get3A_1310, %get3A_1311] {strides = array<i32>} : memref<128x192xf32, #tpu.memory_space<vmem>>, vector<16xf32>,
          %mul3A_1313 = vector.broadcast %squeeze3A_1000 : f32 to vector<16xf32>
          %mul3A_1314 = arith.mulf %mul3A_1313, %get3A_1312 : vector<16xf32>
          %add3A_1315 = arith.addf %mul3A_1307, %mul3A_1314 : vector<16xf32>
          %add3A_1316 = arith.constant 64 : i32
          %add3A_1317 = arith.addi %add3A_1316, %scan3A_987 : i32
          %get3A_1318 = arith.index_cast %add3A_1317 : i32 to index
          %get3A_1319 = arith.constant 160 : index
          %get3A_1320 = tpu.vector_load %arg17[%get3A_1318, %get3A_1319] {strides = array<i32>} : memref<128x192xf32, #tpu.memory_space<vmem>>, vector<16xf32>,
          %mul3A_1321 = vector.broadcast %squeeze3A_1006 : f32 to vector<16xf32>
          %mul3A_1322 = arith.mulf %mul3A_1321, %get3A_1320 : vector<16xf32>
          %add3A_1323 = arith.addf %add3A_1315, %mul3A_1322 : vector<16xf32>
          %add3A_1324 = arith.constant 96 : i32
          %add3A_1325 = arith.addi %add3A_1324, %scan3A_987 : i32
          %get3A_1326 = arith.index_cast %add3A_1325 : i32 to index
          %get3A_1327 = arith.constant 160 : index
          %get3A_1328 = tpu.vector_load %arg17[%get3A_1326, %get3A_1327] {strides = array<i32>} : memref<128x192xf32, #tpu.memory_space<vmem>>, vector<16xf32>,
          %mul3A_1329 = vector.broadcast %squeeze3A_1012 : f32 to vector<16xf32>
          %mul3A_1330 = arith.mulf %mul3A_1329, %get3A_1328 : vector<16xf32>
          %add3A_1331 = arith.addf %add3A_1323, %mul3A_1330 : vector<16xf32>
          %get3A_1332 = arith.index_cast %scan3A_987 : i32 to index
          %get3A_1333 = arith.constant 176 : index
          %get3A_1334 = tpu.vector_load %arg17[%get3A_1332, %get3A_1333] {strides = array<i32>} : memref<128x192xf32, #tpu.memory_space<vmem>>, vector<16xf32>,
          %mul3A_1335 = vector.broadcast %squeeze3A : f32 to vector<16xf32>
          %mul3A_1336 = arith.mulf %mul3A_1335, %get3A_1334 : vector<16xf32>
          %add3A_1337 = arith.constant 32 : i32
          %add3A_1338 = arith.addi %add3A_1337, %scan3A_987 : i32
          %get3A_1339 = arith.index_cast %add3A_1338 : i32 to index
          %get3A_1340 = arith.constant 176 : index
          %get3A_1341 = tpu.vector_load %arg17[%get3A_1339, %get3A_1340] {strides = array<i32>} : memref<128x192xf32, #tpu.memory_space<vmem>>, vector<16xf32>,
          %mul3A_1342 = vector.broadcast %squeeze3A_1000 : f32 to vector<16xf32>
          %mul3A_1343 = arith.mulf %mul3A_1342, %get3A_1341 : vector<16xf32>
          %add3A_1344 = arith.addf %mul3A_1336, %mul3A_1343 : vector<16xf32>
          %add3A_1345 = arith.constant 64 : i32
          %add3A_1346 = arith.addi %add3A_1345, %scan3A_987 : i32
          %get3A_1347 = arith.index_cast %add3A_1346 : i32 to index
          %get3A_1348 = arith.constant 176 : index
          %get3A_1349 = tpu.vector_load %arg17[%get3A_1347, %get3A_1348] {strides = array<i32>} : memref<128x192xf32, #tpu.memory_space<vmem>>, vector<16xf32>,
          %mul3A_1350 = vector.broadcast %squeeze3A_1006 : f32 to vector<16xf32>
          %mul3A_1351 = arith.mulf %mul3A_1350, %get3A_1349 : vector<16xf32>
          %add3A_1352 = arith.addf %add3A_1344, %mul3A_1351 : vector<16xf32>
          %add3A_1353 = arith.constant 96 : i32
          %add3A_1354 = arith.addi %add3A_1353, %scan3A_987 : i32
          %get3A_1355 = arith.index_cast %add3A_1354 : i32 to index
          %get3A_1356 = arith.constant 176 : index
          %get3A_1357 = tpu.vector_load %arg17[%get3A_1355, %get3A_1356] {strides = array<i32>} : memref<128x192xf32, #tpu.memory_space<vmem>>, vector<16xf32>,
          %mul3A_1358 = vector.broadcast %squeeze3A_1012 : f32 to vector<16xf32>
          %mul3A_1359 = arith.mulf %mul3A_1358, %get3A_1357 : vector<16xf32>
          %add3A_1360 = arith.addf %add3A_1352, %mul3A_1359 : vector<16xf32>
          %broadcast_in_dim3A_1361 = arith.constant 0 : i32
          %broadcast_in_dim3A_1362 = vector.broadcast %broadcast_in_dim3A_1361 : i32 to vector<16xi32>
          %add3A_1363 = vector.broadcast %add3A_990 : i32 to vector<16xi32>
          %add3A_1364 = arith.addi %broadcast_in_dim3A_1362, %add3A_1363 : vector<16xi32>
          tpu.vector_store_idx %arg20[%add3A_763, %and3A_832, %add3A_1364], %add3A_1041 : memref<24x8x128xf32, #tpu.memory_space<vmem>>[vector<16xi32>, vector<16xi32>, vector<16xi32>], vector<16xf32>,
          tpu.vector_store_idx %arg20[%add3A_769, %and3A_832, %add3A_1364], %add3A_1070 : memref<24x8x128xf32, #tpu.memory_space<vmem>>[vector<16xi32>, vector<16xi32>, vector<16xi32>], vector<16xf32>,
          tpu.vector_store_idx %arg20[%add3A_775, %and3A_832, %add3A_1364], %add3A_1099 : memref<24x8x128xf32, #tpu.memory_space<vmem>>[vector<16xi32>, vector<16xi32>, vector<16xi32>], vector<16xf32>,
          tpu.vector_store_idx %arg20[%add3A_781, %and3A_832, %add3A_1364], %add3A_1128 : memref<24x8x128xf32, #tpu.memory_space<vmem>>[vector<16xi32>, vector<16xi32>, vector<16xi32>], vector<16xf32>,
          tpu.vector_store_idx %arg20[%add3A_787, %and3A_832, %add3A_1364], %add3A_1157 : memref<24x8x128xf32, #tpu.memory_space<vmem>>[vector<16xi32>, vector<16xi32>, vector<16xi32>], vector<16xf32>,
          tpu.vector_store_idx %arg20[%add3A_793, %and3A_832, %add3A_1364], %add3A_1186 : memref<24x8x128xf32, #tpu.memory_space<vmem>>[vector<16xi32>, vector<16xi32>, vector<16xi32>], vector<16xf32>,
          tpu.vector_store_idx %arg20[%add3A_799, %and3A_832, %add3A_1364], %add3A_1215 : memref<24x8x128xf32, #tpu.memory_space<vmem>>[vector<16xi32>, vector<16xi32>, vector<16xi32>], vector<16xf32>,
          tpu.vector_store_idx %arg20[%add3A_805, %and3A_832, %add3A_1364], %add3A_1244 : memref<24x8x128xf32, #tpu.memory_space<vmem>>[vector<16xi32>, vector<16xi32>, vector<16xi32>], vector<16xf32>,
          tpu.vector_store_idx %arg20[%add3A_811, %and3A_832, %add3A_1364], %add3A_1273 : memref<24x8x128xf32, #tpu.memory_space<vmem>>[vector<16xi32>, vector<16xi32>, vector<16xi32>], vector<16xf32>,
          tpu.vector_store_idx %arg20[%add3A_817, %and3A_832, %add3A_1364], %add3A_1302 : memref<24x8x128xf32, #tpu.memory_space<vmem>>[vector<16xi32>, vector<16xi32>, vector<16xi32>], vector<16xf32>,
          tpu.vector_store_idx %arg20[%add3A_823, %and3A_832, %add3A_1364], %add3A_1331 : memref<24x8x128xf32, #tpu.memory_space<vmem>>[vector<16xi32>, vector<16xi32>, vector<16xi32>], vector<16xf32>,
          tpu.vector_store_idx %arg20[%add3A_829, %and3A_832, %add3A_1364], %add3A_1360 : memref<24x8x128xf32, #tpu.memory_space<vmem>>[vector<16xi32>, vector<16xi32>, vector<16xi32>], vector<16xf32>,
          %scan3A_1365 = arith.constant 0 : i32
          scf.yield %scan3A_1365 : i32
        }
        %scan3A_955 = arith.constant 32 : i32
        %add3A_956 = arith.constant 1 : i32
        %add3A_957 = arith.addi %scan3A_877, %add3A_956 : i32
        %lt3A_958 = arith.cmpi slt, %add3A_957, %sub3A_3 : i32
        %convert_element_type3A_959 = arith.extui %lt3A_958 : i1 to i32
        %cond3A_960 = arith.constant 0 : i32
        %cond3A_961 = arith.cmpi ne, %convert_element_type3A_959, %cond3A_960 : i32
        scf.if %cond3A_961 {
          %mul3A_987 = arith.constant 2 : i32
          %mul3A_988 = arith.muli %mul3A_987, %add3A_957 : i32
          %add3A_989 = arith.addi %mul3A_988, %shift_right_arithmetic3A_2 : i32
          %jit3A_990 = arith.constant 7 : i32
          %div3A_991 = arith.divsi %add3A_989, %jit3A_990 : i32
          %sign3A_992 = arith.constant 0 : i32
          %sign3A_993 = arith.cmpi sgt, %add3A_989, %sign3A_992 : i32
          %sign3A_994 = arith.extui %sign3A_993 : i1 to i32
          %sign3A_995 = arith.constant 0 : i32
          %sign3A_996 = arith.cmpi slt, %add3A_989, %sign3A_995 : i32
          %sign3A_997 = arith.extui %sign3A_996 : i1 to i32
          %sign3A_998 = arith.subi %sign3A_994, %sign3A_997 : i32
          %sign3A_999 = arith.constant 0 : i32
          %sign3A_1000 = arith.cmpi sgt, %jit3A_990, %sign3A_999 : i32
          %sign3A_1001 = arith.extui %sign3A_1000 : i1 to i32
          %sign3A_1002 = arith.constant 0 : i32
          %sign3A_1003 = arith.cmpi slt, %jit3A_990, %sign3A_1002 : i32
          %sign3A_1004 = arith.extui %sign3A_1003 : i1 to i32
          %sign3A_1005 = arith.subi %sign3A_1001, %sign3A_1004 : i32
          %ne3A_1006 = arith.cmpi ne, %sign3A_998, %sign3A_1005 : i32
          %rem3A_1007 = arith.remsi %add3A_989, %jit3A_990 : i32
          %ne3A_1008 = arith.constant 0 : i32
          %ne3A_1009 = arith.cmpi ne, %rem3A_1007, %ne3A_1008 : i32
          %and3A_1010 = arith.andi %ne3A_1006, %ne3A_1009 : i1
          %sub3A_1011 = arith.constant 1 : i32
          %sub3A_1012 = arith.subi %div3A_991, %sub3A_1011 : i32
          %select_n3A_1013 = arith.select %and3A_1010, %sub3A_1012, %div3A_991 : i32
          %mul3A_1014 = arith.constant 7 : i32
          %mul3A_1015 = arith.muli %select_n3A_1013, %mul3A_1014 : i32
          %sub3A_1016 = arith.subi %add3A_989, %mul3A_1015 : i32
          %add3A_1017 = arith.constant 576 : i32
          %add3A_1018 = arith.addi %add3A_1017, %select_n3A_1013 : i32
          %get3A_1019 = arith.index_cast %add3A_1018 : i32 to index
          %get3A_1020 = tpu.vector_load %arg19[%get3A_1019] {strides = array<i32>} : memref<608xf32, #tpu.memory_space<vmem>>, vector<16xf32>,
          %slice3A = vector.extract_strided_slice %get3A_1020 {offsets = [0], sizes = [1], strides = [1]} : vector<16xf32> to vector<1xf32>
          %squeeze3A = vector.extract %slice3A[0] : f32 from vector<1xf32>
          %add3A_1021 = arith.constant 576 : i32
          %add3A_1022 = arith.addi %add3A_1021, %sub3A_1016 : i32
          %get3A_1023 = arith.index_cast %add3A_1022 : i32 to index
          %get3A_1024 = tpu.vector_load %arg19[%get3A_1023] {strides = array<i32>} : memref<608xf32, #tpu.memory_space<vmem>>, vector<16xf32>,
          %slice3A_1025 = vector.extract_strided_slice %get3A_1024 {offsets = [0], sizes = [1], strides = [1]} : vector<16xf32> to vector<1xf32>
          %squeeze3A_1026 = vector.extract %slice3A_1025[0] : f32 from vector<1xf32>
          %get3A_1027 = arith.constant 64 : index
          %get3A_1028 = tpu.vector_load %arg10[%get3A_1027] {strides = array<i32>} : memref<576xf32, #tpu.memory_space<vmem>>, vector<16xf32>,
          %get3A_1029 = arith.constant 208 : index
          %get3A_1030 = tpu.vector_load %arg10[%get3A_1029] {strides = array<i32>} : memref<576xf32, #tpu.memory_space<vmem>>, vector<16xf32>,
          %get3A_1031 = arith.constant 352 : index
          %get3A_1032 = tpu.vector_load %arg10[%get3A_1031] {strides = array<i32>} : memref<576xf32, #tpu.memory_space<vmem>>, vector<16xf32>,
          %get3A_1033 = arith.constant 496 : index
          %get3A_1034 = tpu.vector_load %arg10[%get3A_1033] {strides = array<i32>} : memref<576xf32, #tpu.memory_space<vmem>>, vector<16xf32>,
          %get3A_1035 = arith.constant 64 : index
          %get3A_1036 = tpu.vector_load %arg9[%get3A_1035] {strides = array<i32>} : memref<288xi32, #tpu.memory_space<vmem>>, vector<16xi32>,
          %get3A_1037 = arith.constant 208 : index
          %get3A_1038 = tpu.vector_load %arg9[%get3A_1037] {strides = array<i32>} : memref<288xi32, #tpu.memory_space<vmem>>, vector<16xi32>,
          %sub3A_1039 = arith.constant 1 : i32
          %sub3A_1040 = vector.broadcast %sub3A_1039 : i32 to vector<16xi32>
          %sub3A_1041 = arith.subi %get3A_1036, %sub3A_1040 : vector<16xi32>
          %mul3A_1042 = vector.broadcast %squeeze3A_1026 : f32 to vector<16xf32>
          %mul3A_1043 = arith.mulf %get3A_1032, %mul3A_1042 : vector<16xf32>
          %add3A_1044 = arith.addf %get3A_1028, %mul3A_1043 : vector<16xf32>
          %mul3A_1045 = vector.broadcast %squeeze3A : f32 to vector<16xf32>
          %mul3A_1046 = arith.mulf %get3A_1034, %mul3A_1045 : vector<16xf32>
          %add3A_1047 = arith.addf %get3A_1030, %mul3A_1046 : vector<16xf32>
          %convert_element_type3A_1048 = arith.fptosi %add3A_1044 : vector<16xf32> to vector<16xi32>
          %convert_element_type3A_1049 = arith.fptosi %add3A_1047 : vector<16xf32> to vector<16xi32>
          %convert_element_type3A_1050 = arith.sitofp %convert_element_type3A_1048 : vector<16xi32> to vector<16xf32>
          %sub3A_1051 = arith.subf %add3A_1044, %convert_element_type3A_1050 : vector<16xf32>
          %convert_element_type3A_1052 = arith.sitofp %convert_element_type3A_1049 : vector<16xi32> to vector<16xf32>
          %sub3A_1053 = arith.subf %add3A_1047, %convert_element_type3A_1052 : vector<16xf32>
          %min3A = arith.minsi %convert_element_type3A_1048, %sub3A_1041 : vector<16xi32>
          %min3A_1054 = arith.minsi %convert_element_type3A_1049, %sub3A_1041 : vector<16xi32>
          %add3A_1055 = arith.constant 1 : i32
          %add3A_1056 = vector.broadcast %add3A_1055 : i32 to vector<16xi32>
          %add3A_1057 = arith.addi %convert_element_type3A_1048, %add3A_1056 : vector<16xi32>
          %min3A_1058 = arith.minsi %add3A_1057, %sub3A_1041 : vector<16xi32>
          %add3A_1059 = arith.constant 1 : i32
          %add3A_1060 = vector.broadcast %add3A_1059 : i32 to vector<16xi32>
          %add3A_1061 = arith.addi %convert_element_type3A_1049, %add3A_1060 : vector<16xi32>
          %min3A_1062 = arith.minsi %add3A_1061, %sub3A_1041 : vector<16xi32>
          %mul3A_1063 = arith.muli %min3A_1054, %get3A_1036 : vector<16xi32>
          %add3A_1064 = arith.addi %get3A_1038, %mul3A_1063 : vector<16xi32>
          %mul3A_1065 = arith.muli %min3A_1062, %get3A_1036 : vector<16xi32>
          %add3A_1066 = arith.addi %get3A_1038, %mul3A_1065 : vector<16xi32>
          %add3A_1067 = arith.addi %add3A_1064, %min3A : vector<16xi32>
          %swap3A_1068 = arith.constant 0 : index
          %swap3A_1069 = tpu.vector_load %arg13[%swap3A_1068] {strides = array<i32>} : memref<128xi32, #tpu.memory_space<vmem>>, vector<16xi32>,
          tpu.vector_store %arg13[%swap3A_1068], %add3A_1067 {strides = array<i32>} : memref<128xi32, #tpu.memory_space<vmem>>, vector<16xi32>,
          %add3A_1070 = arith.addi %add3A_1064, %min3A_1058 : vector<16xi32>
          %swap3A_1071 = arith.constant 32 : index
          %swap3A_1072 = tpu.vector_load %arg13[%swap3A_1071] {strides = array<i32>} : memref<128xi32, #tpu.memory_space<vmem>>, vector<16xi32>,
          tpu.vector_store %arg13[%swap3A_1071], %add3A_1070 {strides = array<i32>} : memref<128xi32, #tpu.memory_space<vmem>>, vector<16xi32>,
          %add3A_1073 = arith.addi %add3A_1066, %min3A : vector<16xi32>
          %swap3A_1074 = arith.constant 64 : index
          %swap3A_1075 = tpu.vector_load %arg13[%swap3A_1074] {strides = array<i32>} : memref<128xi32, #tpu.memory_space<vmem>>, vector<16xi32>,
          tpu.vector_store %arg13[%swap3A_1074], %add3A_1073 {strides = array<i32>} : memref<128xi32, #tpu.memory_space<vmem>>, vector<16xi32>,
          %add3A_1076 = arith.addi %add3A_1066, %min3A_1058 : vector<16xi32>
          %swap3A_1077 = arith.constant 96 : index
          %swap3A_1078 = tpu.vector_load %arg13[%swap3A_1077] {strides = array<i32>} : memref<128xi32, #tpu.memory_space<vmem>>, vector<16xi32>,
          tpu.vector_store %arg13[%swap3A_1077], %add3A_1076 {strides = array<i32>} : memref<128xi32, #tpu.memory_space<vmem>>, vector<16xi32>,
          %sub3A_1079 = arith.constant 1.000000e+00 : f32
          %sub3A_1080 = vector.broadcast %sub3A_1079 : f32 to vector<16xf32>
          %sub3A_1081 = arith.subf %sub3A_1080, %sub3A_1051 : vector<16xf32>
          %sub3A_1082 = arith.constant 1.000000e+00 : f32
          %sub3A_1083 = vector.broadcast %sub3A_1082 : f32 to vector<16xf32>
          %sub3A_1084 = arith.subf %sub3A_1083, %sub3A_1053 : vector<16xf32>
          %mul3A_1085 = arith.mulf %sub3A_1084, %sub3A_1081 : vector<16xf32>
          %swap3A_1086 = arith.constant 64 : index
          %swap3A_1087 = tpu.vector_load %arg19[%swap3A_1086] {strides = array<i32>} : memref<608xf32, #tpu.memory_space<vmem>>, vector<16xf32>,
          tpu.vector_store %arg19[%swap3A_1086], %mul3A_1085 {strides = array<i32>} : memref<608xf32, #tpu.memory_space<vmem>>, vector<16xf32>,
          %mul3A_1088 = arith.mulf %sub3A_1084, %sub3A_1051 : vector<16xf32>
          %swap3A_1089 = arith.constant 208 : index
          %swap3A_1090 = tpu.vector_load %arg19[%swap3A_1089] {strides = array<i32>} : memref<608xf32, #tpu.memory_space<vmem>>, vector<16xf32>,
          tpu.vector_store %arg19[%swap3A_1089], %mul3A_1088 {strides = array<i32>} : memref<608xf32, #tpu.memory_space<vmem>>, vector<16xf32>,
          %mul3A_1091 = arith.mulf %sub3A_1053, %sub3A_1081 : vector<16xf32>
          %swap3A_1092 = arith.constant 352 : index
          %swap3A_1093 = tpu.vector_load %arg19[%swap3A_1092] {strides = array<i32>} : memref<608xf32, #tpu.memory_space<vmem>>, vector<16xf32>,
          tpu.vector_store %arg19[%swap3A_1092], %mul3A_1091 {strides = array<i32>} : memref<608xf32, #tpu.memory_space<vmem>>, vector<16xf32>,
          %mul3A_1094 = arith.mulf %sub3A_1053, %sub3A_1051 : vector<16xf32>
          %swap3A_1095 = arith.constant 496 : index
          %swap3A_1096 = tpu.vector_load %arg19[%swap3A_1095] {strides = array<i32>} : memref<608xf32, #tpu.memory_space<vmem>>, vector<16xf32>,
          tpu.vector_store %arg19[%swap3A_1095], %mul3A_1094 {strides = array<i32>} : memref<608xf32, #tpu.memory_space<vmem>>, vector<16xf32>,
          %get3A_1097 = arith.constant 80 : index
          %get3A_1098 = tpu.vector_load %arg10[%get3A_1097] {strides = array<i32>} : memref<576xf32, #tpu.memory_space<vmem>>, vector<16xf32>,
          %get3A_1099 = arith.constant 224 : index
          %get3A_1100 = tpu.vector_load %arg10[%get3A_1099] {strides = array<i32>} : memref<576xf32, #tpu.memory_space<vmem>>, vector<16xf32>,
          %get3A_1101 = arith.constant 368 : index
          %get3A_1102 = tpu.vector_load %arg10[%get3A_1101] {strides = array<i32>} : memref<576xf32, #tpu.memory_space<vmem>>, vector<16xf32>,
          %get3A_1103 = arith.constant 512 : index
          %get3A_1104 = tpu.vector_load %arg10[%get3A_1103] {strides = array<i32>} : memref<576xf32, #tpu.memory_space<vmem>>, vector<16xf32>,
          %get3A_1105 = arith.constant 80 : index
          %get3A_1106 = tpu.vector_load %arg9[%get3A_1105] {strides = array<i32>} : memref<288xi32, #tpu.memory_space<vmem>>, vector<16xi32>,
          %get3A_1107 = arith.constant 224 : index
          %get3A_1108 = tpu.vector_load %arg9[%get3A_1107] {strides = array<i32>} : memref<288xi32, #tpu.memory_space<vmem>>, vector<16xi32>,
          %sub3A_1109 = arith.constant 1 : i32
          %sub3A_1110 = vector.broadcast %sub3A_1109 : i32 to vector<16xi32>
          %sub3A_1111 = arith.subi %get3A_1106, %sub3A_1110 : vector<16xi32>
          %mul3A_1112 = vector.broadcast %squeeze3A_1026 : f32 to vector<16xf32>
          %mul3A_1113 = arith.mulf %get3A_1102, %mul3A_1112 : vector<16xf32>
          %add3A_1114 = arith.addf %get3A_1098, %mul3A_1113 : vector<16xf32>
          %mul3A_1115 = vector.broadcast %squeeze3A : f32 to vector<16xf32>
          %mul3A_1116 = arith.mulf %get3A_1104, %mul3A_1115 : vector<16xf32>
          %add3A_1117 = arith.addf %get3A_1100, %mul3A_1116 : vector<16xf32>
          %convert_element_type3A_1118 = arith.fptosi %add3A_1114 : vector<16xf32> to vector<16xi32>
          %convert_element_type3A_1119 = arith.fptosi %add3A_1117 : vector<16xf32> to vector<16xi32>
          %convert_element_type3A_1120 = arith.sitofp %convert_element_type3A_1118 : vector<16xi32> to vector<16xf32>
          %sub3A_1121 = arith.subf %add3A_1114, %convert_element_type3A_1120 : vector<16xf32>
          %convert_element_type3A_1122 = arith.sitofp %convert_element_type3A_1119 : vector<16xi32> to vector<16xf32>
          %sub3A_1123 = arith.subf %add3A_1117, %convert_element_type3A_1122 : vector<16xf32>
          %min3A_1124 = arith.minsi %convert_element_type3A_1118, %sub3A_1111 : vector<16xi32>
          %min3A_1125 = arith.minsi %convert_element_type3A_1119, %sub3A_1111 : vector<16xi32>
          %add3A_1126 = arith.constant 1 : i32
          %add3A_1127 = vector.broadcast %add3A_1126 : i32 to vector<16xi32>
          %add3A_1128 = arith.addi %convert_element_type3A_1118, %add3A_1127 : vector<16xi32>
          %min3A_1129 = arith.minsi %add3A_1128, %sub3A_1111 : vector<16xi32>
          %add3A_1130 = arith.constant 1 : i32
          %add3A_1131 = vector.broadcast %add3A_1130 : i32 to vector<16xi32>
          %add3A_1132 = arith.addi %convert_element_type3A_1119, %add3A_1131 : vector<16xi32>
          %min3A_1133 = arith.minsi %add3A_1132, %sub3A_1111 : vector<16xi32>
          %mul3A_1134 = arith.muli %min3A_1125, %get3A_1106 : vector<16xi32>
          %add3A_1135 = arith.addi %get3A_1108, %mul3A_1134 : vector<16xi32>
          %mul3A_1136 = arith.muli %min3A_1133, %get3A_1106 : vector<16xi32>
          %add3A_1137 = arith.addi %get3A_1108, %mul3A_1136 : vector<16xi32>
          %add3A_1138 = arith.addi %add3A_1135, %min3A_1124 : vector<16xi32>
          %swap3A_1139 = arith.constant 16 : index
          %swap3A_1140 = tpu.vector_load %arg13[%swap3A_1139] {strides = array<i32>} : memref<128xi32, #tpu.memory_space<vmem>>, vector<16xi32>,
          tpu.vector_store %arg13[%swap3A_1139], %add3A_1138 {strides = array<i32>} : memref<128xi32, #tpu.memory_space<vmem>>, vector<16xi32>,
          %add3A_1141 = arith.addi %add3A_1135, %min3A_1129 : vector<16xi32>
          %swap3A_1142 = arith.constant 48 : index
          %swap3A_1143 = tpu.vector_load %arg13[%swap3A_1142] {strides = array<i32>} : memref<128xi32, #tpu.memory_space<vmem>>, vector<16xi32>,
          tpu.vector_store %arg13[%swap3A_1142], %add3A_1141 {strides = array<i32>} : memref<128xi32, #tpu.memory_space<vmem>>, vector<16xi32>,
          %add3A_1144 = arith.addi %add3A_1137, %min3A_1124 : vector<16xi32>
          %swap3A_1145 = arith.constant 80 : index
          %swap3A_1146 = tpu.vector_load %arg13[%swap3A_1145] {strides = array<i32>} : memref<128xi32, #tpu.memory_space<vmem>>, vector<16xi32>,
          tpu.vector_store %arg13[%swap3A_1145], %add3A_1144 {strides = array<i32>} : memref<128xi32, #tpu.memory_space<vmem>>, vector<16xi32>,
          %add3A_1147 = arith.addi %add3A_1137, %min3A_1129 : vector<16xi32>
          %swap3A_1148 = arith.constant 112 : index
          %swap3A_1149 = tpu.vector_load %arg13[%swap3A_1148] {strides = array<i32>} : memref<128xi32, #tpu.memory_space<vmem>>, vector<16xi32>,
          tpu.vector_store %arg13[%swap3A_1148], %add3A_1147 {strides = array<i32>} : memref<128xi32, #tpu.memory_space<vmem>>, vector<16xi32>,
          %sub3A_1150 = arith.constant 1.000000e+00 : f32
          %sub3A_1151 = vector.broadcast %sub3A_1150 : f32 to vector<16xf32>
          %sub3A_1152 = arith.subf %sub3A_1151, %sub3A_1121 : vector<16xf32>
          %sub3A_1153 = arith.constant 1.000000e+00 : f32
          %sub3A_1154 = vector.broadcast %sub3A_1153 : f32 to vector<16xf32>
          %sub3A_1155 = arith.subf %sub3A_1154, %sub3A_1123 : vector<16xf32>
          %mul3A_1156 = arith.mulf %sub3A_1155, %sub3A_1152 : vector<16xf32>
          %swap3A_1157 = arith.constant 80 : index
          %swap3A_1158 = tpu.vector_load %arg19[%swap3A_1157] {strides = array<i32>} : memref<608xf32, #tpu.memory_space<vmem>>, vector<16xf32>,
          tpu.vector_store %arg19[%swap3A_1157], %mul3A_1156 {strides = array<i32>} : memref<608xf32, #tpu.memory_space<vmem>>, vector<16xf32>,
          %mul3A_1159 = arith.mulf %sub3A_1155, %sub3A_1121 : vector<16xf32>
          %swap3A_1160 = arith.constant 224 : index
          %swap3A_1161 = tpu.vector_load %arg19[%swap3A_1160] {strides = array<i32>} : memref<608xf32, #tpu.memory_space<vmem>>, vector<16xf32>,
          tpu.vector_store %arg19[%swap3A_1160], %mul3A_1159 {strides = array<i32>} : memref<608xf32, #tpu.memory_space<vmem>>, vector<16xf32>,
          %mul3A_1162 = arith.mulf %sub3A_1123, %sub3A_1152 : vector<16xf32>
          %swap3A_1163 = arith.constant 368 : index
          %swap3A_1164 = tpu.vector_load %arg19[%swap3A_1163] {strides = array<i32>} : memref<608xf32, #tpu.memory_space<vmem>>, vector<16xf32>,
          tpu.vector_store %arg19[%swap3A_1163], %mul3A_1162 {strides = array<i32>} : memref<608xf32, #tpu.memory_space<vmem>>, vector<16xf32>,
          %mul3A_1165 = arith.mulf %sub3A_1123, %sub3A_1121 : vector<16xf32>
          %swap3A_1166 = arith.constant 512 : index
          %swap3A_1167 = tpu.vector_load %arg19[%swap3A_1166] {strides = array<i32>} : memref<608xf32, #tpu.memory_space<vmem>>, vector<16xf32>,
          tpu.vector_store %arg19[%swap3A_1166], %mul3A_1165 {strides = array<i32>} : memref<608xf32, #tpu.memory_space<vmem>>, vector<16xf32>,
          %dma_start3A_1168 = arith.constant 0 : i32
          %dma_start3A_1169 = arith.constant 0 : i32
          %dma_start3A_1170 = tpu.memref_slice %arg6[%dma_start3A_1168, %dma_start3A_1169] : memref<21760x192xf32, #tpu.memory_space<hbm>> -> memref<21760x192xf32, #tpu.memory_space<hbm>>
          tpu.enqueue_indirect_dma source(%dma_start3A_1170 : memref<21760x192xf32, #tpu.memory_space<hbm>>) target(%arg17 : memref<128x192xf32, #tpu.memory_space<vmem>>) offsets(%arg13 : memref<128xi32, #tpu.memory_space<vmem>>) semaphore(%arg23 : memref<!tpu.dma_semaphore, #tpu.memory_space<semaphore_mem>>)
        } else {
        }
        %dma_wait3A_962 = arith.constant 0 : i32
        %dma_wait3A_963 = arith.constant 0 : i32
        %dma_wait3A_964 = tpu.memref_slice %arg6[%dma_wait3A_962, %dma_wait3A_963] : memref<21760x192xf32, #tpu.memory_space<hbm>> -> memref<21760x192xf32, #tpu.memory_space<hbm>>
        tpu.wait_indirect_dma semaphore(%arg24 : memref<!tpu.dma_semaphore, #tpu.memory_space<semaphore_mem>>) src(%dma_wait3A_964 : memref<21760x192xf32, #tpu.memory_space<hbm>>) dst(%arg18 : memref<128x192xf32, #tpu.memory_space<vmem>>)
        %scan3A_965 = arith.constant 0 : i32
        %scan3A_966 = arith.constant 0 : i32
        %scan3A_967 = arith.constant 32 : i32
        %scan3A_968 = arith.addi %scan3A_966, %scan3A_967 : i32
        %scan3A_969 = arith.constant 1 : i32
        %scan3A_970 = scf.for %scan3A_987 = %scan3A_966 to %scan3A_968 step %scan3A_969 iter_args(%scan3A_988 = %scan3A_965) -> (i32)  : i32 {
          %add3A_989 = arith.constant 96 : i32
          %add3A_990 = arith.addi %add3A_989, %scan3A_987 : i32
          %add3A_991 = arith.constant 0 : i32
          %add3A_992 = arith.addi %add3A_991, %add3A_990 : i32
          %get3A_993 = arith.index_cast %add3A_992 : i32 to index
          %get3A_994 = tpu.vector_load %arg19[%get3A_993] {strides = array<i32>} : memref<608xf32, #tpu.memory_space<vmem>>, vector<16xf32>,
          %slice3A = vector.extract_strided_slice %get3A_994 {offsets = [0], sizes = [1], strides = [1]} : vector<16xf32> to vector<1xf32>
          %squeeze3A = vector.extract %slice3A[0] : f32 from vector<1xf32>
          %add3A_995 = arith.constant 144 : i32
          %add3A_996 = arith.addi %add3A_995, %add3A_990 : i32
          %get3A_997 = arith.index_cast %add3A_996 : i32 to index
          %get3A_998 = tpu.vector_load %arg19[%get3A_997] {strides = array<i32>} : memref<608xf32, #tpu.memory_space<vmem>>, vector<16xf32>,
          %slice3A_999 = vector.extract_strided_slice %get3A_998 {offsets = [0], sizes = [1], strides = [1]} : vector<16xf32> to vector<1xf32>
          %squeeze3A_1000 = vector.extract %slice3A_999[0] : f32 from vector<1xf32>
          %add3A_1001 = arith.constant 288 : i32
          %add3A_1002 = arith.addi %add3A_1001, %add3A_990 : i32
          %get3A_1003 = arith.index_cast %add3A_1002 : i32 to index
          %get3A_1004 = tpu.vector_load %arg19[%get3A_1003] {strides = array<i32>} : memref<608xf32, #tpu.memory_space<vmem>>, vector<16xf32>,
          %slice3A_1005 = vector.extract_strided_slice %get3A_1004 {offsets = [0], sizes = [1], strides = [1]} : vector<16xf32> to vector<1xf32>
          %squeeze3A_1006 = vector.extract %slice3A_1005[0] : f32 from vector<1xf32>
          %add3A_1007 = arith.constant 432 : i32
          %add3A_1008 = arith.addi %add3A_1007, %add3A_990 : i32
          %get3A_1009 = arith.index_cast %add3A_1008 : i32 to index
          %get3A_1010 = tpu.vector_load %arg19[%get3A_1009] {strides = array<i32>} : memref<608xf32, #tpu.memory_space<vmem>>, vector<16xf32>,
          %slice3A_1011 = vector.extract_strided_slice %get3A_1010 {offsets = [0], sizes = [1], strides = [1]} : vector<16xf32> to vector<1xf32>
          %squeeze3A_1012 = vector.extract %slice3A_1011[0] : f32 from vector<1xf32>
          %get3A_1013 = arith.index_cast %scan3A_987 : i32 to index
          %get3A_1014 = arith.constant 0 : index
          %get3A_1015 = tpu.vector_load %arg18[%get3A_1013, %get3A_1014] {strides = array<i32>} : memref<128x192xf32, #tpu.memory_space<vmem>>, vector<16xf32>,
          %mul3A_1016 = vector.broadcast %squeeze3A : f32 to vector<16xf32>
          %mul3A_1017 = arith.mulf %mul3A_1016, %get3A_1015 : vector<16xf32>
          %add3A_1018 = arith.constant 32 : i32
          %add3A_1019 = arith.addi %add3A_1018, %scan3A_987 : i32
          %get3A_1020 = arith.index_cast %add3A_1019 : i32 to index
          %get3A_1021 = arith.constant 0 : index
          %get3A_1022 = tpu.vector_load %arg18[%get3A_1020, %get3A_1021] {strides = array<i32>} : memref<128x192xf32, #tpu.memory_space<vmem>>, vector<16xf32>,
          %mul3A_1023 = vector.broadcast %squeeze3A_1000 : f32 to vector<16xf32>
          %mul3A_1024 = arith.mulf %mul3A_1023, %get3A_1022 : vector<16xf32>
          %add3A_1025 = arith.addf %mul3A_1017, %mul3A_1024 : vector<16xf32>
          %add3A_1026 = arith.constant 64 : i32
          %add3A_1027 = arith.addi %add3A_1026, %scan3A_987 : i32
          %get3A_1028 = arith.index_cast %add3A_1027 : i32 to index
          %get3A_1029 = arith.constant 0 : index
          %get3A_1030 = tpu.vector_load %arg18[%get3A_1028, %get3A_1029] {strides = array<i32>} : memref<128x192xf32, #tpu.memory_space<vmem>>, vector<16xf32>,
          %mul3A_1031 = vector.broadcast %squeeze3A_1006 : f32 to vector<16xf32>
          %mul3A_1032 = arith.mulf %mul3A_1031, %get3A_1030 : vector<16xf32>
          %add3A_1033 = arith.addf %add3A_1025, %mul3A_1032 : vector<16xf32>
          %add3A_1034 = arith.constant 96 : i32
          %add3A_1035 = arith.addi %add3A_1034, %scan3A_987 : i32
          %get3A_1036 = arith.index_cast %add3A_1035 : i32 to index
          %get3A_1037 = arith.constant 0 : index
          %get3A_1038 = tpu.vector_load %arg18[%get3A_1036, %get3A_1037] {strides = array<i32>} : memref<128x192xf32, #tpu.memory_space<vmem>>, vector<16xf32>,
          %mul3A_1039 = vector.broadcast %squeeze3A_1012 : f32 to vector<16xf32>
          %mul3A_1040 = arith.mulf %mul3A_1039, %get3A_1038 : vector<16xf32>
          %add3A_1041 = arith.addf %add3A_1033, %mul3A_1040 : vector<16xf32>
          %get3A_1042 = arith.index_cast %scan3A_987 : i32 to index
          %get3A_1043 = arith.constant 16 : index
          %get3A_1044 = tpu.vector_load %arg18[%get3A_1042, %get3A_1043] {strides = array<i32>} : memref<128x192xf32, #tpu.memory_space<vmem>>, vector<16xf32>,
          %mul3A_1045 = vector.broadcast %squeeze3A : f32 to vector<16xf32>
          %mul3A_1046 = arith.mulf %mul3A_1045, %get3A_1044 : vector<16xf32>
          %add3A_1047 = arith.constant 32 : i32
          %add3A_1048 = arith.addi %add3A_1047, %scan3A_987 : i32
          %get3A_1049 = arith.index_cast %add3A_1048 : i32 to index
          %get3A_1050 = arith.constant 16 : index
          %get3A_1051 = tpu.vector_load %arg18[%get3A_1049, %get3A_1050] {strides = array<i32>} : memref<128x192xf32, #tpu.memory_space<vmem>>, vector<16xf32>,
          %mul3A_1052 = vector.broadcast %squeeze3A_1000 : f32 to vector<16xf32>
          %mul3A_1053 = arith.mulf %mul3A_1052, %get3A_1051 : vector<16xf32>
          %add3A_1054 = arith.addf %mul3A_1046, %mul3A_1053 : vector<16xf32>
          %add3A_1055 = arith.constant 64 : i32
          %add3A_1056 = arith.addi %add3A_1055, %scan3A_987 : i32
          %get3A_1057 = arith.index_cast %add3A_1056 : i32 to index
          %get3A_1058 = arith.constant 16 : index
          %get3A_1059 = tpu.vector_load %arg18[%get3A_1057, %get3A_1058] {strides = array<i32>} : memref<128x192xf32, #tpu.memory_space<vmem>>, vector<16xf32>,
          %mul3A_1060 = vector.broadcast %squeeze3A_1006 : f32 to vector<16xf32>
          %mul3A_1061 = arith.mulf %mul3A_1060, %get3A_1059 : vector<16xf32>
          %add3A_1062 = arith.addf %add3A_1054, %mul3A_1061 : vector<16xf32>
          %add3A_1063 = arith.constant 96 : i32
          %add3A_1064 = arith.addi %add3A_1063, %scan3A_987 : i32
          %get3A_1065 = arith.index_cast %add3A_1064 : i32 to index
          %get3A_1066 = arith.constant 16 : index
          %get3A_1067 = tpu.vector_load %arg18[%get3A_1065, %get3A_1066] {strides = array<i32>} : memref<128x192xf32, #tpu.memory_space<vmem>>, vector<16xf32>,
          %mul3A_1068 = vector.broadcast %squeeze3A_1012 : f32 to vector<16xf32>
          %mul3A_1069 = arith.mulf %mul3A_1068, %get3A_1067 : vector<16xf32>
          %add3A_1070 = arith.addf %add3A_1062, %mul3A_1069 : vector<16xf32>
          %get3A_1071 = arith.index_cast %scan3A_987 : i32 to index
          %get3A_1072 = arith.constant 32 : index
          %get3A_1073 = tpu.vector_load %arg18[%get3A_1071, %get3A_1072] {strides = array<i32>} : memref<128x192xf32, #tpu.memory_space<vmem>>, vector<16xf32>,
          %mul3A_1074 = vector.broadcast %squeeze3A : f32 to vector<16xf32>
          %mul3A_1075 = arith.mulf %mul3A_1074, %get3A_1073 : vector<16xf32>
          %add3A_1076 = arith.constant 32 : i32
          %add3A_1077 = arith.addi %add3A_1076, %scan3A_987 : i32
          %get3A_1078 = arith.index_cast %add3A_1077 : i32 to index
          %get3A_1079 = arith.constant 32 : index
          %get3A_1080 = tpu.vector_load %arg18[%get3A_1078, %get3A_1079] {strides = array<i32>} : memref<128x192xf32, #tpu.memory_space<vmem>>, vector<16xf32>,
          %mul3A_1081 = vector.broadcast %squeeze3A_1000 : f32 to vector<16xf32>
          %mul3A_1082 = arith.mulf %mul3A_1081, %get3A_1080 : vector<16xf32>
          %add3A_1083 = arith.addf %mul3A_1075, %mul3A_1082 : vector<16xf32>
          %add3A_1084 = arith.constant 64 : i32
          %add3A_1085 = arith.addi %add3A_1084, %scan3A_987 : i32
          %get3A_1086 = arith.index_cast %add3A_1085 : i32 to index
          %get3A_1087 = arith.constant 32 : index
          %get3A_1088 = tpu.vector_load %arg18[%get3A_1086, %get3A_1087] {strides = array<i32>} : memref<128x192xf32, #tpu.memory_space<vmem>>, vector<16xf32>,
          %mul3A_1089 = vector.broadcast %squeeze3A_1006 : f32 to vector<16xf32>
          %mul3A_1090 = arith.mulf %mul3A_1089, %get3A_1088 : vector<16xf32>
          %add3A_1091 = arith.addf %add3A_1083, %mul3A_1090 : vector<16xf32>
          %add3A_1092 = arith.constant 96 : i32
          %add3A_1093 = arith.addi %add3A_1092, %scan3A_987 : i32
          %get3A_1094 = arith.index_cast %add3A_1093 : i32 to index
          %get3A_1095 = arith.constant 32 : index
          %get3A_1096 = tpu.vector_load %arg18[%get3A_1094, %get3A_1095] {strides = array<i32>} : memref<128x192xf32, #tpu.memory_space<vmem>>, vector<16xf32>,
          %mul3A_1097 = vector.broadcast %squeeze3A_1012 : f32 to vector<16xf32>
          %mul3A_1098 = arith.mulf %mul3A_1097, %get3A_1096 : vector<16xf32>
          %add3A_1099 = arith.addf %add3A_1091, %mul3A_1098 : vector<16xf32>
          %get3A_1100 = arith.index_cast %scan3A_987 : i32 to index
          %get3A_1101 = arith.constant 48 : index
          %get3A_1102 = tpu.vector_load %arg18[%get3A_1100, %get3A_1101] {strides = array<i32>} : memref<128x192xf32, #tpu.memory_space<vmem>>, vector<16xf32>,
          %mul3A_1103 = vector.broadcast %squeeze3A : f32 to vector<16xf32>
          %mul3A_1104 = arith.mulf %mul3A_1103, %get3A_1102 : vector<16xf32>
          %add3A_1105 = arith.constant 32 : i32
          %add3A_1106 = arith.addi %add3A_1105, %scan3A_987 : i32
          %get3A_1107 = arith.index_cast %add3A_1106 : i32 to index
          %get3A_1108 = arith.constant 48 : index
          %get3A_1109 = tpu.vector_load %arg18[%get3A_1107, %get3A_1108] {strides = array<i32>} : memref<128x192xf32, #tpu.memory_space<vmem>>, vector<16xf32>,
          %mul3A_1110 = vector.broadcast %squeeze3A_1000 : f32 to vector<16xf32>
          %mul3A_1111 = arith.mulf %mul3A_1110, %get3A_1109 : vector<16xf32>
          %add3A_1112 = arith.addf %mul3A_1104, %mul3A_1111 : vector<16xf32>
          %add3A_1113 = arith.constant 64 : i32
          %add3A_1114 = arith.addi %add3A_1113, %scan3A_987 : i32
          %get3A_1115 = arith.index_cast %add3A_1114 : i32 to index
          %get3A_1116 = arith.constant 48 : index
          %get3A_1117 = tpu.vector_load %arg18[%get3A_1115, %get3A_1116] {strides = array<i32>} : memref<128x192xf32, #tpu.memory_space<vmem>>, vector<16xf32>,
          %mul3A_1118 = vector.broadcast %squeeze3A_1006 : f32 to vector<16xf32>
          %mul3A_1119 = arith.mulf %mul3A_1118, %get3A_1117 : vector<16xf32>
          %add3A_1120 = arith.addf %add3A_1112, %mul3A_1119 : vector<16xf32>
          %add3A_1121 = arith.constant 96 : i32
          %add3A_1122 = arith.addi %add3A_1121, %scan3A_987 : i32
          %get3A_1123 = arith.index_cast %add3A_1122 : i32 to index
          %get3A_1124 = arith.constant 48 : index
          %get3A_1125 = tpu.vector_load %arg18[%get3A_1123, %get3A_1124] {strides = array<i32>} : memref<128x192xf32, #tpu.memory_space<vmem>>, vector<16xf32>,
          %mul3A_1126 = vector.broadcast %squeeze3A_1012 : f32 to vector<16xf32>
          %mul3A_1127 = arith.mulf %mul3A_1126, %get3A_1125 : vector<16xf32>
          %add3A_1128 = arith.addf %add3A_1120, %mul3A_1127 : vector<16xf32>
          %get3A_1129 = arith.index_cast %scan3A_987 : i32 to index
          %get3A_1130 = arith.constant 64 : index
          %get3A_1131 = tpu.vector_load %arg18[%get3A_1129, %get3A_1130] {strides = array<i32>} : memref<128x192xf32, #tpu.memory_space<vmem>>, vector<16xf32>,
          %mul3A_1132 = vector.broadcast %squeeze3A : f32 to vector<16xf32>
          %mul3A_1133 = arith.mulf %mul3A_1132, %get3A_1131 : vector<16xf32>
          %add3A_1134 = arith.constant 32 : i32
          %add3A_1135 = arith.addi %add3A_1134, %scan3A_987 : i32
          %get3A_1136 = arith.index_cast %add3A_1135 : i32 to index
          %get3A_1137 = arith.constant 64 : index
          %get3A_1138 = tpu.vector_load %arg18[%get3A_1136, %get3A_1137] {strides = array<i32>} : memref<128x192xf32, #tpu.memory_space<vmem>>, vector<16xf32>,
          %mul3A_1139 = vector.broadcast %squeeze3A_1000 : f32 to vector<16xf32>
          %mul3A_1140 = arith.mulf %mul3A_1139, %get3A_1138 : vector<16xf32>
          %add3A_1141 = arith.addf %mul3A_1133, %mul3A_1140 : vector<16xf32>
          %add3A_1142 = arith.constant 64 : i32
          %add3A_1143 = arith.addi %add3A_1142, %scan3A_987 : i32
          %get3A_1144 = arith.index_cast %add3A_1143 : i32 to index
          %get3A_1145 = arith.constant 64 : index
          %get3A_1146 = tpu.vector_load %arg18[%get3A_1144, %get3A_1145] {strides = array<i32>} : memref<128x192xf32, #tpu.memory_space<vmem>>, vector<16xf32>,
          %mul3A_1147 = vector.broadcast %squeeze3A_1006 : f32 to vector<16xf32>
          %mul3A_1148 = arith.mulf %mul3A_1147, %get3A_1146 : vector<16xf32>
          %add3A_1149 = arith.addf %add3A_1141, %mul3A_1148 : vector<16xf32>
          %add3A_1150 = arith.constant 96 : i32
          %add3A_1151 = arith.addi %add3A_1150, %scan3A_987 : i32
          %get3A_1152 = arith.index_cast %add3A_1151 : i32 to index
          %get3A_1153 = arith.constant 64 : index
          %get3A_1154 = tpu.vector_load %arg18[%get3A_1152, %get3A_1153] {strides = array<i32>} : memref<128x192xf32, #tpu.memory_space<vmem>>, vector<16xf32>,
          %mul3A_1155 = vector.broadcast %squeeze3A_1012 : f32 to vector<16xf32>
          %mul3A_1156 = arith.mulf %mul3A_1155, %get3A_1154 : vector<16xf32>
          %add3A_1157 = arith.addf %add3A_1149, %mul3A_1156 : vector<16xf32>
          %get3A_1158 = arith.index_cast %scan3A_987 : i32 to index
          %get3A_1159 = arith.constant 80 : index
          %get3A_1160 = tpu.vector_load %arg18[%get3A_1158, %get3A_1159] {strides = array<i32>} : memref<128x192xf32, #tpu.memory_space<vmem>>, vector<16xf32>,
          %mul3A_1161 = vector.broadcast %squeeze3A : f32 to vector<16xf32>
          %mul3A_1162 = arith.mulf %mul3A_1161, %get3A_1160 : vector<16xf32>
          %add3A_1163 = arith.constant 32 : i32
          %add3A_1164 = arith.addi %add3A_1163, %scan3A_987 : i32
          %get3A_1165 = arith.index_cast %add3A_1164 : i32 to index
          %get3A_1166 = arith.constant 80 : index
          %get3A_1167 = tpu.vector_load %arg18[%get3A_1165, %get3A_1166] {strides = array<i32>} : memref<128x192xf32, #tpu.memory_space<vmem>>, vector<16xf32>,
          %mul3A_1168 = vector.broadcast %squeeze3A_1000 : f32 to vector<16xf32>
          %mul3A_1169 = arith.mulf %mul3A_1168, %get3A_1167 : vector<16xf32>
          %add3A_1170 = arith.addf %mul3A_1162, %mul3A_1169 : vector<16xf32>
          %add3A_1171 = arith.constant 64 : i32
          %add3A_1172 = arith.addi %add3A_1171, %scan3A_987 : i32
          %get3A_1173 = arith.index_cast %add3A_1172 : i32 to index
          %get3A_1174 = arith.constant 80 : index
          %get3A_1175 = tpu.vector_load %arg18[%get3A_1173, %get3A_1174] {strides = array<i32>} : memref<128x192xf32, #tpu.memory_space<vmem>>, vector<16xf32>,
          %mul3A_1176 = vector.broadcast %squeeze3A_1006 : f32 to vector<16xf32>
          %mul3A_1177 = arith.mulf %mul3A_1176, %get3A_1175 : vector<16xf32>
          %add3A_1178 = arith.addf %add3A_1170, %mul3A_1177 : vector<16xf32>
          %add3A_1179 = arith.constant 96 : i32
          %add3A_1180 = arith.addi %add3A_1179, %scan3A_987 : i32
          %get3A_1181 = arith.index_cast %add3A_1180 : i32 to index
          %get3A_1182 = arith.constant 80 : index
          %get3A_1183 = tpu.vector_load %arg18[%get3A_1181, %get3A_1182] {strides = array<i32>} : memref<128x192xf32, #tpu.memory_space<vmem>>, vector<16xf32>,
          %mul3A_1184 = vector.broadcast %squeeze3A_1012 : f32 to vector<16xf32>
          %mul3A_1185 = arith.mulf %mul3A_1184, %get3A_1183 : vector<16xf32>
          %add3A_1186 = arith.addf %add3A_1178, %mul3A_1185 : vector<16xf32>
          %get3A_1187 = arith.index_cast %scan3A_987 : i32 to index
          %get3A_1188 = arith.constant 96 : index
          %get3A_1189 = tpu.vector_load %arg18[%get3A_1187, %get3A_1188] {strides = array<i32>} : memref<128x192xf32, #tpu.memory_space<vmem>>, vector<16xf32>,
          %mul3A_1190 = vector.broadcast %squeeze3A : f32 to vector<16xf32>
          %mul3A_1191 = arith.mulf %mul3A_1190, %get3A_1189 : vector<16xf32>
          %add3A_1192 = arith.constant 32 : i32
          %add3A_1193 = arith.addi %add3A_1192, %scan3A_987 : i32
          %get3A_1194 = arith.index_cast %add3A_1193 : i32 to index
          %get3A_1195 = arith.constant 96 : index
          %get3A_1196 = tpu.vector_load %arg18[%get3A_1194, %get3A_1195] {strides = array<i32>} : memref<128x192xf32, #tpu.memory_space<vmem>>, vector<16xf32>,
          %mul3A_1197 = vector.broadcast %squeeze3A_1000 : f32 to vector<16xf32>
          %mul3A_1198 = arith.mulf %mul3A_1197, %get3A_1196 : vector<16xf32>
          %add3A_1199 = arith.addf %mul3A_1191, %mul3A_1198 : vector<16xf32>
          %add3A_1200 = arith.constant 64 : i32
          %add3A_1201 = arith.addi %add3A_1200, %scan3A_987 : i32
          %get3A_1202 = arith.index_cast %add3A_1201 : i32 to index
          %get3A_1203 = arith.constant 96 : index
          %get3A_1204 = tpu.vector_load %arg18[%get3A_1202, %get3A_1203] {strides = array<i32>} : memref<128x192xf32, #tpu.memory_space<vmem>>, vector<16xf32>,
          %mul3A_1205 = vector.broadcast %squeeze3A_1006 : f32 to vector<16xf32>
          %mul3A_1206 = arith.mulf %mul3A_1205, %get3A_1204 : vector<16xf32>
          %add3A_1207 = arith.addf %add3A_1199, %mul3A_1206 : vector<16xf32>
          %add3A_1208 = arith.constant 96 : i32
          %add3A_1209 = arith.addi %add3A_1208, %scan3A_987 : i32
          %get3A_1210 = arith.index_cast %add3A_1209 : i32 to index
          %get3A_1211 = arith.constant 96 : index
          %get3A_1212 = tpu.vector_load %arg18[%get3A_1210, %get3A_1211] {strides = array<i32>} : memref<128x192xf32, #tpu.memory_space<vmem>>, vector<16xf32>,
          %mul3A_1213 = vector.broadcast %squeeze3A_1012 : f32 to vector<16xf32>
          %mul3A_1214 = arith.mulf %mul3A_1213, %get3A_1212 : vector<16xf32>
          %add3A_1215 = arith.addf %add3A_1207, %mul3A_1214 : vector<16xf32>
          %get3A_1216 = arith.index_cast %scan3A_987 : i32 to index
          %get3A_1217 = arith.constant 112 : index
          %get3A_1218 = tpu.vector_load %arg18[%get3A_1216, %get3A_1217] {strides = array<i32>} : memref<128x192xf32, #tpu.memory_space<vmem>>, vector<16xf32>,
          %mul3A_1219 = vector.broadcast %squeeze3A : f32 to vector<16xf32>
          %mul3A_1220 = arith.mulf %mul3A_1219, %get3A_1218 : vector<16xf32>
          %add3A_1221 = arith.constant 32 : i32
          %add3A_1222 = arith.addi %add3A_1221, %scan3A_987 : i32
          %get3A_1223 = arith.index_cast %add3A_1222 : i32 to index
          %get3A_1224 = arith.constant 112 : index
          %get3A_1225 = tpu.vector_load %arg18[%get3A_1223, %get3A_1224] {strides = array<i32>} : memref<128x192xf32, #tpu.memory_space<vmem>>, vector<16xf32>,
          %mul3A_1226 = vector.broadcast %squeeze3A_1000 : f32 to vector<16xf32>
          %mul3A_1227 = arith.mulf %mul3A_1226, %get3A_1225 : vector<16xf32>
          %add3A_1228 = arith.addf %mul3A_1220, %mul3A_1227 : vector<16xf32>
          %add3A_1229 = arith.constant 64 : i32
          %add3A_1230 = arith.addi %add3A_1229, %scan3A_987 : i32
          %get3A_1231 = arith.index_cast %add3A_1230 : i32 to index
          %get3A_1232 = arith.constant 112 : index
          %get3A_1233 = tpu.vector_load %arg18[%get3A_1231, %get3A_1232] {strides = array<i32>} : memref<128x192xf32, #tpu.memory_space<vmem>>, vector<16xf32>,
          %mul3A_1234 = vector.broadcast %squeeze3A_1006 : f32 to vector<16xf32>
          %mul3A_1235 = arith.mulf %mul3A_1234, %get3A_1233 : vector<16xf32>
          %add3A_1236 = arith.addf %add3A_1228, %mul3A_1235 : vector<16xf32>
          %add3A_1237 = arith.constant 96 : i32
          %add3A_1238 = arith.addi %add3A_1237, %scan3A_987 : i32
          %get3A_1239 = arith.index_cast %add3A_1238 : i32 to index
          %get3A_1240 = arith.constant 112 : index
          %get3A_1241 = tpu.vector_load %arg18[%get3A_1239, %get3A_1240] {strides = array<i32>} : memref<128x192xf32, #tpu.memory_space<vmem>>, vector<16xf32>,
          %mul3A_1242 = vector.broadcast %squeeze3A_1012 : f32 to vector<16xf32>
          %mul3A_1243 = arith.mulf %mul3A_1242, %get3A_1241 : vector<16xf32>
          %add3A_1244 = arith.addf %add3A_1236, %mul3A_1243 : vector<16xf32>
          %get3A_1245 = arith.index_cast %scan3A_987 : i32 to index
          %get3A_1246 = arith.constant 128 : index
          %get3A_1247 = tpu.vector_load %arg18[%get3A_1245, %get3A_1246] {strides = array<i32>} : memref<128x192xf32, #tpu.memory_space<vmem>>, vector<16xf32>,
          %mul3A_1248 = vector.broadcast %squeeze3A : f32 to vector<16xf32>
          %mul3A_1249 = arith.mulf %mul3A_1248, %get3A_1247 : vector<16xf32>
          %add3A_1250 = arith.constant 32 : i32
          %add3A_1251 = arith.addi %add3A_1250, %scan3A_987 : i32
          %get3A_1252 = arith.index_cast %add3A_1251 : i32 to index
          %get3A_1253 = arith.constant 128 : index
          %get3A_1254 = tpu.vector_load %arg18[%get3A_1252, %get3A_1253] {strides = array<i32>} : memref<128x192xf32, #tpu.memory_space<vmem>>, vector<16xf32>,
          %mul3A_1255 = vector.broadcast %squeeze3A_1000 : f32 to vector<16xf32>
          %mul3A_1256 = arith.mulf %mul3A_1255, %get3A_1254 : vector<16xf32>
          %add3A_1257 = arith.addf %mul3A_1249, %mul3A_1256 : vector<16xf32>
          %add3A_1258 = arith.constant 64 : i32
          %add3A_1259 = arith.addi %add3A_1258, %scan3A_987 : i32
          %get3A_1260 = arith.index_cast %add3A_1259 : i32 to index
          %get3A_1261 = arith.constant 128 : index
          %get3A_1262 = tpu.vector_load %arg18[%get3A_1260, %get3A_1261] {strides = array<i32>} : memref<128x192xf32, #tpu.memory_space<vmem>>, vector<16xf32>,
          %mul3A_1263 = vector.broadcast %squeeze3A_1006 : f32 to vector<16xf32>
          %mul3A_1264 = arith.mulf %mul3A_1263, %get3A_1262 : vector<16xf32>
          %add3A_1265 = arith.addf %add3A_1257, %mul3A_1264 : vector<16xf32>
          %add3A_1266 = arith.constant 96 : i32
          %add3A_1267 = arith.addi %add3A_1266, %scan3A_987 : i32
          %get3A_1268 = arith.index_cast %add3A_1267 : i32 to index
          %get3A_1269 = arith.constant 128 : index
          %get3A_1270 = tpu.vector_load %arg18[%get3A_1268, %get3A_1269] {strides = array<i32>} : memref<128x192xf32, #tpu.memory_space<vmem>>, vector<16xf32>,
          %mul3A_1271 = vector.broadcast %squeeze3A_1012 : f32 to vector<16xf32>
          %mul3A_1272 = arith.mulf %mul3A_1271, %get3A_1270 : vector<16xf32>
          %add3A_1273 = arith.addf %add3A_1265, %mul3A_1272 : vector<16xf32>
          %get3A_1274 = arith.index_cast %scan3A_987 : i32 to index
          %get3A_1275 = arith.constant 144 : index
          %get3A_1276 = tpu.vector_load %arg18[%get3A_1274, %get3A_1275] {strides = array<i32>} : memref<128x192xf32, #tpu.memory_space<vmem>>, vector<16xf32>,
          %mul3A_1277 = vector.broadcast %squeeze3A : f32 to vector<16xf32>
          %mul3A_1278 = arith.mulf %mul3A_1277, %get3A_1276 : vector<16xf32>
          %add3A_1279 = arith.constant 32 : i32
          %add3A_1280 = arith.addi %add3A_1279, %scan3A_987 : i32
          %get3A_1281 = arith.index_cast %add3A_1280 : i32 to index
          %get3A_1282 = arith.constant 144 : index
          %get3A_1283 = tpu.vector_load %arg18[%get3A_1281, %get3A_1282] {strides = array<i32>} : memref<128x192xf32, #tpu.memory_space<vmem>>, vector<16xf32>,
          %mul3A_1284 = vector.broadcast %squeeze3A_1000 : f32 to vector<16xf32>
          %mul3A_1285 = arith.mulf %mul3A_1284, %get3A_1283 : vector<16xf32>
          %add3A_1286 = arith.addf %mul3A_1278, %mul3A_1285 : vector<16xf32>
          %add3A_1287 = arith.constant 64 : i32
          %add3A_1288 = arith.addi %add3A_1287, %scan3A_987 : i32
          %get3A_1289 = arith.index_cast %add3A_1288 : i32 to index
          %get3A_1290 = arith.constant 144 : index
          %get3A_1291 = tpu.vector_load %arg18[%get3A_1289, %get3A_1290] {strides = array<i32>} : memref<128x192xf32, #tpu.memory_space<vmem>>, vector<16xf32>,
          %mul3A_1292 = vector.broadcast %squeeze3A_1006 : f32 to vector<16xf32>
          %mul3A_1293 = arith.mulf %mul3A_1292, %get3A_1291 : vector<16xf32>
          %add3A_1294 = arith.addf %add3A_1286, %mul3A_1293 : vector<16xf32>
          %add3A_1295 = arith.constant 96 : i32
          %add3A_1296 = arith.addi %add3A_1295, %scan3A_987 : i32
          %get3A_1297 = arith.index_cast %add3A_1296 : i32 to index
          %get3A_1298 = arith.constant 144 : index
          %get3A_1299 = tpu.vector_load %arg18[%get3A_1297, %get3A_1298] {strides = array<i32>} : memref<128x192xf32, #tpu.memory_space<vmem>>, vector<16xf32>,
          %mul3A_1300 = vector.broadcast %squeeze3A_1012 : f32 to vector<16xf32>
          %mul3A_1301 = arith.mulf %mul3A_1300, %get3A_1299 : vector<16xf32>
          %add3A_1302 = arith.addf %add3A_1294, %mul3A_1301 : vector<16xf32>
          %get3A_1303 = arith.index_cast %scan3A_987 : i32 to index
          %get3A_1304 = arith.constant 160 : index
          %get3A_1305 = tpu.vector_load %arg18[%get3A_1303, %get3A_1304] {strides = array<i32>} : memref<128x192xf32, #tpu.memory_space<vmem>>, vector<16xf32>,
          %mul3A_1306 = vector.broadcast %squeeze3A : f32 to vector<16xf32>
          %mul3A_1307 = arith.mulf %mul3A_1306, %get3A_1305 : vector<16xf32>
          %add3A_1308 = arith.constant 32 : i32
          %add3A_1309 = arith.addi %add3A_1308, %scan3A_987 : i32
          %get3A_1310 = arith.index_cast %add3A_1309 : i32 to index
          %get3A_1311 = arith.constant 160 : index
          %get3A_1312 = tpu.vector_load %arg18[%get3A_1310, %get3A_1311] {strides = array<i32>} : memref<128x192xf32, #tpu.memory_space<vmem>>, vector<16xf32>,
          %mul3A_1313 = vector.broadcast %squeeze3A_1000 : f32 to vector<16xf32>
          %mul3A_1314 = arith.mulf %mul3A_1313, %get3A_1312 : vector<16xf32>
          %add3A_1315 = arith.addf %mul3A_1307, %mul3A_1314 : vector<16xf32>
          %add3A_1316 = arith.constant 64 : i32
          %add3A_1317 = arith.addi %add3A_1316, %scan3A_987 : i32
          %get3A_1318 = arith.index_cast %add3A_1317 : i32 to index
          %get3A_1319 = arith.constant 160 : index
          %get3A_1320 = tpu.vector_load %arg18[%get3A_1318, %get3A_1319] {strides = array<i32>} : memref<128x192xf32, #tpu.memory_space<vmem>>, vector<16xf32>,
          %mul3A_1321 = vector.broadcast %squeeze3A_1006 : f32 to vector<16xf32>
          %mul3A_1322 = arith.mulf %mul3A_1321, %get3A_1320 : vector<16xf32>
          %add3A_1323 = arith.addf %add3A_1315, %mul3A_1322 : vector<16xf32>
          %add3A_1324 = arith.constant 96 : i32
          %add3A_1325 = arith.addi %add3A_1324, %scan3A_987 : i32
          %get3A_1326 = arith.index_cast %add3A_1325 : i32 to index
          %get3A_1327 = arith.constant 160 : index
          %get3A_1328 = tpu.vector_load %arg18[%get3A_1326, %get3A_1327] {strides = array<i32>} : memref<128x192xf32, #tpu.memory_space<vmem>>, vector<16xf32>,
          %mul3A_1329 = vector.broadcast %squeeze3A_1012 : f32 to vector<16xf32>
          %mul3A_1330 = arith.mulf %mul3A_1329, %get3A_1328 : vector<16xf32>
          %add3A_1331 = arith.addf %add3A_1323, %mul3A_1330 : vector<16xf32>
          %get3A_1332 = arith.index_cast %scan3A_987 : i32 to index
          %get3A_1333 = arith.constant 176 : index
          %get3A_1334 = tpu.vector_load %arg18[%get3A_1332, %get3A_1333] {strides = array<i32>} : memref<128x192xf32, #tpu.memory_space<vmem>>, vector<16xf32>,
          %mul3A_1335 = vector.broadcast %squeeze3A : f32 to vector<16xf32>
          %mul3A_1336 = arith.mulf %mul3A_1335, %get3A_1334 : vector<16xf32>
          %add3A_1337 = arith.constant 32 : i32
          %add3A_1338 = arith.addi %add3A_1337, %scan3A_987 : i32
          %get3A_1339 = arith.index_cast %add3A_1338 : i32 to index
          %get3A_1340 = arith.constant 176 : index
          %get3A_1341 = tpu.vector_load %arg18[%get3A_1339, %get3A_1340] {strides = array<i32>} : memref<128x192xf32, #tpu.memory_space<vmem>>, vector<16xf32>,
          %mul3A_1342 = vector.broadcast %squeeze3A_1000 : f32 to vector<16xf32>
          %mul3A_1343 = arith.mulf %mul3A_1342, %get3A_1341 : vector<16xf32>
          %add3A_1344 = arith.addf %mul3A_1336, %mul3A_1343 : vector<16xf32>
          %add3A_1345 = arith.constant 64 : i32
          %add3A_1346 = arith.addi %add3A_1345, %scan3A_987 : i32
          %get3A_1347 = arith.index_cast %add3A_1346 : i32 to index
          %get3A_1348 = arith.constant 176 : index
          %get3A_1349 = tpu.vector_load %arg18[%get3A_1347, %get3A_1348] {strides = array<i32>} : memref<128x192xf32, #tpu.memory_space<vmem>>, vector<16xf32>,
          %mul3A_1350 = vector.broadcast %squeeze3A_1006 : f32 to vector<16xf32>
          %mul3A_1351 = arith.mulf %mul3A_1350, %get3A_1349 : vector<16xf32>
          %add3A_1352 = arith.addf %add3A_1344, %mul3A_1351 : vector<16xf32>
          %add3A_1353 = arith.constant 96 : i32
          %add3A_1354 = arith.addi %add3A_1353, %scan3A_987 : i32
          %get3A_1355 = arith.index_cast %add3A_1354 : i32 to index
          %get3A_1356 = arith.constant 176 : index
          %get3A_1357 = tpu.vector_load %arg18[%get3A_1355, %get3A_1356] {strides = array<i32>} : memref<128x192xf32, #tpu.memory_space<vmem>>, vector<16xf32>,
          %mul3A_1358 = vector.broadcast %squeeze3A_1012 : f32 to vector<16xf32>
          %mul3A_1359 = arith.mulf %mul3A_1358, %get3A_1357 : vector<16xf32>
          %add3A_1360 = arith.addf %add3A_1352, %mul3A_1359 : vector<16xf32>
          %broadcast_in_dim3A_1361 = arith.constant 0 : i32
          %broadcast_in_dim3A_1362 = vector.broadcast %broadcast_in_dim3A_1361 : i32 to vector<16xi32>
          %add3A_1363 = vector.broadcast %add3A_990 : i32 to vector<16xi32>
          %add3A_1364 = arith.addi %broadcast_in_dim3A_1362, %add3A_1363 : vector<16xi32>
          tpu.vector_store_idx %arg20[%add3A_763, %and3A_832, %add3A_1364], %add3A_1041 : memref<24x8x128xf32, #tpu.memory_space<vmem>>[vector<16xi32>, vector<16xi32>, vector<16xi32>], vector<16xf32>,
          tpu.vector_store_idx %arg20[%add3A_769, %and3A_832, %add3A_1364], %add3A_1070 : memref<24x8x128xf32, #tpu.memory_space<vmem>>[vector<16xi32>, vector<16xi32>, vector<16xi32>], vector<16xf32>,
          tpu.vector_store_idx %arg20[%add3A_775, %and3A_832, %add3A_1364], %add3A_1099 : memref<24x8x128xf32, #tpu.memory_space<vmem>>[vector<16xi32>, vector<16xi32>, vector<16xi32>], vector<16xf32>,
          tpu.vector_store_idx %arg20[%add3A_781, %and3A_832, %add3A_1364], %add3A_1128 : memref<24x8x128xf32, #tpu.memory_space<vmem>>[vector<16xi32>, vector<16xi32>, vector<16xi32>], vector<16xf32>,
          tpu.vector_store_idx %arg20[%add3A_787, %and3A_832, %add3A_1364], %add3A_1157 : memref<24x8x128xf32, #tpu.memory_space<vmem>>[vector<16xi32>, vector<16xi32>, vector<16xi32>], vector<16xf32>,
          tpu.vector_store_idx %arg20[%add3A_793, %and3A_832, %add3A_1364], %add3A_1186 : memref<24x8x128xf32, #tpu.memory_space<vmem>>[vector<16xi32>, vector<16xi32>, vector<16xi32>], vector<16xf32>,
          tpu.vector_store_idx %arg20[%add3A_799, %and3A_832, %add3A_1364], %add3A_1215 : memref<24x8x128xf32, #tpu.memory_space<vmem>>[vector<16xi32>, vector<16xi32>, vector<16xi32>], vector<16xf32>,
          tpu.vector_store_idx %arg20[%add3A_805, %and3A_832, %add3A_1364], %add3A_1244 : memref<24x8x128xf32, #tpu.memory_space<vmem>>[vector<16xi32>, vector<16xi32>, vector<16xi32>], vector<16xf32>,
          tpu.vector_store_idx %arg20[%add3A_811, %and3A_832, %add3A_1364], %add3A_1273 : memref<24x8x128xf32, #tpu.memory_space<vmem>>[vector<16xi32>, vector<16xi32>, vector<16xi32>], vector<16xf32>,
          tpu.vector_store_idx %arg20[%add3A_817, %and3A_832, %add3A_1364], %add3A_1302 : memref<24x8x128xf32, #tpu.memory_space<vmem>>[vector<16xi32>, vector<16xi32>, vector<16xi32>], vector<16xf32>,
          tpu.vector_store_idx %arg20[%add3A_823, %and3A_832, %add3A_1364], %add3A_1331 : memref<24x8x128xf32, #tpu.memory_space<vmem>>[vector<16xi32>, vector<16xi32>, vector<16xi32>], vector<16xf32>,
          tpu.vector_store_idx %arg20[%add3A_829, %and3A_832, %add3A_1364], %add3A_1360 : memref<24x8x128xf32, #tpu.memory_space<vmem>>[vector<16xi32>, vector<16xi32>, vector<16xi32>], vector<16xf32>,
          %scan3A_1365 = arith.constant 0 : i32
          scf.yield %scan3A_1365 : i32
        }
        %scan3A_971 = arith.constant 32 : i32
        %add3A_972 = arith.constant 1 : i32
        %add3A_973 = arith.addi %scan3A_877, %add3A_972 : i32
        %lt3A_974 = arith.cmpi slt, %add3A_973, %sub3A_3 : i32
        %convert_element_type3A_975 = arith.extui %lt3A_974 : i1 to i32
        %cond3A_976 = arith.constant 0 : i32
        %cond3A_977 = arith.cmpi ne, %convert_element_type3A_975, %cond3A_976 : i32
        scf.if %cond3A_977 {
          %mul3A_987 = arith.constant 2 : i32
          %mul3A_988 = arith.muli %mul3A_987, %add3A_973 : i32
          %add3A_989 = arith.addi %mul3A_988, %shift_right_arithmetic3A_2 : i32
          %jit3A_990 = arith.constant 7 : i32
          %div3A_991 = arith.divsi %add3A_989, %jit3A_990 : i32
          %sign3A_992 = arith.constant 0 : i32
          %sign3A_993 = arith.cmpi sgt, %add3A_989, %sign3A_992 : i32
          %sign3A_994 = arith.extui %sign3A_993 : i1 to i32
          %sign3A_995 = arith.constant 0 : i32
          %sign3A_996 = arith.cmpi slt, %add3A_989, %sign3A_995 : i32
          %sign3A_997 = arith.extui %sign3A_996 : i1 to i32
          %sign3A_998 = arith.subi %sign3A_994, %sign3A_997 : i32
          %sign3A_999 = arith.constant 0 : i32
          %sign3A_1000 = arith.cmpi sgt, %jit3A_990, %sign3A_999 : i32
          %sign3A_1001 = arith.extui %sign3A_1000 : i1 to i32
          %sign3A_1002 = arith.constant 0 : i32
          %sign3A_1003 = arith.cmpi slt, %jit3A_990, %sign3A_1002 : i32
          %sign3A_1004 = arith.extui %sign3A_1003 : i1 to i32
          %sign3A_1005 = arith.subi %sign3A_1001, %sign3A_1004 : i32
          %ne3A_1006 = arith.cmpi ne, %sign3A_998, %sign3A_1005 : i32
          %rem3A_1007 = arith.remsi %add3A_989, %jit3A_990 : i32
          %ne3A_1008 = arith.constant 0 : i32
          %ne3A_1009 = arith.cmpi ne, %rem3A_1007, %ne3A_1008 : i32
          %and3A_1010 = arith.andi %ne3A_1006, %ne3A_1009 : i1
          %sub3A_1011 = arith.constant 1 : i32
          %sub3A_1012 = arith.subi %div3A_991, %sub3A_1011 : i32
          %select_n3A_1013 = arith.select %and3A_1010, %sub3A_1012, %div3A_991 : i32
          %mul3A_1014 = arith.constant 7 : i32
          %mul3A_1015 = arith.muli %select_n3A_1013, %mul3A_1014 : i32
          %sub3A_1016 = arith.subi %add3A_989, %mul3A_1015 : i32
          %add3A_1017 = arith.constant 576 : i32
          %add3A_1018 = arith.addi %add3A_1017, %select_n3A_1013 : i32
          %get3A_1019 = arith.index_cast %add3A_1018 : i32 to index
          %get3A_1020 = tpu.vector_load %arg19[%get3A_1019] {strides = array<i32>} : memref<608xf32, #tpu.memory_space<vmem>>, vector<16xf32>,
          %slice3A = vector.extract_strided_slice %get3A_1020 {offsets = [0], sizes = [1], strides = [1]} : vector<16xf32> to vector<1xf32>
          %squeeze3A = vector.extract %slice3A[0] : f32 from vector<1xf32>
          %add3A_1021 = arith.constant 576 : i32
          %add3A_1022 = arith.addi %add3A_1021, %sub3A_1016 : i32
          %get3A_1023 = arith.index_cast %add3A_1022 : i32 to index
          %get3A_1024 = tpu.vector_load %arg19[%get3A_1023] {strides = array<i32>} : memref<608xf32, #tpu.memory_space<vmem>>, vector<16xf32>,
          %slice3A_1025 = vector.extract_strided_slice %get3A_1024 {offsets = [0], sizes = [1], strides = [1]} : vector<16xf32> to vector<1xf32>
          %squeeze3A_1026 = vector.extract %slice3A_1025[0] : f32 from vector<1xf32>
          %get3A_1027 = arith.constant 96 : index
          %get3A_1028 = tpu.vector_load %arg10[%get3A_1027] {strides = array<i32>} : memref<576xf32, #tpu.memory_space<vmem>>, vector<16xf32>,
          %get3A_1029 = arith.constant 240 : index
          %get3A_1030 = tpu.vector_load %arg10[%get3A_1029] {strides = array<i32>} : memref<576xf32, #tpu.memory_space<vmem>>, vector<16xf32>,
          %get3A_1031 = arith.constant 384 : index
          %get3A_1032 = tpu.vector_load %arg10[%get3A_1031] {strides = array<i32>} : memref<576xf32, #tpu.memory_space<vmem>>, vector<16xf32>,
          %get3A_1033 = arith.constant 528 : index
          %get3A_1034 = tpu.vector_load %arg10[%get3A_1033] {strides = array<i32>} : memref<576xf32, #tpu.memory_space<vmem>>, vector<16xf32>,
          %get3A_1035 = arith.constant 96 : index
          %get3A_1036 = tpu.vector_load %arg9[%get3A_1035] {strides = array<i32>} : memref<288xi32, #tpu.memory_space<vmem>>, vector<16xi32>,
          %get3A_1037 = arith.constant 240 : index
          %get3A_1038 = tpu.vector_load %arg9[%get3A_1037] {strides = array<i32>} : memref<288xi32, #tpu.memory_space<vmem>>, vector<16xi32>,
          %sub3A_1039 = arith.constant 1 : i32
          %sub3A_1040 = vector.broadcast %sub3A_1039 : i32 to vector<16xi32>
          %sub3A_1041 = arith.subi %get3A_1036, %sub3A_1040 : vector<16xi32>
          %mul3A_1042 = vector.broadcast %squeeze3A_1026 : f32 to vector<16xf32>
          %mul3A_1043 = arith.mulf %get3A_1032, %mul3A_1042 : vector<16xf32>
          %add3A_1044 = arith.addf %get3A_1028, %mul3A_1043 : vector<16xf32>
          %mul3A_1045 = vector.broadcast %squeeze3A : f32 to vector<16xf32>
          %mul3A_1046 = arith.mulf %get3A_1034, %mul3A_1045 : vector<16xf32>
          %add3A_1047 = arith.addf %get3A_1030, %mul3A_1046 : vector<16xf32>
          %convert_element_type3A_1048 = arith.fptosi %add3A_1044 : vector<16xf32> to vector<16xi32>
          %convert_element_type3A_1049 = arith.fptosi %add3A_1047 : vector<16xf32> to vector<16xi32>
          %convert_element_type3A_1050 = arith.sitofp %convert_element_type3A_1048 : vector<16xi32> to vector<16xf32>
          %sub3A_1051 = arith.subf %add3A_1044, %convert_element_type3A_1050 : vector<16xf32>
          %convert_element_type3A_1052 = arith.sitofp %convert_element_type3A_1049 : vector<16xi32> to vector<16xf32>
          %sub3A_1053 = arith.subf %add3A_1047, %convert_element_type3A_1052 : vector<16xf32>
          %min3A = arith.minsi %convert_element_type3A_1048, %sub3A_1041 : vector<16xi32>
          %min3A_1054 = arith.minsi %convert_element_type3A_1049, %sub3A_1041 : vector<16xi32>
          %add3A_1055 = arith.constant 1 : i32
          %add3A_1056 = vector.broadcast %add3A_1055 : i32 to vector<16xi32>
          %add3A_1057 = arith.addi %convert_element_type3A_1048, %add3A_1056 : vector<16xi32>
          %min3A_1058 = arith.minsi %add3A_1057, %sub3A_1041 : vector<16xi32>
          %add3A_1059 = arith.constant 1 : i32
          %add3A_1060 = vector.broadcast %add3A_1059 : i32 to vector<16xi32>
          %add3A_1061 = arith.addi %convert_element_type3A_1049, %add3A_1060 : vector<16xi32>
          %min3A_1062 = arith.minsi %add3A_1061, %sub3A_1041 : vector<16xi32>
          %mul3A_1063 = arith.muli %min3A_1054, %get3A_1036 : vector<16xi32>
          %add3A_1064 = arith.addi %get3A_1038, %mul3A_1063 : vector<16xi32>
          %mul3A_1065 = arith.muli %min3A_1062, %get3A_1036 : vector<16xi32>
          %add3A_1066 = arith.addi %get3A_1038, %mul3A_1065 : vector<16xi32>
          %add3A_1067 = arith.addi %add3A_1064, %min3A : vector<16xi32>
          %swap3A_1068 = arith.constant 0 : index
          %swap3A_1069 = tpu.vector_load %arg14[%swap3A_1068] {strides = array<i32>} : memref<128xi32, #tpu.memory_space<vmem>>, vector<16xi32>,
          tpu.vector_store %arg14[%swap3A_1068], %add3A_1067 {strides = array<i32>} : memref<128xi32, #tpu.memory_space<vmem>>, vector<16xi32>,
          %add3A_1070 = arith.addi %add3A_1064, %min3A_1058 : vector<16xi32>
          %swap3A_1071 = arith.constant 32 : index
          %swap3A_1072 = tpu.vector_load %arg14[%swap3A_1071] {strides = array<i32>} : memref<128xi32, #tpu.memory_space<vmem>>, vector<16xi32>,
          tpu.vector_store %arg14[%swap3A_1071], %add3A_1070 {strides = array<i32>} : memref<128xi32, #tpu.memory_space<vmem>>, vector<16xi32>,
          %add3A_1073 = arith.addi %add3A_1066, %min3A : vector<16xi32>
          %swap3A_1074 = arith.constant 64 : index
          %swap3A_1075 = tpu.vector_load %arg14[%swap3A_1074] {strides = array<i32>} : memref<128xi32, #tpu.memory_space<vmem>>, vector<16xi32>,
          tpu.vector_store %arg14[%swap3A_1074], %add3A_1073 {strides = array<i32>} : memref<128xi32, #tpu.memory_space<vmem>>, vector<16xi32>,
          %add3A_1076 = arith.addi %add3A_1066, %min3A_1058 : vector<16xi32>
          %swap3A_1077 = arith.constant 96 : index
          %swap3A_1078 = tpu.vector_load %arg14[%swap3A_1077] {strides = array<i32>} : memref<128xi32, #tpu.memory_space<vmem>>, vector<16xi32>,
          tpu.vector_store %arg14[%swap3A_1077], %add3A_1076 {strides = array<i32>} : memref<128xi32, #tpu.memory_space<vmem>>, vector<16xi32>,
          %sub3A_1079 = arith.constant 1.000000e+00 : f32
          %sub3A_1080 = vector.broadcast %sub3A_1079 : f32 to vector<16xf32>
          %sub3A_1081 = arith.subf %sub3A_1080, %sub3A_1051 : vector<16xf32>
          %sub3A_1082 = arith.constant 1.000000e+00 : f32
          %sub3A_1083 = vector.broadcast %sub3A_1082 : f32 to vector<16xf32>
          %sub3A_1084 = arith.subf %sub3A_1083, %sub3A_1053 : vector<16xf32>
          %mul3A_1085 = arith.mulf %sub3A_1084, %sub3A_1081 : vector<16xf32>
          %swap3A_1086 = arith.constant 96 : index
          %swap3A_1087 = tpu.vector_load %arg19[%swap3A_1086] {strides = array<i32>} : memref<608xf32, #tpu.memory_space<vmem>>, vector<16xf32>,
          tpu.vector_store %arg19[%swap3A_1086], %mul3A_1085 {strides = array<i32>} : memref<608xf32, #tpu.memory_space<vmem>>, vector<16xf32>,
          %mul3A_1088 = arith.mulf %sub3A_1084, %sub3A_1051 : vector<16xf32>
          %swap3A_1089 = arith.constant 240 : index
          %swap3A_1090 = tpu.vector_load %arg19[%swap3A_1089] {strides = array<i32>} : memref<608xf32, #tpu.memory_space<vmem>>, vector<16xf32>,
          tpu.vector_store %arg19[%swap3A_1089], %mul3A_1088 {strides = array<i32>} : memref<608xf32, #tpu.memory_space<vmem>>, vector<16xf32>,
          %mul3A_1091 = arith.mulf %sub3A_1053, %sub3A_1081 : vector<16xf32>
          %swap3A_1092 = arith.constant 384 : index
          %swap3A_1093 = tpu.vector_load %arg19[%swap3A_1092] {strides = array<i32>} : memref<608xf32, #tpu.memory_space<vmem>>, vector<16xf32>,
          tpu.vector_store %arg19[%swap3A_1092], %mul3A_1091 {strides = array<i32>} : memref<608xf32, #tpu.memory_space<vmem>>, vector<16xf32>,
          %mul3A_1094 = arith.mulf %sub3A_1053, %sub3A_1051 : vector<16xf32>
          %swap3A_1095 = arith.constant 528 : index
          %swap3A_1096 = tpu.vector_load %arg19[%swap3A_1095] {strides = array<i32>} : memref<608xf32, #tpu.memory_space<vmem>>, vector<16xf32>,
          tpu.vector_store %arg19[%swap3A_1095], %mul3A_1094 {strides = array<i32>} : memref<608xf32, #tpu.memory_space<vmem>>, vector<16xf32>,
          %get3A_1097 = arith.constant 112 : index
          %get3A_1098 = tpu.vector_load %arg10[%get3A_1097] {strides = array<i32>} : memref<576xf32, #tpu.memory_space<vmem>>, vector<16xf32>,
          %get3A_1099 = arith.constant 256 : index
          %get3A_1100 = tpu.vector_load %arg10[%get3A_1099] {strides = array<i32>} : memref<576xf32, #tpu.memory_space<vmem>>, vector<16xf32>,
          %get3A_1101 = arith.constant 400 : index
          %get3A_1102 = tpu.vector_load %arg10[%get3A_1101] {strides = array<i32>} : memref<576xf32, #tpu.memory_space<vmem>>, vector<16xf32>,
          %get3A_1103 = arith.constant 544 : index
          %get3A_1104 = tpu.vector_load %arg10[%get3A_1103] {strides = array<i32>} : memref<576xf32, #tpu.memory_space<vmem>>, vector<16xf32>,
          %get3A_1105 = arith.constant 112 : index
          %get3A_1106 = tpu.vector_load %arg9[%get3A_1105] {strides = array<i32>} : memref<288xi32, #tpu.memory_space<vmem>>, vector<16xi32>,
          %get3A_1107 = arith.constant 256 : index
          %get3A_1108 = tpu.vector_load %arg9[%get3A_1107] {strides = array<i32>} : memref<288xi32, #tpu.memory_space<vmem>>, vector<16xi32>,
          %sub3A_1109 = arith.constant 1 : i32
          %sub3A_1110 = vector.broadcast %sub3A_1109 : i32 to vector<16xi32>
          %sub3A_1111 = arith.subi %get3A_1106, %sub3A_1110 : vector<16xi32>
          %mul3A_1112 = vector.broadcast %squeeze3A_1026 : f32 to vector<16xf32>
          %mul3A_1113 = arith.mulf %get3A_1102, %mul3A_1112 : vector<16xf32>
          %add3A_1114 = arith.addf %get3A_1098, %mul3A_1113 : vector<16xf32>
          %mul3A_1115 = vector.broadcast %squeeze3A : f32 to vector<16xf32>
          %mul3A_1116 = arith.mulf %get3A_1104, %mul3A_1115 : vector<16xf32>
          %add3A_1117 = arith.addf %get3A_1100, %mul3A_1116 : vector<16xf32>
          %convert_element_type3A_1118 = arith.fptosi %add3A_1114 : vector<16xf32> to vector<16xi32>
          %convert_element_type3A_1119 = arith.fptosi %add3A_1117 : vector<16xf32> to vector<16xi32>
          %convert_element_type3A_1120 = arith.sitofp %convert_element_type3A_1118 : vector<16xi32> to vector<16xf32>
          %sub3A_1121 = arith.subf %add3A_1114, %convert_element_type3A_1120 : vector<16xf32>
          %convert_element_type3A_1122 = arith.sitofp %convert_element_type3A_1119 : vector<16xi32> to vector<16xf32>
          %sub3A_1123 = arith.subf %add3A_1117, %convert_element_type3A_1122 : vector<16xf32>
          %min3A_1124 = arith.minsi %convert_element_type3A_1118, %sub3A_1111 : vector<16xi32>
          %min3A_1125 = arith.minsi %convert_element_type3A_1119, %sub3A_1111 : vector<16xi32>
          %add3A_1126 = arith.constant 1 : i32
          %add3A_1127 = vector.broadcast %add3A_1126 : i32 to vector<16xi32>
          %add3A_1128 = arith.addi %convert_element_type3A_1118, %add3A_1127 : vector<16xi32>
          %min3A_1129 = arith.minsi %add3A_1128, %sub3A_1111 : vector<16xi32>
          %add3A_1130 = arith.constant 1 : i32
          %add3A_1131 = vector.broadcast %add3A_1130 : i32 to vector<16xi32>
          %add3A_1132 = arith.addi %convert_element_type3A_1119, %add3A_1131 : vector<16xi32>
          %min3A_1133 = arith.minsi %add3A_1132, %sub3A_1111 : vector<16xi32>
          %mul3A_1134 = arith.muli %min3A_1125, %get3A_1106 : vector<16xi32>
          %add3A_1135 = arith.addi %get3A_1108, %mul3A_1134 : vector<16xi32>
          %mul3A_1136 = arith.muli %min3A_1133, %get3A_1106 : vector<16xi32>
          %add3A_1137 = arith.addi %get3A_1108, %mul3A_1136 : vector<16xi32>
          %add3A_1138 = arith.addi %add3A_1135, %min3A_1124 : vector<16xi32>
          %swap3A_1139 = arith.constant 16 : index
          %swap3A_1140 = tpu.vector_load %arg14[%swap3A_1139] {strides = array<i32>} : memref<128xi32, #tpu.memory_space<vmem>>, vector<16xi32>,
          tpu.vector_store %arg14[%swap3A_1139], %add3A_1138 {strides = array<i32>} : memref<128xi32, #tpu.memory_space<vmem>>, vector<16xi32>,
          %add3A_1141 = arith.addi %add3A_1135, %min3A_1129 : vector<16xi32>
          %swap3A_1142 = arith.constant 48 : index
          %swap3A_1143 = tpu.vector_load %arg14[%swap3A_1142] {strides = array<i32>} : memref<128xi32, #tpu.memory_space<vmem>>, vector<16xi32>,
          tpu.vector_store %arg14[%swap3A_1142], %add3A_1141 {strides = array<i32>} : memref<128xi32, #tpu.memory_space<vmem>>, vector<16xi32>,
          %add3A_1144 = arith.addi %add3A_1137, %min3A_1124 : vector<16xi32>
          %swap3A_1145 = arith.constant 80 : index
          %swap3A_1146 = tpu.vector_load %arg14[%swap3A_1145] {strides = array<i32>} : memref<128xi32, #tpu.memory_space<vmem>>, vector<16xi32>,
          tpu.vector_store %arg14[%swap3A_1145], %add3A_1144 {strides = array<i32>} : memref<128xi32, #tpu.memory_space<vmem>>, vector<16xi32>,
          %add3A_1147 = arith.addi %add3A_1137, %min3A_1129 : vector<16xi32>
          %swap3A_1148 = arith.constant 112 : index
          %swap3A_1149 = tpu.vector_load %arg14[%swap3A_1148] {strides = array<i32>} : memref<128xi32, #tpu.memory_space<vmem>>, vector<16xi32>,
          tpu.vector_store %arg14[%swap3A_1148], %add3A_1147 {strides = array<i32>} : memref<128xi32, #tpu.memory_space<vmem>>, vector<16xi32>,
          %sub3A_1150 = arith.constant 1.000000e+00 : f32
          %sub3A_1151 = vector.broadcast %sub3A_1150 : f32 to vector<16xf32>
          %sub3A_1152 = arith.subf %sub3A_1151, %sub3A_1121 : vector<16xf32>
          %sub3A_1153 = arith.constant 1.000000e+00 : f32
          %sub3A_1154 = vector.broadcast %sub3A_1153 : f32 to vector<16xf32>
          %sub3A_1155 = arith.subf %sub3A_1154, %sub3A_1123 : vector<16xf32>
          %mul3A_1156 = arith.mulf %sub3A_1155, %sub3A_1152 : vector<16xf32>
          %swap3A_1157 = arith.constant 112 : index
          %swap3A_1158 = tpu.vector_load %arg19[%swap3A_1157] {strides = array<i32>} : memref<608xf32, #tpu.memory_space<vmem>>, vector<16xf32>,
          tpu.vector_store %arg19[%swap3A_1157], %mul3A_1156 {strides = array<i32>} : memref<608xf32, #tpu.memory_space<vmem>>, vector<16xf32>,
          %mul3A_1159 = arith.mulf %sub3A_1155, %sub3A_1121 : vector<16xf32>
          %swap3A_1160 = arith.constant 256 : index
          %swap3A_1161 = tpu.vector_load %arg19[%swap3A_1160] {strides = array<i32>} : memref<608xf32, #tpu.memory_space<vmem>>, vector<16xf32>,
          tpu.vector_store %arg19[%swap3A_1160], %mul3A_1159 {strides = array<i32>} : memref<608xf32, #tpu.memory_space<vmem>>, vector<16xf32>,
          %mul3A_1162 = arith.mulf %sub3A_1123, %sub3A_1152 : vector<16xf32>
          %swap3A_1163 = arith.constant 400 : index
          %swap3A_1164 = tpu.vector_load %arg19[%swap3A_1163] {strides = array<i32>} : memref<608xf32, #tpu.memory_space<vmem>>, vector<16xf32>,
          tpu.vector_store %arg19[%swap3A_1163], %mul3A_1162 {strides = array<i32>} : memref<608xf32, #tpu.memory_space<vmem>>, vector<16xf32>,
          %mul3A_1165 = arith.mulf %sub3A_1123, %sub3A_1121 : vector<16xf32>
          %swap3A_1166 = arith.constant 544 : index
          %swap3A_1167 = tpu.vector_load %arg19[%swap3A_1166] {strides = array<i32>} : memref<608xf32, #tpu.memory_space<vmem>>, vector<16xf32>,
          tpu.vector_store %arg19[%swap3A_1166], %mul3A_1165 {strides = array<i32>} : memref<608xf32, #tpu.memory_space<vmem>>, vector<16xf32>,
          %dma_start3A_1168 = arith.constant 0 : i32
          %dma_start3A_1169 = arith.constant 0 : i32
          %dma_start3A_1170 = tpu.memref_slice %arg6[%dma_start3A_1168, %dma_start3A_1169] : memref<21760x192xf32, #tpu.memory_space<hbm>> -> memref<21760x192xf32, #tpu.memory_space<hbm>>
          tpu.enqueue_indirect_dma source(%dma_start3A_1170 : memref<21760x192xf32, #tpu.memory_space<hbm>>) target(%arg18 : memref<128x192xf32, #tpu.memory_space<vmem>>) offsets(%arg14 : memref<128xi32, #tpu.memory_space<vmem>>) semaphore(%arg24 : memref<!tpu.dma_semaphore, #tpu.memory_space<semaphore_mem>>)
        } else {
        }
        %dma_start3A = arith.constant 0 : i32
        %dma_start3A_978 = arith.constant 0 : i32
        %dma_start3A_979 = arith.constant 0 : i32
        %dma_start3A_980 = tpu.memref_slice %arg7[%select_n3A_906, %sub3A_909, %dma_start3A, %and3A_1, %dma_start3A_978, %dma_start3A_979] : memref<7x7x24x16x8x128xf32, #tpu.memory_space<hbm>> -> memref<1x1x24x1x8x128xf32, #tpu.memory_space<hbm>>
        %dma_start3A_981 = tpu.memref_squeeze %dma_start3A_980 : memref<1x1x24x1x8x128xf32, #tpu.memory_space<hbm>> -> memref<24x8x128xf32, #tpu.memory_space<hbm>>
        %dma_start3A_982 = arith.constant 0 : i32
        %dma_start3A_983 = arith.constant 0 : i32
        %dma_start3A_984 = arith.constant 0 : i32
        %dma_start3A_985 = tpu.memref_slice %arg7[%select_n3A_906, %sub3A_909, %dma_start3A_982, %and3A_1, %dma_start3A_983, %dma_start3A_984] : memref<7x7x24x16x8x128xf32, #tpu.memory_space<hbm>> -> memref<1x1x24x1x8x128xf32, #tpu.memory_space<hbm>>
        %dma_start3A_986 = tpu.memref_squeeze %dma_start3A_985 : memref<1x1x24x1x8x128xf32, #tpu.memory_space<hbm>> -> memref<24x8x128xf32, #tpu.memory_space<hbm>>
        tpu.enqueue_dma source(%arg20 : memref<24x8x128xf32, #tpu.memory_space<vmem>>) target(%dma_start3A_986 : memref<24x8x128xf32, #tpu.memory_space<hbm>>) target_semaphore(%arg25 : memref<!tpu.dma_semaphore, #tpu.memory_space<semaphore_mem>>)
      } else {
      }
      %scan3A_882 = arith.constant 0 : i32
      scf.yield %scan3A_882 : i32
    }
    %scan3A_864 = arith.constant 25 : i32
    %dma_wait3A = arith.constant 0 : i32
    %dma_wait3A_865 = arith.constant 0 : i32
    %dma_wait3A_866 = arith.constant 0 : i32
    %dma_wait3A_867 = arith.constant 0 : i32
    %dma_wait3A_868 = arith.constant 0 : i32
    %dma_wait3A_869 = arith.constant 0 : i32
    %dma_wait3A_870 = tpu.memref_slice %arg7[%dma_wait3A, %dma_wait3A_865, %dma_wait3A_867, %dma_wait3A_866, %dma_wait3A_868, %dma_wait3A_869] : memref<7x7x24x16x8x128xf32, #tpu.memory_space<hbm>> -> memref<1x1x24x1x8x128xf32, #tpu.memory_space<hbm>>
    %dma_wait3A_871 = tpu.memref_squeeze %dma_wait3A_870 : memref<1x1x24x1x8x128xf32, #tpu.memory_space<hbm>> -> memref<24x8x128xf32, #tpu.memory_space<hbm>>
    %dma_wait3A_872 = arith.constant 0 : i32
    %dma_wait3A_873 = arith.constant 0 : i32
    %dma_wait3A_874 = arith.constant 0 : i32
    %dma_wait3A_875 = tpu.memref_slice %arg7[%dma_wait3A, %dma_wait3A_865, %dma_wait3A_872, %dma_wait3A_866, %dma_wait3A_873, %dma_wait3A_874] : memref<7x7x24x16x8x128xf32, #tpu.memory_space<hbm>> -> memref<1x1x24x1x8x128xf32, #tpu.memory_space<hbm>>
    %dma_wait3A_876 = tpu.memref_squeeze %dma_wait3A_875 : memref<1x1x24x1x8x128xf32, #tpu.memory_space<hbm>> -> memref<24x8x128xf32, #tpu.memory_space<hbm>>
    tpu.wait_dma2 semaphore(%arg25 : memref<!tpu.dma_semaphore, #tpu.memory_space<semaphore_mem>>) src(%arg20 : memref<24x8x128xf32, #tpu.memory_space<vmem>>) dst(%dma_wait3A_876 : memref<24x8x128xf32, #tpu.memory_space<hbm>>)
    return
  }
}

</mosaic_0001>

<sc_bundles>
// kernel: kernel.3.cloned.1.call-start
scs
__scs_entry_jumppad:
0x0: {  	(pc) =	sbr.rel $0x88, $3  }
0x1: {  	(tag) =	ssettag $0x0;
	lr =	simm.s32 $0x1  }
0x2: {  	[smem:$0x3F9C] =	sst lr;
	_ =	strace $0xD0000000  }
0x3: {  	_ = 	snop  }
0x4: {  	_ = 	snop  }
0x5: {  	_ = 	snop  }
0x6: {  	_ = 	snop  }
0x7: {  	_ = 	snop  }
__scs_overlays_trampoline_lowered:
0x8: {  	[smem:$0x3FAB] =	sst s0  }
0x9: {  	[smem:$0x3FAC] =	sst s1  }
0xa: {  	[smem:$0x3FAD] =	sst s2  }
0xb: {  	[smem:$0x3FAE] =	sst s3  }
0xc: {  	[smem:$0x3FAF] =	sst s4  }
0xd: {  	[smem:$0x3FB0] =	sst s5  }
0xe: {  	[smem:$0x3FB1] =	sst s6  }
0xf: {  	[smem:$0x3FB2] =	sst s7  }
0x10: {  	[smem:$0x3FB3] =	sst s8  }
0x11: {  	[smem:$0x3FB4] =	sst s9;
	s0 =	simm.s32 @!p0 $0x0  }
0x12: {  	s1 =	sld [smem:$0x3F9A];
	s0 =	simm.s32 @p0 $0x1  }
0x13: {  	[smem:$0x3FB5] =	sst s0;
	s0 =	simm.s32 @!p1 $0x0  }
0x14: {  	s2 =	sld [smem:$0x3F99];
	s0 =	simm.s32 @p1 $0x1  }
0x15: {  	[smem:$0x3FB6] =	sst s0;
	s0 =	simm.s32 @!p2 $0x0  }
0x16: {  	s3 =	sld [smem:$0x3FDB];
	s0 =	simm.s32 @p2 $0x1  }
0x17: {  	s4 =	simm.s32 $0x1BF5;
	[smem:$0x3FB8] =	sst s0  }
0x18: {  	s0 =	sld [smem:$0x3F9B];
	_ =	swait.ge [sflag:s4], $0x0  }
0x19: {  	s7 =	sld [smem:$0x3F9C]  }
0x1a: {  	s8 =	sadd.s32 $0xFFFFE003, lr  }
0x1b: {  	s9 =	sadd.s32 $0xFFFFFEF7, lr;
	s5 =	simm.s32 $0xFFFFFFFF;
	p2 =	slt.u32 s8, $0xFFFFF086  }
0x1c: {  	p1 =	slt.u32 s9, $0xF7A;
	s5 =	simm.s32 @!p2 $0x0  }
0x1d: {  	s5 =	simm.s32 @p1 $0x1;
	p0 =	seq.s32 s7, s2  }
0x1e: {  	s7 =	smul.u32 @!p0 $0xF7A, s2;
	p2 =	seq.s32 @!p0 s5, $0x0  }
0x1f: {  	s9 =	smul.u32 $0xF7A, s1;
	s8 =	simm.s32 @!p0 $0x1BF5;
	p2 =	por !p2, p0  }
0x20: {  	[sflag:s8] =	ssyncset.s32 @!p0 $0xFFFFF086;
	s6 =	sadd.s32 @!p0 s3, s7;
	s7 =	simm.s32 @!p0 $0x108  }
0x21: {  	s3 =	sadd.s32 s3, s9;
	s6 =	sadd.s32 @!p0 $0x88, s6;
	s7 =	simm.s32 @p2 $0x1082  }
0x22: {  	[simem:s7], [sflag:s8] =	dma.local @!p0 [hbm:s6], $0xF7A  }
0x23: {  	s9 =	sor.u32 $0xD0000000, s2;
	s6 =	simm.s32 $0x108;
	_ =	swait.ge @!p0 [sflag:s8], $0x0  }
0x24: {  	s3 =	sadd.s32 $0x88, s3;
	s6 =	simm.s32 @!p1 $0x1082;
	[sflag:s4] =	ssyncset.s32 $0xFFFFF086  }
0x25: {  	[simem:s6], [sflag:s4] =	dma.local [hbm:s3], $0xF7A  }
0x26: {  	[smem:$0x3F9C] =	sst s1;
	(tag) =	ssettag s2;
	_ =	strace s9  }
0x27: {  	s1 =	sld [smem:$0x3FAC]  }
0x28: {  	s2 =	sld [smem:$0x3FAD]  }
0x29: {  	s4 =	sld [smem:$0x3FAF]  }
0x2a: {  	p0 =	seq.s32 s5, $0x0;
	s5 =	sld [smem:$0x3FB0]  }
0x2b: {  	s6 =	sld [smem:$0x3FB1]  }
0x2c: {  	s7 =	sld [smem:$0x3FB2]  }
0x2d: {  	s3 =	simm.s32 $0x108;
	s8 =	sld [smem:$0x3FB3]  }
0x2e: {  	s3 =	simm.s32 @!p0 $0x1082;
	s9 =	sld [smem:$0x3FB4]  }
0x2f: {  	lr =	sadd.s32 s0, s3;
	s0 =	sld [smem:$0x3FAB]  }
0x30: {  	s3 =	sld [smem:$0x3FAE]  }
0x31: {  	[smem:$0x3FB7] =	sst s10  }
0x32: {  	s10 =	sld [smem:$0x3FB5];
	_ =	sdelay $0x3  }
0x33: {  	p0 =	seq.s32 s10, $0x1;
	s10 =	sld [smem:$0x3FB7];
	_ =	sdelay $0x3  }
0x34: {  	[smem:$0x3FB7] =	sst s10  }
0x35: {  	s10 =	sld [smem:$0x3FB6];
	_ =	sdelay $0x3  }
0x36: {  	p1 =	seq.s32 s10, $0x1;
	s10 =	sld [smem:$0x3FB7];
	_ =	sdelay $0x3  }
0x37: {  	[smem:$0x3FB7] =	sst s10  }
0x38: {  	s10 =	sld [smem:$0x3FB8]  }
0x39: {  	_ = 	snop;
	(pc) =	sbr.ind lr, $3  }
0x3a: {  	_ = 	snop  }
0x3b: {  	_ = 	snop  }
0x3c: {  	p2 =	seq.s32 s10, $0x1;
	s10 =	sld [smem:$0x3FB7]  }
0x3d: {  	_ =	shalt  }
0x3e: {  	_ =	shalt  }
0x3f: {  	_ =	shalt  }
0x40: {  	_ =	shalt  }
0x41: {  	_ =	shalt  }
0x42: {  	_ =	shalt  }
0x43: {  	_ =	shalt  }
0x44: {  	_ =	shalt  }
0x45: {  	_ =	shalt  }
0x46: {  	_ =	shalt  }
0x47: {  	_ =	shalt  }
0x48: {  	_ =	shalt  }
0x49: {  	_ =	shalt  }
0x4a: {  	_ =	shalt  }
0x4b: {  	_ =	shalt  }
0x4c: {  	_ =	shalt  }
0x4d: {  	_ =	shalt  }
0x4e: {  	_ =	shalt  }
0x4f: {  	_ =	shalt  }
0x50: {  	_ =	shalt  }
0x51: {  	_ =	shalt  }
0x52: {  	_ =	shalt  }
0x53: {  	_ =	shalt  }
0x54: {  	_ =	shalt  }
0x55: {  	_ =	shalt  }
0x56: {  	_ =	shalt  }
0x57: {  	_ =	shalt  }
0x58: {  	_ =	shalt  }
0x59: {  	_ =	shalt  }
0x5a: {  	_ =	shalt  }
0x5b: {  	_ =	shalt  }
0x5c: {  	_ =	shalt  }
0x5d: {  	_ =	shalt  }
0x5e: {  	_ =	shalt  }
0x5f: {  	_ =	shalt  }
0x60: {  	_ =	shalt  }
0x61: {  	_ =	shalt  }
0x62: {  	_ =	shalt  }
0x63: {  	_ =	shalt  }
0x64: {  	_ =	shalt  }
0x65: {  	_ =	shalt  }
0x66: {  	_ =	shalt  }
0x67: {  	_ =	shalt  }
0x68: {  	_ =	shalt  }
0x69: {  	_ =	shalt  }
0x6a: {  	_ =	shalt  }
0x6b: {  	_ =	shalt  }
0x6c: {  	_ =	shalt  }
0x6d: {  	_ =	shalt  }
0x6e: {  	_ =	shalt  }
0x6f: {  	_ =	shalt  }
0x70: {  	_ =	shalt  }
0x71: {  	_ =	shalt  }
0x72: {  	_ =	shalt  }
0x73: {  	_ =	shalt  }
0x74: {  	_ =	shalt  }
0x75: {  	_ =	shalt  }
0x76: {  	_ =	shalt  }
0x77: {  	_ =	shalt  }
0x78: {  	_ =	shalt  }
0x79: {  	_ =	shalt  }
0x7a: {  	_ =	shalt  }
0x7b: {  	_ =	shalt  }
0x7c: {  	_ =	shalt  }
0x7d: {  	_ =	shalt  }
0x7e: {  	_ =	shalt  }
0x7f: {  	_ =	shalt  }
0x80: {  	_ =	shalt  }
0x81: {  	_ =	shalt  }
0x82: {  	_ =	shalt  }
0x83: {  	_ =	shalt  }
0x84: {  	_ =	shalt  }
0x85: {  	_ =	shalt  }
0x86: {  	_ =	shalt  }
0x87: {  	_ =	shalt  }
.Lfunc_end0:
.L_simem_size_0:
called_computation_lowered:
.L_overlay_start_0:
0x88: {  	s2 =	sld [smem:$0x3FD9]  }
0x89: {  	s3 =	sld [smem:$0x3FFE];
	_ =	sdelay $0x1  }
0x8a: {  	s1 =	srdreg.scid  }
0x8b: {  	s0 =	sand.u32 $0x1, s1  }
0x8c: {  	s17 =	sshll.u32 s0, $0xA;
	s2 =	sadd.s32 s3, s2  }
0x8d: {  	s2 =	sadd.s32 s2, s17  }
0x8e: {  	[smem:$0x3FC3] =	sst s2  }
0x8f: {  	_ = 	snop  }
0x90: {  	s2 =	sld [smem:$0x3FD0];
	(tm) =	ssettm $0x1  }
0x91: {  	s18 =	sld [smem:$0x3FFB];
	_ =	sdelay $0x3  }
0x92: {  	_ =	strace s18  }
0x93: {  	s3 =	sld [smem:$0x3FFC];
	_ =	sdelay $0x3  }
0x94: {  	_ =	strace s3  }
0x95: {  	s3 =	sld [smem:$0x3FFD];
	_ =	sdelay $0x3  }
0x96: {  	_ =	strace s3  }
0x97: {  	_ =	strace $0x8FFFFFFF  }
0x98: {  	s19 =	sld [smem:$0x3FDB];
	_ =	sdelay $0x1  }
0x99: {  	s4 =	simm.s32 $_scs_section_size  }
0x9a: {  	s5 =	simm.s32 $_size__tile_overlayer_lowered;
	s6 =	simm.s32 $_tile_overlayer_lowered  }
0x9b: {  	s22 =	simm.s32 $0x1BFF;
	s21 =	sshll.u32 s6, $0x1;
	s3 =	sadd.s32 s4, s19  }
0x9c: {  	s7 =	simm.s32 $0x0;
	s20 =	sshll.u32 s5, $0x1;
	s5 =	sadd.s32 s21, s3  }
0x9d: {  	[timem:s7], [sflag:s22] =	dma.local [hbm:s5], s20  }
0x9e: {  	_ =	swait.ge [sflag:s22], s20  }
0x9f: {  	s4 =	ssub.s32 $0x0, s20;
	[sflag:s22] =	ssyncset.done $0x0  }
0xa0: {  	[sflag:s22] =	ssyncadd.s32 s4;
	_ =	sdelay $0x1  }
0xa1: {  	s23 =	simm.s32 $0x1B8B  }
0xa2: {  	_ =	swait.ge [sflag:s23], $0x1  }
0xa3: {  	[sflag:s23] =	ssyncset.done $0x0  }
0xa4: {  	s25 =	simm.s32 $0x1B8E;
	s24 =	sld [smem:$0x3FFE];
	[sflag:s23] =	ssyncadd.s32 $0xFFFFFFFF  }
0xa5: {  	s26 =	simm.s32 $execute0_lowered;
	[smem:$0x3FD2] =	sst s25  }
0xa6: {  	s5 =	sshll.u32 s26, $0x1;
	_ =	strace $0x80000046;
	[dreg:$0x1] =	wrdreg $0xFFFFFFFF  }
0xa7: {  	s28 =	simm.s32 $_size_execute0_lowered;
	s3 =	sadd.s32 s3, s5;
	[dreg:$0x0] =	wrdreg $0x0  }
0xa8: {  	s5 =	sshll.u32 s28, $0x1;
	[dreg:$0x2] =	wrdreg s3  }
0xa9: {  	[dreg:$0x3] =	wrdreg s5  }
0xaa: {  	[dreg:$0x4] =	wrdreg $0xC0  }
0xab: {  	_ =	task [dreg:s7], $0x5FFFF  }
0xac: {  	[dreg:$0x1] =	wrdreg $0xFFFFFFFF  }
0xad: {  	[dreg:$0x0] =	wrdreg $0x60  }
0xae: {  	[dreg:$0x2] =	wrdreg s24  }
0xaf: {  	[dreg:$0x3] =	wrdreg s2  }
0xb0: {  	[dreg:$0x4] =	wrdreg $0x9  }
0xb1: {  	_ =	task.clear_ibuf [dreg:s7], $0x5FFFF;
	_ =	strace $0x90000046  }
0xb2: {  	s29 =	simm.s32 $0x9;
	_ =	strace $0x80000048  }
0xb3: {  	_ =	swait.ge [sflag:s29], $0x1  }
0xb4: {  	[sflag:s29] =	ssyncadd.s32 $0xFFFFFFFF  }
0xb5: {  	_ =	strace $0x90000048  }
0xb6: {  	_ =	sfence  }
0xb7: {  	s30 =	sld [smem:$0x0];
	_ =	sdelay $0x2  }
0xb8: {  	s31 =	sshll.u32 s1, $0xD;
	s1 =	sshrl.u32 s1, $0x2  }
0xb9: {  	s3 =	sand.u32 $0x4000, s31;
	s1 =	sadd.s32 s1, s30  }
0xba: {  	s0 =	sor.u32 s3, s0;
	s1 =	sshll.u32 s1, $0x11  }
0xbb: {  	s0 =	sor.u32 s1, s0  }
0xbc: {  	s0 =	sadd.s32 $0x8F2B, s0  }
0xbd: {  	[sflag:s0] =	ssyncadd.remote.s32 $0x1  }
0xbe: {  	_ =	sfence.sel $0xFFFF  }
0xbf: {  	[dreg:$0x0] =	wrdreg $0xFFFFFFFF;
	(pc) =	sbr.abs _section_cstart, $3  }
0xc0: {  	[dreg:$0x1] =	wrdreg $0xFFFFFFFF  }
0xc1: {  	_ =	task.clear_ibuf [dreg:s7], $0x2FFFF;
	_ =	strace $0x9FFFFFFF  }
0xc2: {  	(tm) =	ssettm $0x7FFFFFFF  }
0xc3: {  	_ =	shalt  }
tec
execute0_lowered:
.L_overlay_start_1:
0x0: {  	(tag) =	ssettag $0x1  }
0x1: {  	v0 =	vimm.f32 $1.550000000e+01;
	vm0 =	vcmask $0x300  }
0x2: {  	vm14 =	vcmask $0x704;
	v0 =	vsel vm0, $0x3F000000, v0  }
0x3: {  	vm15 =	vcmask $0xB08;
	v0 =	vsel vm14, $0x3FC00000, v0  }
0x4: {  	s0 =	rddreg [dreg:$0x0];
	s2 =	simm.s32 $0x0;
	vm4 =	vcmask $0xF0C;
	v0 =	vsel vm15, $0x40200000, v0  }
0x5: {  	vm5 =	vcmask $0x1310;
	[smem:$0x7FF] =	sst s2;
	v0 =	vsel vm4, $0x40600000, v0  }
0x6: {  	s1 =	rddreg [dreg:$0x1];
	v1 =	vimm.f32 $7.000000000e+00;
	vm6 =	vcmask $0x1714;
	_ =	strace $0x80000047;
	v0 =	vsel vm5, $0x40900000, v0  }
0x7: {  	vm7 =	vcmask $0x1B18;
	(erf) = vrcp.f32 v1;
	v0 =	vsel vm6, $0x40B00000, v0  }
0x8: {  	s20 =	srdreg.scid;
	vm8 =	vcmask $0x1F1C;
	v0 =	vsel vm7, $0x40D00000, v0  }
0x9: {  	s7 =	stileid.u32;
	vm9 =	vcmask $0x2320;
	s13 =	simm.s32 $0x6;
	s14 =	simm.s32 $0x80;
	v0 =	vsel vm8, $0x40F00000, v0  }
0xa: {  	vm10 =	vcmask $0x2724;
	s28 =	simm.s32 $0x189C0;
	s29 =	simm.s32 $0x2;
	s30 =	simm.s32 $0x3;
	v0 =	vsel vm9, $0x41080000, v0  }
0xb: {  	vm11 =	vcmask $0x2B28;
	s31 =	simm.s32 $0x4;
	s16 =	simm.s32 $0x0;
	s4 =	sand.u32 $0x1, s20;
	v0 =	vsel vm10, $0x41180000, v0  }
0xc: {  	vm12 =	vcmask $0x2F2C;
	s21 =	sshll.u32 s7, $0x4;
	s5 =	sadd.s32 $0x1400, s0;
	s11 =	sshll.u32 s7, $0xA;
	v0 =	vsel vm11, $0x41280000, v0  }
0xd: {  	vm13 =	vcmask $0x3330;
	s20 =	simm.s32 $0x5E0;
	s3 =	ssub.s32 $0x2, s4;
	s2 =	sadd.s32 s21, s0;
	v0 =	vsel vm12, $0x41380000, v0  }
0xe: {  	s6 =	sxor.u32 $0x19, s4;
	vm14 =	vcmask $0x3734;
	s26 =	sor.u32 $0x189A0, s4;
	s21 =	simm.s32 $0x6760;
	v0 =	vsel vm13, $0x41480000, v0  }
0xf: {  	s22 =	sshrl.u32 s3, $0x1;
	s23 =	sadd.s32 $0x1200, s2;
	vm15 =	vcmask $0x3B38;
	[dreg:$0x8] =	wrdreg s26;
	v0 =	vsel vm14, $0x41580000, v0  }
0x10: {  	s24 =	sadd.s32 $0xE00, s2;
	s25 =	sadd.s32 $0x1000, s2;
	[dreg:$0x3] =	wrdreg s23;
	v1 =	vpop (erf);
	v0 =	vsel vm15, $0x41680000, v0  }
.Ltmp0:
0x11: {  	s2 =	sadd.s32 $0xC00, s2;
	[dreg:$0x4] =	wrdreg s24;
	v0 =	vmul.f32 v0, v1;
	(pc) =	sbr.rel .LBB2_1-.Ltmp0, $4  }
0x12: {  	s26 =	simm.s32 $0x1;
	s0 =	ssub.s32 s3, s22;
	[dreg:$0x5] =	wrdreg s25  }
0x13: {  	[dreg:$0x6] =	wrdreg s2;
	s22 =	simm.s32 $0x660;
	s23 =	simm.s32 $0xC760;
	[tilespmem:$0x1FFE0] =	vst v0;
	v0 =	vbroadcast v0, $0x0  }
0x14: {  	v2 =	vimm.s32 $0x0;
	v6 =	vlaneseq.u32;
	s24 =	simm.s32 $0x6E0;
	s25 =	simm.s32 $0x12760;
	s0 =	smax.u32 s0, $0x1  }
0x15: {  	v4 =	vimm.s32 $0x5400;
	v5 =	vimm.f32 $3.125000000e-02;
	v6 =	vmul.u32 $0x80, v6;
	s3 =	simm.s32 $0x4000;
	[dreg:$0x7] =	wrdreg s0;
	s0 =	simm.s32 $0x400;
	[tilespmem:$0x1FFF0] =	vst v0  }
.LBB2_22:
0x16: {  	s7 =	simm.s32 $0x5  }
0x17: {  	_ =	swait.ge [sflag:s7], $0x6000  }
0x18: {  	s16 =	sadd.s32 $0x1, s16;
	s2 =	rddreg [dreg:$0x7]  }
0x19: {  	p0 =	sne.s32 s16, s2  }
.Ltmp1:
0x1a: {  	_ = 	snop;
	(pc) =	sbr.rel @!p0 .LBB2_23-.Ltmp1, $3  }
0x1b: {  	_ =	sdelay $0x1  }
0x1c: {  	[sflag:s7] =	ssyncset.done $0x0  }
0x1d: {  	[sflag:s7] =	ssyncadd.s32 $0xFFFFA000  }
.LBB2_1:
0x1e: {  	s2 =	simm.s32 $0x0;
	s7 =	rddreg [dreg:$0x3]  }
0x1f: {  	[tilespmem:s2], [sflag:$0x6] =	stream.linear.gather [hbm4b:s7+s2], $0x80, $0x38;
	[tilespmem:$0x1E9C0] =	vst v63  }
0x20: {  	_ =	swait.ge [sflag:s13], $0x80  }
0x21: {  	[sflag:s13] =	ssyncset.done $0x0  }
0x22: {  	s9 =	rddreg [dreg:$0x4];
	[sflag:s13] =	ssyncadd.s32 $0xFFFFFF80  }
0x23: {  	[tilespmem:s14], [sflag:$0x6] =	stream.linear.gather [hbm4b:s9+s2], $0x80, $0x38;
	[tilespmem:$0x1E9C0] =	vst v63  }
0x24: {  	_ =	swait.ge [sflag:s13], $0x80  }
0x25: {  	[sflag:s13] =	ssyncset.done $0x0  }
0x26: {  	s8 =	simm.s32 $0x100;
	s10 =	rddreg [dreg:$0x5];
	[sflag:s13] =	ssyncadd.s32 $0xFFFFFF80  }
0x27: {  	[tilespmem:s8], [sflag:$0x6] =	stream.linear.gather [hbm4b:s10+s2], $0x80, $0x38;
	[tilespmem:$0x1E9C0] =	vst v63  }
0x28: {  	_ =	swait.ge [sflag:s13], $0x80  }
0x29: {  	[sflag:s13] =	ssyncset.done $0x0  }
0x2a: {  	s15 =	simm.s32 $0x180;
	s12 =	rddreg [dreg:$0x6];
	[sflag:s13] =	ssyncadd.s32 $0xFFFFFF80  }
0x2b: {  	[tilespmem:s15], [sflag:$0x6] =	stream.linear.gather [hbm4b:s12+s2], $0x80, $0x38;
	[tilespmem:$0x1E9C0] =	vst v63  }
0x2c: {  	_ =	swait.ge [sflag:s13], $0x80  }
0x2d: {  	[sflag:s13] =	ssyncset.done $0x0  }
0x2e: {  	[sflag:s13] =	ssyncadd.s32 $0xFFFFFF80  }
0x2f: {  	v7 =	vld [tilespmem:$0x0]  }
0x30: {  	v8 =	vld [tilespmem:$0x80]  }
0x31: {  	v9 =	vld [tilespmem:$0x100]  }
0x32: {  	v10 =	vld [tilespmem:$0x180]  }
0x33: {  	v11 =	vld [tilespmem:$0x10]  }
0x34: {  	v12 =	vld [tilespmem:$0x90]  }
0x35: {  	v14 =	vld [tilespmem:$0x110]  }
0x36: {  	v15 =	vld [tilespmem:$0x190]  }
0x37: {  	v63 =	vld [tilespmem:$0x20]  }
0x38: {  	v19 =	vld [tilespmem:$0xA0]  }
0x39: {  	v21 =	vld [tilespmem:$0x120]  }
0x3a: {  	v22 =	vld [tilespmem:$0x1A0]  }
0x3b: {  	v41 =	vld [tilespmem:$0x30]  }
0x3c: {  	v25 =	vld [tilespmem:$0xB0]  }
0x3d: {  	v27 =	vld [tilespmem:$0x130]  }
0x3e: {  	v28 =	vld [tilespmem:$0x1B0]  }
0x3f: {  	v49 =	vld [tilespmem:$0x40]  }
0x40: {  	v51 =	vld [tilespmem:$0xC0]  }
0x41: {  	v33 =	vld [tilespmem:$0x140]  }
0x42: {  	v34 =	vld [tilespmem:$0x1C0]  }
0x43: {  	v9 =	vsub.f32 v9, v7;
	v10 =	vsub.f32 v10, v8  }
0x44: {  	v14 =	vsub.f32 v14, v11;
	v15 =	vsub.f32 v15, v12  }
0x45: {  	v0 =	vimm.s32 $0x80;
	v39 =	vsub.f32 v21, v63;
	v40 =	vsub.f32 v22, v19  }
0x46: {  	v47 =	vsub.f32 v27, v41;
	v48 =	vsub.f32 v28, v25;
	v13 =	vmul.f32 v10, v9  }
0x47: {  	v56 =	vsub.f32 v33, v49;
	v57 =	vsub.f32 v34, v51;
	v18 =	vmul.f32 v15, v14  }
0x48: {  	v26 =	vmul.f32 v40, v39;
	v32 =	vmul.f32 v48, v47;
	vm0 =	vgt.f32 v13, $1.440000000e+02  }
0x49: {  	vm1 =	vgt.f32 v13, $5.760000000e+02;
	vm10 =	vgt.f32 v13, $2.304000000e+03;
	vm13 =	vgt.f32 v18, $1.440000000e+02  }
0x4a: {  	vm14 =	vgt.f32 v18, $5.760000000e+02;
	vm15 =	vgt.f32 v18, $2.304000000e+03;
	vm7 =	vgt.f32 v26, $1.440000000e+02  }
0x4b: {  	vm8 =	vgt.f32 v26, $5.760000000e+02;
	vm9 =	vgt.f32 v26, $2.304000000e+03;
	v16 =	vsel vm0, $0x1, v2  }
0x4c: {  	v17 =	vsel vm1, $0x1, v2;
	v61 =	vsel vm10, $0x1, v2;
	v23 =	vsel vm13, $0x1, v2  }
0x4d: {  	v24 =	vsel vm14, $0x1, v2;
	v38 =	vsel vm15, $0x1, v2;
	v29 =	vsel vm7, $0x1, v2  }
0x4e: {  	v30 =	vsel vm8, $0x1, v2;
	v45 =	vsel vm9, $0x1, v2;
	vm13 =	vgt.f32 v32, $1.440000000e+02  }
0x4f: {  	vm14 =	vgt.f32 v32, $5.760000000e+02;
	vm15 =	vgt.f32 v32, $2.304000000e+03;
	v60 =	vadd.s32 v17, v16  }
0x50: {  	v37 =	vadd.s32 v24, v23;
	v44 =	vadd.s32 v30, v29;
	v52 =	vsel vm14, $0x1, v2  }
0x51: {  	v54 =	vsel vm15, $0x1, v2;
	v13 =	vadd.s32 v61, v60;
	v46 =	vadd.s32 v45, v44  }
0x52: {  	v61 =	vmul.f32 v57, v56;
	vm11 =	veq.s32 v13, $0x2;
	vm12 =	veq.s32 v13, $0x1  }
0x53: {  	vm2 =	veq.s32 v13, $0x0;
	v13 =	vshrl.u32 v0, v13;
	vm10 =	veq.s32 v46, $0x2  }
0x54: {  	v62 =	vsel vm11, $0x5000, v4;
	v20 =	vsel vm11, $0x3D800000, v5;
	vm11 =	veq.s32 v46, $0x0  }
0x55: {  	v50 =	vsel vm10, $0x5000, v4;
	v31 =	vsel vm10, $0x3D800000, v5;
	vm7 =	vgt.f32 v61, $1.440000000e+02  }
0x56: {  	vm8 =	vgt.f32 v61, $5.760000000e+02;
	vm9 =	vgt.f32 v61, $2.304000000e+03;
	v16 =	vsel vm12, $0x4000, v62  }
0x57: {  	v20 =	vsel vm12, $0x3E000000, v20;
	vm12 =	veq.s32 v46, $0x1;
	v34 =	vsel vm7, $0x1, v2  }
0x58: {  	v35 =	vsel vm8, $0x1, v2;
	v16 =	vsel vm2, $0x0, v16;
	v36 =	vsel vm2, $0x3E800000, v20  }
0x59: {  	v20 =	vadd.s32 v38, v37;
	v29 =	vsel vm12, $0x4000, v50;
	v31 =	vsel vm12, $0x3E000000, v31  }
0x5a: {  	v38 =	vsel vm9, $0x1, v2;
	v7 =	vmul.f32 v36, v7;
	v8 =	vmul.f32 v36, v8  }
0x5b: {  	v9 =	vmul.f32 v36, v9;
	v10 =	vmul.f32 v36, v10;
	vm4 =	veq.s32 v20, $0x0  }
0x5c: {  	vm5 =	veq.s32 v20, $0x2;
	vm6 =	veq.s32 v20, $0x1;
	v20 =	vshrl.u32 v0, v20  }
0x5d: {  	v29 =	vsel vm11, $0x0, v29;
	v42 =	vsel vm5, $0x5000, v4;
	v43 =	vsel vm5, $0x3D800000, v5  }
0x5e: {  	v23 =	vsel vm6, $0x4000, v42;
	v24 =	vsel vm6, $0x3E000000, v43;
	[tilespmem:$0x320] =	vst v7;
	v7 =	vsel vm11, $0x3E800000, v31  }
0x5f: {  	v33 =	vld [tilespmem:$0x1D0];
	[tilespmem:$0x3B0] =	vst v8;
	v8 =	vsel vm13, $0x1, v2;
	v23 =	vsel vm4, $0x0, v23;
	v53 =	vmul.f32 v7, v63  }
0x60: {  	v32 =	vld [tilespmem:$0xD0];
	[tilespmem:$0x200] =	vst v13;
	v24 =	vsel vm4, $0x3E800000, v24;
	v55 =	vmul.f32 v7, v19;
	v18 =	vmul.f32 v7, v39  }
0x61: {  	[tilespmem:$0x290] =	vst v16;
	v36 =	vld [tilespmem:$0x60];
	v8 =	vadd.s32 v52, v8;
	v7 =	vmul.f32 v7, v40;
	v11 =	vmul.f32 v24, v11  }
0x62: {  	[tilespmem:$0x210] =	vst v20;
	v42 =	vld [tilespmem:$0x160];
	v12 =	vmul.f32 v24, v12;
	v14 =	vmul.f32 v24, v14;
	v8 =	vadd.s32 v54, v8  }
0x63: {  	[tilespmem:$0x2B0] =	vst v29;
	v19 =	vld [tilespmem:$0x50];
	v15 =	vmul.f32 v24, v15;
	v24 =	vshrl.u32 v0, v46;
	vm4 =	veq.s32 v8, $0x2  }
0x64: {  	[tilespmem:$0x440] =	vst v9;
	v63 =	vld [tilespmem:$0x150];
	vm5 =	veq.s32 v8, $0x0;
	vm6 =	veq.s32 v8, $0x1;
	v8 =	vshrl.u32 v0, v8  }
0x65: {  	v44 =	vld [tilespmem:$0x1E0];
	v58 =	vsel vm4, $0x5000, v4;
	v60 =	vsel vm4, $0x3D800000, v5;
	[tilespmem:$0x4E0] =	vst v15;
	v15 =	vadd.s32 v35, v34  }
0x66: {  	v39 =	vld [tilespmem:$0xE0];
	[tilespmem:$0x450] =	vst v14;
	v14 =	vsub.f32 v33, v32;
	v59 =	vsel vm6, $0x4000, v58;
	v62 =	vsel vm6, $0x3E000000, v60  }
0x67: {  	[tilespmem:$0x330] =	vst v11;
	v15 =	vadd.s32 v38, v15;
	v21 =	vsub.f32 v42, v36;
	v11 =	vsel vm5, $0x0, v59  }
0x68: {  	[tilespmem:$0x3C0] =	vst v12;
	v12 =	vsel vm5, $0x3E800000, v62;
	vm10 =	veq.s32 v15, $0x1;
	vm11 =	veq.s32 v15, $0x2  }
0x69: {  	[tilespmem:$0x4D0] =	vst v10;
	v16 =	vsub.f32 v63, v19;
	v37 =	vmul.f32 v12, v41;
	v40 =	vmul.f32 v12, v25  }
0x6a: {  	[tilespmem:$0x2A0] =	vst v23;
	vm12 =	veq.s32 v15, $0x0;
	v41 =	vmul.f32 v12, v47;
	v43 =	vmul.f32 v12, v48  }
0x6b: {  	[tilespmem:$0x3D0] =	vst v55;
	v45 =	vsel vm11, $0x3D800000, v5;
	v46 =	vsel vm11, $0x5000, v4;
	v12 =	vsub.f32 v44, v39  }
0x6c: {  	[tilespmem:$0x4F0] =	vst v7;
	v55 =	vld [tilespmem:$0x70];
	v25 =	vshrl.u32 v0, v15;
	v10 =	vsel vm10, $0x3E000000, v45;
	v7 =	vsel vm10, $0x4000, v46  }
0x6d: {  	[tilespmem:$0x340] =	vst v53;
	v59 =	vld [tilespmem:$0x170];
	v47 =	vmul.f32 v14, v16;
	v10 =	vsel vm12, $0x3E800000, v10;
	v52 =	vmul.f32 v12, v21  }
0x6e: {  	[tilespmem:$0x460] =	vst v18;
	v7 =	vsel vm12, $0x0, v7;
	v48 =	vmul.f32 v10, v49;
	v49 =	vmul.f32 v10, v51  }
0x6f: {  	[tilespmem:$0x220] =	vst v24;
	vm13 =	vgt.f32 v47, $1.440000000e+02;
	v13 =	vmul.f32 v10, v56;
	vm14 =	vgt.f32 v47, $5.760000000e+02  }
0x70: {  	[tilespmem:$0x230] =	vst v8;
	vm15 =	vgt.f32 v47, $2.304000000e+03;
	v10 =	vmul.f32 v10, v57;
	v50 =	vsel vm13, $0x1, v2  }
0x71: {  	v61 =	vld [tilespmem:$0x1F0];
	[tilespmem:$0x2C0] =	vst v11;
	v51 =	vsel vm14, $0x1, v2;
	v54 =	vsel vm15, $0x1, v2;
	vm4 =	vgt.f32 v52, $1.440000000e+02  }
0x72: {  	[tilespmem:$0x240] =	vst v25;
	v57 =	vld [tilespmem:$0xF0];
	vm5 =	vgt.f32 v52, $5.760000000e+02;
	vm6 =	vgt.f32 v52, $2.304000000e+03;
	v18 =	vsub.f32 v59, v55  }
0x73: {  	[tilespmem:$0x350] =	vst v37;
	v53 =	vadd.s32 v51, v50;
	v8 =	vsel vm4, $0x1, v2;
	v58 =	vsel vm5, $0x1, v2  }
0x74: {  	[tilespmem:$0x3E0] =	vst v40;
	v60 =	vsel vm6, $0x1, v2;
	v56 =	vadd.s32 v54, v53;
	v8 =	vadd.s32 v58, v8  }
0x75: {  	[tilespmem:$0x470] =	vst v41;
	vm7 =	veq.s32 v56, $0x2;
	vm8 =	veq.s32 v56, $0x1;
	v8 =	vadd.s32 v60, v8  }
0x76: {  	[tilespmem:$0x500] =	vst v43;
	vm3 =	veq.s32 v56, $0x0;
	v9 =	vshrl.u32 v0, v56;
	v62 =	vsel vm7, $0x3D800000, v5  }
0x77: {  	[tilespmem:$0x2D0] =	vst v7;
	v63 =	vsel vm7, $0x5000, v4;
	v28 =	vsub.f32 v61, v57;
	vm9 =	veq.s32 v8, $0x2  }
0x78: {  	[tilespmem:$0x360] =	vst v48;
	vm10 =	veq.s32 v8, $0x1;
	vm11 =	veq.s32 v8, $0x0;
	v8 =	vshrl.u32 v0, v8  }
0x79: {  	[tilespmem:$0x3F0] =	vst v49;
	v11 =	vsel vm8, $0x3E000000, v62;
	v24 =	vsel vm8, $0x4000, v63;
	v29 =	vsel vm9, $0x3D800000, v5  }
0x7a: {  	[tilespmem:$0x480] =	vst v13;
	v41 =	vsel vm9, $0x5000, v4;
	v11 =	vsel vm3, $0x3E800000, v11;
	v30 =	vmul.f32 v28, v18  }
0x7b: {  	[tilespmem:$0x510] =	vst v10;
	v33 =	vsel vm10, $0x3E000000, v29;
	v26 =	vmul.f32 v11, v19;
	v27 =	vmul.f32 v11, v32  }
0x7c: {  	[tilespmem:$0x250] =	vst v9;
	v43 =	vsel vm10, $0x4000, v41;
	v7 =	vmul.f32 v11, v16;
	v11 =	vmul.f32 v11, v14  }
0x7d: {  	[tilespmem:$0x260] =	vst v8;
	v32 =	vsel vm3, $0x0, v24;
	vm12 =	vgt.f32 v30, $1.440000000e+02;
	vm4 =	vgt.f32 v30, $5.760000000e+02  }
0x7e: {  	vm13 =	vgt.f32 v30, $2.304000000e+03;
	[tilespmem:$0x490] =	vst v7;
	v34 =	vsel vm12, $0x1, v2;
	v35 =	vsel vm4, $0x1, v2  }
0x7f: {  	v7 =	vsel vm11, $0x3E800000, v33;
	[tilespmem:$0x520] =	vst v11;
	v37 =	vsel vm13, $0x1, v2;
	v11 =	vadd.s32 v35, v34  }
0x80: {  	v44 =	vsel vm11, $0x0, v43;
	[tilespmem:$0x2E0] =	vst v32;
	v36 =	vmul.f32 v7, v36;
	v11 =	vadd.s32 v37, v11  }
0x81: {  	[tilespmem:$0x2F0] =	vst v44;
	v38 =	vmul.f32 v7, v39;
	v39 =	vmul.f32 v7, v21;
	vm14 =	veq.s32 v11, $0x2  }
0x82: {  	[tilespmem:$0x370] =	vst v26;
	v7 =	vmul.f32 v7, v12;
	vm15 =	veq.s32 v11, $0x1;
	v40 =	vsel vm14, $0x3D800000, v5  }
0x83: {  	[tilespmem:$0x400] =	vst v27;
	vm7 =	veq.s32 v11, $0x0;
	v42 =	vsel vm15, $0x3E000000, v40  }
0x84: {  	[tilespmem:$0x530] =	vst v7;
	v7 =	vsel vm7, $0x3E800000, v42  }
0x85: {  	[tilespmem:$0x380] =	vst v36;
	v8 =	vmul.f32 v7, v55  }
0x86: {  	[tilespmem:$0x410] =	vst v38  }
0x87: {  	[tilespmem:$0x390] =	vst v8;
	v8 =	vmul.f32 v7, v18  }
0x88: {  	v48 =	vld [tilespmem:$0x320];
	[tilespmem:$0x4A0] =	vst v39;
	v45 =	vmul.f32 v7, v57  }
0x89: {  	v46 =	vsel vm14, $0x5000, v4;
	v7 =	vmul.f32 v7, v28;
	[tilespmem:$0x4B0] =	vst v8;
	v8 =	vshrl.u32 v0, v11;
	v0 =	vld [tilespmem:$0x1FFE0]  }
0x8a: {  	v49 =	vld [tilespmem:$0x3B0];
	v9 =	vsel vm15, $0x4000, v46;
	[tilespmem:$0x420] =	vst v45  }
0x8b: {  	v58 =	vld [tilespmem:$0x4E0];
	[tilespmem:$0x540] =	vst v7;
	v7 =	vsel vm7, $0x0, v9  }
0x8c: {  	[tilespmem:$0x300] =	vst v7;
	v7 =	vld [tilespmem:$0x440]  }
0x8d: {  	[tilespmem:$0x270] =	vst v8;
	v8 =	vld [tilespmem:$0x4D0]  }
0x8e: {  	s17 =	rddreg [dreg:$0x8];
	[tilespmem:$0x189A0] =	vst v0;
	v0 =	vld [tilespmem:$0x1FFF0]  }
0x8f: {  	v47 =	vld.msk [tilespmem:s17+$0x0 ss:$0x0], $0xffff  }
0x90: {  	v57 =	vld [tilespmem:$0x450]  }
0x91: {  	v62 =	vld [tilespmem:$0x3C0]  }
0x92: {  	v61 =	vld [tilespmem:$0x330]  }
0x93: {  	v8 =	vmul.f32 v8, v0  }
0x94: {  	v50 =	vld [tilespmem:$0x200];
	v14 =	vmul.f32 v58, v0;
	v7 =	vmul.f32 v7, v47  }
0x95: {  	v24 =	vld [tilespmem:$0x210];
	v9 =	vmul.f32 v57, v47;
	v8 =	vadd.f32 v8, v49  }
0x96: {  	v14 =	vadd.f32 v14, v62;
	v7 =	vadd.f32 v7, v48  }
0x97: {  	v9 =	vadd.f32 v9, v61;
	v52 =	vtrunc.f32 v8  }
0x98: {  	v28 =	vtrunc.f32 v14;
	v51 =	vtrunc.f32 v7  }
0x99: {  	v56 =	vadd.s32 $0xFFFFFFFF, v50;
	v12 =	vcvt.f32.s32 v52;
	v27 =	vtrunc.f32 v9  }
0x9a: {  	v31 =	vadd.s32 $0xFFFFFFFF, v24;
	v30 =	vcvt.f32.s32 v28;
	v11 =	vcvt.f32.s32 v51  }
0x9b: {  	v20 =	vcvt.f32.s32 v27;
	v55 =	vcvt.s32.f32 v12;
	v60 =	vadd.s32 $0x1, v12  }
0x9c: {  	v53 =	vld [tilespmem:$0x290];
	vm9 =	vlt.s32 v12, v56;
	v33 =	vcvt.s32.f32 v30;
	vm12 =	vlt.s32 v30, v31  }
0x9d: {  	v21 =	vadd.s32 $0x1, v30;
	v54 =	vcvt.s32.f32 v11;
	vm8 =	vlt.s32 v11, v56  }
0x9e: {  	vm11 =	vlt.s32 v60, v56;
	v12 =	vsel vm9, v12, v56;
	v8 =	vsub.f32 v8, v55  }
0x9f: {  	v59 =	vsel vm8, v11, v56;
	v11 =	vadd.s32 $0x1, v11;
	v12 =	vmul.u32 v50, v12  }
0xa0: {  	v16 =	vsel vm11, v60, v56;
	v7 =	vsub.f32 v7, v54;
	vm10 =	vlt.s32 v11, v56  }
0xa1: {  	v10 =	vmul.u32 v50, v16;
	v23 =	vsub.f32 $1.000000000e+00, v8;
	v12 =	vadd.s32 v53, v12  }
0xa2: {  	v11 =	vsel vm10, v11, v56;
	v63 =	vsub.f32 $1.000000000e+00, v7;
	v25 =	vadd.s32 v59, v12  }
0xa3: {  	v10 =	vadd.s32 v53, v10;
	v12 =	vadd.s32 v11, v12;
	v17 =	vmul.f32 v23, v7;
	[tilespmem:$0x560] =	vst v25  }
0xa4: {  	v15 =	vadd.s32 v59, v10;
	[tilespmem:$0x580] =	vst v12;
	v7 =	vmul.f32 v8, v7;
	v29 =	vmul.f32 v63, v8;
	v8 =	vld [tilespmem:$0x2A0]  }
0xa5: {  	v32 =	vcvt.s32.f32 v20;
	v34 =	vsel vm12, v30, v31;
	v10 =	vadd.s32 v11, v10;
	[tilespmem:$0x5A0] =	vst v15  }
0xa6: {  	vm13 =	vlt.s32 v21, v31;
	vm14 =	vlt.s32 v20, v31;
	v36 =	vadd.s32 $0x1, v20;
	[tilespmem:$0x5C0] =	vst v10  }
0xa7: {  	v14 =	vsub.f32 v14, v33;
	v26 =	vmul.f32 v23, v63;
	v10 =	vmul.u32 v24, v34;
	[tilespmem:$0x187F0] =	vst v17  }
0xa8: {  	v35 =	vsel vm13, v21, v31;
	v37 =	vsel vm14, v20, v31;
	vm15 =	vlt.s32 v36, v31;
	[tilespmem:$0x18910] =	vst v7  }
0xa9: {  	v9 =	vsub.f32 v9, v32;
	v13 =	vmul.u32 v24, v35;
	[tilespmem:$0x18760] =	vst v26;
	v10 =	vadd.s32 v8, v10  }
0xaa: {  	v40 =	vsub.f32 $1.000000000e+00, v14;
	v7 =	vsel vm15, v36, v31;
	[tilespmem:$0x18880] =	vst v29;
	v38 =	vadd.s32 v37, v10  }
0xab: {  	v39 =	vsub.f32 $1.000000000e+00, v9;
	v8 =	vadd.s32 v8, v13;
	v10 =	vadd.s32 v7, v10;
	[tilespmem:$0x570] =	vst v38  }
0xac: {  	v41 =	vadd.s32 v37, v8;
	[tilespmem:$0x590] =	vst v10  }
0xad: {  	v7 =	vadd.s32 v7, v8;
	v8 =	vmul.f32 v40, v39;
	[tilespmem:$0x5B0] =	vst v41  }
0xae: {  	[tilespmem:$0x5D0] =	vst v7;
	v7 =	vmul.f32 v40, v9  }
0xaf: {  	[tilespmem:$0x18770] =	vst v8;
	v8 =	vmul.f32 v39, v14  }
0xb0: {  	[tilespmem:$0x18800] =	vst v7;
	v7 =	vmul.f32 v14, v9  }
0xb1: {  	[tilespmem:$0x18890] =	vst v8  }
0xb2: {  	s18 =	simm.s32 $0x560;
	s19 =	simm.s32 $0x760;
	[tilespmem:$0x18920] =	vst v7  }
0xb3: {  	[tilespmem:s19], [sflag:$0x1] =	stream.indirect.gather [hbm4b:s5+s14], $0xC0, s18, s14, $0xb8;
	[tilespmem:$0x1E9C0] =	vst v63  }
0xb4: {  	v7 =	vld [tilespmem:$0x460]  }
0xb5: {  	v8 =	vld [tilespmem:$0x4F0]  }
0xb6: {  	v42 =	vld.msk [tilespmem:s17+$0x0 ss:$0x0], $0xffff  }
0xb7: {  	v10 =	vld.msk [tilespmem:$0x189A0 ss:$0x0], $0xffff  }
0xb8: {  	v43 =	vld [tilespmem:$0x340]  }
0xb9: {  	v44 =	vld [tilespmem:$0x3D0]  }
0xba: {  	v52 =	vld [tilespmem:$0x470]  }
0xbb: {  	v53 =	vld [tilespmem:$0x500]  }
0xbc: {  	v56 =	vld [tilespmem:$0x350]  }
0xbd: {  	v57 =	vld [tilespmem:$0x3E0];
	_ =	sdelay $0x1  }
0xbe: {  	v7 =	vmul.f32 v7, v42;
	v8 =	vmul.f32 v8, v10  }
0xbf: {  	v9 =	vmul.f32 v52, v42;
	v10 =	vmul.f32 v53, v10  }
0xc0: {  	v45 =	vld [tilespmem:$0x220];
	v7 =	vadd.f32 v7, v43;
	v8 =	vadd.f32 v8, v44  }
0xc1: {  	v60 =	vld [tilespmem:$0x230];
	v9 =	vadd.f32 v9, v56;
	v10 =	vadd.f32 v10, v57  }
0xc2: {  	v46 =	vtrunc.f32 v7;
	v47 =	vtrunc.f32 v8  }
0xc3: {  	v20 =	vtrunc.f32 v9;
	v21 =	vtrunc.f32 v10  }
0xc4: {  	v12 =	vcvt.f32.s32 v46;
	v13 =	vcvt.f32.s32 v47  }
0xc5: {  	v51 =	vadd.s32 $0xFFFFFFFF, v45;
	v20 =	vcvt.f32.s32 v20;
	v24 =	vcvt.f32.s32 v21  }
0xc6: {  	v25 =	vadd.s32 $0xFFFFFFFF, v60;
	v49 =	vcvt.s32.f32 v12;
	v50 =	vcvt.s32.f32 v13  }
0xc7: {  	v48 =	vld [tilespmem:$0x2B0];
	vm4 =	vlt.s32 v12, v51;
	v55 =	vadd.s32 $0x1, v13;
	vm5 =	vlt.s32 v13, v51  }
0xc8: {  	v26 =	vcvt.s32.f32 v20;
	v27 =	vcvt.s32.f32 v24;
	vm8 =	vlt.s32 v24, v25  }
0xc9: {  	v54 =	vsel vm4, v12, v51;
	v12 =	vadd.s32 $0x1, v12;
	v13 =	vsel vm5, v13, v51  }
0xca: {  	vm7 =	vlt.s32 v55, v51;
	v8 =	vsub.f32 v8, v50;
	v13 =	vmul.u32 v45, v13  }
0xcb: {  	v7 =	vsub.f32 v7, v49;
	vm6 =	vlt.s32 v12, v51;
	v17 =	vsel vm7, v55, v51  }
0xcc: {  	v11 =	vmul.u32 v45, v17;
	v59 =	vsub.f32 $1.000000000e+00, v8;
	v13 =	vadd.s32 v48, v13  }
0xcd: {  	v12 =	vsel vm6, v12, v51;
	v58 =	vsub.f32 $1.000000000e+00, v7;
	v61 =	vadd.s32 v54, v13  }
0xce: {  	v11 =	vadd.s32 v48, v11;
	v13 =	vadd.s32 v12, v13;
	v18 =	vmul.f32 v59, v7;
	[tilespmem:$0x5E0] =	vst v61  }
0xcf: {  	v16 =	vadd.s32 v54, v11;
	v63 =	vmul.f32 v58, v8;
	[tilespmem:$0x600] =	vst v13;
	v7 =	vmul.f32 v8, v7;
	v8 =	vld [tilespmem:$0x2C0]  }
0xd0: {  	v21 =	vadd.s32 $0x1, v24;
	v62 =	vmul.f32 v59, v58;
	v11 =	vadd.s32 v12, v11;
	[tilespmem:$0x620] =	vst v16  }
0xd1: {  	vm10 =	vlt.s32 v20, v25;
	v30 =	vadd.s32 $0x1, v20;
	v28 =	vsel vm8, v24, v25;
	[tilespmem:$0x640] =	vst v11  }
0xd2: {  	vm9 =	vlt.s32 v21, v25;
	v31 =	vsel vm10, v20, v25;
	v11 =	vmul.u32 v60, v28;
	[tilespmem:$0x18780] =	vst v62  }
0xd3: {  	vm11 =	vlt.s32 v30, v25;
	v9 =	vsub.f32 v9, v26;
	v29 =	vsel vm9, v21, v25;
	[tilespmem:$0x18810] =	vst v18  }
0xd4: {  	v10 =	vsub.f32 v10, v27;
	v14 =	vmul.u32 v60, v29;
	[tilespmem:$0x188A0] =	vst v63;
	v11 =	vadd.s32 v8, v11  }
0xd5: {  	v33 =	vsub.f32 $1.000000000e+00, v9;
	[tilespmem:$0x18930] =	vst v7;
	v7 =	vsel vm11, v30, v25;
	v32 =	vadd.s32 v31, v11  }
0xd6: {  	v34 =	vsub.f32 $1.000000000e+00, v10;
	v8 =	vadd.s32 v8, v14;
	v11 =	vadd.s32 v7, v11;
	[tilespmem:$0x5F0] =	vst v32  }
0xd7: {  	v35 =	vadd.s32 v31, v8;
	[tilespmem:$0x610] =	vst v11  }
0xd8: {  	v7 =	vadd.s32 v7, v8;
	v8 =	vmul.f32 v34, v33;
	[tilespmem:$0x630] =	vst v35  }
0xd9: {  	[tilespmem:$0x650] =	vst v7;
	v7 =	vmul.f32 v34, v9  }
0xda: {  	[tilespmem:$0x18790] =	vst v8;
	v8 =	vmul.f32 v33, v10  }
0xdb: {  	[tilespmem:$0x18820] =	vst v7;
	v7 =	vmul.f32 v10, v9  }
0xdc: {  	[tilespmem:$0x188B0] =	vst v8  }
0xdd: {  	[tilespmem:$0x18940] =	vst v7  }
0xde: {  	[tilespmem:s21], [sflag:$0x2] =	stream.indirect.gather [hbm4b:s5+s14], $0xC0, s20, s14, $0xb8;
	[tilespmem:$0x1E9C0] =	vst v63  }
0xdf: {  	v7 =	vld [tilespmem:$0x480]  }
0xe0: {  	v8 =	vld [tilespmem:$0x510]  }
0xe1: {  	v36 =	vld.msk [tilespmem:s17+$0x0 ss:$0x0], $0xffff  }
0xe2: {  	v37 =	vld.msk [tilespmem:$0x189A0 ss:$0x0], $0xffff  }
0xe3: {  	v38 =	vld [tilespmem:$0x360]  }
0xe4: {  	v39 =	vld [tilespmem:$0x3F0]  }
0xe5: {  	v47 =	vld [tilespmem:$0x490]  }
0xe6: {  	v48 =	vld [tilespmem:$0x520]  }
0xe7: {  	v51 =	vld [tilespmem:$0x370]  }
0xe8: {  	v52 =	vld [tilespmem:$0x400];
	_ =	sdelay $0x1  }
0xe9: {  	v7 =	vmul.f32 v7, v36;
	v8 =	vmul.f32 v8, v37  }
0xea: {  	v9 =	vmul.f32 v47, v36;
	v10 =	vmul.f32 v48, v37  }
0xeb: {  	v40 =	vld [tilespmem:$0x240];
	v7 =	vadd.f32 v7, v38;
	v8 =	vadd.f32 v8, v39  }
0xec: {  	v55 =	vld [tilespmem:$0x250];
	v9 =	vadd.f32 v9, v51;
	v10 =	vadd.f32 v10, v52  }
0xed: {  	v41 =	vtrunc.f32 v7;
	v42 =	vtrunc.f32 v8  }
0xee: {  	v20 =	vtrunc.f32 v9;
	v21 =	vtrunc.f32 v10  }
0xef: {  	v12 =	vcvt.f32.s32 v41;
	v13 =	vcvt.f32.s32 v42  }
0xf0: {  	v46 =	vadd.s32 $0xFFFFFFFF, v40;
	v20 =	vcvt.f32.s32 v20;
	v59 =	vcvt.f32.s32 v21  }
0xf1: {  	v60 =	vadd.s32 $0xFFFFFFFF, v55;
	v44 =	vcvt.s32.f32 v12;
	v45 =	vcvt.s32.f32 v13  }
0xf2: {  	v43 =	vld [tilespmem:$0x2D0];
	vm12 =	vlt.s32 v12, v46;
	v50 =	vadd.s32 $0x1, v13;
	vm13 =	vlt.s32 v13, v46  }
0xf3: {  	v61 =	vcvt.s32.f32 v20;
	v62 =	vcvt.s32.f32 v59;
	vm4 =	vlt.s32 v59, v60  }
0xf4: {  	v49 =	vsel vm12, v12, v46;
	v12 =	vadd.s32 $0x1, v12;
	v13 =	vsel vm13, v13, v46  }
0xf5: {  	vm15 =	vlt.s32 v50, v46;
	v8 =	vsub.f32 v8, v45;
	v13 =	vmul.u32 v40, v13  }
0xf6: {  	v7 =	vsub.f32 v7, v44;
	vm14 =	vlt.s32 v12, v46;
	v17 =	vsel vm15, v50, v46  }
0xf7: {  	v11 =	vmul.u32 v40, v17;
	v54 =	vsub.f32 $1.000000000e+00, v8;
	v13 =	vadd.s32 v43, v13  }
0xf8: {  	v12 =	vsel vm14, v12, v46;
	v53 =	vsub.f32 $1.000000000e+00, v7;
	v56 =	vadd.s32 v49, v13  }
0xf9: {  	v11 =	vadd.s32 v43, v11;
	v13 =	vadd.s32 v12, v13;
	v18 =	vmul.f32 v54, v7;
	[tilespmem:$0x660] =	vst v56  }
0xfa: {  	v16 =	vadd.s32 v49, v11;
	v58 =	vmul.f32 v53, v8;
	[tilespmem:$0x680] =	vst v13;
	v7 =	vmul.f32 v8, v7;
	v8 =	vld [tilespmem:$0x2E0]  }
0xfb: {  	v21 =	vadd.s32 $0x1, v59;
	v57 =	vmul.f32 v54, v53;
	v11 =	vadd.s32 v12, v11;
	[tilespmem:$0x6A0] =	vst v16  }
0xfc: {  	vm6 =	vlt.s32 v20, v60;
	v23 =	vadd.s32 $0x1, v20;
	v63 =	vsel vm4, v59, v60;
	[tilespmem:$0x6C0] =	vst v11  }
0xfd: {  	vm5 =	vlt.s32 v21, v60;
	v24 =	vsel vm6, v20, v60;
	v11 =	vmul.u32 v55, v63;
	[tilespmem:$0x187A0] =	vst v57  }
0xfe: {  	vm7 =	vlt.s32 v23, v60;
	v9 =	vsub.f32 v9, v61;
	v22 =	vsel vm5, v21, v60;
	[tilespmem:$0x18830] =	vst v18  }
0xff: {  	v10 =	vsub.f32 v10, v62;
	v14 =	vmul.u32 v55, v22;
	[tilespmem:$0x188C0] =	vst v58;
	v11 =	vadd.s32 v8, v11  }
0x100: {  	v26 =	vsub.f32 $1.000000000e+00, v9;
	[tilespmem:$0x18950] =	vst v7;
	v7 =	vsel vm7, v23, v60;
	v25 =	vadd.s32 v24, v11  }
0x101: {  	v27 =	vsub.f32 $1.000000000e+00, v10;
	v8 =	vadd.s32 v8, v14;
	v11 =	vadd.s32 v7, v11;
	[tilespmem:$0x670] =	vst v25  }
0x102: {  	v28 =	vadd.s32 v24, v8;
	[tilespmem:$0x690] =	vst v11  }
0x103: {  	v7 =	vadd.s32 v7, v8;
	v8 =	vmul.f32 v27, v26;
	[tilespmem:$0x6B0] =	vst v28  }
0x104: {  	[tilespmem:$0x6D0] =	vst v7;
	v7 =	vmul.f32 v27, v9  }
0x105: {  	[tilespmem:$0x187B0] =	vst v8;
	v8 =	vmul.f32 v26, v10  }
0x106: {  	[tilespmem:$0x18840] =	vst v7;
	v7 =	vmul.f32 v10, v9  }
0x107: {  	[tilespmem:$0x188D0] =	vst v8  }
0x108: {  	[tilespmem:$0x18960] =	vst v7  }
0x109: {  	[tilespmem:s23], [sflag:$0x3] =	stream.indirect.gather [hbm4b:s5+s14], $0xC0, s22, s14, $0xb8;
	[tilespmem:$0x1E9C0] =	vst v63  }
0x10a: {  	v7 =	vld [tilespmem:$0x4A0]  }
0x10b: {  	v8 =	vld [tilespmem:$0x530]  }
0x10c: {  	v29 =	vld.msk [tilespmem:s17+$0x0 ss:$0x0], $0xffff  }
0x10d: {  	v30 =	vld.msk [tilespmem:$0x189A0 ss:$0x0], $0xffff  }
0x10e: {  	v31 =	vld [tilespmem:$0x380]  }
0x10f: {  	v32 =	vld [tilespmem:$0x410]  }
0x110: {  	v40 =	vld [tilespmem:$0x4B0]  }
0x111: {  	v41 =	vld [tilespmem:$0x540]  }
0x112: {  	v44 =	vld [tilespmem:$0x390]  }
0x113: {  	v45 =	vld [tilespmem:$0x420];
	_ =	sdelay $0x1  }
0x114: {  	v7 =	vmul.f32 v7, v29;
	v8 =	vmul.f32 v8, v30  }
0x115: {  	v9 =	vmul.f32 v40, v29;
	v10 =	vmul.f32 v41, v30  }
0x116: {  	v33 =	vld [tilespmem:$0x260];
	v7 =	vadd.f32 v7, v31;
	v8 =	vadd.f32 v8, v32  }
0x117: {  	v48 =	vld [tilespmem:$0x270];
	v9 =	vadd.f32 v9, v44;
	v10 =	vadd.f32 v10, v45  }
0x118: {  	v34 =	vtrunc.f32 v7;
	v35 =	vtrunc.f32 v8  }
0x119: {  	v20 =	vtrunc.f32 v9;
	v21 =	vtrunc.f32 v10  }
0x11a: {  	v12 =	vcvt.f32.s32 v34;
	v13 =	vcvt.f32.s32 v35  }
0x11b: {  	v39 =	vadd.s32 $0xFFFFFFFF, v33;
	v20 =	vcvt.f32.s32 v20;
	v52 =	vcvt.f32.s32 v21  }
0x11c: {  	v53 =	vadd.s32 $0xFFFFFFFF, v48;
	v37 =	vcvt.s32.f32 v12;
	v38 =	vcvt.s32.f32 v13  }
0x11d: {  	v36 =	vld [tilespmem:$0x2F0];
	vm8 =	vlt.s32 v12, v39;
	v43 =	vadd.s32 $0x1, v13;
	vm9 =	vlt.s32 v13, v39  }
0x11e: {  	v54 =	vcvt.s32.f32 v20;
	v55 =	vcvt.s32.f32 v52;
	vm12 =	vlt.s32 v52, v53  }
0x11f: {  	v42 =	vsel vm8, v12, v39;
	v12 =	vadd.s32 $0x1, v12;
	v13 =	vsel vm9, v13, v39  }
0x120: {  	vm11 =	vlt.s32 v43, v39;
	v8 =	vsub.f32 v8, v38;
	v13 =	vmul.u32 v33, v13  }
0x121: {  	v7 =	vsub.f32 v7, v37;
	vm10 =	vlt.s32 v12, v39;
	v17 =	vsel vm11, v43, v39  }
0x122: {  	v11 =	vmul.u32 v33, v17;
	v47 =	vsub.f32 $1.000000000e+00, v8;
	v13 =	vadd.s32 v36, v13  }
0x123: {  	v12 =	vsel vm10, v12, v39;
	v46 =	vsub.f32 $1.000000000e+00, v7;
	v49 =	vadd.s32 v42, v13  }
0x124: {  	v11 =	vadd.s32 v36, v11;
	v13 =	vadd.s32 v12, v13;
	v18 =	vmul.f32 v47, v7;
	[tilespmem:$0x6E0] =	vst v49  }
0x125: {  	v16 =	vadd.s32 v42, v11;
	v51 =	vmul.f32 v46, v8;
	[tilespmem:$0x700] =	vst v13;
	v7 =	vmul.f32 v8, v7;
	v8 =	vld [tilespmem:$0x300]  }
0x126: {  	v21 =	vadd.s32 $0x1, v52;
	v50 =	vmul.f32 v47, v46;
	v11 =	vadd.s32 v12, v11;
	[tilespmem:$0x720] =	vst v16  }
0x127: {  	vm14 =	vlt.s32 v20, v53;
	v58 =	vadd.s32 $0x1, v20;
	v56 =	vsel vm12, v52, v53;
	[tilespmem:$0x740] =	vst v11  }
0x128: {  	vm13 =	vlt.s32 v21, v53;
	v59 =	vsel vm14, v20, v53;
	v11 =	vmul.u32 v48, v56;
	[tilespmem:$0x187C0] =	vst v50  }
0x129: {  	vm15 =	vlt.s32 v58, v53;
	v9 =	vsub.f32 v9, v54;
	v57 =	vsel vm13, v21, v53;
	[tilespmem:$0x18850] =	vst v18  }
0x12a: {  	v10 =	vsub.f32 v10, v55;
	v14 =	vmul.u32 v48, v57;
	[tilespmem:$0x188E0] =	vst v51;
	v11 =	vadd.s32 v8, v11  }
0x12b: {  	v61 =	vsub.f32 $1.000000000e+00, v9;
	[tilespmem:$0x18970] =	vst v7;
	v7 =	vsel vm15, v58, v53;
	v60 =	vadd.s32 v59, v11  }
0x12c: {  	v62 =	vsub.f32 $1.000000000e+00, v10;
	v8 =	vadd.s32 v8, v14;
	v11 =	vadd.s32 v7, v11;
	[tilespmem:$0x6F0] =	vst v60  }
0x12d: {  	v63 =	vadd.s32 v59, v8;
	[tilespmem:$0x710] =	vst v11  }
0x12e: {  	v7 =	vadd.s32 v7, v8;
	v8 =	vmul.f32 v62, v61;
	[tilespmem:$0x730] =	vst v63  }
0x12f: {  	[tilespmem:$0x750] =	vst v7;
	v7 =	vmul.f32 v62, v9  }
.Ltmp2:
0x130: {  	[tilespmem:$0x187D0] =	vst v8;
	v8 =	vmul.f32 v61, v10;
	(pc) =	sbr.rel .LBB2_2-.Ltmp2, $4  }
0x131: {  	[tilespmem:$0x18860] =	vst v7;
	v7 =	vmul.f32 v10, v9  }
0x132: {  	[tilespmem:$0x188F0] =	vst v8  }
0x133: {  	s7 =	simm.s32 $0x0;
	[tilespmem:$0x18980] =	vst v7  }
0x134: {  	[tilespmem:s25], [sflag:$0x4] =	stream.indirect.gather [hbm4b:s5+s14], $0xC0, s24, s14, $0xb8;
	[tilespmem:$0x1E9C0] =	vst v63  }
.LBB2_3:
0x135: {  	s7 =	sadd.s32 $0x1, s7  }
.LBB2_21:
0x136: {  	p0 =	sne.s32 s7, $0x19  }
.Ltmp3:
0x137: {  	_ = 	snop;
	(pc) =	sbr.rel @!p0 .LBB2_22-.Ltmp3, $1  }
0x138: {  	_ =	sdelay $0x3  }
.LBB2_2:
0x139: {  	p0 =	slt.u32 s7, s6  }
.Ltmp4:
0x13a: {  	_ = 	snop;
	(pc) =	sbr.rel @!p0 .LBB2_3-.Ltmp4, $1  }
0x13b: {  	_ =	sdelay $0x3  }
0x13c: {  	s2 =	sshll.u32 s7, $0x1  }
0x13d: {  	_ =	swait.ge [sflag:s26], $0x6000;
	s2 =	sor.u32 s4, s2  }
0x13e: {  	p0 =	seq.s32 s7, $0x0;
	[sflag:s26] =	ssyncset.done $0x0;
	s8 =	smulhi.u32 $0x92492493, s2  }
0x13f: {  	s10 =	simm.s32 @!p0 $0x5;
	[sflag:s26] =	ssyncadd.s32 $0xFFFFA000  }
0x140: {  	_ =	swait.ge @!p0 [sflag:s10], $0x6000;
	s8 =	sshrl.u32 s8, $0x2  }
0x141: {  	[sflag:s10] =	ssyncset.done @!p0 $0x0;
	s9 =	smul.u32 $0xFFFFFFF9, s8  }
0x142: {  	s12 =	simm.s32 $0x0;
	[sflag:s10] =	ssyncadd.s32 @!p0 $0xFFFFA000  }
0x143: {  	s10 =	simm.s32 $0x18760;
	s9 =	sadd.s32 s2, s9;
	s2 =	simm.s32 $0x0  }
.LBB2_5:
0x144: {  	s15 =	sshra.s32 s2, $0x2;
	v7 =	vld.msk [tilespmem:s10+$0x0 ss:$0x0], $0xffff  }
0x145: {  	v8 =	vld [tilespmem:s15+$0x760]  }
0x146: {  	s17 =	sand.u32 $0x1F, s12;
	v10 =	vld [tilespmem:s15+$0x1F60]  }
0x147: {  	v9 =	vld.msk [tilespmem:s17+$0x187F0 ss:$0x0], $0xffff  }
0x148: {  	v12 =	vld [tilespmem:s15+$0x3760]  }
0x149: {  	v13 =	vld [tilespmem:s15+$0x4F60]  }
0x14a: {  	v18 =	vld.msk [tilespmem:s17+$0x18910 ss:$0x0], $0xffff  }
0x14b: {  	v14 =	vld [tilespmem:s15+$0x770]  }
0x14c: {  	v15 =	vld [tilespmem:s15+$0x1F70]  }
0x14d: {  	v16 =	vld [tilespmem:s15+$0x3770]  }
0x14e: {  	v17 =	vld [tilespmem:s15+$0x4F70]  }
0x14f: {  	v19 =	vld [tilespmem:s15+$0x780]  }
0x150: {  	v20 =	vld [tilespmem:s15+$0x1F80]  }
0x151: {  	v21 =	vld [tilespmem:s15+$0x3780]  }
0x152: {  	v22 =	vld [tilespmem:s15+$0x4F80]  }
0x153: {  	v23 =	vld [tilespmem:s15+$0x790]  }
0x154: {  	v24 =	vld [tilespmem:s15+$0x1F90]  }
0x155: {  	v25 =	vld [tilespmem:s15+$0x3790]  }
0x156: {  	v26 =	vld [tilespmem:s15+$0x4F90]  }
0x157: {  	v27 =	vld [tilespmem:s15+$0x7A0]  }
0x158: {  	v28 =	vld [tilespmem:s15+$0x1FA0]  }
0x159: {  	v30 =	vld [tilespmem:s15+$0x4FA0]  }
0x15a: {  	v32 =	vld [tilespmem:s15+$0x1FB0]  }
0x15b: {  	v47 =	vld [tilespmem:s15+$0x1FD0]  }
0x15c: {  	s18 =	sor.u32 $0x18880, s17;
	v59 =	vld [tilespmem:s15+$0x4FE0]  }
0x15d: {  	v11 =	vld.msk [tilespmem:s18+$0x0 ss:$0x0], $0xffff;
	v8 =	vmul.f32 v8, v7;
	v10 =	vmul.f32 v10, v9  }
0x15e: {  	v29 =	vld [tilespmem:s15+$0x37A0];
	v14 =	vmul.f32 v14, v7;
	v15 =	vmul.f32 v15, v9  }
0x15f: {  	v31 =	vld [tilespmem:s15+$0x7B0];
	v13 =	vmul.f32 v13, v18;
	v48 =	vmul.f32 v28, v9  }
0x160: {  	v33 =	vld [tilespmem:s15+$0x37B0];
	v50 =	vmul.f32 v32, v9;
	v52 =	vmul.f32 v26, v18  }
0x161: {  	v44 =	vld [tilespmem:s15+$0x1FC0];
	v58 =	vmul.f32 v30, v18;
	v60 =	vmul.f32 v47, v9  }
0x162: {  	v45 =	vld [tilespmem:s15+$0x7D0];
	v28 =	vmul.f32 v59, v18;
	v8 =	vadd.f32 v10, v8;
	v10 =	vmul.f32 v12, v11  }
0x163: {  	v53 =	vld [tilespmem:s15+$0x7E0];
	v46 =	vmul.f32 v25, v11;
	v14 =	vadd.f32 v15, v14;
	v15 =	vmul.f32 v16, v11  }
0x164: {  	v57 =	vld [tilespmem:s15+$0x37E0];
	v8 =	vadd.f32 v10, v8;
	v10 =	vmul.f32 v19, v7;
	v19 =	vmul.f32 v20, v9  }
0x165: {  	v62 =	vld [tilespmem:s15+$0x37F0];
	v54 =	vmul.f32 v29, v11;
	v14 =	vadd.f32 v15, v14;
	v15 =	vmul.f32 v17, v18  }
0x166: {  	v61 =	vld [tilespmem:s15+$0x1FF0];
	v8 =	vadd.f32 v13, v8;
	v10 =	vadd.f32 v19, v10;
	v13 =	vmul.f32 v21, v11  }
0x167: {  	v63 =	vld [tilespmem:s15+$0x4FF0];
	v21 =	vadd.f32 v15, v14;
	v14 =	vmul.f32 v23, v7;
	v15 =	vmul.f32 v24, v9  }
0x168: {  	v55 =	vmul.f32 v33, v11;
	v25 =	vmul.f32 v53, v7;
	v12 =	vld [tilespmem:s15+$0x4FB0];
	v10 =	vadd.f32 v13, v10  }
0x169: {  	v16 =	vld [tilespmem:s15+$0x7C0];
	v13 =	vmul.f32 v22, v18;
	v14 =	vadd.f32 v15, v14;
	v15 =	vmul.f32 v27, v7  }
0x16a: {  	v56 =	vld [tilespmem:s15+$0x1FE0];
	v30 =	vmul.f32 v62, v11;
	v20 =	vmul.f32 v57, v11  }
0x16b: {  	v17 =	vld [tilespmem:s15+$0x37C0];
	v10 =	vadd.f32 v13, v10;
	v13 =	vmul.f32 v31, v7;
	v15 =	vadd.f32 v48, v15  }
0x16c: {  	v49 =	vld [tilespmem:s15+$0x37D0];
	v24 =	vmul.f32 v61, v9;
	v23 =	vmul.f32 v63, v18;
	v14 =	vadd.f32 v46, v14  }
0x16d: {  	v51 =	vld [tilespmem:s15+$0x4FD0];
	v12 =	vmul.f32 v12, v18;
	v13 =	vadd.f32 v50, v13;
	v15 =	vadd.f32 v54, v15  }
0x16e: {  	v19 =	vld [tilespmem:s15+$0x4FC0];
	v22 =	vadd.f32 v52, v14;
	v14 =	vmul.f32 v16, v7;
	v16 =	vmul.f32 v44, v9  }
0x16f: {  	v48 =	vld [tilespmem:s15+$0x3800];
	v13 =	vadd.f32 v55, v13;
	v26 =	vadd.f32 v58, v15;
	v15 =	vmul.f32 v45, v7  }
0x170: {  	v44 =	vmul.f32 v56, v9;
	v14 =	vadd.f32 v16, v14;
	v16 =	vmul.f32 v17, v11  }
0x171: {  	v17 =	vld [tilespmem:s15+$0x7F0];
	v12 =	vadd.f32 v12, v13;
	v13 =	vadd.f32 v60, v15;
	v15 =	vmov s12  }
0x172: {  	v16 =	vadd.f32 v16, v14;
	v14 =	vmul.f32 v49, v11;
	v15 =	vand.u32 $0x1F, v15  }
0x173: {  	v19 =	vmul.f32 v19, v18;
	v45 =	vld [tilespmem:s15+$0x800];
	v25 =	vadd.f32 v44, v25;
	v34 =	vbroadcast v15, $0x0  }
0x174: {  	v36 =	vld [tilespmem:s15+$0x5000];
	v27 =	vmul.f32 v48, v11;
	v46 =	vadd.f32 v14, v13;
	v15 =	vmul.f32 v51, v18  }
0x175: {  	v49 =	vld [tilespmem:s15+$0x810];
	v13 =	vor.u32 $0x800, v6;
	v14 =	vor.u32 $0x1000, v6;
	v35 =	vor.u32 v6, v34  }
0x176: {  	v38 =	vld [tilespmem:s15+$0x2010];
	v19 =	vadd.f32 v19, v16;
	v17 =	vmul.f32 v17, v7;
	v37 =	vor.u32 v13, v34  }
0x177: {  	v47 =	vld [tilespmem:s15+$0x2000];
	v32 =	vadd.f32 v15, v46;
	v39 =	vor.u32 v14, v34;
	v15 =	vor.u32 $0x1800, v6  }
0x178: {  	v50 =	vld [tilespmem:s15+$0x3810];
	v16 =	vor.u32 $0x2000, v6;
	v29 =	vmul.f32 v45, v7;
	v41 =	vor.u32 v15, v34  }
0x179: {  	v51 =	vor.u32 v16, v34;
	v24 =	vadd.f32 v24, v17;
	v17 =	vor.u32 $0x2800, v6  }
0x17a: {  	v40 =	vld [tilespmem:s15+$0x5010];
	v31 =	vmul.f32 v49, v7;
	v7 =	vor.u32 $0x3000, v6;
	v52 =	vor.u32 v17, v34;
	[tilespmem:v35+s28+$0x0] =	vst.idx.msk $0xffff, v8  }
0x17b: {  	v20 =	vadd.f32 v20, v25;
	v53 =	vor.u32 v7, v34;
	[tilespmem:v37+s28+$0x0] =	vst.idx.msk $0xffff, v21  }
0x17c: {  	[tilespmem:v39+s28+$0x0] =	vst.idx.msk $0xffff, v10;
	v10 =	vmul.f32 v47, v9;
	v9 =	vmul.f32 v38, v9  }
0x17d: {  	v60 =	vmul.f32 v36, v18;
	v25 =	vmul.f32 v50, v11;
	v8 =	vor.u32 $0x3800, v6;
	[tilespmem:v41+s28+$0x0] =	vst.idx.msk $0xffff, v22  }
0x17e: {  	v54 =	vor.u32 v8, v34;
	[tilespmem:v51+s28+$0x0] =	vst.idx.msk $0xffff, v26;
	v57 =	vadd.f32 v9, v31;
	v9 =	vor.u32 $0x4000, v6  }
0x17f: {  	v56 =	vadd.f32 v10, v29;
	v10 =	vor.u32 $0x4800, v6;
	[tilespmem:v52+s28+$0x0] =	vst.idx.msk $0xffff, v12;
	v58 =	vor.u32 v9, v34  }
0x180: {  	v11 =	vor.u32 $0x5000, v6;
	v20 =	vadd.f32 v28, v20;
	[tilespmem:v53+s28+$0x0] =	vst.idx.msk $0xffff, v19;
	v19 =	vor.u32 v10, v34  }
0x181: {  	v59 =	vor.u32 v11, v34;
	v55 =	vadd.f32 v30, v24;
	v12 =	vor.u32 $0x5800, v6  }
0x182: {  	p0 =	sne.s32 s2, $0x5D00;
	v18 =	vmul.f32 v40, v18;
	v24 =	vadd.f32 v27, v56;
	v61 =	vor.u32 v12, v34  }
.Ltmp5:
0x183: {  	v22 =	vadd.f32 v23, v55;
	v62 =	vadd.f32 v25, v57;
	[tilespmem:v54+s28+$0x0] =	vst.idx.msk $0xffff, v32;
	(pc) =	sbr.rel @p0 .LBB2_5-.Ltmp5, $4  }
0x184: {  	v63 =	vadd.f32 v60, v24;
	[tilespmem:v58+s28+$0x0] =	vst.idx.msk $0xffff, v20  }
0x185: {  	v18 =	vadd.f32 v18, v62;
	[tilespmem:v19+s28+$0x0] =	vst.idx.msk $0xffff, v22  }
0x186: {  	[tilespmem:v59+s28+$0x0] =	vst.idx.msk $0xffff, v63  }
0x187: {  	s10 =	sadd.s32 $0x1, s10;
	s2 =	sadd.s32 $0x300, s2;
	s12 =	sadd.s32 $0x1, s12;
	[tilespmem:v61+s28+$0x0] =	vst.idx.msk $0xffff, v18  }
0x188: {  	s7 =	sadd.s32 $0x1, s7  }
0x189: {  	p0 =	sge.u32 s7, s6  }
.Ltmp6:
0x18a: {  	_ = 	snop;
	(pc) =	sbr.rel @p0 .LBB2_8-.Ltmp6, $3  }
0x18b: {  	_ =	sdelay $0x1  }
0x18c: {  	s2 =	sshll.u32 s7, $0x1  }
0x18d: {  	s10 =	sor.u32 s4, s2  }
0x18e: {  	v18 =	vld [tilespmem:$0x440]  }
0x18f: {  	v19 =	vld [tilespmem:$0x4D0]  }
0x190: {  	s2 =	smulhi.u32 $0x92492493, s10;
	v22 =	vld [tilespmem:$0x320]  }
0x191: {  	v23 =	vld [tilespmem:$0x3B0]  }
0x192: {  	v24 =	vld [tilespmem:$0x200];
	s2 =	sshrl.u32 s2, $0x2  }
0x193: {  	s12 =	smul.u32 $0xFFFFFFF9, s2;
	v21 =	vld.msk [tilespmem:s2+$0x189A0 ss:$0x0], $0xffff  }
0x194: {  	v31 =	vld [tilespmem:$0x4E0]  }
0x195: {  	v34 =	vld [tilespmem:$0x3C0];
	s12 =	sadd.s32 s10, s12  }
0x196: {  	v20 =	vld.msk [tilespmem:s12+$0x189A0 ss:$0x0], $0xffff  }
0x197: {  	v28 =	vld [tilespmem:$0x450]  }
0x198: {  	v33 =	vld [tilespmem:$0x330];
	v19 =	vmul.f32 v19, v21  }
0x199: {  	v46 =	vld [tilespmem:$0x210];
	v21 =	vmul.f32 v31, v21  }
0x19a: {  	v19 =	vadd.f32 v19, v23  }
0x19b: {  	v21 =	vadd.f32 v21, v34;
	v18 =	vmul.f32 v18, v20  }
0x19c: {  	v26 =	vadd.s32 $0xFFFFFFFF, v24;
	v20 =	vmul.f32 v28, v20;
	v23 =	vtrunc.f32 v19  }
0x19d: {  	v50 =	vtrunc.f32 v21;
	v18 =	vadd.f32 v18, v22;
	v23 =	vcvt.f32.s32 v23  }
0x19e: {  	v53 =	vadd.s32 $0xFFFFFFFF, v46;
	v20 =	vadd.f32 v20, v33;
	v52 =	vcvt.f32.s32 v50  }
0x19f: {  	v22 =	vtrunc.f32 v18;
	v29 =	vcvt.s32.f32 v23;
	vm10 =	vlt.s32 v23, v26  }
0x1a0: {  	v25 =	vld [tilespmem:$0x290];
	v32 =	vadd.s32 $0x1, v23;
	v49 =	vtrunc.f32 v20;
	v55 =	vcvt.s32.f32 v52  }
0x1a1: {  	vm12 =	vlt.s32 v52, v53;
	v22 =	vcvt.f32.s32 v22;
	v23 =	vsel vm10, v23, v26  }
0x1a2: {  	vm11 =	vlt.s32 v32, v26;
	v31 =	vcvt.f32.s32 v49;
	v56 =	vsel vm12, v52, v53  }
0x1a3: {  	v23 =	vmul.u32 v24, v23;
	v27 =	vcvt.s32.f32 v22;
	vm0 =	vlt.s32 v22, v26  }
0x1a4: {  	v19 =	vsub.f32 v19, v29;
	v54 =	vcvt.s32.f32 v31;
	v30 =	vsel vm0, v22, v26  }
0x1a5: {  	v22 =	vadd.s32 $0x1, v22;
	v23 =	vadd.s32 v25, v23;
	v18 =	vsub.f32 v18, v27  }
0x1a6: {  	v45 =	vsub.f32 $1.000000000e+00, v19;
	vm1 =	vlt.s32 v22, v26;
	v47 =	vadd.s32 v30, v23  }
0x1a7: {  	v22 =	vsel vm1, v22, v26;
	v26 =	vsel vm11, v32, v26;
	v44 =	vsub.f32 $1.000000000e+00, v18  }
0x1a8: {  	[tilespmem:$0x560] =	vst v47;
	v24 =	vmul.u32 v24, v26;
	v23 =	vadd.s32 v22, v23;
	v27 =	vmul.f32 v45, v18  }
0x1a9: {  	v21 =	vsub.f32 v21, v55;
	v18 =	vmul.f32 v19, v18;
	[tilespmem:$0x580] =	vst v23;
	v51 =	vmul.f32 v44, v19;
	v19 =	vld [tilespmem:$0x2A0]  }
0x1aa: {  	vm14 =	vlt.s32 v31, v53;
	v32 =	vadd.s32 $0x1, v52;
	v24 =	vadd.s32 v25, v24;
	[tilespmem:$0x187F0] =	vst v27  }
0x1ab: {  	v58 =	vadd.s32 $0x1, v31;
	vm13 =	vlt.s32 v32, v53;
	[tilespmem:$0x18910] =	vst v18;
	v22 =	vadd.s32 v22, v24  }
0x1ac: {  	v48 =	vmul.f32 v45, v44;
	v30 =	vadd.s32 v30, v24;
	[tilespmem:$0x5C0] =	vst v22;
	v22 =	vmul.u32 v46, v56  }
0x1ad: {  	v59 =	vsel vm14, v31, v53;
	vm15 =	vlt.s32 v58, v53;
	v57 =	vsel vm13, v32, v53;
	[tilespmem:$0x5A0] =	vst v30  }
0x1ae: {  	v20 =	vsub.f32 v20, v54;
	v25 =	vmul.u32 v46, v57;
	[tilespmem:$0x18760] =	vst v48;
	v22 =	vadd.s32 v19, v22  }
0x1af: {  	v62 =	vsub.f32 $1.000000000e+00, v21;
	v18 =	vsel vm15, v58, v53;
	[tilespmem:$0x18880] =	vst v51;
	v60 =	vadd.s32 v59, v22  }
0x1b0: {  	v61 =	vsub.f32 $1.000000000e+00, v20;
	v19 =	vadd.s32 v19, v25;
	v22 =	vadd.s32 v18, v22;
	[tilespmem:$0x570] =	vst v60  }
0x1b1: {  	v63 =	vadd.s32 v59, v19;
	[tilespmem:$0x590] =	vst v22  }
0x1b2: {  	v18 =	vadd.s32 v18, v19;
	v19 =	vmul.f32 v62, v61;
	[tilespmem:$0x5B0] =	vst v63  }
0x1b3: {  	[tilespmem:$0x5D0] =	vst v18;
	v18 =	vmul.f32 v62, v20  }
0x1b4: {  	[tilespmem:$0x18770] =	vst v19;
	v19 =	vmul.f32 v61, v21  }
0x1b5: {  	[tilespmem:$0x18800] =	vst v18;
	v18 =	vmul.f32 v21, v20  }
0x1b6: {  	[tilespmem:$0x18890] =	vst v19  }
0x1b7: {  	s18 =	simm.s32 $0x560;
	s19 =	simm.s32 $0x760;
	[tilespmem:$0x18920] =	vst v18  }
0x1b8: {  	[tilespmem:s19], [sflag:$0x1] =	stream.indirect.gather [hbm4b:s5+s14], $0xC0, s18, s14, $0xb8;
	[tilespmem:$0x1E9C0] =	vst v63  }
.LBB2_8:
0x1b9: {  	_ =	swait.ge [sflag:s29], $0x6000  }
0x1ba: {  	[sflag:s29] =	ssyncset.done $0x0  }
0x1bb: {  	s12 =	simm.s32 $0x18780;
	[sflag:s29] =	ssyncadd.s32 $0xFFFFA000  }
0x1bc: {  	s2 =	simm.s32 $0x0;
	v19 =	vld.msk [tilespmem:s12+$0x0 ss:$0x0], $0xffff  }
0x1bd: {  	v23 =	vld [tilespmem:s2+$0xAF70]  }
0x1be: {  	v20 =	vld [tilespmem:s2+$0xAFE0]  }
0x1bf: {  	v25 =	vld [tilespmem:s2+$0xAF80]  }
0x1c0: {  	v28 =	vld [tilespmem:s2+$0x67A0]  }
0x1c1: {  	v26 =	vld [tilespmem:s2+$0xAF60]  }
0x1c2: {  	v33 =	vld [tilespmem:s2+$0x97B0]  }
0x1c3: {  	v44 =	vld [tilespmem:s2+$0xAFD0]  }
0x1c4: {  	v24 =	vld [tilespmem:s2+$0x6780]  }
0x1c5: {  	v27 =	vld [tilespmem:s2+$0x7FE0]  }
0x1c6: {  	v37 =	vld [tilespmem:s2+$0xB010]  }
0x1c7: {  	v34 =	vld [tilespmem:s2+$0x9780]  }
0x1c8: {  	v36 =	vld [tilespmem:s2+$0x7F60]  }
0x1c9: {  	v29 =	vld [tilespmem:s2+$0x6760]  }
0x1ca: {  	v31 =	vld [tilespmem:s2+$0x6800]  }
0x1cb: {  	v35 =	vld [tilespmem:s2+$0x67F0]  }
0x1cc: {  	v48 =	vld [tilespmem:s2+$0x7F80]  }
0x1cd: {  	v39 =	vld [tilespmem:s2+$0x9770]  }
0x1ce: {  	v30 =	vld [tilespmem:s2+$0x67E0]  }
0x1cf: {  	v41 =	vld [tilespmem:s2+$0x97D0]  }
0x1d0: {  	v40 =	vld [tilespmem:s2+$0x67B0]  }
0x1d1: {  	s15 =	simm.s32 $0x0;
	v38 =	vld [tilespmem:s2+$0x6790]  }
0x1d2: {  	s17 =	sand.u32 $0x1F, s15;
	v42 =	vld [tilespmem:s2+$0x67D0]  }
0x1d3: {  	s18 =	simm.s32 $0x20;
	v21 =	vld.msk [tilespmem:s17+$0x18930 ss:$0x0], $0xffff  }
0x1d4: {  	v18 =	vmov s18;
	v45 =	vld [tilespmem:s2+$0x67C0]  }
0x1d5: {  	v18 =	vand.u32 $0x3F, v18;
	v47 =	vld [tilespmem:s2+$0xAF90]  }
0x1d6: {  	s19 =	sor.u32 $0x188A0, s17;
	v49 =	vld [tilespmem:s2+$0x7FB0];
	v18 =	vbroadcast v18, $0x0  }
0x1d7: {  	v22 =	vld.msk [tilespmem:s19+$0x0 ss:$0x0], $0xffff;
	v50 =	vmul.f32 v24, v19;
	v32 =	vmul.f32 v30, v19  }
0x1d8: {  	v43 =	vld [tilespmem:s2+$0x7F90];
	v54 =	vmul.f32 v29, v19;
	v24 =	vmul.f32 v31, v19  }
0x1d9: {  	v57 =	vld [tilespmem:s2+$0x97A0];
	v52 =	vmul.f32 v38, v19;
	v38 =	vmul.f32 v35, v19  }
0x1da: {  	v58 =	vld [tilespmem:s2+$0x6770];
	v29 =	vmul.f32 v40, v19;
	v26 =	vmul.f32 v26, v21  }
0x1db: {  	v30 =	vld.msk [tilespmem:s17+$0x18810 ss:$0x0], $0xffff;
	v56 =	vmul.f32 v28, v19;
	v31 =	vmul.f32 v25, v21  }
0x1dc: {  	v53 =	vld [tilespmem:s2+$0x7FA0];
	v40 =	vmul.f32 v23, v21;
	v35 =	vmul.f32 v34, v22  }
0x1dd: {  	v55 =	vld [tilespmem:s2+$0x9790];
	v33 =	vmul.f32 v33, v22;
	v60 =	vmul.f32 v42, v19  }
0x1de: {  	v0 =	vld [tilespmem:s2+$0x7FD0];
	v51 =	vmul.f32 v45, v19;
	v46 =	vmul.f32 v39, v22  }
0x1df: {  	v59 =	vld [tilespmem:s2+$0x7F70];
	v1 =	vmul.f32 v57, v22;
	v37 =	vmul.f32 v37, v21  }
0x1e0: {  	v62 =	vld [tilespmem:s2+$0x7FC0];
	v23 =	vor.u32 v17, v18;
	v58 =	vmul.f32 v58, v19;
	v34 =	vmul.f32 v43, v30  }
0x1e1: {  	v3 =	vld [tilespmem:s2+$0x7FF0];
	v25 =	vor.u32 v16, v18;
	v43 =	vmul.f32 v41, v22;
	v61 =	vmul.f32 v36, v30  }
0x1e2: {  	v28 =	vor.u32 v15, v18;
	v57 =	vld [tilespmem:s2+$0xAFB0];
	v45 =	vmul.f32 v53, v30;
	v36 =	vmul.f32 v47, v21  }
0x1e3: {  	v39 =	vor.u32 v13, v18;
	v41 =	vld [tilespmem:s2+$0xAFA0];
	v42 =	vmul.f32 v49, v30;
	v0 =	vmul.f32 v0, v30  }
0x1e4: {  	v53 =	vld [tilespmem:s2+$0x97C0];
	v56 =	vadd.f32 v45, v56;
	v47 =	vadd.f32 v61, v54;
	v61 =	vmul.f32 v48, v30  }
0x1e5: {  	v63 =	vadd.f32 v34, v52;
	v52 =	vmul.f32 v59, v30;
	v59 =	vmul.f32 v55, v22;
	v55 =	vld [tilespmem:s2+$0xAFC0]  }
0x1e6: {  	v34 =	vor.u32 v14, v18;
	v54 =	vld [tilespmem:s2+$0x97E0];
	v48 =	vadd.f32 v1, v56;
	v49 =	vadd.f32 v61, v50  }
0x1e7: {  	v61 =	vmul.f32 v62, v30;
	v50 =	vmul.f32 v44, v21;
	v56 =	vld [tilespmem:s2+$0x9760];
	v44 =	vadd.f32 v59, v63  }
0x1e8: {  	s17 =	simm.s32 $0x300;
	v59 =	vadd.f32 v0, v60;
	v60 =	vmul.f32 v3, v30;
	v45 =	vmul.f32 v41, v21;
	v41 =	vld [tilespmem:s2+$0x97F0]  }
.LBB2_9:
0x1e9: {  	p1 =	sne.s32 s17, $0x5D00;
	v0 =	vadd.f32 v61, v51;
	v1 =	vmul.f32 v53, v22;
	v3 =	vmul.f32 v27, v30;
	v27 =	vld [tilespmem:s2+$0x8010];
	s15 =	sadd.s32 $0x1, s15;
	s12 =	sadd.s32 $0x1, s12  }
0x1ea: {  	v51 =	vadd.f32 v52, v58;
	s18 =	smov.u32 s17;
	s17 =	sadd.s32 $0x300, s17;
	s19 =	sadd.s32 $0x20, s15;
	v52 =	vmul.f32 v57, v21;
	v53 =	vld [tilespmem:s2+$0x6810];
	v57 =	vor.u32 v6, v18  }
0x1eb: {  	v38 =	vadd.f32 v60, v38;
	v0 =	vadd.f32 v1, v0;
	v1 =	vmul.f32 v55, v21;
	v55 =	vld [tilespmem:s2+$0x9810]  }
0x1ec: {  	v43 =	vadd.f32 v43, v59;
	v46 =	vadd.f32 v46, v51;
	v51 =	vmul.f32 v54, v22;
	v54 =	vld [tilespmem:s2+$0x8000]  }
0x1ed: {  	v20 =	vmul.f32 v20, v21;
	v3 =	vadd.f32 v3, v32;
	v56 =	vmul.f32 v56, v22;
	v32 =	vld [tilespmem:s2+$0xAFF0]  }
0x1ee: {  	v40 =	vadd.f32 v40, v46;
	v0 =	vadd.f32 v1, v0;
	v1 =	vld [tilespmem:s2+$0x9800];
	v27 =	vmul.f32 v27, v30  }
0x1ef: {  	v3 =	vadd.f32 v51, v3;
	v46 =	vadd.f32 v56, v47;
	v19 =	vmul.f32 v53, v19  }
0x1f0: {  	v45 =	vadd.f32 v45, v48;
	v43 =	vadd.f32 v50, v43;
	v47 =	vmul.f32 v55, v22  }
0x1f1: {  	v35 =	vadd.f32 v35, v49;
	v30 =	vmul.f32 v54, v30;
	v48 =	vld [tilespmem:s2+$0xB000];
	v19 =	vadd.f32 v27, v19  }
0x1f2: {  	v3 =	vadd.f32 v20, v3;
	v27 =	vadd.f32 v42, v29;
	v20 =	vmul.f32 v32, v21  }
0x1f3: {  	v29 =	vadd.f32 v31, v35;
	v24 =	vadd.f32 v30, v24;
	v1 =	vmul.f32 v1, v22  }
0x1f4: {  	v30 =	vmov s19;
	v27 =	vadd.f32 v33, v27;
	v19 =	vadd.f32 v47, v19  }
0x1f5: {  	v26 =	vadd.f32 v26, v46;
	v31 =	vadd.f32 v36, v44;
	v22 =	vmul.f32 v41, v22  }
0x1f6: {  	v27 =	vadd.f32 v52, v27;
	v19 =	vadd.f32 v37, v19;
	v21 =	vmul.f32 v48, v21  }
0x1f7: {  	v30 =	vand.u32 $0x3F, v30;
	[tilespmem:v57+s28+$0x0] =	vst.idx.msk $0xffff, v26;
	v26 =	vor.u32 v7, v18  }
0x1f8: {  	v32 =	vor.u32 v8, v18;
	v30 =	vbroadcast v30, $0x0;
	v22 =	vadd.f32 v22, v38;
	[tilespmem:v39+s28+$0x0] =	vst.idx.msk $0xffff, v40  }
0x1f9: {  	v1 =	vadd.f32 v1, v24;
	v24 =	vor.u32 v9, v18;
	[tilespmem:v34+s28+$0x0] =	vst.idx.msk $0xffff, v29  }
0x1fa: {  	v20 =	vadd.f32 v20, v22;
	v22 =	vor.u32 v10, v18;
	[tilespmem:v28+s28+$0x0] =	vst.idx.msk $0xffff, v31  }
0x1fb: {  	v1 =	vadd.f32 v21, v1;
	v21 =	vor.u32 v11, v18;
	[tilespmem:v25+s28+$0x0] =	vst.idx.msk $0xffff, v45  }
0x1fc: {  	[tilespmem:v23+s28+$0x0] =	vst.idx.msk $0xffff, v27;
	v23 =	vor.u32 v12, v18;
	v18 =	vmov v30  }
0x1fd: {  	[tilespmem:v26+s28+$0x0] =	vst.idx.msk $0xffff, v0  }
0x1fe: {  	[tilespmem:v32+s28+$0x0] =	vst.idx.msk $0xffff, v43  }
0x1ff: {  	[tilespmem:v24+s28+$0x0] =	vst.idx.msk $0xffff, v3  }
0x200: {  	[tilespmem:v22+s28+$0x0] =	vst.idx.msk $0xffff, v20  }
0x201: {  	[tilespmem:v21+s28+$0x0] =	vst.idx.msk $0xffff, v1  }
0x202: {  	[tilespmem:v23+s28+$0x0] =	vst.idx.msk $0xffff, v19;
	_ =	sdelay $0x2  }
0x203: {  	s2 =	sshra.s32 s18, $0x2;
	v19 =	vld.msk [tilespmem:s12+$0x0 ss:$0x0], $0xffff  }
0x204: {  	v0 =	vld [tilespmem:s2+$0xAF70]  }
0x205: {  	v20 =	vld [tilespmem:s2+$0xAFE0]  }
0x206: {  	v1 =	vld [tilespmem:s2+$0xAF80]  }
0x207: {  	v3 =	vld [tilespmem:s2+$0x67A0]  }
0x208: {  	v23 =	vld [tilespmem:s2+$0xAF60]  }
0x209: {  	v25 =	vld [tilespmem:s2+$0x97B0]  }
0x20a: {  	v44 =	vld [tilespmem:s2+$0xAFD0]  }
0x20b: {  	v21 =	vld [tilespmem:s2+$0x6780]  }
0x20c: {  	v27 =	vld [tilespmem:s2+$0x7FE0]  }
0x20d: {  	v37 =	vld [tilespmem:s2+$0xB010]  }
0x20e: {  	v28 =	vld [tilespmem:s2+$0x9780]  }
0x20f: {  	v34 =	vld [tilespmem:s2+$0x7F60]  }
0x210: {  	v22 =	vld [tilespmem:s2+$0x6760];
	v49 =	vmul.f32 v21, v19  }
0x211: {  	v24 =	vld [tilespmem:s2+$0x6800]  }
0x212: {  	v26 =	vld [tilespmem:s2+$0x67F0]  }
0x213: {  	v48 =	vld [tilespmem:s2+$0x7F80]  }
0x214: {  	v36 =	vld [tilespmem:s2+$0x9770]  }
0x215: {  	v29 =	vld [tilespmem:s2+$0x67E0]  }
0x216: {  	s18 =	sand.u32 $0x1F, s15;
	v33 =	vld [tilespmem:s2+$0x97D0]  }
0x217: {  	s19 =	sor.u32 $0x188A0, s18;
	v30 =	vld [tilespmem:s2+$0x67B0]  }
0x218: {  	v31 =	vld [tilespmem:s2+$0x6790]  }
0x219: {  	v39 =	vld [tilespmem:s2+$0x67D0]  }
0x21a: {  	v21 =	vld.msk [tilespmem:s18+$0x18930 ss:$0x0], $0xffff;
	v32 =	vmul.f32 v29, v19  }
0x21b: {  	v41 =	vld [tilespmem:s2+$0x67C0]  }
0x21c: {  	v47 =	vmul.f32 v22, v19;
	v24 =	vmul.f32 v24, v19;
	v42 =	vld [tilespmem:s2+$0xAF90]  }
0x21d: {  	v38 =	vmul.f32 v26, v19;
	v45 =	vmul.f32 v31, v19;
	v50 =	vld [tilespmem:s2+$0x7FB0]  }
0x21e: {  	v29 =	vmul.f32 v30, v19;
	v22 =	vld.msk [tilespmem:s19+$0x0 ss:$0x0], $0xffff  }
0x21f: {  	v30 =	vld.msk [tilespmem:s18+$0x18810 ss:$0x0], $0xffff  }
0x220: {  	v43 =	vld [tilespmem:s2+$0x7F90]  }
0x221: {  	v26 =	vmul.f32 v23, v21;
	v52 =	vld [tilespmem:s2+$0x7FA0]  }
0x222: {  	v3 =	vmul.f32 v3, v19;
	v54 =	vld [tilespmem:s2+$0x9790]  }
0x223: {  	v31 =	vmul.f32 v1, v21;
	v1 =	vld [tilespmem:s2+$0x97A0]  }
0x224: {  	v40 =	vmul.f32 v0, v21;
	v35 =	vmul.f32 v28, v22;
	v55 =	vld [tilespmem:s2+$0x6770]  }
0x225: {  	v23 =	vor.u32 v17, v18;
	v0 =	vld [tilespmem:s2+$0x7F70];
	v53 =	vmul.f32 v43, v30;
	v43 =	vmul.f32 v33, v22  }
0x226: {  	v59 =	vmul.f32 v39, v19;
	v33 =	vmul.f32 v25, v22;
	v25 =	vor.u32 v16, v18;
	v56 =	vld [tilespmem:s2+$0xAFA0]  }
0x227: {  	v51 =	vmul.f32 v41, v19;
	v28 =	vor.u32 v15, v18;
	v57 =	vmul.f32 v34, v30;
	v60 =	vld [tilespmem:s2+$0x7FC0]  }
0x228: {  	v46 =	vmul.f32 v36, v22;
	v39 =	vmul.f32 v52, v30;
	v62 =	vadd.f32 v53, v45;
	v61 =	vld [tilespmem:s2+$0x7FD0]  }
0x229: {  	v36 =	vmul.f32 v42, v21;
	v34 =	vor.u32 v14, v18;
	v1 =	vmul.f32 v1, v22;
	v53 =	vld [tilespmem:s2+$0x97C0]  }
0x22a: {  	v42 =	vmul.f32 v50, v30;
	v52 =	vmul.f32 v0, v30;
	v0 =	vadd.f32 v39, v3;
	v3 =	vld [tilespmem:s2+$0x7FF0]  }
.Ltmp7:
0x22b: {  	v63 =	vmul.f32 v54, v22;
	v39 =	vor.u32 v13, v18;
	v45 =	vmul.f32 v56, v21;
	v41 =	vld [tilespmem:s2+$0x97F0];
	(pc) =	sbr.rel @p1 .LBB2_9-.Ltmp7, $4  }
0x22c: {  	v37 =	vmul.f32 v37, v21;
	v50 =	vmul.f32 v48, v30;
	v47 =	vadd.f32 v57, v47;
	v57 =	vld [tilespmem:s2+$0xAFB0]  }
0x22d: {  	v58 =	vmul.f32 v55, v19;
	v48 =	vadd.f32 v1, v0;
	v55 =	vld [tilespmem:s2+$0xAFC0];
	v0 =	vmul.f32 v61, v30  }
0x22e: {  	v49 =	vadd.f32 v50, v49;
	v50 =	vmul.f32 v44, v21;
	v61 =	vmul.f32 v60, v30;
	v54 =	vld [tilespmem:s2+$0x97E0]  }
0x22f: {  	v44 =	vadd.f32 v63, v62;
	v56 =	vld [tilespmem:s2+$0x9760];
	v59 =	vadd.f32 v0, v59;
	v60 =	vmul.f32 v3, v30  }
0x230: {  	v0 =	vadd.f32 v61, v51;
	v1 =	vmul.f32 v53, v22;
	v62 =	vadd.f32 v52, v58  }
0x231: {  	v3 =	vld [tilespmem:s2+$0x8010];
	v27 =	vmul.f32 v27, v30;
	v45 =	vadd.f32 v45, v48;
	v20 =	vmul.f32 v20, v21  }
0x232: {  	v53 =	vld [tilespmem:s2+$0x6810];
	v35 =	vadd.f32 v35, v49;
	v58 =	vor.u32 v7, v18;
	v52 =	vmul.f32 v57, v21  }
0x233: {  	v51 =	vld [tilespmem:s2+$0x8000];
	v57 =	vor.u32 v6, v18;
	v38 =	vadd.f32 v60, v38;
	v43 =	vadd.f32 v43, v59  }
0x234: {  	v60 =	vld [tilespmem:s2+$0x9810];
	v59 =	vmul.f32 v41, v22;
	v0 =	vadd.f32 v1, v0;
	v1 =	vmul.f32 v55, v21  }
0x235: {  	v46 =	vadd.f32 v46, v62;
	v27 =	vadd.f32 v27, v32;
	v63 =	vmul.f32 v56, v22  }
0x236: {  	v62 =	vld [tilespmem:s2+$0xAFF0];
	v31 =	vadd.f32 v31, v35;
	v54 =	vmul.f32 v54, v22;
	v43 =	vadd.f32 v50, v43  }
0x237: {  	v0 =	vadd.f32 v1, v0;
	v1 =	vmul.f32 v3, v30;
	v3 =	vadd.f32 v63, v47  }
0x238: {  	v61 =	vadd.f32 v40, v46;
	v27 =	vadd.f32 v54, v27;
	v19 =	vmul.f32 v53, v19  }
0x239: {  	v51 =	vmul.f32 v51, v30;
	v53 =	vmul.f32 v60, v22;
	v3 =	vadd.f32 v26, v3  }
0x23a: {  	v63 =	vld [tilespmem:s2+$0x9800];
	v60 =	vor.u32 v8, v18;
	v1 =	vadd.f32 v1, v19;
	v19 =	vadd.f32 v42, v29  }
0x23b: {  	v54 =	vld [tilespmem:s2+$0xB000];
	v20 =	vadd.f32 v20, v27;
	v55 =	vmul.f32 v62, v21;
	[tilespmem:v57+s28+$0x0] =	vst.idx.msk $0xffff, v3  }
0x23c: {  	v19 =	vadd.f32 v33, v19;
	v3 =	vadd.f32 v36, v44;
	[tilespmem:v39+s28+$0x0] =	vst.idx.msk $0xffff, v61  }
0x23d: {  	v24 =	vadd.f32 v51, v24;
	v62 =	vor.u32 v10, v18;
	[tilespmem:v34+s28+$0x0] =	vst.idx.msk $0xffff, v31  }
0x23e: {  	v19 =	vadd.f32 v52, v19;
	v61 =	vor.u32 v9, v18;
	[tilespmem:v28+s28+$0x0] =	vst.idx.msk $0xffff, v3  }
0x23f: {  	v56 =	vmul.f32 v63, v22;
	v22 =	vadd.f32 v59, v38;
	[tilespmem:v25+s28+$0x0] =	vst.idx.msk $0xffff, v45  }
0x240: {  	v63 =	vor.u32 v11, v18;
	v18 =	vor.u32 v12, v18;
	[tilespmem:v23+s28+$0x0] =	vst.idx.msk $0xffff, v19  }
0x241: {  	v3 =	vmul.f32 v54, v21;
	v19 =	vadd.f32 v56, v24;
	[tilespmem:v58+s28+$0x0] =	vst.idx.msk $0xffff, v0  }
.Ltmp8:
0x242: {  	v0 =	vadd.f32 v53, v1;
	v1 =	vadd.f32 v55, v22;
	[tilespmem:v60+s28+$0x0] =	vst.idx.msk $0xffff, v43;
	(pc) =	sbr.rel @p0 .LBB2_12-.Ltmp8, $4  }
0x243: {  	v3 =	vadd.f32 v3, v19;
	[tilespmem:v61+s28+$0x0] =	vst.idx.msk $0xffff, v20  }
0x244: {  	v0 =	vadd.f32 v37, v0;
	[tilespmem:v62+s28+$0x0] =	vst.idx.msk $0xffff, v1  }
0x245: {  	[tilespmem:v63+s28+$0x0] =	vst.idx.msk $0xffff, v3  }
0x246: {  	[tilespmem:v18+s28+$0x0] =	vst.idx.msk $0xffff, v0  }
0x247: {  	v0 =	vld [tilespmem:$0x460]  }
0x248: {  	v1 =	vld [tilespmem:$0x4F0]  }
0x249: {  	s2 =	smulhi.u32 $0x92492493, s10;
	v19 =	vld [tilespmem:$0x340]  }
0x24a: {  	v20 =	vld [tilespmem:$0x3D0]  }
0x24b: {  	v21 =	vld [tilespmem:$0x220];
	s2 =	sshrl.u32 s2, $0x2  }
0x24c: {  	s12 =	smul.u32 $0xFFFFFFF9, s2;
	v18 =	vld.msk [tilespmem:s2+$0x189A0 ss:$0x0], $0xffff  }
0x24d: {  	v28 =	vld [tilespmem:$0x500]  }
0x24e: {  	v31 =	vld [tilespmem:$0x3E0];
	s12 =	sadd.s32 s10, s12  }
0x24f: {  	v3 =	vld.msk [tilespmem:s12+$0x189A0 ss:$0x0], $0xffff  }
0x250: {  	v25 =	vld [tilespmem:$0x470]  }
0x251: {  	v30 =	vld [tilespmem:$0x350];
	v1 =	vmul.f32 v1, v18  }
0x252: {  	v48 =	vld [tilespmem:$0x230];
	v18 =	vmul.f32 v28, v18  }
0x253: {  	v1 =	vadd.f32 v1, v20  }
0x254: {  	v18 =	vadd.f32 v18, v31;
	v0 =	vmul.f32 v0, v3  }
0x255: {  	v23 =	vadd.s32 $0xFFFFFFFF, v21;
	v3 =	vmul.f32 v25, v3;
	v20 =	vtrunc.f32 v1  }
0x256: {  	v52 =	vtrunc.f32 v18;
	v0 =	vadd.f32 v0, v19;
	v20 =	vcvt.f32.s32 v20  }
0x257: {  	v55 =	vadd.s32 $0xFFFFFFFF, v48;
	v3 =	vadd.f32 v3, v30;
	v54 =	vcvt.f32.s32 v52  }
0x258: {  	v19 =	vtrunc.f32 v0;
	v26 =	vcvt.s32.f32 v20;
	vm10 =	vlt.s32 v20, v23  }
0x259: {  	v29 =	vadd.s32 $0x1, v20;
	v51 =	vtrunc.f32 v3;
	v57 =	vcvt.s32.f32 v54  }
0x25a: {  	v22 =	vld [tilespmem:$0x2B0];
	vm12 =	vlt.s32 v54, v55;
	v19 =	vcvt.f32.s32 v19;
	v20 =	vsel vm10, v20, v23  }
0x25b: {  	vm11 =	vlt.s32 v29, v23;
	v28 =	vcvt.f32.s32 v51;
	v1 =	vsub.f32 v1, v26  }
0x25c: {  	v20 =	vmul.u32 v21, v20;
	v24 =	vcvt.s32.f32 v19;
	vm0 =	vlt.s32 v19, v23  }
0x25d: {  	v18 =	vsub.f32 v18, v57;
	v27 =	vsel vm0, v19, v23;
	v19 =	vadd.s32 $0x1, v19  }
0x25e: {  	v47 =	vsub.f32 $1.000000000e+00, v1;
	vm1 =	vlt.s32 v19, v23;
	v0 =	vsub.f32 v0, v24  }
0x25f: {  	v20 =	vadd.s32 v22, v20;
	v19 =	vsel vm1, v19, v23;
	v23 =	vsel vm11, v29, v23  }
0x260: {  	v49 =	vadd.s32 v27, v20;
	v21 =	vmul.u32 v21, v23;
	v46 =	vsub.f32 $1.000000000e+00, v0  }
0x261: {  	v56 =	vcvt.s32.f32 v28;
	[tilespmem:$0x5E0] =	vst v49;
	v20 =	vadd.s32 v19, v20;
	v24 =	vmul.f32 v47, v0  }
0x262: {  	v0 =	vmul.f32 v1, v0;
	[tilespmem:$0x600] =	vst v20;
	v21 =	vadd.s32 v22, v21;
	v53 =	vmul.f32 v46, v1;
	v1 =	vld [tilespmem:$0x2C0]  }
0x263: {  	vm14 =	vlt.s32 v28, v55;
	v29 =	vadd.s32 $0x1, v54;
	[tilespmem:$0x18810] =	vst v24;
	v19 =	vadd.s32 v19, v21  }
0x264: {  	v59 =	vadd.s32 $0x1, v28;
	vm13 =	vlt.s32 v29, v55;
	[tilespmem:$0x640] =	vst v19;
	v19 =	vsel vm12, v54, v55  }
0x265: {  	v50 =	vmul.f32 v47, v46;
	[tilespmem:$0x18930] =	vst v0;
	v27 =	vadd.s32 v27, v21;
	v19 =	vmul.u32 v48, v19  }
0x266: {  	v60 =	vsel vm14, v28, v55;
	vm15 =	vlt.s32 v59, v55;
	v58 =	vsel vm13, v29, v55;
	[tilespmem:$0x620] =	vst v27  }
0x267: {  	v3 =	vsub.f32 v3, v56;
	v22 =	vmul.u32 v48, v58;
	[tilespmem:$0x18780] =	vst v50;
	v19 =	vadd.s32 v1, v19  }
0x268: {  	v63 =	vsub.f32 $1.000000000e+00, v18;
	v0 =	vsel vm15, v59, v55;
	[tilespmem:$0x188A0] =	vst v53;
	v61 =	vadd.s32 v60, v19  }
0x269: {  	v62 =	vsub.f32 $1.000000000e+00, v3;
	v1 =	vadd.s32 v1, v22;
	v19 =	vadd.s32 v0, v19;
	[tilespmem:$0x5F0] =	vst v61  }
0x26a: {  	v0 =	vadd.s32 v0, v1;
	[tilespmem:$0x610] =	vst v19  }
0x26b: {  	v19 =	vadd.s32 v60, v1;
	v1 =	vmul.f32 v63, v62;
	[tilespmem:$0x650] =	vst v0  }
0x26c: {  	v0 =	vmul.f32 v63, v3;
	[tilespmem:$0x630] =	vst v19  }
0x26d: {  	[tilespmem:$0x18790] =	vst v1;
	v1 =	vmul.f32 v62, v18  }
0x26e: {  	[tilespmem:$0x18820] =	vst v0;
	v0 =	vmul.f32 v18, v3  }
0x26f: {  	[tilespmem:$0x188B0] =	vst v1  }
0x270: {  	[tilespmem:$0x18940] =	vst v0  }
0x271: {  	[tilespmem:s21], [sflag:$0x2] =	stream.indirect.gather [hbm4b:s5+s14], $0xC0, s20, s14, $0xb8;
	[tilespmem:$0x1E9C0] =	vst v63  }
.LBB2_12:
0x272: {  	_ =	swait.ge [sflag:s30], $0x6000  }
0x273: {  	[sflag:s30] =	ssyncset.done $0x0  }
0x274: {  	s12 =	simm.s32 $0x187A0;
	[sflag:s30] =	ssyncadd.s32 $0xFFFFA000  }
0x275: {  	s2 =	simm.s32 $0x0;
	v19 =	vld.msk [tilespmem:s12+$0x0 ss:$0x0], $0xffff  }
0x276: {  	v0 =	vld [tilespmem:s2+$0x10F70]  }
0x277: {  	v20 =	vld [tilespmem:s2+$0x10FE0]  }
0x278: {  	v1 =	vld [tilespmem:s2+$0x10F80]  }
0x279: {  	v3 =	vld [tilespmem:s2+$0xC7A0]  }
0x27a: {  	v23 =	vld [tilespmem:s2+$0x10F60]  }
0x27b: {  	v25 =	vld [tilespmem:s2+$0xF7B0]  }
0x27c: {  	v44 =	vld [tilespmem:s2+$0x10FD0]  }
0x27d: {  	v24 =	vld [tilespmem:s2+$0xC780]  }
0x27e: {  	v27 =	vld [tilespmem:s2+$0xDFE0]  }
0x27f: {  	v37 =	vld [tilespmem:s2+$0x11010]  }
0x280: {  	v28 =	vld [tilespmem:s2+$0xF780]  }
0x281: {  	v34 =	vld [tilespmem:s2+$0xDF60]  }
0x282: {  	v26 =	vld [tilespmem:s2+$0xC760]  }
0x283: {  	v29 =	vld [tilespmem:s2+$0xC800]  }
0x284: {  	v31 =	vld [tilespmem:s2+$0xC7F0]  }
0x285: {  	v48 =	vld [tilespmem:s2+$0xDF80]  }
0x286: {  	v36 =	vld [tilespmem:s2+$0xF770]  }
0x287: {  	v30 =	vld [tilespmem:s2+$0xC7E0]  }
0x288: {  	v33 =	vld [tilespmem:s2+$0xF7D0]  }
0x289: {  	v35 =	vld [tilespmem:s2+$0xC7B0]  }
0x28a: {  	s15 =	simm.s32 $0x0;
	v38 =	vld [tilespmem:s2+$0xC790]  }
0x28b: {  	s17 =	sand.u32 $0x1F, s15;
	v39 =	vld [tilespmem:s2+$0xC7D0]  }
0x28c: {  	v21 =	vld.msk [tilespmem:s17+$0x18950 ss:$0x0], $0xffff  }
0x28d: {  	s18 =	simm.s32 $0x40;
	v41 =	vld [tilespmem:s2+$0xC7C0]  }
0x28e: {  	v18 =	vmov s18;
	v42 =	vld [tilespmem:s2+$0x10F90]  }
0x28f: {  	v18 =	vand.u32 $0x5F, v18;
	s19 =	sor.u32 $0x188C0, s17;
	v45 =	vld [tilespmem:s2+$0xDFB0]  }
0x290: {  	v18 =	vbroadcast v18, $0x0;
	v22 =	vld.msk [tilespmem:s19+$0x0 ss:$0x0], $0xffff  }
0x291: {  	v43 =	vld [tilespmem:s2+$0xDF90];
	v49 =	vmul.f32 v24, v19;
	v32 =	vmul.f32 v30, v19  }
0x292: {  	v52 =	vld [tilespmem:s2+$0xDFA0];
	v47 =	vmul.f32 v26, v19;
	v24 =	vmul.f32 v29, v19  }
0x293: {  	v30 =	vld.msk [tilespmem:s17+$0x18830 ss:$0x0], $0xffff;
	v50 =	vmul.f32 v38, v19;
	v38 =	vmul.f32 v31, v19  }
0x294: {  	v54 =	vld [tilespmem:s2+$0xF790];
	v29 =	vmul.f32 v35, v19;
	v26 =	vmul.f32 v23, v21  }
0x295: {  	v55 =	vld [tilespmem:s2+$0xC770];
	v3 =	vmul.f32 v3, v19;
	v31 =	vmul.f32 v1, v21  }
0x296: {  	v56 =	vld [tilespmem:s2+$0x10FA0];
	v40 =	vmul.f32 v0, v21;
	v35 =	vmul.f32 v28, v22  }
0x297: {  	v0 =	vld [tilespmem:s2+$0xDF70];
	v23 =	vor.u32 v17, v18;
	v59 =	vmul.f32 v39, v19;
	v51 =	vmul.f32 v41, v19  }
0x298: {  	v1 =	vld [tilespmem:s2+$0xF7A0];
	v28 =	vor.u32 v15, v18;
	v46 =	vmul.f32 v36, v22;
	v53 =	vmul.f32 v43, v30  }
0x299: {  	v60 =	vld [tilespmem:s2+$0xDFC0];
	v36 =	vmul.f32 v42, v21;
	v63 =	vmul.f32 v54, v22;
	v39 =	vor.u32 v13, v18  }
0x29a: {  	v37 =	vmul.f32 v37, v21;
	v58 =	vmul.f32 v52, v30;
	v62 =	vadd.f32 v53, v50;
	v50 =	vld [tilespmem:s2+$0xDFD0]  }
0x29b: {  	v41 =	vld [tilespmem:s2+$0xF7F0];
	v43 =	vmul.f32 v33, v22;
	v33 =	vmul.f32 v25, v22;
	v25 =	vor.u32 v16, v18  }
0x29c: {  	v57 =	vmul.f32 v34, v30;
	v52 =	vmul.f32 v0, v30;
	v0 =	vadd.f32 v58, v3;
	v3 =	vld [tilespmem:s2+$0xDFF0]  }
0x29d: {  	v1 =	vmul.f32 v1, v22;
	v34 =	vor.u32 v14, v18;
	v42 =	vmul.f32 v45, v30;
	v53 =	vld [tilespmem:s2+$0xF7C0]  }
0x29e: {  	v45 =	vmul.f32 v56, v21;
	v61 =	vmul.f32 v48, v30;
	v47 =	vadd.f32 v57, v47;
	v57 =	vld [tilespmem:s2+$0x10FB0]  }
0x29f: {  	v58 =	vmul.f32 v55, v19;
	v55 =	vld [tilespmem:s2+$0x10FC0];
	v48 =	vadd.f32 v1, v0;
	v0 =	vmul.f32 v50, v30  }
0x2a0: {  	v54 =	vld [tilespmem:s2+$0xF7E0];
	v49 =	vadd.f32 v61, v49;
	v61 =	vmul.f32 v60, v30;
	v50 =	vmul.f32 v44, v21  }
0x2a1: {  	s17 =	simm.s32 $0x300;
	v56 =	vld [tilespmem:s2+$0xF760];
	v44 =	vadd.f32 v63, v62;
	v60 =	vmul.f32 v3, v30;
	v59 =	vadd.f32 v0, v59  }
.LBB2_13:
0x2a2: {  	p1 =	sne.s32 s17, $0x5D00;
	v0 =	vadd.f32 v61, v51;
	v1 =	vmul.f32 v53, v22;
	v3 =	vmul.f32 v27, v30;
	v27 =	vld [tilespmem:s2+$0xE010];
	s15 =	sadd.s32 $0x1, s15;
	s12 =	sadd.s32 $0x1, s12  }
0x2a3: {  	v51 =	vadd.f32 v52, v58;
	s18 =	smov.u32 s17;
	s17 =	sadd.s32 $0x300, s17;
	s19 =	sadd.s32 $0x40, s15;
	v52 =	vmul.f32 v57, v21;
	v53 =	vld [tilespmem:s2+$0xC810];
	v57 =	vor.u32 v6, v18  }
0x2a4: {  	v38 =	vadd.f32 v60, v38;
	v0 =	vadd.f32 v1, v0;
	v1 =	vmul.f32 v55, v21;
	v55 =	vld [tilespmem:s2+$0xF810]  }
0x2a5: {  	v43 =	vadd.f32 v43, v59;
	v46 =	vadd.f32 v46, v51;
	v51 =	vmul.f32 v54, v22;
	v54 =	vld [tilespmem:s2+$0xE000]  }
0x2a6: {  	v20 =	vmul.f32 v20, v21;
	v3 =	vadd.f32 v3, v32;
	v56 =	vmul.f32 v56, v22;
	v32 =	vld [tilespmem:s2+$0x10FF0]  }
0x2a7: {  	v40 =	vadd.f32 v40, v46;
	v0 =	vadd.f32 v1, v0;
	v1 =	vld [tilespmem:s2+$0xF800];
	v27 =	vmul.f32 v27, v30  }
0x2a8: {  	v3 =	vadd.f32 v51, v3;
	v46 =	vadd.f32 v56, v47;
	v19 =	vmul.f32 v53, v19  }
0x2a9: {  	v45 =	vadd.f32 v45, v48;
	v43 =	vadd.f32 v50, v43;
	v47 =	vmul.f32 v55, v22  }
0x2aa: {  	v35 =	vadd.f32 v35, v49;
	v30 =	vmul.f32 v54, v30;
	v48 =	vld [tilespmem:s2+$0x11000];
	v19 =	vadd.f32 v27, v19  }
0x2ab: {  	v3 =	vadd.f32 v20, v3;
	v27 =	vadd.f32 v42, v29;
	v20 =	vmul.f32 v32, v21  }
0x2ac: {  	v29 =	vadd.f32 v31, v35;
	v24 =	vadd.f32 v30, v24;
	v1 =	vmul.f32 v1, v22  }
0x2ad: {  	v30 =	vmov s19;
	v27 =	vadd.f32 v33, v27;
	v19 =	vadd.f32 v47, v19  }
0x2ae: {  	v26 =	vadd.f32 v26, v46;
	v31 =	vadd.f32 v36, v44;
	v22 =	vmul.f32 v41, v22  }
0x2af: {  	v27 =	vadd.f32 v52, v27;
	v19 =	vadd.f32 v37, v19;
	v21 =	vmul.f32 v48, v21  }
0x2b0: {  	v30 =	vand.u32 $0x5F, v30;
	[tilespmem:v57+s28+$0x0] =	vst.idx.msk $0xffff, v26;
	v26 =	vor.u32 v7, v18  }
0x2b1: {  	v32 =	vor.u32 v8, v18;
	v30 =	vbroadcast v30, $0x0;
	v22 =	vadd.f32 v22, v38;
	[tilespmem:v39+s28+$0x0] =	vst.idx.msk $0xffff, v40  }
0x2b2: {  	v1 =	vadd.f32 v1, v24;
	v24 =	vor.u32 v9, v18;
	[tilespmem:v34+s28+$0x0] =	vst.idx.msk $0xffff, v29  }
0x2b3: {  	v20 =	vadd.f32 v20, v22;
	v22 =	vor.u32 v10, v18;
	[tilespmem:v28+s28+$0x0] =	vst.idx.msk $0xffff, v31  }
0x2b4: {  	v1 =	vadd.f32 v21, v1;
	v21 =	vor.u32 v11, v18;
	[tilespmem:v25+s28+$0x0] =	vst.idx.msk $0xffff, v45  }
0x2b5: {  	[tilespmem:v23+s28+$0x0] =	vst.idx.msk $0xffff, v27;
	v23 =	vor.u32 v12, v18;
	v18 =	vmov v30  }
0x2b6: {  	[tilespmem:v26+s28+$0x0] =	vst.idx.msk $0xffff, v0  }
0x2b7: {  	[tilespmem:v32+s28+$0x0] =	vst.idx.msk $0xffff, v43  }
0x2b8: {  	[tilespmem:v24+s28+$0x0] =	vst.idx.msk $0xffff, v3  }
0x2b9: {  	[tilespmem:v22+s28+$0x0] =	vst.idx.msk $0xffff, v20  }
0x2ba: {  	[tilespmem:v21+s28+$0x0] =	vst.idx.msk $0xffff, v1  }
0x2bb: {  	[tilespmem:v23+s28+$0x0] =	vst.idx.msk $0xffff, v19;
	_ =	sdelay $0x2  }
0x2bc: {  	s2 =	sshra.s32 s18, $0x2;
	v19 =	vld.msk [tilespmem:s12+$0x0 ss:$0x0], $0xffff  }
0x2bd: {  	v0 =	vld [tilespmem:s2+$0x10F70]  }
0x2be: {  	v20 =	vld [tilespmem:s2+$0x10FE0]  }
0x2bf: {  	v1 =	vld [tilespmem:s2+$0x10F80]  }
0x2c0: {  	v3 =	vld [tilespmem:s2+$0xC7A0]  }
0x2c1: {  	v23 =	vld [tilespmem:s2+$0x10F60]  }
0x2c2: {  	v25 =	vld [tilespmem:s2+$0xF7B0]  }
0x2c3: {  	v44 =	vld [tilespmem:s2+$0x10FD0]  }
0x2c4: {  	v21 =	vld [tilespmem:s2+$0xC780]  }
0x2c5: {  	v27 =	vld [tilespmem:s2+$0xDFE0]  }
0x2c6: {  	v37 =	vld [tilespmem:s2+$0x11010]  }
0x2c7: {  	v28 =	vld [tilespmem:s2+$0xF780]  }
0x2c8: {  	v34 =	vld [tilespmem:s2+$0xDF60]  }
0x2c9: {  	v22 =	vld [tilespmem:s2+$0xC760];
	v49 =	vmul.f32 v21, v19  }
0x2ca: {  	v24 =	vld [tilespmem:s2+$0xC800]  }
0x2cb: {  	v26 =	vld [tilespmem:s2+$0xC7F0]  }
0x2cc: {  	v48 =	vld [tilespmem:s2+$0xDF80]  }
0x2cd: {  	v36 =	vld [tilespmem:s2+$0xF770]  }
0x2ce: {  	v29 =	vld [tilespmem:s2+$0xC7E0]  }
0x2cf: {  	s18 =	sand.u32 $0x1F, s15;
	v33 =	vld [tilespmem:s2+$0xF7D0]  }
0x2d0: {  	s19 =	sor.u32 $0x188C0, s18;
	v30 =	vld [tilespmem:s2+$0xC7B0]  }
0x2d1: {  	v31 =	vld [tilespmem:s2+$0xC790]  }
0x2d2: {  	v39 =	vld [tilespmem:s2+$0xC7D0]  }
0x2d3: {  	v21 =	vld.msk [tilespmem:s18+$0x18950 ss:$0x0], $0xffff;
	v32 =	vmul.f32 v29, v19  }
0x2d4: {  	v41 =	vld [tilespmem:s2+$0xC7C0]  }
0x2d5: {  	v47 =	vmul.f32 v22, v19;
	v24 =	vmul.f32 v24, v19;
	v42 =	vld [tilespmem:s2+$0x10F90]  }
0x2d6: {  	v38 =	vmul.f32 v26, v19;
	v45 =	vmul.f32 v31, v19;
	v50 =	vld [tilespmem:s2+$0xDFB0]  }
0x2d7: {  	v29 =	vmul.f32 v30, v19;
	v22 =	vld.msk [tilespmem:s19+$0x0 ss:$0x0], $0xffff  }
0x2d8: {  	v30 =	vld.msk [tilespmem:s18+$0x18830 ss:$0x0], $0xffff  }
0x2d9: {  	v43 =	vld [tilespmem:s2+$0xDF90]  }
0x2da: {  	v26 =	vmul.f32 v23, v21;
	v52 =	vld [tilespmem:s2+$0xDFA0]  }
0x2db: {  	v3 =	vmul.f32 v3, v19;
	v54 =	vld [tilespmem:s2+$0xF790]  }
0x2dc: {  	v31 =	vmul.f32 v1, v21;
	v1 =	vld [tilespmem:s2+$0xF7A0]  }
0x2dd: {  	v40 =	vmul.f32 v0, v21;
	v35 =	vmul.f32 v28, v22;
	v55 =	vld [tilespmem:s2+$0xC770]  }
0x2de: {  	v23 =	vor.u32 v17, v18;
	v0 =	vld [tilespmem:s2+$0xDF70];
	v53 =	vmul.f32 v43, v30;
	v43 =	vmul.f32 v33, v22  }
0x2df: {  	v59 =	vmul.f32 v39, v19;
	v33 =	vmul.f32 v25, v22;
	v25 =	vor.u32 v16, v18;
	v56 =	vld [tilespmem:s2+$0x10FA0]  }
0x2e0: {  	v51 =	vmul.f32 v41, v19;
	v28 =	vor.u32 v15, v18;
	v57 =	vmul.f32 v34, v30;
	v60 =	vld [tilespmem:s2+$0xDFC0]  }
0x2e1: {  	v46 =	vmul.f32 v36, v22;
	v39 =	vmul.f32 v52, v30;
	v62 =	vadd.f32 v53, v45;
	v61 =	vld [tilespmem:s2+$0xDFD0]  }
0x2e2: {  	v36 =	vmul.f32 v42, v21;
	v34 =	vor.u32 v14, v18;
	v1 =	vmul.f32 v1, v22;
	v53 =	vld [tilespmem:s2+$0xF7C0]  }
0x2e3: {  	v42 =	vmul.f32 v50, v30;
	v52 =	vmul.f32 v0, v30;
	v0 =	vadd.f32 v39, v3;
	v3 =	vld [tilespmem:s2+$0xDFF0]  }
.Ltmp9:
0x2e4: {  	v63 =	vmul.f32 v54, v22;
	v39 =	vor.u32 v13, v18;
	v45 =	vmul.f32 v56, v21;
	v41 =	vld [tilespmem:s2+$0xF7F0];
	(pc) =	sbr.rel @p1 .LBB2_13-.Ltmp9, $4  }
0x2e5: {  	v37 =	vmul.f32 v37, v21;
	v50 =	vmul.f32 v48, v30;
	v47 =	vadd.f32 v57, v47;
	v57 =	vld [tilespmem:s2+$0x10FB0]  }
0x2e6: {  	v58 =	vmul.f32 v55, v19;
	v48 =	vadd.f32 v1, v0;
	v55 =	vld [tilespmem:s2+$0x10FC0];
	v0 =	vmul.f32 v61, v30  }
0x2e7: {  	v49 =	vadd.f32 v50, v49;
	v50 =	vmul.f32 v44, v21;
	v61 =	vmul.f32 v60, v30;
	v54 =	vld [tilespmem:s2+$0xF7E0]  }
0x2e8: {  	v44 =	vadd.f32 v63, v62;
	v56 =	vld [tilespmem:s2+$0xF760];
	v59 =	vadd.f32 v0, v59;
	v60 =	vmul.f32 v3, v30  }
0x2e9: {  	v0 =	vadd.f32 v61, v51;
	v1 =	vmul.f32 v53, v22;
	v62 =	vadd.f32 v52, v58  }
0x2ea: {  	v3 =	vld [tilespmem:s2+$0xE010];
	v27 =	vmul.f32 v27, v30;
	v45 =	vadd.f32 v45, v48;
	v20 =	vmul.f32 v20, v21  }
0x2eb: {  	v53 =	vld [tilespmem:s2+$0xC810];
	v35 =	vadd.f32 v35, v49;
	v58 =	vor.u32 v7, v18;
	v52 =	vmul.f32 v57, v21  }
0x2ec: {  	v51 =	vld [tilespmem:s2+$0xE000];
	v57 =	vor.u32 v6, v18;
	v38 =	vadd.f32 v60, v38;
	v43 =	vadd.f32 v43, v59  }
0x2ed: {  	v60 =	vld [tilespmem:s2+$0xF810];
	v59 =	vmul.f32 v41, v22;
	v0 =	vadd.f32 v1, v0;
	v1 =	vmul.f32 v55, v21  }
0x2ee: {  	v46 =	vadd.f32 v46, v62;
	v27 =	vadd.f32 v27, v32;
	v63 =	vmul.f32 v56, v22  }
0x2ef: {  	v62 =	vld [tilespmem:s2+$0x10FF0];
	v31 =	vadd.f32 v31, v35;
	v54 =	vmul.f32 v54, v22;
	v43 =	vadd.f32 v50, v43  }
0x2f0: {  	v0 =	vadd.f32 v1, v0;
	v1 =	vmul.f32 v3, v30;
	v3 =	vadd.f32 v63, v47  }
0x2f1: {  	v61 =	vadd.f32 v40, v46;
	v27 =	vadd.f32 v54, v27;
	v19 =	vmul.f32 v53, v19  }
0x2f2: {  	v51 =	vmul.f32 v51, v30;
	v53 =	vmul.f32 v60, v22;
	v3 =	vadd.f32 v26, v3  }
0x2f3: {  	v63 =	vld [tilespmem:s2+$0xF800];
	v60 =	vor.u32 v8, v18;
	v1 =	vadd.f32 v1, v19;
	v19 =	vadd.f32 v42, v29  }
0x2f4: {  	v54 =	vld [tilespmem:s2+$0x11000];
	v20 =	vadd.f32 v20, v27;
	v55 =	vmul.f32 v62, v21;
	[tilespmem:v57+s28+$0x0] =	vst.idx.msk $0xffff, v3  }
0x2f5: {  	v19 =	vadd.f32 v33, v19;
	v3 =	vadd.f32 v36, v44;
	[tilespmem:v39+s28+$0x0] =	vst.idx.msk $0xffff, v61  }
0x2f6: {  	v24 =	vadd.f32 v51, v24;
	v62 =	vor.u32 v10, v18;
	[tilespmem:v34+s28+$0x0] =	vst.idx.msk $0xffff, v31  }
0x2f7: {  	v19 =	vadd.f32 v52, v19;
	v61 =	vor.u32 v9, v18;
	[tilespmem:v28+s28+$0x0] =	vst.idx.msk $0xffff, v3  }
0x2f8: {  	v56 =	vmul.f32 v63, v22;
	v22 =	vadd.f32 v59, v38;
	[tilespmem:v25+s28+$0x0] =	vst.idx.msk $0xffff, v45  }
0x2f9: {  	v63 =	vor.u32 v11, v18;
	v18 =	vor.u32 v12, v18;
	[tilespmem:v23+s28+$0x0] =	vst.idx.msk $0xffff, v19  }
0x2fa: {  	v3 =	vmul.f32 v54, v21;
	v19 =	vadd.f32 v56, v24;
	[tilespmem:v58+s28+$0x0] =	vst.idx.msk $0xffff, v0  }
.Ltmp10:
0x2fb: {  	v0 =	vadd.f32 v53, v1;
	v1 =	vadd.f32 v55, v22;
	[tilespmem:v60+s28+$0x0] =	vst.idx.msk $0xffff, v43;
	(pc) =	sbr.rel @p0 .LBB2_16-.Ltmp10, $4  }
0x2fc: {  	v3 =	vadd.f32 v3, v19;
	[tilespmem:v61+s28+$0x0] =	vst.idx.msk $0xffff, v20  }
0x2fd: {  	v0 =	vadd.f32 v37, v0;
	[tilespmem:v62+s28+$0x0] =	vst.idx.msk $0xffff, v1  }
0x2fe: {  	[tilespmem:v63+s28+$0x0] =	vst.idx.msk $0xffff, v3  }
0x2ff: {  	[tilespmem:v18+s28+$0x0] =	vst.idx.msk $0xffff, v0  }
0x300: {  	v0 =	vld [tilespmem:$0x480]  }
0x301: {  	v1 =	vld [tilespmem:$0x510]  }
0x302: {  	s2 =	smulhi.u32 $0x92492493, s10;
	v19 =	vld [tilespmem:$0x360]  }
0x303: {  	v20 =	vld [tilespmem:$0x3F0]  }
0x304: {  	v21 =	vld [tilespmem:$0x240];
	s2 =	sshrl.u32 s2, $0x2  }
0x305: {  	s12 =	smul.u32 $0xFFFFFFF9, s2;
	v18 =	vld.msk [tilespmem:s2+$0x189A0 ss:$0x0], $0xffff  }
0x306: {  	v28 =	vld [tilespmem:$0x520]  }
0x307: {  	v31 =	vld [tilespmem:$0x400];
	s12 =	sadd.s32 s10, s12  }
0x308: {  	v3 =	vld.msk [tilespmem:s12+$0x189A0 ss:$0x0], $0xffff  }
0x309: {  	v25 =	vld [tilespmem:$0x490]  }
0x30a: {  	v30 =	vld [tilespmem:$0x370];
	v1 =	vmul.f32 v1, v18  }
0x30b: {  	v48 =	vld [tilespmem:$0x250];
	v18 =	vmul.f32 v28, v18  }
0x30c: {  	v1 =	vadd.f32 v1, v20  }
0x30d: {  	v18 =	vadd.f32 v18, v31;
	v0 =	vmul.f32 v0, v3  }
0x30e: {  	v23 =	vadd.s32 $0xFFFFFFFF, v21;
	v3 =	vmul.f32 v25, v3;
	v20 =	vtrunc.f32 v1  }
0x30f: {  	v52 =	vtrunc.f32 v18;
	v0 =	vadd.f32 v0, v19;
	v20 =	vcvt.f32.s32 v20  }
0x310: {  	v55 =	vadd.s32 $0xFFFFFFFF, v48;
	v3 =	vadd.f32 v3, v30;
	v54 =	vcvt.f32.s32 v52  }
0x311: {  	v19 =	vtrunc.f32 v0;
	v26 =	vcvt.s32.f32 v20;
	vm10 =	vlt.s32 v20, v23  }
0x312: {  	v29 =	vadd.s32 $0x1, v20;
	v51 =	vtrunc.f32 v3;
	v57 =	vcvt.s32.f32 v54  }
0x313: {  	v22 =	vld [tilespmem:$0x2D0];
	vm12 =	vlt.s32 v54, v55;
	v19 =	vcvt.f32.s32 v19;
	v20 =	vsel vm10, v20, v23  }
0x314: {  	vm11 =	vlt.s32 v29, v23;
	v28 =	vcvt.f32.s32 v51;
	v1 =	vsub.f32 v1, v26  }
0x315: {  	v20 =	vmul.u32 v21, v20;
	v24 =	vcvt.s32.f32 v19;
	vm0 =	vlt.s32 v19, v23  }
0x316: {  	v18 =	vsub.f32 v18, v57;
	v27 =	vsel vm0, v19, v23;
	v19 =	vadd.s32 $0x1, v19  }
0x317: {  	v47 =	vsub.f32 $1.000000000e+00, v1;
	vm1 =	vlt.s32 v19, v23;
	v0 =	vsub.f32 v0, v24  }
0x318: {  	v20 =	vadd.s32 v22, v20;
	v19 =	vsel vm1, v19, v23;
	v23 =	vsel vm11, v29, v23  }
0x319: {  	v49 =	vadd.s32 v27, v20;
	v21 =	vmul.u32 v21, v23;
	v46 =	vsub.f32 $1.000000000e+00, v0  }
0x31a: {  	v56 =	vcvt.s32.f32 v28;
	[tilespmem:$0x660] =	vst v49;
	v20 =	vadd.s32 v19, v20;
	v24 =	vmul.f32 v47, v0  }
0x31b: {  	v0 =	vmul.f32 v1, v0;
	[tilespmem:$0x680] =	vst v20;
	v21 =	vadd.s32 v22, v21;
	v53 =	vmul.f32 v46, v1;
	v1 =	vld [tilespmem:$0x2E0]  }
0x31c: {  	vm14 =	vlt.s32 v28, v55;
	v29 =	vadd.s32 $0x1, v54;
	[tilespmem:$0x18830] =	vst v24;
	v19 =	vadd.s32 v19, v21  }
0x31d: {  	v59 =	vadd.s32 $0x1, v28;
	vm13 =	vlt.s32 v29, v55;
	[tilespmem:$0x6C0] =	vst v19;
	v19 =	vsel vm12, v54, v55  }
0x31e: {  	v50 =	vmul.f32 v47, v46;
	[tilespmem:$0x18950] =	vst v0;
	v27 =	vadd.s32 v27, v21;
	v19 =	vmul.u32 v48, v19  }
0x31f: {  	v60 =	vsel vm14, v28, v55;
	vm15 =	vlt.s32 v59, v55;
	v58 =	vsel vm13, v29, v55;
	[tilespmem:$0x6A0] =	vst v27  }
0x320: {  	v3 =	vsub.f32 v3, v56;
	v22 =	vmul.u32 v48, v58;
	[tilespmem:$0x187A0] =	vst v50;
	v19 =	vadd.s32 v1, v19  }
0x321: {  	v63 =	vsub.f32 $1.000000000e+00, v18;
	v0 =	vsel vm15, v59, v55;
	[tilespmem:$0x188C0] =	vst v53;
	v61 =	vadd.s32 v60, v19  }
0x322: {  	v62 =	vsub.f32 $1.000000000e+00, v3;
	v1 =	vadd.s32 v1, v22;
	v19 =	vadd.s32 v0, v19;
	[tilespmem:$0x670] =	vst v61  }
0x323: {  	v0 =	vadd.s32 v0, v1;
	[tilespmem:$0x690] =	vst v19  }
0x324: {  	v19 =	vadd.s32 v60, v1;
	v1 =	vmul.f32 v63, v62;
	[tilespmem:$0x6D0] =	vst v0  }
0x325: {  	v0 =	vmul.f32 v63, v3;
	[tilespmem:$0x6B0] =	vst v19  }
0x326: {  	[tilespmem:$0x187B0] =	vst v1;
	v1 =	vmul.f32 v62, v18  }
0x327: {  	[tilespmem:$0x18840] =	vst v0;
	v0 =	vmul.f32 v18, v3  }
0x328: {  	[tilespmem:$0x188D0] =	vst v1  }
0x329: {  	[tilespmem:$0x18960] =	vst v0  }
0x32a: {  	[tilespmem:s23], [sflag:$0x3] =	stream.indirect.gather [hbm4b:s5+s14], $0xC0, s22, s14, $0xb8;
	[tilespmem:$0x1E9C0] =	vst v63  }
.LBB2_16:
0x32b: {  	_ =	swait.ge [sflag:s31], $0x6000  }
0x32c: {  	[sflag:s31] =	ssyncset.done $0x0  }
0x32d: {  	s12 =	simm.s32 $0x187C0;
	[sflag:s31] =	ssyncadd.s32 $0xFFFFA000  }
0x32e: {  	s2 =	simm.s32 $0x0;
	v19 =	vld.msk [tilespmem:s12+$0x0 ss:$0x0], $0xffff  }
0x32f: {  	v0 =	vld [tilespmem:s2+$0x16F70]  }
0x330: {  	v20 =	vld [tilespmem:s2+$0x16FE0]  }
0x331: {  	v1 =	vld [tilespmem:s2+$0x16F80]  }
0x332: {  	v3 =	vld [tilespmem:s2+$0x127A0]  }
0x333: {  	v23 =	vld [tilespmem:s2+$0x16F60]  }
0x334: {  	v25 =	vld [tilespmem:s2+$0x157B0]  }
0x335: {  	v44 =	vld [tilespmem:s2+$0x16FD0]  }
0x336: {  	v24 =	vld [tilespmem:s2+$0x12780]  }
0x337: {  	v27 =	vld [tilespmem:s2+$0x13FE0]  }
0x338: {  	v37 =	vld [tilespmem:s2+$0x17010]  }
0x339: {  	v28 =	vld [tilespmem:s2+$0x15780]  }
0x33a: {  	v34 =	vld [tilespmem:s2+$0x13F60]  }
0x33b: {  	v26 =	vld [tilespmem:s2+$0x12760]  }
0x33c: {  	v29 =	vld [tilespmem:s2+$0x12800]  }
0x33d: {  	v31 =	vld [tilespmem:s2+$0x127F0]  }
0x33e: {  	v48 =	vld [tilespmem:s2+$0x13F80]  }
0x33f: {  	v36 =	vld [tilespmem:s2+$0x15770]  }
0x340: {  	v30 =	vld [tilespmem:s2+$0x127E0]  }
0x341: {  	v33 =	vld [tilespmem:s2+$0x157D0]  }
0x342: {  	v35 =	vld [tilespmem:s2+$0x127B0]  }
0x343: {  	s15 =	simm.s32 $0x0;
	v38 =	vld [tilespmem:s2+$0x12790]  }
0x344: {  	s17 =	sand.u32 $0x1F, s15;
	v39 =	vld [tilespmem:s2+$0x127D0]  }
0x345: {  	v21 =	vld.msk [tilespmem:s17+$0x18970 ss:$0x0], $0xffff  }
0x346: {  	s18 =	simm.s32 $0x60;
	v41 =	vld [tilespmem:s2+$0x127C0]  }
0x347: {  	v18 =	vmov s18;
	v42 =	vld [tilespmem:s2+$0x16F90]  }
0x348: {  	v18 =	vand.u32 $0x7F, v18;
	s19 =	sor.u32 $0x188E0, s17;
	v45 =	vld [tilespmem:s2+$0x13FB0]  }
0x349: {  	v18 =	vbroadcast v18, $0x0;
	v22 =	vld.msk [tilespmem:s19+$0x0 ss:$0x0], $0xffff  }
0x34a: {  	v43 =	vld [tilespmem:s2+$0x13F90];
	v49 =	vmul.f32 v24, v19;
	v32 =	vmul.f32 v30, v19  }
0x34b: {  	v52 =	vld [tilespmem:s2+$0x13FA0];
	v47 =	vmul.f32 v26, v19;
	v24 =	vmul.f32 v29, v19  }
0x34c: {  	v30 =	vld.msk [tilespmem:s17+$0x18850 ss:$0x0], $0xffff;
	v50 =	vmul.f32 v38, v19;
	v38 =	vmul.f32 v31, v19  }
0x34d: {  	v54 =	vld [tilespmem:s2+$0x15790];
	v29 =	vmul.f32 v35, v19;
	v26 =	vmul.f32 v23, v21  }
0x34e: {  	v55 =	vld [tilespmem:s2+$0x12770];
	v3 =	vmul.f32 v3, v19;
	v31 =	vmul.f32 v1, v21  }
0x34f: {  	v56 =	vld [tilespmem:s2+$0x16FA0];
	v40 =	vmul.f32 v0, v21;
	v35 =	vmul.f32 v28, v22  }
0x350: {  	v0 =	vld [tilespmem:s2+$0x13F70];
	v23 =	vor.u32 v17, v18;
	v59 =	vmul.f32 v39, v19;
	v51 =	vmul.f32 v41, v19  }
0x351: {  	v1 =	vld [tilespmem:s2+$0x157A0];
	v28 =	vor.u32 v15, v18;
	v46 =	vmul.f32 v36, v22;
	v53 =	vmul.f32 v43, v30  }
0x352: {  	v60 =	vld [tilespmem:s2+$0x13FC0];
	v36 =	vmul.f32 v42, v21;
	v63 =	vmul.f32 v54, v22;
	v39 =	vor.u32 v13, v18  }
0x353: {  	v37 =	vmul.f32 v37, v21;
	v58 =	vmul.f32 v52, v30;
	v62 =	vadd.f32 v53, v50;
	v50 =	vld [tilespmem:s2+$0x13FD0]  }
0x354: {  	v41 =	vld [tilespmem:s2+$0x157F0];
	v43 =	vmul.f32 v33, v22;
	v33 =	vmul.f32 v25, v22;
	v25 =	vor.u32 v16, v18  }
0x355: {  	v57 =	vmul.f32 v34, v30;
	v52 =	vmul.f32 v0, v30;
	v0 =	vadd.f32 v58, v3;
	v3 =	vld [tilespmem:s2+$0x13FF0]  }
0x356: {  	v1 =	vmul.f32 v1, v22;
	v34 =	vor.u32 v14, v18;
	v42 =	vmul.f32 v45, v30;
	v53 =	vld [tilespmem:s2+$0x157C0]  }
0x357: {  	v45 =	vmul.f32 v56, v21;
	v61 =	vmul.f32 v48, v30;
	v47 =	vadd.f32 v57, v47;
	v57 =	vld [tilespmem:s2+$0x16FB0]  }
0x358: {  	v58 =	vmul.f32 v55, v19;
	v55 =	vld [tilespmem:s2+$0x16FC0];
	v48 =	vadd.f32 v1, v0;
	v0 =	vmul.f32 v50, v30  }
0x359: {  	v54 =	vld [tilespmem:s2+$0x157E0];
	v49 =	vadd.f32 v61, v49;
	v61 =	vmul.f32 v60, v30;
	v50 =	vmul.f32 v44, v21  }
0x35a: {  	s17 =	simm.s32 $0x300;
	v56 =	vld [tilespmem:s2+$0x15760];
	v44 =	vadd.f32 v63, v62;
	v60 =	vmul.f32 v3, v30;
	v59 =	vadd.f32 v0, v59  }
.LBB2_17:
0x35b: {  	p1 =	sne.s32 s17, $0x5D00;
	v0 =	vadd.f32 v61, v51;
	v1 =	vmul.f32 v53, v22;
	v3 =	vmul.f32 v27, v30;
	v27 =	vld [tilespmem:s2+$0x14010];
	s15 =	sadd.s32 $0x1, s15;
	s12 =	sadd.s32 $0x1, s12  }
0x35c: {  	v51 =	vadd.f32 v52, v58;
	s18 =	smov.u32 s17;
	s17 =	sadd.s32 $0x300, s17;
	s19 =	sadd.s32 $0x60, s15;
	v52 =	vmul.f32 v57, v21;
	v53 =	vld [tilespmem:s2+$0x12810];
	v57 =	vor.u32 v6, v18  }
0x35d: {  	v38 =	vadd.f32 v60, v38;
	v0 =	vadd.f32 v1, v0;
	v1 =	vmul.f32 v55, v21;
	v55 =	vld [tilespmem:s2+$0x15810]  }
0x35e: {  	v43 =	vadd.f32 v43, v59;
	v46 =	vadd.f32 v46, v51;
	v51 =	vmul.f32 v54, v22;
	v54 =	vld [tilespmem:s2+$0x14000]  }
0x35f: {  	v20 =	vmul.f32 v20, v21;
	v3 =	vadd.f32 v3, v32;
	v56 =	vmul.f32 v56, v22;
	v32 =	vld [tilespmem:s2+$0x16FF0]  }
0x360: {  	v40 =	vadd.f32 v40, v46;
	v0 =	vadd.f32 v1, v0;
	v1 =	vld [tilespmem:s2+$0x15800];
	v27 =	vmul.f32 v27, v30  }
0x361: {  	v3 =	vadd.f32 v51, v3;
	v46 =	vadd.f32 v56, v47;
	v19 =	vmul.f32 v53, v19  }
0x362: {  	v45 =	vadd.f32 v45, v48;
	v43 =	vadd.f32 v50, v43;
	v47 =	vmul.f32 v55, v22  }
0x363: {  	v35 =	vadd.f32 v35, v49;
	v30 =	vmul.f32 v54, v30;
	v48 =	vld [tilespmem:s2+$0x17000];
	v19 =	vadd.f32 v27, v19  }
0x364: {  	v3 =	vadd.f32 v20, v3;
	v27 =	vadd.f32 v42, v29;
	v20 =	vmul.f32 v32, v21  }
0x365: {  	v29 =	vadd.f32 v31, v35;
	v24 =	vadd.f32 v30, v24;
	v1 =	vmul.f32 v1, v22  }
0x366: {  	v30 =	vmov s19;
	v27 =	vadd.f32 v33, v27;
	v19 =	vadd.f32 v47, v19  }
0x367: {  	v26 =	vadd.f32 v26, v46;
	v31 =	vadd.f32 v36, v44;
	v22 =	vmul.f32 v41, v22  }
0x368: {  	v27 =	vadd.f32 v52, v27;
	v19 =	vadd.f32 v37, v19;
	v21 =	vmul.f32 v48, v21  }
0x369: {  	v30 =	vand.u32 $0x7F, v30;
	[tilespmem:v57+s28+$0x0] =	vst.idx.msk $0xffff, v26;
	v26 =	vor.u32 v7, v18  }
0x36a: {  	v32 =	vor.u32 v8, v18;
	v30 =	vbroadcast v30, $0x0;
	v22 =	vadd.f32 v22, v38;
	[tilespmem:v39+s28+$0x0] =	vst.idx.msk $0xffff, v40  }
0x36b: {  	v1 =	vadd.f32 v1, v24;
	v24 =	vor.u32 v9, v18;
	[tilespmem:v34+s28+$0x0] =	vst.idx.msk $0xffff, v29  }
0x36c: {  	v20 =	vadd.f32 v20, v22;
	v22 =	vor.u32 v10, v18;
	[tilespmem:v28+s28+$0x0] =	vst.idx.msk $0xffff, v31  }
0x36d: {  	v1 =	vadd.f32 v21, v1;
	v21 =	vor.u32 v11, v18;
	[tilespmem:v25+s28+$0x0] =	vst.idx.msk $0xffff, v45  }
0x36e: {  	[tilespmem:v23+s28+$0x0] =	vst.idx.msk $0xffff, v27;
	v23 =	vor.u32 v12, v18;
	v18 =	vmov v30  }
0x36f: {  	[tilespmem:v26+s28+$0x0] =	vst.idx.msk $0xffff, v0  }
0x370: {  	[tilespmem:v32+s28+$0x0] =	vst.idx.msk $0xffff, v43  }
0x371: {  	[tilespmem:v24+s28+$0x0] =	vst.idx.msk $0xffff, v3  }
0x372: {  	[tilespmem:v22+s28+$0x0] =	vst.idx.msk $0xffff, v20  }
0x373: {  	[tilespmem:v21+s28+$0x0] =	vst.idx.msk $0xffff, v1  }
0x374: {  	[tilespmem:v23+s28+$0x0] =	vst.idx.msk $0xffff, v19;
	_ =	sdelay $0x2  }
0x375: {  	s2 =	sshra.s32 s18, $0x2;
	v19 =	vld.msk [tilespmem:s12+$0x0 ss:$0x0], $0xffff  }
0x376: {  	v0 =	vld [tilespmem:s2+$0x16F70]  }
0x377: {  	v20 =	vld [tilespmem:s2+$0x16FE0]  }
0x378: {  	v1 =	vld [tilespmem:s2+$0x16F80]  }
0x379: {  	v3 =	vld [tilespmem:s2+$0x127A0]  }
0x37a: {  	v23 =	vld [tilespmem:s2+$0x16F60]  }
0x37b: {  	v25 =	vld [tilespmem:s2+$0x157B0]  }
0x37c: {  	v44 =	vld [tilespmem:s2+$0x16FD0]  }
0x37d: {  	v21 =	vld [tilespmem:s2+$0x12780]  }
0x37e: {  	v27 =	vld [tilespmem:s2+$0x13FE0]  }
0x37f: {  	v37 =	vld [tilespmem:s2+$0x17010]  }
0x380: {  	v28 =	vld [tilespmem:s2+$0x15780]  }
0x381: {  	v34 =	vld [tilespmem:s2+$0x13F60]  }
0x382: {  	v22 =	vld [tilespmem:s2+$0x12760];
	v49 =	vmul.f32 v21, v19  }
0x383: {  	v24 =	vld [tilespmem:s2+$0x12800]  }
0x384: {  	v26 =	vld [tilespmem:s2+$0x127F0]  }
0x385: {  	v48 =	vld [tilespmem:s2+$0x13F80]  }
0x386: {  	v36 =	vld [tilespmem:s2+$0x15770]  }
0x387: {  	v29 =	vld [tilespmem:s2+$0x127E0]  }
0x388: {  	s18 =	sand.u32 $0x1F, s15;
	v33 =	vld [tilespmem:s2+$0x157D0]  }
0x389: {  	s19 =	sor.u32 $0x188E0, s18;
	v30 =	vld [tilespmem:s2+$0x127B0]  }
0x38a: {  	v31 =	vld [tilespmem:s2+$0x12790]  }
0x38b: {  	v39 =	vld [tilespmem:s2+$0x127D0]  }
0x38c: {  	v21 =	vld.msk [tilespmem:s18+$0x18970 ss:$0x0], $0xffff;
	v32 =	vmul.f32 v29, v19  }
0x38d: {  	v41 =	vld [tilespmem:s2+$0x127C0]  }
0x38e: {  	v47 =	vmul.f32 v22, v19;
	v24 =	vmul.f32 v24, v19;
	v42 =	vld [tilespmem:s2+$0x16F90]  }
0x38f: {  	v38 =	vmul.f32 v26, v19;
	v45 =	vmul.f32 v31, v19;
	v50 =	vld [tilespmem:s2+$0x13FB0]  }
0x390: {  	v29 =	vmul.f32 v30, v19;
	v22 =	vld.msk [tilespmem:s19+$0x0 ss:$0x0], $0xffff  }
0x391: {  	v30 =	vld.msk [tilespmem:s18+$0x18850 ss:$0x0], $0xffff  }
0x392: {  	v43 =	vld [tilespmem:s2+$0x13F90]  }
0x393: {  	v26 =	vmul.f32 v23, v21;
	v52 =	vld [tilespmem:s2+$0x13FA0]  }
0x394: {  	v3 =	vmul.f32 v3, v19;
	v54 =	vld [tilespmem:s2+$0x15790]  }
0x395: {  	v31 =	vmul.f32 v1, v21;
	v1 =	vld [tilespmem:s2+$0x157A0]  }
0x396: {  	v40 =	vmul.f32 v0, v21;
	v35 =	vmul.f32 v28, v22;
	v55 =	vld [tilespmem:s2+$0x12770]  }
0x397: {  	v23 =	vor.u32 v17, v18;
	v0 =	vld [tilespmem:s2+$0x13F70];
	v53 =	vmul.f32 v43, v30;
	v43 =	vmul.f32 v33, v22  }
0x398: {  	v59 =	vmul.f32 v39, v19;
	v33 =	vmul.f32 v25, v22;
	v25 =	vor.u32 v16, v18;
	v56 =	vld [tilespmem:s2+$0x16FA0]  }
0x399: {  	v51 =	vmul.f32 v41, v19;
	v28 =	vor.u32 v15, v18;
	v57 =	vmul.f32 v34, v30;
	v60 =	vld [tilespmem:s2+$0x13FC0]  }
0x39a: {  	v46 =	vmul.f32 v36, v22;
	v39 =	vmul.f32 v52, v30;
	v62 =	vadd.f32 v53, v45;
	v61 =	vld [tilespmem:s2+$0x13FD0]  }
0x39b: {  	v36 =	vmul.f32 v42, v21;
	v34 =	vor.u32 v14, v18;
	v1 =	vmul.f32 v1, v22;
	v53 =	vld [tilespmem:s2+$0x157C0]  }
0x39c: {  	v42 =	vmul.f32 v50, v30;
	v52 =	vmul.f32 v0, v30;
	v0 =	vadd.f32 v39, v3;
	v3 =	vld [tilespmem:s2+$0x13FF0]  }
.Ltmp11:
0x39d: {  	v63 =	vmul.f32 v54, v22;
	v39 =	vor.u32 v13, v18;
	v45 =	vmul.f32 v56, v21;
	v41 =	vld [tilespmem:s2+$0x157F0];
	(pc) =	sbr.rel @p1 .LBB2_17-.Ltmp11, $4  }
0x39e: {  	v37 =	vmul.f32 v37, v21;
	v50 =	vmul.f32 v48, v30;
	v47 =	vadd.f32 v57, v47;
	v57 =	vld [tilespmem:s2+$0x16FB0]  }
0x39f: {  	v58 =	vmul.f32 v55, v19;
	v48 =	vadd.f32 v1, v0;
	v55 =	vld [tilespmem:s2+$0x16FC0];
	v0 =	vmul.f32 v61, v30  }
0x3a0: {  	v49 =	vadd.f32 v50, v49;
	v50 =	vmul.f32 v44, v21;
	v61 =	vmul.f32 v60, v30;
	v54 =	vld [tilespmem:s2+$0x157E0]  }
0x3a1: {  	v44 =	vadd.f32 v63, v62;
	v56 =	vld [tilespmem:s2+$0x15760];
	v59 =	vadd.f32 v0, v59;
	v60 =	vmul.f32 v3, v30  }
0x3a2: {  	v0 =	vadd.f32 v61, v51;
	v1 =	vmul.f32 v53, v22;
	v13 =	vadd.f32 v52, v58  }
0x3a3: {  	v14 =	vmul.f32 v27, v30;
	v17 =	vor.u32 v6, v18;
	v20 =	vmul.f32 v20, v21  }
0x3a4: {  	v3 =	vld [tilespmem:s2+$0x14010];
	v35 =	vadd.f32 v35, v49;
	v7 =	vor.u32 v7, v18;
	v8 =	vor.u32 v8, v18  }
0x3a5: {  	v9 =	vor.u32 v9, v18;
	v10 =	vor.u32 v10, v18;
	v27 =	vadd.f32 v60, v38  }
0x3a6: {  	v16 =	vld [tilespmem:s2+$0x12810];
	v15 =	vmul.f32 v57, v21;
	v59 =	vadd.f32 v43, v59;
	v57 =	vadd.f32 v42, v29  }
0x3a7: {  	v0 =	vadd.f32 v1, v0;
	v1 =	vmul.f32 v55, v21;
	v61 =	vmul.f32 v56, v22  }
0x3a8: {  	v62 =	vld [tilespmem:s2+$0x15810];
	v11 =	vor.u32 v11, v18;
	v13 =	vadd.f32 v46, v13;
	v14 =	vadd.f32 v14, v32  }
0x3a9: {  	v0 =	vadd.f32 v1, v0;
	v1 =	vmul.f32 v3, v30;
	v3 =	vadd.f32 v61, v47  }
0x3aa: {  	v60 =	vld [tilespmem:s2+$0x14000];
	v55 =	vadd.f32 v45, v48;
	v31 =	vadd.f32 v31, v35;
	v63 =	vmul.f32 v54, v22  }
0x3ab: {  	v53 =	vld [tilespmem:s2+$0x16FF0];
	v38 =	vadd.f32 v50, v59;
	v16 =	vmul.f32 v16, v19;
	v3 =	vadd.f32 v26, v3  }
0x3ac: {  	v12 =	vor.u32 v12, v18;
	v54 =	vld [tilespmem:s2+$0x15800];
	v13 =	vadd.f32 v40, v13;
	v14 =	vadd.f32 v63, v14  }
0x3ad: {  	v59 =	vld [tilespmem:s2+$0x17000];
	v58 =	vmul.f32 v62, v22;
	v1 =	vadd.f32 v1, v16;
	[tilespmem:v17+s28+$0x0] =	vst.idx.msk $0xffff, v3  }
0x3ae: {  	v16 =	vadd.f32 v33, v57;
	v3 =	vadd.f32 v36, v44;
	[tilespmem:v39+s28+$0x0] =	vst.idx.msk $0xffff, v13  }
0x3af: {  	v62 =	vmul.f32 v41, v22;
	v56 =	vmul.f32 v60, v30;
	[tilespmem:v34+s28+$0x0] =	vst.idx.msk $0xffff, v31  }
0x3b0: {  	v60 =	vmul.f32 v53, v21;
	v15 =	vadd.f32 v15, v16;
	[tilespmem:v28+s28+$0x0] =	vst.idx.msk $0xffff, v3  }
0x3b1: {  	v24 =	vadd.f32 v56, v24;
	v61 =	vmul.f32 v54, v22;
	[tilespmem:v25+s28+$0x0] =	vst.idx.msk $0xffff, v55  }
0x3b2: {  	v14 =	vadd.f32 v20, v14;
	v13 =	vadd.f32 v62, v27;
	[tilespmem:v23+s28+$0x0] =	vst.idx.msk $0xffff, v15  }
0x3b3: {  	v63 =	vadd.f32 v61, v24;
	v3 =	vmul.f32 v59, v21;
	[tilespmem:v7+s28+$0x0] =	vst.idx.msk $0xffff, v0  }
.Ltmp12:
0x3b4: {  	v0 =	vadd.f32 v58, v1;
	v1 =	vadd.f32 v60, v13;
	[tilespmem:v8+s28+$0x0] =	vst.idx.msk $0xffff, v38;
	(pc) =	sbr.rel @p0 .LBB2_20-.Ltmp12, $4  }
0x3b5: {  	v3 =	vadd.f32 v3, v63;
	[tilespmem:v9+s28+$0x0] =	vst.idx.msk $0xffff, v14  }
0x3b6: {  	v0 =	vadd.f32 v37, v0;
	[tilespmem:v10+s28+$0x0] =	vst.idx.msk $0xffff, v1  }
0x3b7: {  	[tilespmem:v11+s28+$0x0] =	vst.idx.msk $0xffff, v3  }
0x3b8: {  	[tilespmem:v12+s28+$0x0] =	vst.idx.msk $0xffff, v0  }
0x3b9: {  	v0 =	vld [tilespmem:$0x4A0]  }
0x3ba: {  	v1 =	vld [tilespmem:$0x530]  }
0x3bb: {  	s2 =	smulhi.u32 $0x92492493, s10;
	v8 =	vld [tilespmem:$0x380]  }
0x3bc: {  	v9 =	vld [tilespmem:$0x410]  }
0x3bd: {  	v10 =	vld [tilespmem:$0x260];
	s2 =	sshrl.u32 s2, $0x2  }
0x3be: {  	s12 =	smul.u32 $0xFFFFFFF9, s2;
	v7 =	vld.msk [tilespmem:s2+$0x189A0 ss:$0x0], $0xffff  }
0x3bf: {  	v17 =	vld [tilespmem:$0x540]  }
0x3c0: {  	v20 =	vld [tilespmem:$0x420];
	s19 =	sadd.s32 s10, s12  }
0x3c1: {  	v3 =	vld.msk [tilespmem:s19+$0x189A0 ss:$0x0], $0xffff  }
0x3c2: {  	v14 =	vld [tilespmem:$0x4B0]  }
0x3c3: {  	v19 =	vld [tilespmem:$0x390];
	v1 =	vmul.f32 v1, v7  }
0x3c4: {  	v48 =	vld [tilespmem:$0x270];
	v7 =	vmul.f32 v17, v7  }
0x3c5: {  	v1 =	vadd.f32 v1, v9  }
0x3c6: {  	v7 =	vadd.f32 v7, v20;
	v0 =	vmul.f32 v0, v3  }
0x3c7: {  	v12 =	vadd.s32 $0xFFFFFFFF, v10;
	v3 =	vmul.f32 v14, v3;
	v9 =	vtrunc.f32 v1  }
0x3c8: {  	v52 =	vtrunc.f32 v7;
	v0 =	vadd.f32 v0, v8;
	v9 =	vcvt.f32.s32 v9  }
0x3c9: {  	v55 =	vadd.s32 $0xFFFFFFFF, v48;
	v3 =	vadd.f32 v3, v19;
	v54 =	vcvt.f32.s32 v52  }
0x3ca: {  	v8 =	vtrunc.f32 v0;
	v15 =	vcvt.s32.f32 v9;
	vm10 =	vlt.s32 v9, v12  }
0x3cb: {  	v18 =	vadd.s32 $0x1, v9;
	v51 =	vtrunc.f32 v3;
	v57 =	vcvt.s32.f32 v54  }
0x3cc: {  	v11 =	vld [tilespmem:$0x2F0];
	vm12 =	vlt.s32 v54, v55;
	v8 =	vcvt.f32.s32 v8;
	v9 =	vsel vm10, v9, v12  }
0x3cd: {  	vm11 =	vlt.s32 v18, v12;
	v17 =	vcvt.f32.s32 v51;
	v1 =	vsub.f32 v1, v15  }
0x3ce: {  	v9 =	vmul.u32 v10, v9;
	v13 =	vcvt.s32.f32 v8;
	vm0 =	vlt.s32 v8, v12  }
0x3cf: {  	v7 =	vsub.f32 v7, v57;
	v16 =	vsel vm0, v8, v12;
	v8 =	vadd.s32 $0x1, v8  }
0x3d0: {  	v47 =	vsub.f32 $1.000000000e+00, v1;
	vm1 =	vlt.s32 v8, v12;
	v0 =	vsub.f32 v0, v13  }
0x3d1: {  	v9 =	vadd.s32 v11, v9;
	v8 =	vsel vm1, v8, v12;
	v12 =	vsel vm11, v18, v12  }
0x3d2: {  	v49 =	vadd.s32 v16, v9;
	v10 =	vmul.u32 v10, v12;
	v46 =	vsub.f32 $1.000000000e+00, v0  }
0x3d3: {  	v56 =	vcvt.s32.f32 v17;
	[tilespmem:$0x6E0] =	vst v49;
	v9 =	vadd.s32 v8, v9;
	v13 =	vmul.f32 v47, v0  }
0x3d4: {  	v0 =	vmul.f32 v1, v0;
	[tilespmem:$0x700] =	vst v9;
	v10 =	vadd.s32 v11, v10;
	v53 =	vmul.f32 v46, v1;
	v1 =	vld [tilespmem:$0x300]  }
0x3d5: {  	vm14 =	vlt.s32 v17, v55;
	v18 =	vadd.s32 $0x1, v54;
	[tilespmem:$0x18850] =	vst v13;
	v8 =	vadd.s32 v8, v10  }
0x3d6: {  	v59 =	vadd.s32 $0x1, v17;
	vm13 =	vlt.s32 v18, v55;
	[tilespmem:$0x740] =	vst v8;
	v8 =	vsel vm12, v54, v55  }
0x3d7: {  	v50 =	vmul.f32 v47, v46;
	[tilespmem:$0x18970] =	vst v0;
	v16 =	vadd.s32 v16, v10;
	v8 =	vmul.u32 v48, v8  }
0x3d8: {  	v60 =	vsel vm14, v17, v55;
	vm15 =	vlt.s32 v59, v55;
	v58 =	vsel vm13, v18, v55;
	[tilespmem:$0x720] =	vst v16  }
0x3d9: {  	v3 =	vsub.f32 v3, v56;
	v11 =	vmul.u32 v48, v58;
	[tilespmem:$0x187C0] =	vst v50;
	v8 =	vadd.s32 v1, v8  }
0x3da: {  	v63 =	vsub.f32 $1.000000000e+00, v7;
	v0 =	vsel vm15, v59, v55;
	[tilespmem:$0x188E0] =	vst v53;
	v61 =	vadd.s32 v60, v8  }
0x3db: {  	v62 =	vsub.f32 $1.000000000e+00, v3;
	v1 =	vadd.s32 v1, v11;
	v8 =	vadd.s32 v0, v8;
	[tilespmem:$0x6F0] =	vst v61  }
0x3dc: {  	v0 =	vadd.s32 v0, v1;
	[tilespmem:$0x710] =	vst v8  }
0x3dd: {  	v8 =	vadd.s32 v60, v1;
	v1 =	vmul.f32 v63, v62;
	[tilespmem:$0x750] =	vst v0  }
0x3de: {  	v0 =	vmul.f32 v63, v3;
	[tilespmem:$0x730] =	vst v8  }
0x3df: {  	[tilespmem:$0x187D0] =	vst v1;
	v1 =	vmul.f32 v62, v7  }
0x3e0: {  	[tilespmem:$0x18860] =	vst v0;
	v0 =	vmul.f32 v7, v3  }
0x3e1: {  	[tilespmem:$0x188F0] =	vst v1  }
0x3e2: {  	[tilespmem:$0x18980] =	vst v0  }
0x3e3: {  	[tilespmem:s25], [sflag:$0x4] =	stream.indirect.gather [hbm4b:s5+s14], $0xC0, s24, s14, $0xb8;
	[tilespmem:$0x1E9C0] =	vst v63  }
.LBB2_20:
0x3e4: {  	s2 =	smul.u32 $0x2A0000, s8  }
0x3e5: {  	s19 =	smul.u32 $0x60000, s9;
	_ =	sdelay $0x1  }
.Ltmp13:
0x3e6: {  	s2 =	sadd.s32 s2, s19;
	(pc) =	sbr.rel .LBB2_21-.Ltmp13, $4  }
0x3e7: {  	s2 =	sor.u32 s11, s2  }
0x3e8: {  	s2 =	sshrl.u32 s2, $0x3  }
0x3e9: {  	s2 =	sadd.s32 s1, s2  }
0x3ea: {  	[hbm4b:s2+s0] =	stream.strided.scatter [tilespmem:s28], [sflag:$0x5], $0x6000, s3, s0, $0x38;
	[tilespmem:$0x1E9C0] =	vst v63  }
.LBB2_23:
0x3eb: {  	_ =	sfence.sel $0x180000  }
0x3ec: {  	[bflag:$0x0] =	sbarrier.arrive $0xFFFF  }
0x3ed: {  	_ =	strace $0x90000047  }
0x3ee: {  	s0 =	stileid.u32;
	[bflag:$0x2] =	sbarrier.arrive $0xFFFF  }
0x3ef: {  	p0 =	sne.s32 s0, $0x0;
	s0 =	rddreg [dreg:$0x2]  }
0x3f0: {  	s0 =	sadd.s32 @!p0 $0x100000, s0  }
0x3f1: {  	[sflag:s0] =	ssyncadd.tile.s32 @!p0 $0x1;
	_ =	shalt  }
.Lfunc_end2:
_tile_overlayer_lowered:
.L_overlay_start_2:
0x3f2: {  	(tag) =	ssettag $0x2  }
0x3f3: {  	s0 =	rddreg [dreg:$0x0];
	s2 =	stileid.u32  }
0x3f4: {  	s1 =	rddreg [dreg:$0x1];
	p0 =	sne.s32 s2, $0x0  }
0x3f5: {  	s3 =	rddreg [dreg:$0x2];
	[bflag:$0x3] =	sbarrier.arrive $0xFFFF;
	s2 =	simm.s32 @!p0 $0x1C06  }
0x3f6: {  	[timem:s3], [sflag:s2] =	dma.local @!p0 [hbm:s0], s1  }
0x3f7: {  	s0 =	simm.s32 @!p0 $0x6  }
0x3f8: {  	_ =	swait.ge @!p0 [sflag:s0], s1  }
0x3f9: {  	s1 =	ssub.s32 @!p0 $0x0, s1;
	[sflag:s0] =	ssyncset.done @!p0 $0x0  }
0x3fa: {  	[sflag:s0] =	ssyncadd.s32 @!p0 s1  }
0x3fb: {  	[bflag:$0x3] =	sbarrier.arrive $0xFFFF  }
0x3fc: {  	_ =	shalt  }

</sc_bundles>
